<compile_context>
chip_gen: v7x
topology: tpu7x:2x2x1
jax: 0.10.2.dev20260603
libtpu: 0.0.44.dev20260713+nightly
codegen_flags: <defaults>
</compile_context>

<pallas_src>
import functools

import jax
import jax.numpy as jnp
from jax import lax
from jax.experimental import pallas as pl
from jax.experimental.pallas import tpu as pltpu
from jax.experimental.pallas import tpu_sc as plsc

D_MODEL = 1024
BATCH = 4
SEQ = 2048
B = BATCH * SEQ
NC, NS, L = 2, 16, 16
NW = NC * NS
BPW = B // NW
CH = 16
NCHUNK = BPW // CH
NBUF = 6
SCALE = 32.0

_mesh = plsc.VectorSubcoreMesh(core_axis_name="c", subcore_axis_name="s")


WPB = SEQ // BPW


@functools.partial(
    pl.kernel,
    mesh=_mesh,
    out_type=jax.ShapeDtypeStruct((BATCH, SEQ, D_MODEL), jnp.float32),
    scratch_types=(
        [pltpu.VMEM((BPW,), jnp.int32)]
        + [pltpu.VMEM((CH, D_MODEL), jnp.float32)] * NBUF
        + [pltpu.SemaphoreType.DMA] * (2 * NBUF)
    ),
)
def _emb_lookup(x_hbm, table_hbm, out_hbm, idx_v, *scratch):
    wid = lax.axis_index("s") * NC + lax.axis_index("c")
    bi = wid // WPB
    s0 = (wid % WPB) * BPW
    pltpu.sync_copy(x_hbm.at[bi, pl.ds(s0, BPW)], idx_v)

    bufs = scratch[:NBUF]
    gsems = scratch[NBUF:2 * NBUF]
    osems = scratch[2 * NBUF:]
    gathers = [None] * NBUF
    outs = [None] * NBUF

    def _scale_buf(buf):
        def srow(r, _):
            def scol(j, _):
                buf[r, pl.ds(j * L, L)] = buf[r, pl.ds(j * L, L)] * SCALE
                return 0
            return lax.fori_loop(0, D_MODEL // L, scol, 0, unroll=8)
        lax.fori_loop(0, CH, srow, 0)

    def _issue_gather(c):
        b = c % NBUF
        if outs[b] is not None:
            outs[b].wait()
            outs[b] = None
        gathers[b] = pltpu.async_copy(
            table_hbm.at[idx_v.at[pl.ds(c * CH, CH)]], bufs[b], gsems[b])

    for c in range(NBUF - 1):
        _issue_gather(c)

    for c in range(NCHUNK):
        b = c % NBUF
        if c + NBUF - 1 < NCHUNK:
            _issue_gather(c + NBUF - 1)
        gathers[b].wait()
        _scale_buf(bufs[b])
        outs[b] = pltpu.async_copy(
            bufs[b], out_hbm.at[bi, pl.ds(s0 + c * CH, CH)], osems[b])

    for b in range(NBUF):
        if outs[b] is not None:
            outs[b].wait()


def kernel(x, table):
    return _emb_lookup(x, table)

# --- scband reference (transcript-rebuilt; emitter-appended) ---
"""Pipeline reference for scband-input-embeddings-36301063585848 (READ-ONLY COPY).

The authoritative reference and input builder live on the scoring server;
editing this copy changes nothing except your own understanding.
"""

import jax, jax.numpy as jnp
import numpy as np
import math

D_MODEL = 1024
VOCAB = 100000
BATCH = 4
SEQ = 2048

def setup_inputs(seed: int = 0) -> dict:
    key = jax.random.key(seed)
    k_idx, k_tab = jax.random.split(key)
    x = jax.random.randint(k_idx, (BATCH, SEQ), 0, VOCAB, dtype=jnp.int64) if jax.config.jax_enable_x64 else jax.random.randint(k_idx, (BATCH, SEQ), 0, VOCAB, dtype=jnp.int32)
    table = jax.random.normal(k_tab, (VOCAB, D_MODEL), dtype=jnp.float32)
    return {"x": x, "table": table}

def reference(x, table):
    # InputEmbeddings.forward: embedding lookup scaled by sqrt(d_model)
    emb = jnp.take(table, x, axis=0)
    return emb * jnp.sqrt(jnp.float32(D_MODEL))

if __name__ == "__main__":
    import jax
    _d = setup_inputs()
    print(jax.jit(kernel)(*tuple(_d.values())))

</pallas_src>

<mosaic_0001>
#map = affine_map<(d0, d1) -> (0, 0)>
#map1 = affine_map<(d0, d1) -> (0, 0, 0)>
module attributes {stable_mosaic.version = 14 : i64} {
  func.func @_emb_lookup(%arg0: i32, %arg1: i32, %arg2: memref<4x2048xi32, #tpu.memory_space<hbm>>, %arg3: memref<100000x1024xf32, #tpu.memory_space<hbm>>, %arg4: memref<4x2048x1024xf32, #tpu.memory_space<hbm>>, %arg5: memref<256xi32, #tpu.memory_space<vmem>>, %arg6: memref<16x1024xf32, #tpu.memory_space<vmem>>, %arg7: memref<16x1024xf32, #tpu.memory_space<vmem>>, %arg8: memref<16x1024xf32, #tpu.memory_space<vmem>>, %arg9: memref<16x1024xf32, #tpu.memory_space<vmem>>, %arg10: memref<16x1024xf32, #tpu.memory_space<vmem>>, %arg11: memref<16x1024xf32, #tpu.memory_space<vmem>>, %arg12: memref<!tpu.dma_semaphore, #tpu.memory_space<semaphore_mem>>, %arg13: memref<!tpu.dma_semaphore, #tpu.memory_space<semaphore_mem>>, %arg14: memref<!tpu.dma_semaphore, #tpu.memory_space<semaphore_mem>>, %arg15: memref<!tpu.dma_semaphore, #tpu.memory_space<semaphore_mem>>, %arg16: memref<!tpu.dma_semaphore, #tpu.memory_space<semaphore_mem>>, %arg17: memref<!tpu.dma_semaphore, #tpu.memory_space<semaphore_mem>>, %arg18: memref<!tpu.dma_semaphore, #tpu.memory_space<semaphore_mem>>, %arg19: memref<!tpu.dma_semaphore, #tpu.memory_space<semaphore_mem>>, %arg20: memref<!tpu.dma_semaphore, #tpu.memory_space<semaphore_mem>>, %arg21: memref<!tpu.dma_semaphore, #tpu.memory_space<semaphore_mem>>, %arg22: memref<!tpu.dma_semaphore, #tpu.memory_space<semaphore_mem>>, %arg23: memref<!tpu.dma_semaphore, #tpu.memory_space<semaphore_mem>>) attributes {dimension_semantics = [#tpu.dimension_semantics<core_parallel>, #tpu.dimension_semantics<subcore_parallel>], iteration_bounds = array<i64: 2, 16>, scalar_prefetch = 0 : i64, scratch_operands = 19 : i64, tpu.core_type = #tpu.core_type<sc_vector_subcore>, window_params = [{transform_indices = #map}, {transform_indices = #map}, {transform_indices = #map1}]} {
    %mul3A = arith.constant 2 : i32
    %mul3A_0 = arith.muli %arg1, %mul3A : i32
    %add3A = arith.addi %mul3A_0, %arg0 : i32
    %jit3A = arith.constant 8 : i32
    %div3A = arith.divsi %add3A, %jit3A : i32
    %sign3A = arith.constant 0 : i32
    %sign3A_1 = arith.cmpi sgt, %add3A, %sign3A : i32
    %sign3A_2 = arith.extui %sign3A_1 : i1 to i32
    %sign3A_3 = arith.constant 0 : i32
    %sign3A_4 = arith.cmpi slt, %add3A, %sign3A_3 : i32
    %sign3A_5 = arith.extui %sign3A_4 : i1 to i32
    %sign3A_6 = arith.subi %sign3A_2, %sign3A_5 : i32
    %sign3A_7 = arith.constant 0 : i32
    %sign3A_8 = arith.cmpi sgt, %jit3A, %sign3A_7 : i32
    %sign3A_9 = arith.extui %sign3A_8 : i1 to i32
    %sign3A_10 = arith.constant 0 : i32
    %sign3A_11 = arith.cmpi slt, %jit3A, %sign3A_10 : i32
    %sign3A_12 = arith.extui %sign3A_11 : i1 to i32
    %sign3A_13 = arith.subi %sign3A_9, %sign3A_12 : i32
    %ne3A = arith.cmpi ne, %sign3A_6, %sign3A_13 : i32
    %rem3A = arith.remsi %add3A, %jit3A : i32
    %ne3A_14 = arith.constant 0 : i32
    %ne3A_15 = arith.cmpi ne, %rem3A, %ne3A_14 : i32
    %and3A = arith.andi %ne3A, %ne3A_15 : i1
    %sub3A = arith.constant 1 : i32
    %sub3A_16 = arith.subi %div3A, %sub3A : i32
    %select_n3A = arith.select %and3A, %sub3A_16, %div3A : i32
    %jit3A_17 = arith.constant 8 : i32
    %eq3A = arith.constant 0 : i32
    %eq3A_18 = arith.cmpi eq, %jit3A_17, %eq3A : i32
    %jit3A_19 = arith.constant 1 : i32
    %select_n3A_20 = arith.select %eq3A_18, %jit3A_19, %jit3A_17 : i32
    %rem3A_21 = arith.remsi %add3A, %select_n3A_20 : i32
    %ne3A_22 = arith.constant 0 : i32
    %ne3A_23 = arith.cmpi ne, %rem3A_21, %ne3A_22 : i32
    %lt3A = arith.constant 0 : i32
    %lt3A_24 = arith.cmpi slt, %rem3A_21, %lt3A : i32
    %lt3A_25 = arith.constant 0 : i32
    %lt3A_26 = arith.cmpi slt, %select_n3A_20, %lt3A_25 : i32
    %ne3A_27 = arith.xori %lt3A_24, %lt3A_26 : i1
    %and3A_28 = arith.andi %ne3A_27, %ne3A_23 : i1
    %add3A_29 = arith.addi %rem3A_21, %select_n3A_20 : i32
    %select_n3A_30 = arith.select %and3A_28, %add3A_29, %rem3A_21 : i32
    %mul3A_31 = arith.constant 256 : i32
    %mul3A_32 = arith.muli %select_n3A_30, %mul3A_31 : i32
    "tpu.region"() ({
      %run_scoped3A = tpu.sem_alloc : memref<!tpu.dma_semaphore, #tpu.memory_space<semaphore_mem>>
      %dma_start3A_526 = tpu.memref_slice %arg2[%select_n3A, %mul3A_32] : memref<4x2048xi32, #tpu.memory_space<hbm>> -> memref<1x256xi32, #tpu.memory_space<hbm>>
      %dma_start3A_527 = tpu.memref_squeeze %dma_start3A_526 : memref<1x256xi32, #tpu.memory_space<hbm>> -> memref<256xi32, #tpu.memory_space<hbm>>
      %dma_start3A_528 = tpu.memref_slice %arg2[%select_n3A, %mul3A_32] : memref<4x2048xi32, #tpu.memory_space<hbm>> -> memref<1x256xi32, #tpu.memory_space<hbm>>
      %dma_start3A_529 = tpu.memref_squeeze %dma_start3A_528 : memref<1x256xi32, #tpu.memory_space<hbm>> -> memref<256xi32, #tpu.memory_space<hbm>>
      tpu.enqueue_dma source(%dma_start3A_529 : memref<256xi32, #tpu.memory_space<hbm>>) target(%arg5 : memref<256xi32, #tpu.memory_space<vmem>>) target_semaphore(%run_scoped3A : memref<!tpu.dma_semaphore, #tpu.memory_space<semaphore_mem>>)
      %dma_wait3A_530 = tpu.memref_slice %arg2[%select_n3A, %mul3A_32] : memref<4x2048xi32, #tpu.memory_space<hbm>> -> memref<1x256xi32, #tpu.memory_space<hbm>>
      %dma_wait3A_531 = tpu.memref_squeeze %dma_wait3A_530 : memref<1x256xi32, #tpu.memory_space<hbm>> -> memref<256xi32, #tpu.memory_space<hbm>>
      %dma_wait3A_532 = tpu.memref_slice %arg2[%select_n3A, %mul3A_32] : memref<4x2048xi32, #tpu.memory_space<hbm>> -> memref<1x256xi32, #tpu.memory_space<hbm>>
      %dma_wait3A_533 = tpu.memref_squeeze %dma_wait3A_532 : memref<1x256xi32, #tpu.memory_space<hbm>> -> memref<256xi32, #tpu.memory_space<hbm>>
      tpu.wait_dma2 semaphore(%run_scoped3A : memref<!tpu.dma_semaphore, #tpu.memory_space<semaphore_mem>>) src(%dma_wait3A_533 : memref<256xi32, #tpu.memory_space<hbm>>) dst(%arg5 : memref<256xi32, #tpu.memory_space<vmem>>)
      tpu.yield
    }) : () -> ()
    %dma_start3A = arith.constant 0 : i32
    %dma_start3A_33 = tpu.memref_slice %arg5[%dma_start3A] : memref<256xi32, #tpu.memory_space<vmem>> -> memref<16xi32, #tpu.memory_space<vmem>>
    %dma_start3A_34 = arith.constant 0 : i32
    %dma_start3A_35 = arith.constant 0 : i32
    %dma_start3A_36 = tpu.memref_slice %arg3[%dma_start3A_34, %dma_start3A_35] : memref<100000x1024xf32, #tpu.memory_space<hbm>> -> memref<100000x1024xf32, #tpu.memory_space<hbm>>
    tpu.enqueue_indirect_dma source(%dma_start3A_36 : memref<100000x1024xf32, #tpu.memory_space<hbm>>) target(%arg6 : memref<16x1024xf32, #tpu.memory_space<vmem>>) offsets(%dma_start3A_33 : memref<16xi32, #tpu.memory_space<vmem>>) semaphore(%arg12 : memref<!tpu.dma_semaphore, #tpu.memory_space<semaphore_mem>>)
    %dma_start3A_37 = arith.constant 16 : i32
    %dma_start3A_38 = tpu.memref_slice %arg5[%dma_start3A_37] : memref<256xi32, #tpu.memory_space<vmem>> -> memref<16xi32, #tpu.memory_space<vmem>>
    %dma_start3A_39 = arith.constant 0 : i32
    %dma_start3A_40 = arith.constant 0 : i32
    %dma_start3A_41 = tpu.memref_slice %arg3[%dma_start3A_39, %dma_start3A_40] : memref<100000x1024xf32, #tpu.memory_space<hbm>> -> memref<100000x1024xf32, #tpu.memory_space<hbm>>
    tpu.enqueue_indirect_dma source(%dma_start3A_41 : memref<100000x1024xf32, #tpu.memory_space<hbm>>) target(%arg7 : memref<16x1024xf32, #tpu.memory_space<vmem>>) offsets(%dma_start3A_38 : memref<16xi32, #tpu.memory_space<vmem>>) semaphore(%arg13 : memref<!tpu.dma_semaphore, #tpu.memory_space<semaphore_mem>>)
    %dma_start3A_42 = arith.constant 32 : i32
    %dma_start3A_43 = tpu.memref_slice %arg5[%dma_start3A_42] : memref<256xi32, #tpu.memory_space<vmem>> -> memref<16xi32, #tpu.memory_space<vmem>>
    %dma_start3A_44 = arith.constant 0 : i32
    %dma_start3A_45 = arith.constant 0 : i32
    %dma_start3A_46 = tpu.memref_slice %arg3[%dma_start3A_44, %dma_start3A_45] : memref<100000x1024xf32, #tpu.memory_space<hbm>> -> memref<100000x1024xf32, #tpu.memory_space<hbm>>
    tpu.enqueue_indirect_dma source(%dma_start3A_46 : memref<100000x1024xf32, #tpu.memory_space<hbm>>) target(%arg8 : memref<16x1024xf32, #tpu.memory_space<vmem>>) offsets(%dma_start3A_43 : memref<16xi32, #tpu.memory_space<vmem>>) semaphore(%arg14 : memref<!tpu.dma_semaphore, #tpu.memory_space<semaphore_mem>>)
    %dma_start3A_47 = arith.constant 48 : i32
    %dma_start3A_48 = tpu.memref_slice %arg5[%dma_start3A_47] : memref<256xi32, #tpu.memory_space<vmem>> -> memref<16xi32, #tpu.memory_space<vmem>>
    %dma_start3A_49 = arith.constant 0 : i32
    %dma_start3A_50 = arith.constant 0 : i32
    %dma_start3A_51 = tpu.memref_slice %arg3[%dma_start3A_49, %dma_start3A_50] : memref<100000x1024xf32, #tpu.memory_space<hbm>> -> memref<100000x1024xf32, #tpu.memory_space<hbm>>
    tpu.enqueue_indirect_dma source(%dma_start3A_51 : memref<100000x1024xf32, #tpu.memory_space<hbm>>) target(%arg9 : memref<16x1024xf32, #tpu.memory_space<vmem>>) offsets(%dma_start3A_48 : memref<16xi32, #tpu.memory_space<vmem>>) semaphore(%arg15 : memref<!tpu.dma_semaphore, #tpu.memory_space<semaphore_mem>>)
    %dma_start3A_52 = arith.constant 64 : i32
    %dma_start3A_53 = tpu.memref_slice %arg5[%dma_start3A_52] : memref<256xi32, #tpu.memory_space<vmem>> -> memref<16xi32, #tpu.memory_space<vmem>>
    %dma_start3A_54 = arith.constant 0 : i32
    %dma_start3A_55 = arith.constant 0 : i32
    %dma_start3A_56 = tpu.memref_slice %arg3[%dma_start3A_54, %dma_start3A_55] : memref<100000x1024xf32, #tpu.memory_space<hbm>> -> memref<100000x1024xf32, #tpu.memory_space<hbm>>
    tpu.enqueue_indirect_dma source(%dma_start3A_56 : memref<100000x1024xf32, #tpu.memory_space<hbm>>) target(%arg10 : memref<16x1024xf32, #tpu.memory_space<vmem>>) offsets(%dma_start3A_53 : memref<16xi32, #tpu.memory_space<vmem>>) semaphore(%arg16 : memref<!tpu.dma_semaphore, #tpu.memory_space<semaphore_mem>>)
    %dma_start3A_57 = arith.constant 80 : i32
    %dma_start3A_58 = tpu.memref_slice %arg5[%dma_start3A_57] : memref<256xi32, #tpu.memory_space<vmem>> -> memref<16xi32, #tpu.memory_space<vmem>>
    %dma_start3A_59 = arith.constant 0 : i32
    %dma_start3A_60 = arith.constant 0 : i32
    %dma_start3A_61 = tpu.memref_slice %arg3[%dma_start3A_59, %dma_start3A_60] : memref<100000x1024xf32, #tpu.memory_space<hbm>> -> memref<100000x1024xf32, #tpu.memory_space<hbm>>
    tpu.enqueue_indirect_dma source(%dma_start3A_61 : memref<100000x1024xf32, #tpu.memory_space<hbm>>) target(%arg11 : memref<16x1024xf32, #tpu.memory_space<vmem>>) offsets(%dma_start3A_58 : memref<16xi32, #tpu.memory_space<vmem>>) semaphore(%arg17 : memref<!tpu.dma_semaphore, #tpu.memory_space<semaphore_mem>>)
    %dma_wait3A = arith.constant 0 : i32
    %dma_wait3A_62 = tpu.memref_slice %arg5[%dma_wait3A] : memref<256xi32, #tpu.memory_space<vmem>> -> memref<16xi32, #tpu.memory_space<vmem>>
    %dma_wait3A_63 = arith.constant 0 : i32
    %dma_wait3A_64 = arith.constant 0 : i32
    %dma_wait3A_65 = tpu.memref_slice %arg3[%dma_wait3A_63, %dma_wait3A_64] : memref<100000x1024xf32, #tpu.memory_space<hbm>> -> memref<100000x1024xf32, #tpu.memory_space<hbm>>
    tpu.wait_indirect_dma semaphore(%arg12 : memref<!tpu.dma_semaphore, #tpu.memory_space<semaphore_mem>>) src(%dma_wait3A_65 : memref<100000x1024xf32, #tpu.memory_space<hbm>>) dst(%arg6 : memref<16x1024xf32, #tpu.memory_space<vmem>>)
    %scan3A = arith.constant 0 : i32
    %scan3A_66 = arith.constant 0 : i32
    %scan3A_67 = arith.constant 16 : i32
    %scan3A_68 = arith.addi %scan3A_66, %scan3A_67 : i32
    %scan3A_69 = arith.constant 1 : i32
    %scan3A_70 = scf.for %scan3A_526 = %scan3A_66 to %scan3A_68 step %scan3A_69 iter_args(%scan3A_527 = %scan3A) -> (i32)  : i32 {
      %scan3A_528 = arith.constant 0 : i32
      %scan3A_529 = arith.constant 0 : i32
      %scan3A_530 = arith.constant 64 : i32
      %scan3A_531 = arith.addi %scan3A_529, %scan3A_530 : i32
      %scan3A_532 = arith.constant 8 : i32
      %scan3A_533 = scf.for %scan3A_535 = %scan3A_529 to %scan3A_531 step %scan3A_532 iter_args(%scan3A_536 = %scan3A_528) -> (i32)  : i32 {
        %mul3A_537 = arith.constant 16 : i32
        %mul3A_538 = arith.muli %scan3A_535, %mul3A_537 : i32
        %get3A = arith.index_cast %scan3A_526 : i32 to index
        %get3A_539 = arith.index_cast %mul3A_538 : i32 to index
        %get3A_540 = tpu.vector_load %arg6[%get3A, %get3A_539] {strides = array<i32>} : memref<16x1024xf32, #tpu.memory_space<vmem>>, vector<1x16xf32>,
        %get3A_541 = vector.shape_cast %get3A_540 : vector<1x16xf32> to vector<16xf32>
        %mul3A_542 = arith.constant 3.200000e+01 : f32
        %mul3A_543 = vector.broadcast %mul3A_542 : f32 to vector<16xf32>
        %mul3A_544 = arith.mulf %get3A_541, %mul3A_543 : vector<16xf32>
        %mul3A_545 = arith.constant 16 : i32
        %mul3A_546 = arith.muli %scan3A_535, %mul3A_545 : i32
        %swap3A = arith.index_cast %scan3A_526 : i32 to index
        %swap3A_547 = arith.index_cast %mul3A_546 : i32 to index
        %swap3A_548 = tpu.vector_load %arg6[%swap3A, %swap3A_547] {strides = array<i32>} : memref<16x1024xf32, #tpu.memory_space<vmem>>, vector<1x16xf32>,
        %swap3A_549 = vector.shape_cast %swap3A_548 : vector<1x16xf32> to vector<16xf32>
        %swap3A_550 = vector.shape_cast %mul3A_544 : vector<16xf32> to vector<1x16xf32>
        tpu.vector_store %arg6[%swap3A, %swap3A_547], %swap3A_550 {strides = array<i32>} : memref<16x1024xf32, #tpu.memory_space<vmem>>, vector<1x16xf32>,
        %scan3A_551 = arith.constant 0 : i32
        %scan3A_552 = arith.constant 1 : i32
        %scan3A_553 = arith.addi %scan3A_535, %scan3A_552 : i32
        %mul3A_554 = arith.constant 16 : i32
        %mul3A_555 = arith.muli %scan3A_553, %mul3A_554 : i32
        %get3A_556 = arith.index_cast %scan3A_526 : i32 to index
        %get3A_557 = arith.index_cast %mul3A_555 : i32 to index
        %get3A_558 = tpu.vector_load %arg6[%get3A_556, %get3A_557] {strides = array<i32>} : memref<16x1024xf32, #tpu.memory_space<vmem>>, vector<1x16xf32>,
        %get3A_559 = vector.shape_cast %get3A_558 : vector<1x16xf32> to vector<16xf32>
        %mul3A_560 = arith.constant 3.200000e+01 : f32
        %mul3A_561 = vector.broadcast %mul3A_560 : f32 to vector<16xf32>
        %mul3A_562 = arith.mulf %get3A_559, %mul3A_561 : vector<16xf32>
        %mul3A_563 = arith.constant 16 : i32
        %mul3A_564 = arith.muli %scan3A_553, %mul3A_563 : i32
        %swap3A_565 = arith.index_cast %scan3A_526 : i32 to index
        %swap3A_566 = arith.index_cast %mul3A_564 : i32 to index
        %swap3A_567 = tpu.vector_load %arg6[%swap3A_565, %swap3A_566] {strides = array<i32>} : memref<16x1024xf32, #tpu.memory_space<vmem>>, vector<1x16xf32>,
        %swap3A_568 = vector.shape_cast %swap3A_567 : vector<1x16xf32> to vector<16xf32>
        %swap3A_569 = vector.shape_cast %mul3A_562 : vector<16xf32> to vector<1x16xf32>
        tpu.vector_store %arg6[%swap3A_565, %swap3A_566], %swap3A_569 {strides = array<i32>} : memref<16x1024xf32, #tpu.memory_space<vmem>>, vector<1x16xf32>,
        %scan3A_570 = arith.constant 0 : i32
        %scan3A_571 = arith.constant 2 : i32
        %scan3A_572 = arith.addi %scan3A_535, %scan3A_571 : i32
        %mul3A_573 = arith.constant 16 : i32
        %mul3A_574 = arith.muli %scan3A_572, %mul3A_573 : i32
        %get3A_575 = arith.index_cast %scan3A_526 : i32 to index
        %get3A_576 = arith.index_cast %mul3A_574 : i32 to index
        %get3A_577 = tpu.vector_load %arg6[%get3A_575, %get3A_576] {strides = array<i32>} : memref<16x1024xf32, #tpu.memory_space<vmem>>, vector<1x16xf32>,
        %get3A_578 = vector.shape_cast %get3A_577 : vector<1x16xf32> to vector<16xf32>
        %mul3A_579 = arith.constant 3.200000e+01 : f32
        %mul3A_580 = vector.broadcast %mul3A_579 : f32 to vector<16xf32>
        %mul3A_581 = arith.mulf %get3A_578, %mul3A_580 : vector<16xf32>
        %mul3A_582 = arith.constant 16 : i32
        %mul3A_583 = arith.muli %scan3A_572, %mul3A_582 : i32
        %swap3A_584 = arith.index_cast %scan3A_526 : i32 to index
        %swap3A_585 = arith.index_cast %mul3A_583 : i32 to index
        %swap3A_586 = tpu.vector_load %arg6[%swap3A_584, %swap3A_585] {strides = array<i32>} : memref<16x1024xf32, #tpu.memory_space<vmem>>, vector<1x16xf32>,
        %swap3A_587 = vector.shape_cast %swap3A_586 : vector<1x16xf32> to vector<16xf32>
        %swap3A_588 = vector.shape_cast %mul3A_581 : vector<16xf32> to vector<1x16xf32>
        tpu.vector_store %arg6[%swap3A_584, %swap3A_585], %swap3A_588 {strides = array<i32>} : memref<16x1024xf32, #tpu.memory_space<vmem>>, vector<1x16xf32>,
        %scan3A_589 = arith.constant 0 : i32
        %scan3A_590 = arith.constant 3 : i32
        %scan3A_591 = arith.addi %scan3A_535, %scan3A_590 : i32
        %mul3A_592 = arith.constant 16 : i32
        %mul3A_593 = arith.muli %scan3A_591, %mul3A_592 : i32
        %get3A_594 = arith.index_cast %scan3A_526 : i32 to index
        %get3A_595 = arith.index_cast %mul3A_593 : i32 to index
        %get3A_596 = tpu.vector_load %arg6[%get3A_594, %get3A_595] {strides = array<i32>} : memref<16x1024xf32, #tpu.memory_space<vmem>>, vector<1x16xf32>,
        %get3A_597 = vector.shape_cast %get3A_596 : vector<1x16xf32> to vector<16xf32>
        %mul3A_598 = arith.constant 3.200000e+01 : f32
        %mul3A_599 = vector.broadcast %mul3A_598 : f32 to vector<16xf32>
        %mul3A_600 = arith.mulf %get3A_597, %mul3A_599 : vector<16xf32>
        %mul3A_601 = arith.constant 16 : i32
        %mul3A_602 = arith.muli %scan3A_591, %mul3A_601 : i32
        %swap3A_603 = arith.index_cast %scan3A_526 : i32 to index
        %swap3A_604 = arith.index_cast %mul3A_602 : i32 to index
        %swap3A_605 = tpu.vector_load %arg6[%swap3A_603, %swap3A_604] {strides = array<i32>} : memref<16x1024xf32, #tpu.memory_space<vmem>>, vector<1x16xf32>,
        %swap3A_606 = vector.shape_cast %swap3A_605 : vector<1x16xf32> to vector<16xf32>
        %swap3A_607 = vector.shape_cast %mul3A_600 : vector<16xf32> to vector<1x16xf32>
        tpu.vector_store %arg6[%swap3A_603, %swap3A_604], %swap3A_607 {strides = array<i32>} : memref<16x1024xf32, #tpu.memory_space<vmem>>, vector<1x16xf32>,
        %scan3A_608 = arith.constant 0 : i32
        %scan3A_609 = arith.constant 4 : i32
        %scan3A_610 = arith.addi %scan3A_535, %scan3A_609 : i32
        %mul3A_611 = arith.constant 16 : i32
        %mul3A_612 = arith.muli %scan3A_610, %mul3A_611 : i32
        %get3A_613 = arith.index_cast %scan3A_526 : i32 to index
        %get3A_614 = arith.index_cast %mul3A_612 : i32 to index
        %get3A_615 = tpu.vector_load %arg6[%get3A_613, %get3A_614] {strides = array<i32>} : memref<16x1024xf32, #tpu.memory_space<vmem>>, vector<1x16xf32>,
        %get3A_616 = vector.shape_cast %get3A_615 : vector<1x16xf32> to vector<16xf32>
        %mul3A_617 = arith.constant 3.200000e+01 : f32
        %mul3A_618 = vector.broadcast %mul3A_617 : f32 to vector<16xf32>
        %mul3A_619 = arith.mulf %get3A_616, %mul3A_618 : vector<16xf32>
        %mul3A_620 = arith.constant 16 : i32
        %mul3A_621 = arith.muli %scan3A_610, %mul3A_620 : i32
        %swap3A_622 = arith.index_cast %scan3A_526 : i32 to index
        %swap3A_623 = arith.index_cast %mul3A_621 : i32 to index
        %swap3A_624 = tpu.vector_load %arg6[%swap3A_622, %swap3A_623] {strides = array<i32>} : memref<16x1024xf32, #tpu.memory_space<vmem>>, vector<1x16xf32>,
        %swap3A_625 = vector.shape_cast %swap3A_624 : vector<1x16xf32> to vector<16xf32>
        %swap3A_626 = vector.shape_cast %mul3A_619 : vector<16xf32> to vector<1x16xf32>
        tpu.vector_store %arg6[%swap3A_622, %swap3A_623], %swap3A_626 {strides = array<i32>} : memref<16x1024xf32, #tpu.memory_space<vmem>>, vector<1x16xf32>,
        %scan3A_627 = arith.constant 0 : i32
        %scan3A_628 = arith.constant 5 : i32
        %scan3A_629 = arith.addi %scan3A_535, %scan3A_628 : i32
        %mul3A_630 = arith.constant 16 : i32
        %mul3A_631 = arith.muli %scan3A_629, %mul3A_630 : i32
        %get3A_632 = arith.index_cast %scan3A_526 : i32 to index
        %get3A_633 = arith.index_cast %mul3A_631 : i32 to index
        %get3A_634 = tpu.vector_load %arg6[%get3A_632, %get3A_633] {strides = array<i32>} : memref<16x1024xf32, #tpu.memory_space<vmem>>, vector<1x16xf32>,
        %get3A_635 = vector.shape_cast %get3A_634 : vector<1x16xf32> to vector<16xf32>
        %mul3A_636 = arith.constant 3.200000e+01 : f32
        %mul3A_637 = vector.broadcast %mul3A_636 : f32 to vector<16xf32>
        %mul3A_638 = arith.mulf %get3A_635, %mul3A_637 : vector<16xf32>
        %mul3A_639 = arith.constant 16 : i32
        %mul3A_640 = arith.muli %scan3A_629, %mul3A_639 : i32
        %swap3A_641 = arith.index_cast %scan3A_526 : i32 to index
        %swap3A_642 = arith.index_cast %mul3A_640 : i32 to index
        %swap3A_643 = tpu.vector_load %arg6[%swap3A_641, %swap3A_642] {strides = array<i32>} : memref<16x1024xf32, #tpu.memory_space<vmem>>, vector<1x16xf32>,
        %swap3A_644 = vector.shape_cast %swap3A_643 : vector<1x16xf32> to vector<16xf32>
        %swap3A_645 = vector.shape_cast %mul3A_638 : vector<16xf32> to vector<1x16xf32>
        tpu.vector_store %arg6[%swap3A_641, %swap3A_642], %swap3A_645 {strides = array<i32>} : memref<16x1024xf32, #tpu.memory_space<vmem>>, vector<1x16xf32>,
        %scan3A_646 = arith.constant 0 : i32
        %scan3A_647 = arith.constant 6 : i32
        %scan3A_648 = arith.addi %scan3A_535, %scan3A_647 : i32
        %mul3A_649 = arith.constant 16 : i32
        %mul3A_650 = arith.muli %scan3A_648, %mul3A_649 : i32
        %get3A_651 = arith.index_cast %scan3A_526 : i32 to index
        %get3A_652 = arith.index_cast %mul3A_650 : i32 to index
        %get3A_653 = tpu.vector_load %arg6[%get3A_651, %get3A_652] {strides = array<i32>} : memref<16x1024xf32, #tpu.memory_space<vmem>>, vector<1x16xf32>,
        %get3A_654 = vector.shape_cast %get3A_653 : vector<1x16xf32> to vector<16xf32>
        %mul3A_655 = arith.constant 3.200000e+01 : f32
        %mul3A_656 = vector.broadcast %mul3A_655 : f32 to vector<16xf32>
        %mul3A_657 = arith.mulf %get3A_654, %mul3A_656 : vector<16xf32>
        %mul3A_658 = arith.constant 16 : i32
        %mul3A_659 = arith.muli %scan3A_648, %mul3A_658 : i32
        %swap3A_660 = arith.index_cast %scan3A_526 : i32 to index
        %swap3A_661 = arith.index_cast %mul3A_659 : i32 to index
        %swap3A_662 = tpu.vector_load %arg6[%swap3A_660, %swap3A_661] {strides = array<i32>} : memref<16x1024xf32, #tpu.memory_space<vmem>>, vector<1x16xf32>,
        %swap3A_663 = vector.shape_cast %swap3A_662 : vector<1x16xf32> to vector<16xf32>
        %swap3A_664 = vector.shape_cast %mul3A_657 : vector<16xf32> to vector<1x16xf32>
        tpu.vector_store %arg6[%swap3A_660, %swap3A_661], %swap3A_664 {strides = array<i32>} : memref<16x1024xf32, #tpu.memory_space<vmem>>, vector<1x16xf32>,
        %scan3A_665 = arith.constant 0 : i32
        %scan3A_666 = arith.constant 7 : i32
        %scan3A_667 = arith.addi %scan3A_535, %scan3A_666 : i32
        %mul3A_668 = arith.constant 16 : i32
        %mul3A_669 = arith.muli %scan3A_667, %mul3A_668 : i32
        %get3A_670 = arith.index_cast %scan3A_526 : i32 to index
        %get3A_671 = arith.index_cast %mul3A_669 : i32 to index
        %get3A_672 = tpu.vector_load %arg6[%get3A_670, %get3A_671] {strides = array<i32>} : memref<16x1024xf32, #tpu.memory_space<vmem>>, vector<1x16xf32>,
        %get3A_673 = vector.shape_cast %get3A_672 : vector<1x16xf32> to vector<16xf32>
        %mul3A_674 = arith.constant 3.200000e+01 : f32
        %mul3A_675 = vector.broadcast %mul3A_674 : f32 to vector<16xf32>
        %mul3A_676 = arith.mulf %get3A_673, %mul3A_675 : vector<16xf32>
        %mul3A_677 = arith.constant 16 : i32
        %mul3A_678 = arith.muli %scan3A_667, %mul3A_677 : i32
        %swap3A_679 = arith.index_cast %scan3A_526 : i32 to index
        %swap3A_680 = arith.index_cast %mul3A_678 : i32 to index
        %swap3A_681 = tpu.vector_load %arg6[%swap3A_679, %swap3A_680] {strides = array<i32>} : memref<16x1024xf32, #tpu.memory_space<vmem>>, vector<1x16xf32>,
        %swap3A_682 = vector.shape_cast %swap3A_681 : vector<1x16xf32> to vector<16xf32>
        %swap3A_683 = vector.shape_cast %mul3A_676 : vector<16xf32> to vector<1x16xf32>
        tpu.vector_store %arg6[%swap3A_679, %swap3A_680], %swap3A_683 {strides = array<i32>} : memref<16x1024xf32, #tpu.memory_space<vmem>>, vector<1x16xf32>,
        %scan3A_684 = arith.constant 0 : i32
        scf.yield %scan3A_684 : i32
      }
      %scan3A_534 = arith.constant 64 : i32
      scf.yield %scan3A_533 : i32
    }
    %scan3A_71 = arith.constant 16 : i32
    %add3A_72 = arith.constant 0 : i32
    %add3A_73 = arith.addi %mul3A_32, %add3A_72 : i32
    %dma_start3A_74 = arith.constant 0 : i32
    %dma_start3A_75 = tpu.memref_slice %arg4[%select_n3A, %add3A_73, %dma_start3A_74] : memref<4x2048x1024xf32, #tpu.memory_space<hbm>> -> memref<1x16x1024xf32, #tpu.memory_space<hbm>>
    %dma_start3A_76 = tpu.memref_squeeze %dma_start3A_75 : memref<1x16x1024xf32, #tpu.memory_space<hbm>> -> memref<16x1024xf32, #tpu.memory_space<hbm>>
    %dma_start3A_77 = arith.constant 0 : i32
    %dma_start3A_78 = tpu.memref_slice %arg4[%select_n3A, %add3A_73, %dma_start3A_77] : memref<4x2048x1024xf32, #tpu.memory_space<hbm>> -> memref<1x16x1024xf32, #tpu.memory_space<hbm>>
    %dma_start3A_79 = tpu.memref_squeeze %dma_start3A_78 : memref<1x16x1024xf32, #tpu.memory_space<hbm>> -> memref<16x1024xf32, #tpu.memory_space<hbm>>
    tpu.enqueue_dma source(%arg6 : memref<16x1024xf32, #tpu.memory_space<vmem>>) target(%dma_start3A_79 : memref<16x1024xf32, #tpu.memory_space<hbm>>) target_semaphore(%arg18 : memref<!tpu.dma_semaphore, #tpu.memory_space<semaphore_mem>>)
    %dma_wait3A_80 = arith.constant 0 : i32
    %dma_wait3A_81 = tpu.memref_slice %arg4[%select_n3A, %add3A_73, %dma_wait3A_80] : memref<4x2048x1024xf32, #tpu.memory_space<hbm>> -> memref<1x16x1024xf32, #tpu.memory_space<hbm>>
    %dma_wait3A_82 = tpu.memref_squeeze %dma_wait3A_81 : memref<1x16x1024xf32, #tpu.memory_space<hbm>> -> memref<16x1024xf32, #tpu.memory_space<hbm>>
    %dma_wait3A_83 = arith.constant 0 : i32
    %dma_wait3A_84 = tpu.memref_slice %arg4[%select_n3A, %add3A_73, %dma_wait3A_83] : memref<4x2048x1024xf32, #tpu.memory_space<hbm>> -> memref<1x16x1024xf32, #tpu.memory_space<hbm>>
    %dma_wait3A_85 = tpu.memref_squeeze %dma_wait3A_84 : memref<1x16x1024xf32, #tpu.memory_space<hbm>> -> memref<16x1024xf32, #tpu.memory_space<hbm>>
    tpu.wait_dma2 semaphore(%arg18 : memref<!tpu.dma_semaphore, #tpu.memory_space<semaphore_mem>>) src(%arg6 : memref<16x1024xf32, #tpu.memory_space<vmem>>) dst(%dma_wait3A_85 : memref<16x1024xf32, #tpu.memory_space<hbm>>)
    %dma_start3A_86 = arith.constant 96 : i32
    %dma_start3A_87 = tpu.memref_slice %arg5[%dma_start3A_86] : memref<256xi32, #tpu.memory_space<vmem>> -> memref<16xi32, #tpu.memory_space<vmem>>
    %dma_start3A_88 = arith.constant 0 : i32
    %dma_start3A_89 = arith.constant 0 : i32
    %dma_start3A_90 = tpu.memref_slice %arg3[%dma_start3A_88, %dma_start3A_89] : memref<100000x1024xf32, #tpu.memory_space<hbm>> -> memref<100000x1024xf32, #tpu.memory_space<hbm>>
    tpu.enqueue_indirect_dma source(%dma_start3A_90 : memref<100000x1024xf32, #tpu.memory_space<hbm>>) target(%arg6 : memref<16x1024xf32, #tpu.memory_space<vmem>>) offsets(%dma_start3A_87 : memref<16xi32, #tpu.memory_space<vmem>>) semaphore(%arg12 : memref<!tpu.dma_semaphore, #tpu.memory_space<semaphore_mem>>)
    %dma_wait3A_91 = arith.constant 16 : i32
    %dma_wait3A_92 = tpu.memref_slice %arg5[%dma_wait3A_91] : memref<256xi32, #tpu.memory_space<vmem>> -> memref<16xi32, #tpu.memory_space<vmem>>
    %dma_wait3A_93 = arith.constant 0 : i32
    %dma_wait3A_94 = arith.constant 0 : i32
    %dma_wait3A_95 = tpu.memref_slice %arg3[%dma_wait3A_93, %dma_wait3A_94] : memref<100000x1024xf32, #tpu.memory_space<hbm>> -> memref<100000x1024xf32, #tpu.memory_space<hbm>>
    tpu.wait_indirect_dma semaphore(%arg13 : memref<!tpu.dma_semaphore, #tpu.memory_space<semaphore_mem>>) src(%dma_wait3A_95 : memref<100000x1024xf32, #tpu.memory_space<hbm>>) dst(%arg7 : memref<16x1024xf32, #tpu.memory_space<vmem>>)
    %scan3A_96 = arith.constant 0 : i32
    %scan3A_97 = arith.constant 0 : i32
    %scan3A_98 = arith.constant 16 : i32
    %scan3A_99 = arith.addi %scan3A_97, %scan3A_98 : i32
    %scan3A_100 = arith.constant 1 : i32
    %scan3A_101 = scf.for %scan3A_526 = %scan3A_97 to %scan3A_99 step %scan3A_100 iter_args(%scan3A_527 = %scan3A_96) -> (i32)  : i32 {
      %scan3A_528 = arith.constant 0 : i32
      %scan3A_529 = arith.constant 0 : i32
      %scan3A_530 = arith.constant 64 : i32
      %scan3A_531 = arith.addi %scan3A_529, %scan3A_530 : i32
      %scan3A_532 = arith.constant 8 : i32
      %scan3A_533 = scf.for %scan3A_535 = %scan3A_529 to %scan3A_531 step %scan3A_532 iter_args(%scan3A_536 = %scan3A_528) -> (i32)  : i32 {
        %mul3A_537 = arith.constant 16 : i32
        %mul3A_538 = arith.muli %scan3A_535, %mul3A_537 : i32
        %get3A = arith.index_cast %scan3A_526 : i32 to index
        %get3A_539 = arith.index_cast %mul3A_538 : i32 to index
        %get3A_540 = tpu.vector_load %arg7[%get3A, %get3A_539] {strides = array<i32>} : memref<16x1024xf32, #tpu.memory_space<vmem>>, vector<1x16xf32>,
        %get3A_541 = vector.shape_cast %get3A_540 : vector<1x16xf32> to vector<16xf32>
        %mul3A_542 = arith.constant 3.200000e+01 : f32
        %mul3A_543 = vector.broadcast %mul3A_542 : f32 to vector<16xf32>
        %mul3A_544 = arith.mulf %get3A_541, %mul3A_543 : vector<16xf32>
        %mul3A_545 = arith.constant 16 : i32
        %mul3A_546 = arith.muli %scan3A_535, %mul3A_545 : i32
        %swap3A = arith.index_cast %scan3A_526 : i32 to index
        %swap3A_547 = arith.index_cast %mul3A_546 : i32 to index
        %swap3A_548 = tpu.vector_load %arg7[%swap3A, %swap3A_547] {strides = array<i32>} : memref<16x1024xf32, #tpu.memory_space<vmem>>, vector<1x16xf32>,
        %swap3A_549 = vector.shape_cast %swap3A_548 : vector<1x16xf32> to vector<16xf32>
        %swap3A_550 = vector.shape_cast %mul3A_544 : vector<16xf32> to vector<1x16xf32>
        tpu.vector_store %arg7[%swap3A, %swap3A_547], %swap3A_550 {strides = array<i32>} : memref<16x1024xf32, #tpu.memory_space<vmem>>, vector<1x16xf32>,
        %scan3A_551 = arith.constant 0 : i32
        %scan3A_552 = arith.constant 1 : i32
        %scan3A_553 = arith.addi %scan3A_535, %scan3A_552 : i32
        %mul3A_554 = arith.constant 16 : i32
        %mul3A_555 = arith.muli %scan3A_553, %mul3A_554 : i32
        %get3A_556 = arith.index_cast %scan3A_526 : i32 to index
        %get3A_557 = arith.index_cast %mul3A_555 : i32 to index
        %get3A_558 = tpu.vector_load %arg7[%get3A_556, %get3A_557] {strides = array<i32>} : memref<16x1024xf32, #tpu.memory_space<vmem>>, vector<1x16xf32>,
        %get3A_559 = vector.shape_cast %get3A_558 : vector<1x16xf32> to vector<16xf32>
        %mul3A_560 = arith.constant 3.200000e+01 : f32
        %mul3A_561 = vector.broadcast %mul3A_560 : f32 to vector<16xf32>
        %mul3A_562 = arith.mulf %get3A_559, %mul3A_561 : vector<16xf32>
        %mul3A_563 = arith.constant 16 : i32
        %mul3A_564 = arith.muli %scan3A_553, %mul3A_563 : i32
        %swap3A_565 = arith.index_cast %scan3A_526 : i32 to index
        %swap3A_566 = arith.index_cast %mul3A_564 : i32 to index
        %swap3A_567 = tpu.vector_load %arg7[%swap3A_565, %swap3A_566] {strides = array<i32>} : memref<16x1024xf32, #tpu.memory_space<vmem>>, vector<1x16xf32>,
        %swap3A_568 = vector.shape_cast %swap3A_567 : vector<1x16xf32> to vector<16xf32>
        %swap3A_569 = vector.shape_cast %mul3A_562 : vector<16xf32> to vector<1x16xf32>
        tpu.vector_store %arg7[%swap3A_565, %swap3A_566], %swap3A_569 {strides = array<i32>} : memref<16x1024xf32, #tpu.memory_space<vmem>>, vector<1x16xf32>,
        %scan3A_570 = arith.constant 0 : i32
        %scan3A_571 = arith.constant 2 : i32
        %scan3A_572 = arith.addi %scan3A_535, %scan3A_571 : i32
        %mul3A_573 = arith.constant 16 : i32
        %mul3A_574 = arith.muli %scan3A_572, %mul3A_573 : i32
        %get3A_575 = arith.index_cast %scan3A_526 : i32 to index
        %get3A_576 = arith.index_cast %mul3A_574 : i32 to index
        %get3A_577 = tpu.vector_load %arg7[%get3A_575, %get3A_576] {strides = array<i32>} : memref<16x1024xf32, #tpu.memory_space<vmem>>, vector<1x16xf32>,
        %get3A_578 = vector.shape_cast %get3A_577 : vector<1x16xf32> to vector<16xf32>
        %mul3A_579 = arith.constant 3.200000e+01 : f32
        %mul3A_580 = vector.broadcast %mul3A_579 : f32 to vector<16xf32>
        %mul3A_581 = arith.mulf %get3A_578, %mul3A_580 : vector<16xf32>
        %mul3A_582 = arith.constant 16 : i32
        %mul3A_583 = arith.muli %scan3A_572, %mul3A_582 : i32
        %swap3A_584 = arith.index_cast %scan3A_526 : i32 to index
        %swap3A_585 = arith.index_cast %mul3A_583 : i32 to index
        %swap3A_586 = tpu.vector_load %arg7[%swap3A_584, %swap3A_585] {strides = array<i32>} : memref<16x1024xf32, #tpu.memory_space<vmem>>, vector<1x16xf32>,
        %swap3A_587 = vector.shape_cast %swap3A_586 : vector<1x16xf32> to vector<16xf32>
        %swap3A_588 = vector.shape_cast %mul3A_581 : vector<16xf32> to vector<1x16xf32>
        tpu.vector_store %arg7[%swap3A_584, %swap3A_585], %swap3A_588 {strides = array<i32>} : memref<16x1024xf32, #tpu.memory_space<vmem>>, vector<1x16xf32>,
        %scan3A_589 = arith.constant 0 : i32
        %scan3A_590 = arith.constant 3 : i32
        %scan3A_591 = arith.addi %scan3A_535, %scan3A_590 : i32
        %mul3A_592 = arith.constant 16 : i32
        %mul3A_593 = arith.muli %scan3A_591, %mul3A_592 : i32
        %get3A_594 = arith.index_cast %scan3A_526 : i32 to index
        %get3A_595 = arith.index_cast %mul3A_593 : i32 to index
        %get3A_596 = tpu.vector_load %arg7[%get3A_594, %get3A_595] {strides = array<i32>} : memref<16x1024xf32, #tpu.memory_space<vmem>>, vector<1x16xf32>,
        %get3A_597 = vector.shape_cast %get3A_596 : vector<1x16xf32> to vector<16xf32>
        %mul3A_598 = arith.constant 3.200000e+01 : f32
        %mul3A_599 = vector.broadcast %mul3A_598 : f32 to vector<16xf32>
        %mul3A_600 = arith.mulf %get3A_597, %mul3A_599 : vector<16xf32>
        %mul3A_601 = arith.constant 16 : i32
        %mul3A_602 = arith.muli %scan3A_591, %mul3A_601 : i32
        %swap3A_603 = arith.index_cast %scan3A_526 : i32 to index
        %swap3A_604 = arith.index_cast %mul3A_602 : i32 to index
        %swap3A_605 = tpu.vector_load %arg7[%swap3A_603, %swap3A_604] {strides = array<i32>} : memref<16x1024xf32, #tpu.memory_space<vmem>>, vector<1x16xf32>,
        %swap3A_606 = vector.shape_cast %swap3A_605 : vector<1x16xf32> to vector<16xf32>
        %swap3A_607 = vector.shape_cast %mul3A_600 : vector<16xf32> to vector<1x16xf32>
        tpu.vector_store %arg7[%swap3A_603, %swap3A_604], %swap3A_607 {strides = array<i32>} : memref<16x1024xf32, #tpu.memory_space<vmem>>, vector<1x16xf32>,
        %scan3A_608 = arith.constant 0 : i32
        %scan3A_609 = arith.constant 4 : i32
        %scan3A_610 = arith.addi %scan3A_535, %scan3A_609 : i32
        %mul3A_611 = arith.constant 16 : i32
        %mul3A_612 = arith.muli %scan3A_610, %mul3A_611 : i32
        %get3A_613 = arith.index_cast %scan3A_526 : i32 to index
        %get3A_614 = arith.index_cast %mul3A_612 : i32 to index
        %get3A_615 = tpu.vector_load %arg7[%get3A_613, %get3A_614] {strides = array<i32>} : memref<16x1024xf32, #tpu.memory_space<vmem>>, vector<1x16xf32>,
        %get3A_616 = vector.shape_cast %get3A_615 : vector<1x16xf32> to vector<16xf32>
        %mul3A_617 = arith.constant 3.200000e+01 : f32
        %mul3A_618 = vector.broadcast %mul3A_617 : f32 to vector<16xf32>
        %mul3A_619 = arith.mulf %get3A_616, %mul3A_618 : vector<16xf32>
        %mul3A_620 = arith.constant 16 : i32
        %mul3A_621 = arith.muli %scan3A_610, %mul3A_620 : i32
        %swap3A_622 = arith.index_cast %scan3A_526 : i32 to index
        %swap3A_623 = arith.index_cast %mul3A_621 : i32 to index
        %swap3A_624 = tpu.vector_load %arg7[%swap3A_622, %swap3A_623] {strides = array<i32>} : memref<16x1024xf32, #tpu.memory_space<vmem>>, vector<1x16xf32>,
        %swap3A_625 = vector.shape_cast %swap3A_624 : vector<1x16xf32> to vector<16xf32>
        %swap3A_626 = vector.shape_cast %mul3A_619 : vector<16xf32> to vector<1x16xf32>
        tpu.vector_store %arg7[%swap3A_622, %swap3A_623], %swap3A_626 {strides = array<i32>} : memref<16x1024xf32, #tpu.memory_space<vmem>>, vector<1x16xf32>,
        %scan3A_627 = arith.constant 0 : i32
        %scan3A_628 = arith.constant 5 : i32
        %scan3A_629 = arith.addi %scan3A_535, %scan3A_628 : i32
        %mul3A_630 = arith.constant 16 : i32
        %mul3A_631 = arith.muli %scan3A_629, %mul3A_630 : i32
        %get3A_632 = arith.index_cast %scan3A_526 : i32 to index
        %get3A_633 = arith.index_cast %mul3A_631 : i32 to index
        %get3A_634 = tpu.vector_load %arg7[%get3A_632, %get3A_633] {strides = array<i32>} : memref<16x1024xf32, #tpu.memory_space<vmem>>, vector<1x16xf32>,
        %get3A_635 = vector.shape_cast %get3A_634 : vector<1x16xf32> to vector<16xf32>
        %mul3A_636 = arith.constant 3.200000e+01 : f32
        %mul3A_637 = vector.broadcast %mul3A_636 : f32 to vector<16xf32>
        %mul3A_638 = arith.mulf %get3A_635, %mul3A_637 : vector<16xf32>
        %mul3A_639 = arith.constant 16 : i32
        %mul3A_640 = arith.muli %scan3A_629, %mul3A_639 : i32
        %swap3A_641 = arith.index_cast %scan3A_526 : i32 to index
        %swap3A_642 = arith.index_cast %mul3A_640 : i32 to index
        %swap3A_643 = tpu.vector_load %arg7[%swap3A_641, %swap3A_642] {strides = array<i32>} : memref<16x1024xf32, #tpu.memory_space<vmem>>, vector<1x16xf32>,
        %swap3A_644 = vector.shape_cast %swap3A_643 : vector<1x16xf32> to vector<16xf32>
        %swap3A_645 = vector.shape_cast %mul3A_638 : vector<16xf32> to vector<1x16xf32>
        tpu.vector_store %arg7[%swap3A_641, %swap3A_642], %swap3A_645 {strides = array<i32>} : memref<16x1024xf32, #tpu.memory_space<vmem>>, vector<1x16xf32>,
        %scan3A_646 = arith.constant 0 : i32
        %scan3A_647 = arith.constant 6 : i32
        %scan3A_648 = arith.addi %scan3A_535, %scan3A_647 : i32
        %mul3A_649 = arith.constant 16 : i32
        %mul3A_650 = arith.muli %scan3A_648, %mul3A_649 : i32
        %get3A_651 = arith.index_cast %scan3A_526 : i32 to index
        %get3A_652 = arith.index_cast %mul3A_650 : i32 to index
        %get3A_653 = tpu.vector_load %arg7[%get3A_651, %get3A_652] {strides = array<i32>} : memref<16x1024xf32, #tpu.memory_space<vmem>>, vector<1x16xf32>,
        %get3A_654 = vector.shape_cast %get3A_653 : vector<1x16xf32> to vector<16xf32>
        %mul3A_655 = arith.constant 3.200000e+01 : f32
        %mul3A_656 = vector.broadcast %mul3A_655 : f32 to vector<16xf32>
        %mul3A_657 = arith.mulf %get3A_654, %mul3A_656 : vector<16xf32>
        %mul3A_658 = arith.constant 16 : i32
        %mul3A_659 = arith.muli %scan3A_648, %mul3A_658 : i32
        %swap3A_660 = arith.index_cast %scan3A_526 : i32 to index
        %swap3A_661 = arith.index_cast %mul3A_659 : i32 to index
        %swap3A_662 = tpu.vector_load %arg7[%swap3A_660, %swap3A_661] {strides = array<i32>} : memref<16x1024xf32, #tpu.memory_space<vmem>>, vector<1x16xf32>,
        %swap3A_663 = vector.shape_cast %swap3A_662 : vector<1x16xf32> to vector<16xf32>
        %swap3A_664 = vector.shape_cast %mul3A_657 : vector<16xf32> to vector<1x16xf32>
        tpu.vector_store %arg7[%swap3A_660, %swap3A_661], %swap3A_664 {strides = array<i32>} : memref<16x1024xf32, #tpu.memory_space<vmem>>, vector<1x16xf32>,
        %scan3A_665 = arith.constant 0 : i32
        %scan3A_666 = arith.constant 7 : i32
        %scan3A_667 = arith.addi %scan3A_535, %scan3A_666 : i32
        %mul3A_668 = arith.constant 16 : i32
        %mul3A_669 = arith.muli %scan3A_667, %mul3A_668 : i32
        %get3A_670 = arith.index_cast %scan3A_526 : i32 to index
        %get3A_671 = arith.index_cast %mul3A_669 : i32 to index
        %get3A_672 = tpu.vector_load %arg7[%get3A_670, %get3A_671] {strides = array<i32>} : memref<16x1024xf32, #tpu.memory_space<vmem>>, vector<1x16xf32>,
        %get3A_673 = vector.shape_cast %get3A_672 : vector<1x16xf32> to vector<16xf32>
        %mul3A_674 = arith.constant 3.200000e+01 : f32
        %mul3A_675 = vector.broadcast %mul3A_674 : f32 to vector<16xf32>
        %mul3A_676 = arith.mulf %get3A_673, %mul3A_675 : vector<16xf32>
        %mul3A_677 = arith.constant 16 : i32
        %mul3A_678 = arith.muli %scan3A_667, %mul3A_677 : i32
        %swap3A_679 = arith.index_cast %scan3A_526 : i32 to index
        %swap3A_680 = arith.index_cast %mul3A_678 : i32 to index
        %swap3A_681 = tpu.vector_load %arg7[%swap3A_679, %swap3A_680] {strides = array<i32>} : memref<16x1024xf32, #tpu.memory_space<vmem>>, vector<1x16xf32>,
        %swap3A_682 = vector.shape_cast %swap3A_681 : vector<1x16xf32> to vector<16xf32>
        %swap3A_683 = vector.shape_cast %mul3A_676 : vector<16xf32> to vector<1x16xf32>
        tpu.vector_store %arg7[%swap3A_679, %swap3A_680], %swap3A_683 {strides = array<i32>} : memref<16x1024xf32, #tpu.memory_space<vmem>>, vector<1x16xf32>,
        %scan3A_684 = arith.constant 0 : i32
        scf.yield %scan3A_684 : i32
      }
      %scan3A_534 = arith.constant 64 : i32
      scf.yield %scan3A_533 : i32
    }
    %scan3A_102 = arith.constant 16 : i32
    %add3A_103 = arith.constant 16 : i32
    %add3A_104 = arith.addi %mul3A_32, %add3A_103 : i32
    %dma_start3A_105 = arith.constant 0 : i32
    %dma_start3A_106 = tpu.memref_slice %arg4[%select_n3A, %add3A_104, %dma_start3A_105] : memref<4x2048x1024xf32, #tpu.memory_space<hbm>> -> memref<1x16x1024xf32, #tpu.memory_space<hbm>>
    %dma_start3A_107 = tpu.memref_squeeze %dma_start3A_106 : memref<1x16x1024xf32, #tpu.memory_space<hbm>> -> memref<16x1024xf32, #tpu.memory_space<hbm>>
    %dma_start3A_108 = arith.constant 0 : i32
    %dma_start3A_109 = tpu.memref_slice %arg4[%select_n3A, %add3A_104, %dma_start3A_108] : memref<4x2048x1024xf32, #tpu.memory_space<hbm>> -> memref<1x16x1024xf32, #tpu.memory_space<hbm>>
    %dma_start3A_110 = tpu.memref_squeeze %dma_start3A_109 : memref<1x16x1024xf32, #tpu.memory_space<hbm>> -> memref<16x1024xf32, #tpu.memory_space<hbm>>
    tpu.enqueue_dma source(%arg7 : memref<16x1024xf32, #tpu.memory_space<vmem>>) target(%dma_start3A_110 : memref<16x1024xf32, #tpu.memory_space<hbm>>) target_semaphore(%arg19 : memref<!tpu.dma_semaphore, #tpu.memory_space<semaphore_mem>>)
    %dma_wait3A_111 = arith.constant 0 : i32
    %dma_wait3A_112 = tpu.memref_slice %arg4[%select_n3A, %add3A_104, %dma_wait3A_111] : memref<4x2048x1024xf32, #tpu.memory_space<hbm>> -> memref<1x16x1024xf32, #tpu.memory_space<hbm>>
    %dma_wait3A_113 = tpu.memref_squeeze %dma_wait3A_112 : memref<1x16x1024xf32, #tpu.memory_space<hbm>> -> memref<16x1024xf32, #tpu.memory_space<hbm>>
    %dma_wait3A_114 = arith.constant 0 : i32
    %dma_wait3A_115 = tpu.memref_slice %arg4[%select_n3A, %add3A_104, %dma_wait3A_114] : memref<4x2048x1024xf32, #tpu.memory_space<hbm>> -> memref<1x16x1024xf32, #tpu.memory_space<hbm>>
    %dma_wait3A_116 = tpu.memref_squeeze %dma_wait3A_115 : memref<1x16x1024xf32, #tpu.memory_space<hbm>> -> memref<16x1024xf32, #tpu.memory_space<hbm>>
    tpu.wait_dma2 semaphore(%arg19 : memref<!tpu.dma_semaphore, #tpu.memory_space<semaphore_mem>>) src(%arg7 : memref<16x1024xf32, #tpu.memory_space<vmem>>) dst(%dma_wait3A_116 : memref<16x1024xf32, #tpu.memory_space<hbm>>)
    %dma_start3A_117 = arith.constant 112 : i32
    %dma_start3A_118 = tpu.memref_slice %arg5[%dma_start3A_117] : memref<256xi32, #tpu.memory_space<vmem>> -> memref<16xi32, #tpu.memory_space<vmem>>
    %dma_start3A_119 = arith.constant 0 : i32
    %dma_start3A_120 = arith.constant 0 : i32
    %dma_start3A_121 = tpu.memref_slice %arg3[%dma_start3A_119, %dma_start3A_120] : memref<100000x1024xf32, #tpu.memory_space<hbm>> -> memref<100000x1024xf32, #tpu.memory_space<hbm>>
    tpu.enqueue_indirect_dma source(%dma_start3A_121 : memref<100000x1024xf32, #tpu.memory_space<hbm>>) target(%arg7 : memref<16x1024xf32, #tpu.memory_space<vmem>>) offsets(%dma_start3A_118 : memref<16xi32, #tpu.memory_space<vmem>>) semaphore(%arg13 : memref<!tpu.dma_semaphore, #tpu.memory_space<semaphore_mem>>)
    %dma_wait3A_122 = arith.constant 32 : i32
    %dma_wait3A_123 = tpu.memref_slice %arg5[%dma_wait3A_122] : memref<256xi32, #tpu.memory_space<vmem>> -> memref<16xi32, #tpu.memory_space<vmem>>
    %dma_wait3A_124 = arith.constant 0 : i32
    %dma_wait3A_125 = arith.constant 0 : i32
    %dma_wait3A_126 = tpu.memref_slice %arg3[%dma_wait3A_124, %dma_wait3A_125] : memref<100000x1024xf32, #tpu.memory_space<hbm>> -> memref<100000x1024xf32, #tpu.memory_space<hbm>>
    tpu.wait_indirect_dma semaphore(%arg14 : memref<!tpu.dma_semaphore, #tpu.memory_space<semaphore_mem>>) src(%dma_wait3A_126 : memref<100000x1024xf32, #tpu.memory_space<hbm>>) dst(%arg8 : memref<16x1024xf32, #tpu.memory_space<vmem>>)
    %scan3A_127 = arith.constant 0 : i32
    %scan3A_128 = arith.constant 0 : i32
    %scan3A_129 = arith.constant 16 : i32
    %scan3A_130 = arith.addi %scan3A_128, %scan3A_129 : i32
    %scan3A_131 = arith.constant 1 : i32
    %scan3A_132 = scf.for %scan3A_526 = %scan3A_128 to %scan3A_130 step %scan3A_131 iter_args(%scan3A_527 = %scan3A_127) -> (i32)  : i32 {
      %scan3A_528 = arith.constant 0 : i32
      %scan3A_529 = arith.constant 0 : i32
      %scan3A_530 = arith.constant 64 : i32
      %scan3A_531 = arith.addi %scan3A_529, %scan3A_530 : i32
      %scan3A_532 = arith.constant 8 : i32
      %scan3A_533 = scf.for %scan3A_535 = %scan3A_529 to %scan3A_531 step %scan3A_532 iter_args(%scan3A_536 = %scan3A_528) -> (i32)  : i32 {
        %mul3A_537 = arith.constant 16 : i32
        %mul3A_538 = arith.muli %scan3A_535, %mul3A_537 : i32
        %get3A = arith.index_cast %scan3A_526 : i32 to index
        %get3A_539 = arith.index_cast %mul3A_538 : i32 to index
        %get3A_540 = tpu.vector_load %arg8[%get3A, %get3A_539] {strides = array<i32>} : memref<16x1024xf32, #tpu.memory_space<vmem>>, vector<1x16xf32>,
        %get3A_541 = vector.shape_cast %get3A_540 : vector<1x16xf32> to vector<16xf32>
        %mul3A_542 = arith.constant 3.200000e+01 : f32
        %mul3A_543 = vector.broadcast %mul3A_542 : f32 to vector<16xf32>
        %mul3A_544 = arith.mulf %get3A_541, %mul3A_543 : vector<16xf32>
        %mul3A_545 = arith.constant 16 : i32
        %mul3A_546 = arith.muli %scan3A_535, %mul3A_545 : i32
        %swap3A = arith.index_cast %scan3A_526 : i32 to index
        %swap3A_547 = arith.index_cast %mul3A_546 : i32 to index
        %swap3A_548 = tpu.vector_load %arg8[%swap3A, %swap3A_547] {strides = array<i32>} : memref<16x1024xf32, #tpu.memory_space<vmem>>, vector<1x16xf32>,
        %swap3A_549 = vector.shape_cast %swap3A_548 : vector<1x16xf32> to vector<16xf32>
        %swap3A_550 = vector.shape_cast %mul3A_544 : vector<16xf32> to vector<1x16xf32>
        tpu.vector_store %arg8[%swap3A, %swap3A_547], %swap3A_550 {strides = array<i32>} : memref<16x1024xf32, #tpu.memory_space<vmem>>, vector<1x16xf32>,
        %scan3A_551 = arith.constant 0 : i32
        %scan3A_552 = arith.constant 1 : i32
        %scan3A_553 = arith.addi %scan3A_535, %scan3A_552 : i32
        %mul3A_554 = arith.constant 16 : i32
        %mul3A_555 = arith.muli %scan3A_553, %mul3A_554 : i32
        %get3A_556 = arith.index_cast %scan3A_526 : i32 to index
        %get3A_557 = arith.index_cast %mul3A_555 : i32 to index
        %get3A_558 = tpu.vector_load %arg8[%get3A_556, %get3A_557] {strides = array<i32>} : memref<16x1024xf32, #tpu.memory_space<vmem>>, vector<1x16xf32>,
        %get3A_559 = vector.shape_cast %get3A_558 : vector<1x16xf32> to vector<16xf32>
        %mul3A_560 = arith.constant 3.200000e+01 : f32
        %mul3A_561 = vector.broadcast %mul3A_560 : f32 to vector<16xf32>
        %mul3A_562 = arith.mulf %get3A_559, %mul3A_561 : vector<16xf32>
        %mul3A_563 = arith.constant 16 : i32
        %mul3A_564 = arith.muli %scan3A_553, %mul3A_563 : i32
        %swap3A_565 = arith.index_cast %scan3A_526 : i32 to index
        %swap3A_566 = arith.index_cast %mul3A_564 : i32 to index
        %swap3A_567 = tpu.vector_load %arg8[%swap3A_565, %swap3A_566] {strides = array<i32>} : memref<16x1024xf32, #tpu.memory_space<vmem>>, vector<1x16xf32>,
        %swap3A_568 = vector.shape_cast %swap3A_567 : vector<1x16xf32> to vector<16xf32>
        %swap3A_569 = vector.shape_cast %mul3A_562 : vector<16xf32> to vector<1x16xf32>
        tpu.vector_store %arg8[%swap3A_565, %swap3A_566], %swap3A_569 {strides = array<i32>} : memref<16x1024xf32, #tpu.memory_space<vmem>>, vector<1x16xf32>,
        %scan3A_570 = arith.constant 0 : i32
        %scan3A_571 = arith.constant 2 : i32
        %scan3A_572 = arith.addi %scan3A_535, %scan3A_571 : i32
        %mul3A_573 = arith.constant 16 : i32
        %mul3A_574 = arith.muli %scan3A_572, %mul3A_573 : i32
        %get3A_575 = arith.index_cast %scan3A_526 : i32 to index
        %get3A_576 = arith.index_cast %mul3A_574 : i32 to index
        %get3A_577 = tpu.vector_load %arg8[%get3A_575, %get3A_576] {strides = array<i32>} : memref<16x1024xf32, #tpu.memory_space<vmem>>, vector<1x16xf32>,
        %get3A_578 = vector.shape_cast %get3A_577 : vector<1x16xf32> to vector<16xf32>
        %mul3A_579 = arith.constant 3.200000e+01 : f32
        %mul3A_580 = vector.broadcast %mul3A_579 : f32 to vector<16xf32>
        %mul3A_581 = arith.mulf %get3A_578, %mul3A_580 : vector<16xf32>
        %mul3A_582 = arith.constant 16 : i32
        %mul3A_583 = arith.muli %scan3A_572, %mul3A_582 : i32
        %swap3A_584 = arith.index_cast %scan3A_526 : i32 to index
        %swap3A_585 = arith.index_cast %mul3A_583 : i32 to index
        %swap3A_586 = tpu.vector_load %arg8[%swap3A_584, %swap3A_585] {strides = array<i32>} : memref<16x1024xf32, #tpu.memory_space<vmem>>, vector<1x16xf32>,
        %swap3A_587 = vector.shape_cast %swap3A_586 : vector<1x16xf32> to vector<16xf32>
        %swap3A_588 = vector.shape_cast %mul3A_581 : vector<16xf32> to vector<1x16xf32>
        tpu.vector_store %arg8[%swap3A_584, %swap3A_585], %swap3A_588 {strides = array<i32>} : memref<16x1024xf32, #tpu.memory_space<vmem>>, vector<1x16xf32>,
        %scan3A_589 = arith.constant 0 : i32
        %scan3A_590 = arith.constant 3 : i32
        %scan3A_591 = arith.addi %scan3A_535, %scan3A_590 : i32
        %mul3A_592 = arith.constant 16 : i32
        %mul3A_593 = arith.muli %scan3A_591, %mul3A_592 : i32
        %get3A_594 = arith.index_cast %scan3A_526 : i32 to index
        %get3A_595 = arith.index_cast %mul3A_593 : i32 to index
        %get3A_596 = tpu.vector_load %arg8[%get3A_594, %get3A_595] {strides = array<i32>} : memref<16x1024xf32, #tpu.memory_space<vmem>>, vector<1x16xf32>,
        %get3A_597 = vector.shape_cast %get3A_596 : vector<1x16xf32> to vector<16xf32>
        %mul3A_598 = arith.constant 3.200000e+01 : f32
        %mul3A_599 = vector.broadcast %mul3A_598 : f32 to vector<16xf32>
        %mul3A_600 = arith.mulf %get3A_597, %mul3A_599 : vector<16xf32>
        %mul3A_601 = arith.constant 16 : i32
        %mul3A_602 = arith.muli %scan3A_591, %mul3A_601 : i32
        %swap3A_603 = arith.index_cast %scan3A_526 : i32 to index
        %swap3A_604 = arith.index_cast %mul3A_602 : i32 to index
        %swap3A_605 = tpu.vector_load %arg8[%swap3A_603, %swap3A_604] {strides = array<i32>} : memref<16x1024xf32, #tpu.memory_space<vmem>>, vector<1x16xf32>,
        %swap3A_606 = vector.shape_cast %swap3A_605 : vector<1x16xf32> to vector<16xf32>
        %swap3A_607 = vector.shape_cast %mul3A_600 : vector<16xf32> to vector<1x16xf32>
        tpu.vector_store %arg8[%swap3A_603, %swap3A_604], %swap3A_607 {strides = array<i32>} : memref<16x1024xf32, #tpu.memory_space<vmem>>, vector<1x16xf32>,
        %scan3A_608 = arith.constant 0 : i32
        %scan3A_609 = arith.constant 4 : i32
        %scan3A_610 = arith.addi %scan3A_535, %scan3A_609 : i32
        %mul3A_611 = arith.constant 16 : i32
        %mul3A_612 = arith.muli %scan3A_610, %mul3A_611 : i32
        %get3A_613 = arith.index_cast %scan3A_526 : i32 to index
        %get3A_614 = arith.index_cast %mul3A_612 : i32 to index
        %get3A_615 = tpu.vector_load %arg8[%get3A_613, %get3A_614] {strides = array<i32>} : memref<16x1024xf32, #tpu.memory_space<vmem>>, vector<1x16xf32>,
        %get3A_616 = vector.shape_cast %get3A_615 : vector<1x16xf32> to vector<16xf32>
        %mul3A_617 = arith.constant 3.200000e+01 : f32
        %mul3A_618 = vector.broadcast %mul3A_617 : f32 to vector<16xf32>
        %mul3A_619 = arith.mulf %get3A_616, %mul3A_618 : vector<16xf32>
        %mul3A_620 = arith.constant 16 : i32
        %mul3A_621 = arith.muli %scan3A_610, %mul3A_620 : i32
        %swap3A_622 = arith.index_cast %scan3A_526 : i32 to index
        %swap3A_623 = arith.index_cast %mul3A_621 : i32 to index
        %swap3A_624 = tpu.vector_load %arg8[%swap3A_622, %swap3A_623] {strides = array<i32>} : memref<16x1024xf32, #tpu.memory_space<vmem>>, vector<1x16xf32>,
        %swap3A_625 = vector.shape_cast %swap3A_624 : vector<1x16xf32> to vector<16xf32>
        %swap3A_626 = vector.shape_cast %mul3A_619 : vector<16xf32> to vector<1x16xf32>
        tpu.vector_store %arg8[%swap3A_622, %swap3A_623], %swap3A_626 {strides = array<i32>} : memref<16x1024xf32, #tpu.memory_space<vmem>>, vector<1x16xf32>,
        %scan3A_627 = arith.constant 0 : i32
        %scan3A_628 = arith.constant 5 : i32
        %scan3A_629 = arith.addi %scan3A_535, %scan3A_628 : i32
        %mul3A_630 = arith.constant 16 : i32
        %mul3A_631 = arith.muli %scan3A_629, %mul3A_630 : i32
        %get3A_632 = arith.index_cast %scan3A_526 : i32 to index
        %get3A_633 = arith.index_cast %mul3A_631 : i32 to index
        %get3A_634 = tpu.vector_load %arg8[%get3A_632, %get3A_633] {strides = array<i32>} : memref<16x1024xf32, #tpu.memory_space<vmem>>, vector<1x16xf32>,
        %get3A_635 = vector.shape_cast %get3A_634 : vector<1x16xf32> to vector<16xf32>
        %mul3A_636 = arith.constant 3.200000e+01 : f32
        %mul3A_637 = vector.broadcast %mul3A_636 : f32 to vector<16xf32>
        %mul3A_638 = arith.mulf %get3A_635, %mul3A_637 : vector<16xf32>
        %mul3A_639 = arith.constant 16 : i32
        %mul3A_640 = arith.muli %scan3A_629, %mul3A_639 : i32
        %swap3A_641 = arith.index_cast %scan3A_526 : i32 to index
        %swap3A_642 = arith.index_cast %mul3A_640 : i32 to index
        %swap3A_643 = tpu.vector_load %arg8[%swap3A_641, %swap3A_642] {strides = array<i32>} : memref<16x1024xf32, #tpu.memory_space<vmem>>, vector<1x16xf32>,
        %swap3A_644 = vector.shape_cast %swap3A_643 : vector<1x16xf32> to vector<16xf32>
        %swap3A_645 = vector.shape_cast %mul3A_638 : vector<16xf32> to vector<1x16xf32>
        tpu.vector_store %arg8[%swap3A_641, %swap3A_642], %swap3A_645 {strides = array<i32>} : memref<16x1024xf32, #tpu.memory_space<vmem>>, vector<1x16xf32>,
        %scan3A_646 = arith.constant 0 : i32
        %scan3A_647 = arith.constant 6 : i32
        %scan3A_648 = arith.addi %scan3A_535, %scan3A_647 : i32
        %mul3A_649 = arith.constant 16 : i32
        %mul3A_650 = arith.muli %scan3A_648, %mul3A_649 : i32
        %get3A_651 = arith.index_cast %scan3A_526 : i32 to index
        %get3A_652 = arith.index_cast %mul3A_650 : i32 to index
        %get3A_653 = tpu.vector_load %arg8[%get3A_651, %get3A_652] {strides = array<i32>} : memref<16x1024xf32, #tpu.memory_space<vmem>>, vector<1x16xf32>,
        %get3A_654 = vector.shape_cast %get3A_653 : vector<1x16xf32> to vector<16xf32>
        %mul3A_655 = arith.constant 3.200000e+01 : f32
        %mul3A_656 = vector.broadcast %mul3A_655 : f32 to vector<16xf32>
        %mul3A_657 = arith.mulf %get3A_654, %mul3A_656 : vector<16xf32>
        %mul3A_658 = arith.constant 16 : i32
        %mul3A_659 = arith.muli %scan3A_648, %mul3A_658 : i32
        %swap3A_660 = arith.index_cast %scan3A_526 : i32 to index
        %swap3A_661 = arith.index_cast %mul3A_659 : i32 to index
        %swap3A_662 = tpu.vector_load %arg8[%swap3A_660, %swap3A_661] {strides = array<i32>} : memref<16x1024xf32, #tpu.memory_space<vmem>>, vector<1x16xf32>,
        %swap3A_663 = vector.shape_cast %swap3A_662 : vector<1x16xf32> to vector<16xf32>
        %swap3A_664 = vector.shape_cast %mul3A_657 : vector<16xf32> to vector<1x16xf32>
        tpu.vector_store %arg8[%swap3A_660, %swap3A_661], %swap3A_664 {strides = array<i32>} : memref<16x1024xf32, #tpu.memory_space<vmem>>, vector<1x16xf32>,
        %scan3A_665 = arith.constant 0 : i32
        %scan3A_666 = arith.constant 7 : i32
        %scan3A_667 = arith.addi %scan3A_535, %scan3A_666 : i32
        %mul3A_668 = arith.constant 16 : i32
        %mul3A_669 = arith.muli %scan3A_667, %mul3A_668 : i32
        %get3A_670 = arith.index_cast %scan3A_526 : i32 to index
        %get3A_671 = arith.index_cast %mul3A_669 : i32 to index
        %get3A_672 = tpu.vector_load %arg8[%get3A_670, %get3A_671] {strides = array<i32>} : memref<16x1024xf32, #tpu.memory_space<vmem>>, vector<1x16xf32>,
        %get3A_673 = vector.shape_cast %get3A_672 : vector<1x16xf32> to vector<16xf32>
        %mul3A_674 = arith.constant 3.200000e+01 : f32
        %mul3A_675 = vector.broadcast %mul3A_674 : f32 to vector<16xf32>
        %mul3A_676 = arith.mulf %get3A_673, %mul3A_675 : vector<16xf32>
        %mul3A_677 = arith.constant 16 : i32
        %mul3A_678 = arith.muli %scan3A_667, %mul3A_677 : i32
        %swap3A_679 = arith.index_cast %scan3A_526 : i32 to index
        %swap3A_680 = arith.index_cast %mul3A_678 : i32 to index
        %swap3A_681 = tpu.vector_load %arg8[%swap3A_679, %swap3A_680] {strides = array<i32>} : memref<16x1024xf32, #tpu.memory_space<vmem>>, vector<1x16xf32>,
        %swap3A_682 = vector.shape_cast %swap3A_681 : vector<1x16xf32> to vector<16xf32>
        %swap3A_683 = vector.shape_cast %mul3A_676 : vector<16xf32> to vector<1x16xf32>
        tpu.vector_store %arg8[%swap3A_679, %swap3A_680], %swap3A_683 {strides = array<i32>} : memref<16x1024xf32, #tpu.memory_space<vmem>>, vector<1x16xf32>,
        %scan3A_684 = arith.constant 0 : i32
        scf.yield %scan3A_684 : i32
      }
      %scan3A_534 = arith.constant 64 : i32
      scf.yield %scan3A_533 : i32
    }
    %scan3A_133 = arith.constant 16 : i32
    %add3A_134 = arith.constant 32 : i32
    %add3A_135 = arith.addi %mul3A_32, %add3A_134 : i32
    %dma_start3A_136 = arith.constant 0 : i32
    %dma_start3A_137 = tpu.memref_slice %arg4[%select_n3A, %add3A_135, %dma_start3A_136] : memref<4x2048x1024xf32, #tpu.memory_space<hbm>> -> memref<1x16x1024xf32, #tpu.memory_space<hbm>>
    %dma_start3A_138 = tpu.memref_squeeze %dma_start3A_137 : memref<1x16x1024xf32, #tpu.memory_space<hbm>> -> memref<16x1024xf32, #tpu.memory_space<hbm>>
    %dma_start3A_139 = arith.constant 0 : i32
    %dma_start3A_140 = tpu.memref_slice %arg4[%select_n3A, %add3A_135, %dma_start3A_139] : memref<4x2048x1024xf32, #tpu.memory_space<hbm>> -> memref<1x16x1024xf32, #tpu.memory_space<hbm>>
    %dma_start3A_141 = tpu.memref_squeeze %dma_start3A_140 : memref<1x16x1024xf32, #tpu.memory_space<hbm>> -> memref<16x1024xf32, #tpu.memory_space<hbm>>
    tpu.enqueue_dma source(%arg8 : memref<16x1024xf32, #tpu.memory_space<vmem>>) target(%dma_start3A_141 : memref<16x1024xf32, #tpu.memory_space<hbm>>) target_semaphore(%arg20 : memref<!tpu.dma_semaphore, #tpu.memory_space<semaphore_mem>>)
    %dma_wait3A_142 = arith.constant 0 : i32
    %dma_wait3A_143 = tpu.memref_slice %arg4[%select_n3A, %add3A_135, %dma_wait3A_142] : memref<4x2048x1024xf32, #tpu.memory_space<hbm>> -> memref<1x16x1024xf32, #tpu.memory_space<hbm>>
    %dma_wait3A_144 = tpu.memref_squeeze %dma_wait3A_143 : memref<1x16x1024xf32, #tpu.memory_space<hbm>> -> memref<16x1024xf32, #tpu.memory_space<hbm>>
    %dma_wait3A_145 = arith.constant 0 : i32
    %dma_wait3A_146 = tpu.memref_slice %arg4[%select_n3A, %add3A_135, %dma_wait3A_145] : memref<4x2048x1024xf32, #tpu.memory_space<hbm>> -> memref<1x16x1024xf32, #tpu.memory_space<hbm>>
    %dma_wait3A_147 = tpu.memref_squeeze %dma_wait3A_146 : memref<1x16x1024xf32, #tpu.memory_space<hbm>> -> memref<16x1024xf32, #tpu.memory_space<hbm>>
    tpu.wait_dma2 semaphore(%arg20 : memref<!tpu.dma_semaphore, #tpu.memory_space<semaphore_mem>>) src(%arg8 : memref<16x1024xf32, #tpu.memory_space<vmem>>) dst(%dma_wait3A_147 : memref<16x1024xf32, #tpu.memory_space<hbm>>)
    %dma_start3A_148 = arith.constant 128 : i32
    %dma_start3A_149 = tpu.memref_slice %arg5[%dma_start3A_148] : memref<256xi32, #tpu.memory_space<vmem>> -> memref<16xi32, #tpu.memory_space<vmem>>
    %dma_start3A_150 = arith.constant 0 : i32
    %dma_start3A_151 = arith.constant 0 : i32
    %dma_start3A_152 = tpu.memref_slice %arg3[%dma_start3A_150, %dma_start3A_151] : memref<100000x1024xf32, #tpu.memory_space<hbm>> -> memref<100000x1024xf32, #tpu.memory_space<hbm>>
    tpu.enqueue_indirect_dma source(%dma_start3A_152 : memref<100000x1024xf32, #tpu.memory_space<hbm>>) target(%arg8 : memref<16x1024xf32, #tpu.memory_space<vmem>>) offsets(%dma_start3A_149 : memref<16xi32, #tpu.memory_space<vmem>>) semaphore(%arg14 : memref<!tpu.dma_semaphore, #tpu.memory_space<semaphore_mem>>)
    %dma_wait3A_153 = arith.constant 48 : i32
    %dma_wait3A_154 = tpu.memref_slice %arg5[%dma_wait3A_153] : memref<256xi32, #tpu.memory_space<vmem>> -> memref<16xi32, #tpu.memory_space<vmem>>
    %dma_wait3A_155 = arith.constant 0 : i32
    %dma_wait3A_156 = arith.constant 0 : i32
    %dma_wait3A_157 = tpu.memref_slice %arg3[%dma_wait3A_155, %dma_wait3A_156] : memref<100000x1024xf32, #tpu.memory_space<hbm>> -> memref<100000x1024xf32, #tpu.memory_space<hbm>>
    tpu.wait_indirect_dma semaphore(%arg15 : memref<!tpu.dma_semaphore, #tpu.memory_space<semaphore_mem>>) src(%dma_wait3A_157 : memref<100000x1024xf32, #tpu.memory_space<hbm>>) dst(%arg9 : memref<16x1024xf32, #tpu.memory_space<vmem>>)
    %scan3A_158 = arith.constant 0 : i32
    %scan3A_159 = arith.constant 0 : i32
    %scan3A_160 = arith.constant 16 : i32
    %scan3A_161 = arith.addi %scan3A_159, %scan3A_160 : i32
    %scan3A_162 = arith.constant 1 : i32
    %scan3A_163 = scf.for %scan3A_526 = %scan3A_159 to %scan3A_161 step %scan3A_162 iter_args(%scan3A_527 = %scan3A_158) -> (i32)  : i32 {
      %scan3A_528 = arith.constant 0 : i32
      %scan3A_529 = arith.constant 0 : i32
      %scan3A_530 = arith.constant 64 : i32
      %scan3A_531 = arith.addi %scan3A_529, %scan3A_530 : i32
      %scan3A_532 = arith.constant 8 : i32
      %scan3A_533 = scf.for %scan3A_535 = %scan3A_529 to %scan3A_531 step %scan3A_532 iter_args(%scan3A_536 = %scan3A_528) -> (i32)  : i32 {
        %mul3A_537 = arith.constant 16 : i32
        %mul3A_538 = arith.muli %scan3A_535, %mul3A_537 : i32
        %get3A = arith.index_cast %scan3A_526 : i32 to index
        %get3A_539 = arith.index_cast %mul3A_538 : i32 to index
        %get3A_540 = tpu.vector_load %arg9[%get3A, %get3A_539] {strides = array<i32>} : memref<16x1024xf32, #tpu.memory_space<vmem>>, vector<1x16xf32>,
        %get3A_541 = vector.shape_cast %get3A_540 : vector<1x16xf32> to vector<16xf32>
        %mul3A_542 = arith.constant 3.200000e+01 : f32
        %mul3A_543 = vector.broadcast %mul3A_542 : f32 to vector<16xf32>
        %mul3A_544 = arith.mulf %get3A_541, %mul3A_543 : vector<16xf32>
        %mul3A_545 = arith.constant 16 : i32
        %mul3A_546 = arith.muli %scan3A_535, %mul3A_545 : i32
        %swap3A = arith.index_cast %scan3A_526 : i32 to index
        %swap3A_547 = arith.index_cast %mul3A_546 : i32 to index
        %swap3A_548 = tpu.vector_load %arg9[%swap3A, %swap3A_547] {strides = array<i32>} : memref<16x1024xf32, #tpu.memory_space<vmem>>, vector<1x16xf32>,
        %swap3A_549 = vector.shape_cast %swap3A_548 : vector<1x16xf32> to vector<16xf32>
        %swap3A_550 = vector.shape_cast %mul3A_544 : vector<16xf32> to vector<1x16xf32>
        tpu.vector_store %arg9[%swap3A, %swap3A_547], %swap3A_550 {strides = array<i32>} : memref<16x1024xf32, #tpu.memory_space<vmem>>, vector<1x16xf32>,
        %scan3A_551 = arith.constant 0 : i32
        %scan3A_552 = arith.constant 1 : i32
        %scan3A_553 = arith.addi %scan3A_535, %scan3A_552 : i32
        %mul3A_554 = arith.constant 16 : i32
        %mul3A_555 = arith.muli %scan3A_553, %mul3A_554 : i32
        %get3A_556 = arith.index_cast %scan3A_526 : i32 to index
        %get3A_557 = arith.index_cast %mul3A_555 : i32 to index
        %get3A_558 = tpu.vector_load %arg9[%get3A_556, %get3A_557] {strides = array<i32>} : memref<16x1024xf32, #tpu.memory_space<vmem>>, vector<1x16xf32>,
        %get3A_559 = vector.shape_cast %get3A_558 : vector<1x16xf32> to vector<16xf32>
        %mul3A_560 = arith.constant 3.200000e+01 : f32
        %mul3A_561 = vector.broadcast %mul3A_560 : f32 to vector<16xf32>
        %mul3A_562 = arith.mulf %get3A_559, %mul3A_561 : vector<16xf32>
        %mul3A_563 = arith.constant 16 : i32
        %mul3A_564 = arith.muli %scan3A_553, %mul3A_563 : i32
        %swap3A_565 = arith.index_cast %scan3A_526 : i32 to index
        %swap3A_566 = arith.index_cast %mul3A_564 : i32 to index
        %swap3A_567 = tpu.vector_load %arg9[%swap3A_565, %swap3A_566] {strides = array<i32>} : memref<16x1024xf32, #tpu.memory_space<vmem>>, vector<1x16xf32>,
        %swap3A_568 = vector.shape_cast %swap3A_567 : vector<1x16xf32> to vector<16xf32>
        %swap3A_569 = vector.shape_cast %mul3A_562 : vector<16xf32> to vector<1x16xf32>
        tpu.vector_store %arg9[%swap3A_565, %swap3A_566], %swap3A_569 {strides = array<i32>} : memref<16x1024xf32, #tpu.memory_space<vmem>>, vector<1x16xf32>,
        %scan3A_570 = arith.constant 0 : i32
        %scan3A_571 = arith.constant 2 : i32
        %scan3A_572 = arith.addi %scan3A_535, %scan3A_571 : i32
        %mul3A_573 = arith.constant 16 : i32
        %mul3A_574 = arith.muli %scan3A_572, %mul3A_573 : i32
        %get3A_575 = arith.index_cast %scan3A_526 : i32 to index
        %get3A_576 = arith.index_cast %mul3A_574 : i32 to index
        %get3A_577 = tpu.vector_load %arg9[%get3A_575, %get3A_576] {strides = array<i32>} : memref<16x1024xf32, #tpu.memory_space<vmem>>, vector<1x16xf32>,
        %get3A_578 = vector.shape_cast %get3A_577 : vector<1x16xf32> to vector<16xf32>
        %mul3A_579 = arith.constant 3.200000e+01 : f32
        %mul3A_580 = vector.broadcast %mul3A_579 : f32 to vector<16xf32>
        %mul3A_581 = arith.mulf %get3A_578, %mul3A_580 : vector<16xf32>
        %mul3A_582 = arith.constant 16 : i32
        %mul3A_583 = arith.muli %scan3A_572, %mul3A_582 : i32
        %swap3A_584 = arith.index_cast %scan3A_526 : i32 to index
        %swap3A_585 = arith.index_cast %mul3A_583 : i32 to index
        %swap3A_586 = tpu.vector_load %arg9[%swap3A_584, %swap3A_585] {strides = array<i32>} : memref<16x1024xf32, #tpu.memory_space<vmem>>, vector<1x16xf32>,
        %swap3A_587 = vector.shape_cast %swap3A_586 : vector<1x16xf32> to vector<16xf32>
        %swap3A_588 = vector.shape_cast %mul3A_581 : vector<16xf32> to vector<1x16xf32>
        tpu.vector_store %arg9[%swap3A_584, %swap3A_585], %swap3A_588 {strides = array<i32>} : memref<16x1024xf32, #tpu.memory_space<vmem>>, vector<1x16xf32>,
        %scan3A_589 = arith.constant 0 : i32
        %scan3A_590 = arith.constant 3 : i32
        %scan3A_591 = arith.addi %scan3A_535, %scan3A_590 : i32
        %mul3A_592 = arith.constant 16 : i32
        %mul3A_593 = arith.muli %scan3A_591, %mul3A_592 : i32
        %get3A_594 = arith.index_cast %scan3A_526 : i32 to index
        %get3A_595 = arith.index_cast %mul3A_593 : i32 to index
        %get3A_596 = tpu.vector_load %arg9[%get3A_594, %get3A_595] {strides = array<i32>} : memref<16x1024xf32, #tpu.memory_space<vmem>>, vector<1x16xf32>,
        %get3A_597 = vector.shape_cast %get3A_596 : vector<1x16xf32> to vector<16xf32>
        %mul3A_598 = arith.constant 3.200000e+01 : f32
        %mul3A_599 = vector.broadcast %mul3A_598 : f32 to vector<16xf32>
        %mul3A_600 = arith.mulf %get3A_597, %mul3A_599 : vector<16xf32>
        %mul3A_601 = arith.constant 16 : i32
        %mul3A_602 = arith.muli %scan3A_591, %mul3A_601 : i32
        %swap3A_603 = arith.index_cast %scan3A_526 : i32 to index
        %swap3A_604 = arith.index_cast %mul3A_602 : i32 to index
        %swap3A_605 = tpu.vector_load %arg9[%swap3A_603, %swap3A_604] {strides = array<i32>} : memref<16x1024xf32, #tpu.memory_space<vmem>>, vector<1x16xf32>,
        %swap3A_606 = vector.shape_cast %swap3A_605 : vector<1x16xf32> to vector<16xf32>
        %swap3A_607 = vector.shape_cast %mul3A_600 : vector<16xf32> to vector<1x16xf32>
        tpu.vector_store %arg9[%swap3A_603, %swap3A_604], %swap3A_607 {strides = array<i32>} : memref<16x1024xf32, #tpu.memory_space<vmem>>, vector<1x16xf32>,
        %scan3A_608 = arith.constant 0 : i32
        %scan3A_609 = arith.constant 4 : i32
        %scan3A_610 = arith.addi %scan3A_535, %scan3A_609 : i32
        %mul3A_611 = arith.constant 16 : i32
        %mul3A_612 = arith.muli %scan3A_610, %mul3A_611 : i32
        %get3A_613 = arith.index_cast %scan3A_526 : i32 to index
        %get3A_614 = arith.index_cast %mul3A_612 : i32 to index
        %get3A_615 = tpu.vector_load %arg9[%get3A_613, %get3A_614] {strides = array<i32>} : memref<16x1024xf32, #tpu.memory_space<vmem>>, vector<1x16xf32>,
        %get3A_616 = vector.shape_cast %get3A_615 : vector<1x16xf32> to vector<16xf32>
        %mul3A_617 = arith.constant 3.200000e+01 : f32
        %mul3A_618 = vector.broadcast %mul3A_617 : f32 to vector<16xf32>
        %mul3A_619 = arith.mulf %get3A_616, %mul3A_618 : vector<16xf32>
        %mul3A_620 = arith.constant 16 : i32
        %mul3A_621 = arith.muli %scan3A_610, %mul3A_620 : i32
        %swap3A_622 = arith.index_cast %scan3A_526 : i32 to index
        %swap3A_623 = arith.index_cast %mul3A_621 : i32 to index
        %swap3A_624 = tpu.vector_load %arg9[%swap3A_622, %swap3A_623] {strides = array<i32>} : memref<16x1024xf32, #tpu.memory_space<vmem>>, vector<1x16xf32>,
        %swap3A_625 = vector.shape_cast %swap3A_624 : vector<1x16xf32> to vector<16xf32>
        %swap3A_626 = vector.shape_cast %mul3A_619 : vector<16xf32> to vector<1x16xf32>
        tpu.vector_store %arg9[%swap3A_622, %swap3A_623], %swap3A_626 {strides = array<i32>} : memref<16x1024xf32, #tpu.memory_space<vmem>>, vector<1x16xf32>,
        %scan3A_627 = arith.constant 0 : i32
        %scan3A_628 = arith.constant 5 : i32
        %scan3A_629 = arith.addi %scan3A_535, %scan3A_628 : i32
        %mul3A_630 = arith.constant 16 : i32
        %mul3A_631 = arith.muli %scan3A_629, %mul3A_630 : i32
        %get3A_632 = arith.index_cast %scan3A_526 : i32 to index
        %get3A_633 = arith.index_cast %mul3A_631 : i32 to index
        %get3A_634 = tpu.vector_load %arg9[%get3A_632, %get3A_633] {strides = array<i32>} : memref<16x1024xf32, #tpu.memory_space<vmem>>, vector<1x16xf32>,
        %get3A_635 = vector.shape_cast %get3A_634 : vector<1x16xf32> to vector<16xf32>
        %mul3A_636 = arith.constant 3.200000e+01 : f32
        %mul3A_637 = vector.broadcast %mul3A_636 : f32 to vector<16xf32>
        %mul3A_638 = arith.mulf %get3A_635, %mul3A_637 : vector<16xf32>
        %mul3A_639 = arith.constant 16 : i32
        %mul3A_640 = arith.muli %scan3A_629, %mul3A_639 : i32
        %swap3A_641 = arith.index_cast %scan3A_526 : i32 to index
        %swap3A_642 = arith.index_cast %mul3A_640 : i32 to index
        %swap3A_643 = tpu.vector_load %arg9[%swap3A_641, %swap3A_642] {strides = array<i32>} : memref<16x1024xf32, #tpu.memory_space<vmem>>, vector<1x16xf32>,
        %swap3A_644 = vector.shape_cast %swap3A_643 : vector<1x16xf32> to vector<16xf32>
        %swap3A_645 = vector.shape_cast %mul3A_638 : vector<16xf32> to vector<1x16xf32>
        tpu.vector_store %arg9[%swap3A_641, %swap3A_642], %swap3A_645 {strides = array<i32>} : memref<16x1024xf32, #tpu.memory_space<vmem>>, vector<1x16xf32>,
        %scan3A_646 = arith.constant 0 : i32
        %scan3A_647 = arith.constant 6 : i32
        %scan3A_648 = arith.addi %scan3A_535, %scan3A_647 : i32
        %mul3A_649 = arith.constant 16 : i32
        %mul3A_650 = arith.muli %scan3A_648, %mul3A_649 : i32
        %get3A_651 = arith.index_cast %scan3A_526 : i32 to index
        %get3A_652 = arith.index_cast %mul3A_650 : i32 to index
        %get3A_653 = tpu.vector_load %arg9[%get3A_651, %get3A_652] {strides = array<i32>} : memref<16x1024xf32, #tpu.memory_space<vmem>>, vector<1x16xf32>,
        %get3A_654 = vector.shape_cast %get3A_653 : vector<1x16xf32> to vector<16xf32>
        %mul3A_655 = arith.constant 3.200000e+01 : f32
        %mul3A_656 = vector.broadcast %mul3A_655 : f32 to vector<16xf32>
        %mul3A_657 = arith.mulf %get3A_654, %mul3A_656 : vector<16xf32>
        %mul3A_658 = arith.constant 16 : i32
        %mul3A_659 = arith.muli %scan3A_648, %mul3A_658 : i32
        %swap3A_660 = arith.index_cast %scan3A_526 : i32 to index
        %swap3A_661 = arith.index_cast %mul3A_659 : i32 to index
        %swap3A_662 = tpu.vector_load %arg9[%swap3A_660, %swap3A_661] {strides = array<i32>} : memref<16x1024xf32, #tpu.memory_space<vmem>>, vector<1x16xf32>,
        %swap3A_663 = vector.shape_cast %swap3A_662 : vector<1x16xf32> to vector<16xf32>
        %swap3A_664 = vector.shape_cast %mul3A_657 : vector<16xf32> to vector<1x16xf32>
        tpu.vector_store %arg9[%swap3A_660, %swap3A_661], %swap3A_664 {strides = array<i32>} : memref<16x1024xf32, #tpu.memory_space<vmem>>, vector<1x16xf32>,
        %scan3A_665 = arith.constant 0 : i32
        %scan3A_666 = arith.constant 7 : i32
        %scan3A_667 = arith.addi %scan3A_535, %scan3A_666 : i32
        %mul3A_668 = arith.constant 16 : i32
        %mul3A_669 = arith.muli %scan3A_667, %mul3A_668 : i32
        %get3A_670 = arith.index_cast %scan3A_526 : i32 to index
        %get3A_671 = arith.index_cast %mul3A_669 : i32 to index
        %get3A_672 = tpu.vector_load %arg9[%get3A_670, %get3A_671] {strides = array<i32>} : memref<16x1024xf32, #tpu.memory_space<vmem>>, vector<1x16xf32>,
        %get3A_673 = vector.shape_cast %get3A_672 : vector<1x16xf32> to vector<16xf32>
        %mul3A_674 = arith.constant 3.200000e+01 : f32
        %mul3A_675 = vector.broadcast %mul3A_674 : f32 to vector<16xf32>
        %mul3A_676 = arith.mulf %get3A_673, %mul3A_675 : vector<16xf32>
        %mul3A_677 = arith.constant 16 : i32
        %mul3A_678 = arith.muli %scan3A_667, %mul3A_677 : i32
        %swap3A_679 = arith.index_cast %scan3A_526 : i32 to index
        %swap3A_680 = arith.index_cast %mul3A_678 : i32 to index
        %swap3A_681 = tpu.vector_load %arg9[%swap3A_679, %swap3A_680] {strides = array<i32>} : memref<16x1024xf32, #tpu.memory_space<vmem>>, vector<1x16xf32>,
        %swap3A_682 = vector.shape_cast %swap3A_681 : vector<1x16xf32> to vector<16xf32>
        %swap3A_683 = vector.shape_cast %mul3A_676 : vector<16xf32> to vector<1x16xf32>
        tpu.vector_store %arg9[%swap3A_679, %swap3A_680], %swap3A_683 {strides = array<i32>} : memref<16x1024xf32, #tpu.memory_space<vmem>>, vector<1x16xf32>,
        %scan3A_684 = arith.constant 0 : i32
        scf.yield %scan3A_684 : i32
      }
      %scan3A_534 = arith.constant 64 : i32
      scf.yield %scan3A_533 : i32
    }
    %scan3A_164 = arith.constant 16 : i32
    %add3A_165 = arith.constant 48 : i32
    %add3A_166 = arith.addi %mul3A_32, %add3A_165 : i32
    %dma_start3A_167 = arith.constant 0 : i32
    %dma_start3A_168 = tpu.memref_slice %arg4[%select_n3A, %add3A_166, %dma_start3A_167] : memref<4x2048x1024xf32, #tpu.memory_space<hbm>> -> memref<1x16x1024xf32, #tpu.memory_space<hbm>>
    %dma_start3A_169 = tpu.memref_squeeze %dma_start3A_168 : memref<1x16x1024xf32, #tpu.memory_space<hbm>> -> memref<16x1024xf32, #tpu.memory_space<hbm>>
    %dma_start3A_170 = arith.constant 0 : i32
    %dma_start3A_171 = tpu.memref_slice %arg4[%select_n3A, %add3A_166, %dma_start3A_170] : memref<4x2048x1024xf32, #tpu.memory_space<hbm>> -> memref<1x16x1024xf32, #tpu.memory_space<hbm>>
    %dma_start3A_172 = tpu.memref_squeeze %dma_start3A_171 : memref<1x16x1024xf32, #tpu.memory_space<hbm>> -> memref<16x1024xf32, #tpu.memory_space<hbm>>
    tpu.enqueue_dma source(%arg9 : memref<16x1024xf32, #tpu.memory_space<vmem>>) target(%dma_start3A_172 : memref<16x1024xf32, #tpu.memory_space<hbm>>) target_semaphore(%arg21 : memref<!tpu.dma_semaphore, #tpu.memory_space<semaphore_mem>>)
    %dma_wait3A_173 = arith.constant 0 : i32
    %dma_wait3A_174 = tpu.memref_slice %arg4[%select_n3A, %add3A_166, %dma_wait3A_173] : memref<4x2048x1024xf32, #tpu.memory_space<hbm>> -> memref<1x16x1024xf32, #tpu.memory_space<hbm>>
    %dma_wait3A_175 = tpu.memref_squeeze %dma_wait3A_174 : memref<1x16x1024xf32, #tpu.memory_space<hbm>> -> memref<16x1024xf32, #tpu.memory_space<hbm>>
    %dma_wait3A_176 = arith.constant 0 : i32
    %dma_wait3A_177 = tpu.memref_slice %arg4[%select_n3A, %add3A_166, %dma_wait3A_176] : memref<4x2048x1024xf32, #tpu.memory_space<hbm>> -> memref<1x16x1024xf32, #tpu.memory_space<hbm>>
    %dma_wait3A_178 = tpu.memref_squeeze %dma_wait3A_177 : memref<1x16x1024xf32, #tpu.memory_space<hbm>> -> memref<16x1024xf32, #tpu.memory_space<hbm>>
    tpu.wait_dma2 semaphore(%arg21 : memref<!tpu.dma_semaphore, #tpu.memory_space<semaphore_mem>>) src(%arg9 : memref<16x1024xf32, #tpu.memory_space<vmem>>) dst(%dma_wait3A_178 : memref<16x1024xf32, #tpu.memory_space<hbm>>)
    %dma_start3A_179 = arith.constant 144 : i32
    %dma_start3A_180 = tpu.memref_slice %arg5[%dma_start3A_179] : memref<256xi32, #tpu.memory_space<vmem>> -> memref<16xi32, #tpu.memory_space<vmem>>
    %dma_start3A_181 = arith.constant 0 : i32
    %dma_start3A_182 = arith.constant 0 : i32
    %dma_start3A_183 = tpu.memref_slice %arg3[%dma_start3A_181, %dma_start3A_182] : memref<100000x1024xf32, #tpu.memory_space<hbm>> -> memref<100000x1024xf32, #tpu.memory_space<hbm>>
    tpu.enqueue_indirect_dma source(%dma_start3A_183 : memref<100000x1024xf32, #tpu.memory_space<hbm>>) target(%arg9 : memref<16x1024xf32, #tpu.memory_space<vmem>>) offsets(%dma_start3A_180 : memref<16xi32, #tpu.memory_space<vmem>>) semaphore(%arg15 : memref<!tpu.dma_semaphore, #tpu.memory_space<semaphore_mem>>)
    %dma_wait3A_184 = arith.constant 64 : i32
    %dma_wait3A_185 = tpu.memref_slice %arg5[%dma_wait3A_184] : memref<256xi32, #tpu.memory_space<vmem>> -> memref<16xi32, #tpu.memory_space<vmem>>
    %dma_wait3A_186 = arith.constant 0 : i32
    %dma_wait3A_187 = arith.constant 0 : i32
    %dma_wait3A_188 = tpu.memref_slice %arg3[%dma_wait3A_186, %dma_wait3A_187] : memref<100000x1024xf32, #tpu.memory_space<hbm>> -> memref<100000x1024xf32, #tpu.memory_space<hbm>>
    tpu.wait_indirect_dma semaphore(%arg16 : memref<!tpu.dma_semaphore, #tpu.memory_space<semaphore_mem>>) src(%dma_wait3A_188 : memref<100000x1024xf32, #tpu.memory_space<hbm>>) dst(%arg10 : memref<16x1024xf32, #tpu.memory_space<vmem>>)
    %scan3A_189 = arith.constant 0 : i32
    %scan3A_190 = arith.constant 0 : i32
    %scan3A_191 = arith.constant 16 : i32
    %scan3A_192 = arith.addi %scan3A_190, %scan3A_191 : i32
    %scan3A_193 = arith.constant 1 : i32
    %scan3A_194 = scf.for %scan3A_526 = %scan3A_190 to %scan3A_192 step %scan3A_193 iter_args(%scan3A_527 = %scan3A_189) -> (i32)  : i32 {
      %scan3A_528 = arith.constant 0 : i32
      %scan3A_529 = arith.constant 0 : i32
      %scan3A_530 = arith.constant 64 : i32
      %scan3A_531 = arith.addi %scan3A_529, %scan3A_530 : i32
      %scan3A_532 = arith.constant 8 : i32
      %scan3A_533 = scf.for %scan3A_535 = %scan3A_529 to %scan3A_531 step %scan3A_532 iter_args(%scan3A_536 = %scan3A_528) -> (i32)  : i32 {
        %mul3A_537 = arith.constant 16 : i32
        %mul3A_538 = arith.muli %scan3A_535, %mul3A_537 : i32
        %get3A = arith.index_cast %scan3A_526 : i32 to index
        %get3A_539 = arith.index_cast %mul3A_538 : i32 to index
        %get3A_540 = tpu.vector_load %arg10[%get3A, %get3A_539] {strides = array<i32>} : memref<16x1024xf32, #tpu.memory_space<vmem>>, vector<1x16xf32>,
        %get3A_541 = vector.shape_cast %get3A_540 : vector<1x16xf32> to vector<16xf32>
        %mul3A_542 = arith.constant 3.200000e+01 : f32
        %mul3A_543 = vector.broadcast %mul3A_542 : f32 to vector<16xf32>
        %mul3A_544 = arith.mulf %get3A_541, %mul3A_543 : vector<16xf32>
        %mul3A_545 = arith.constant 16 : i32
        %mul3A_546 = arith.muli %scan3A_535, %mul3A_545 : i32
        %swap3A = arith.index_cast %scan3A_526 : i32 to index
        %swap3A_547 = arith.index_cast %mul3A_546 : i32 to index
        %swap3A_548 = tpu.vector_load %arg10[%swap3A, %swap3A_547] {strides = array<i32>} : memref<16x1024xf32, #tpu.memory_space<vmem>>, vector<1x16xf32>,
        %swap3A_549 = vector.shape_cast %swap3A_548 : vector<1x16xf32> to vector<16xf32>
        %swap3A_550 = vector.shape_cast %mul3A_544 : vector<16xf32> to vector<1x16xf32>
        tpu.vector_store %arg10[%swap3A, %swap3A_547], %swap3A_550 {strides = array<i32>} : memref<16x1024xf32, #tpu.memory_space<vmem>>, vector<1x16xf32>,
        %scan3A_551 = arith.constant 0 : i32
        %scan3A_552 = arith.constant 1 : i32
        %scan3A_553 = arith.addi %scan3A_535, %scan3A_552 : i32
        %mul3A_554 = arith.constant 16 : i32
        %mul3A_555 = arith.muli %scan3A_553, %mul3A_554 : i32
        %get3A_556 = arith.index_cast %scan3A_526 : i32 to index
        %get3A_557 = arith.index_cast %mul3A_555 : i32 to index
        %get3A_558 = tpu.vector_load %arg10[%get3A_556, %get3A_557] {strides = array<i32>} : memref<16x1024xf32, #tpu.memory_space<vmem>>, vector<1x16xf32>,
        %get3A_559 = vector.shape_cast %get3A_558 : vector<1x16xf32> to vector<16xf32>
        %mul3A_560 = arith.constant 3.200000e+01 : f32
        %mul3A_561 = vector.broadcast %mul3A_560 : f32 to vector<16xf32>
        %mul3A_562 = arith.mulf %get3A_559, %mul3A_561 : vector<16xf32>
        %mul3A_563 = arith.constant 16 : i32
        %mul3A_564 = arith.muli %scan3A_553, %mul3A_563 : i32
        %swap3A_565 = arith.index_cast %scan3A_526 : i32 to index
        %swap3A_566 = arith.index_cast %mul3A_564 : i32 to index
        %swap3A_567 = tpu.vector_load %arg10[%swap3A_565, %swap3A_566] {strides = array<i32>} : memref<16x1024xf32, #tpu.memory_space<vmem>>, vector<1x16xf32>,
        %swap3A_568 = vector.shape_cast %swap3A_567 : vector<1x16xf32> to vector<16xf32>
        %swap3A_569 = vector.shape_cast %mul3A_562 : vector<16xf32> to vector<1x16xf32>
        tpu.vector_store %arg10[%swap3A_565, %swap3A_566], %swap3A_569 {strides = array<i32>} : memref<16x1024xf32, #tpu.memory_space<vmem>>, vector<1x16xf32>,
        %scan3A_570 = arith.constant 0 : i32
        %scan3A_571 = arith.constant 2 : i32
        %scan3A_572 = arith.addi %scan3A_535, %scan3A_571 : i32
        %mul3A_573 = arith.constant 16 : i32
        %mul3A_574 = arith.muli %scan3A_572, %mul3A_573 : i32
        %get3A_575 = arith.index_cast %scan3A_526 : i32 to index
        %get3A_576 = arith.index_cast %mul3A_574 : i32 to index
        %get3A_577 = tpu.vector_load %arg10[%get3A_575, %get3A_576] {strides = array<i32>} : memref<16x1024xf32, #tpu.memory_space<vmem>>, vector<1x16xf32>,
        %get3A_578 = vector.shape_cast %get3A_577 : vector<1x16xf32> to vector<16xf32>
        %mul3A_579 = arith.constant 3.200000e+01 : f32
        %mul3A_580 = vector.broadcast %mul3A_579 : f32 to vector<16xf32>
        %mul3A_581 = arith.mulf %get3A_578, %mul3A_580 : vector<16xf32>
        %mul3A_582 = arith.constant 16 : i32
        %mul3A_583 = arith.muli %scan3A_572, %mul3A_582 : i32
        %swap3A_584 = arith.index_cast %scan3A_526 : i32 to index
        %swap3A_585 = arith.index_cast %mul3A_583 : i32 to index
        %swap3A_586 = tpu.vector_load %arg10[%swap3A_584, %swap3A_585] {strides = array<i32>} : memref<16x1024xf32, #tpu.memory_space<vmem>>, vector<1x16xf32>,
        %swap3A_587 = vector.shape_cast %swap3A_586 : vector<1x16xf32> to vector<16xf32>
        %swap3A_588 = vector.shape_cast %mul3A_581 : vector<16xf32> to vector<1x16xf32>
        tpu.vector_store %arg10[%swap3A_584, %swap3A_585], %swap3A_588 {strides = array<i32>} : memref<16x1024xf32, #tpu.memory_space<vmem>>, vector<1x16xf32>,
        %scan3A_589 = arith.constant 0 : i32
        %scan3A_590 = arith.constant 3 : i32
        %scan3A_591 = arith.addi %scan3A_535, %scan3A_590 : i32
        %mul3A_592 = arith.constant 16 : i32
        %mul3A_593 = arith.muli %scan3A_591, %mul3A_592 : i32
        %get3A_594 = arith.index_cast %scan3A_526 : i32 to index
        %get3A_595 = arith.index_cast %mul3A_593 : i32 to index
        %get3A_596 = tpu.vector_load %arg10[%get3A_594, %get3A_595] {strides = array<i32>} : memref<16x1024xf32, #tpu.memory_space<vmem>>, vector<1x16xf32>,
        %get3A_597 = vector.shape_cast %get3A_596 : vector<1x16xf32> to vector<16xf32>
        %mul3A_598 = arith.constant 3.200000e+01 : f32
        %mul3A_599 = vector.broadcast %mul3A_598 : f32 to vector<16xf32>
        %mul3A_600 = arith.mulf %get3A_597, %mul3A_599 : vector<16xf32>
        %mul3A_601 = arith.constant 16 : i32
        %mul3A_602 = arith.muli %scan3A_591, %mul3A_601 : i32
        %swap3A_603 = arith.index_cast %scan3A_526 : i32 to index
        %swap3A_604 = arith.index_cast %mul3A_602 : i32 to index
        %swap3A_605 = tpu.vector_load %arg10[%swap3A_603, %swap3A_604] {strides = array<i32>} : memref<16x1024xf32, #tpu.memory_space<vmem>>, vector<1x16xf32>,
        %swap3A_606 = vector.shape_cast %swap3A_605 : vector<1x16xf32> to vector<16xf32>
        %swap3A_607 = vector.shape_cast %mul3A_600 : vector<16xf32> to vector<1x16xf32>
        tpu.vector_store %arg10[%swap3A_603, %swap3A_604], %swap3A_607 {strides = array<i32>} : memref<16x1024xf32, #tpu.memory_space<vmem>>, vector<1x16xf32>,
        %scan3A_608 = arith.constant 0 : i32
        %scan3A_609 = arith.constant 4 : i32
        %scan3A_610 = arith.addi %scan3A_535, %scan3A_609 : i32
        %mul3A_611 = arith.constant 16 : i32
        %mul3A_612 = arith.muli %scan3A_610, %mul3A_611 : i32
        %get3A_613 = arith.index_cast %scan3A_526 : i32 to index
        %get3A_614 = arith.index_cast %mul3A_612 : i32 to index
        %get3A_615 = tpu.vector_load %arg10[%get3A_613, %get3A_614] {strides = array<i32>} : memref<16x1024xf32, #tpu.memory_space<vmem>>, vector<1x16xf32>,
        %get3A_616 = vector.shape_cast %get3A_615 : vector<1x16xf32> to vector<16xf32>
        %mul3A_617 = arith.constant 3.200000e+01 : f32
        %mul3A_618 = vector.broadcast %mul3A_617 : f32 to vector<16xf32>
        %mul3A_619 = arith.mulf %get3A_616, %mul3A_618 : vector<16xf32>
        %mul3A_620 = arith.constant 16 : i32
        %mul3A_621 = arith.muli %scan3A_610, %mul3A_620 : i32
        %swap3A_622 = arith.index_cast %scan3A_526 : i32 to index
        %swap3A_623 = arith.index_cast %mul3A_621 : i32 to index
        %swap3A_624 = tpu.vector_load %arg10[%swap3A_622, %swap3A_623] {strides = array<i32>} : memref<16x1024xf32, #tpu.memory_space<vmem>>, vector<1x16xf32>,
        %swap3A_625 = vector.shape_cast %swap3A_624 : vector<1x16xf32> to vector<16xf32>
        %swap3A_626 = vector.shape_cast %mul3A_619 : vector<16xf32> to vector<1x16xf32>
        tpu.vector_store %arg10[%swap3A_622, %swap3A_623], %swap3A_626 {strides = array<i32>} : memref<16x1024xf32, #tpu.memory_space<vmem>>, vector<1x16xf32>,
        %scan3A_627 = arith.constant 0 : i32
        %scan3A_628 = arith.constant 5 : i32
        %scan3A_629 = arith.addi %scan3A_535, %scan3A_628 : i32
        %mul3A_630 = arith.constant 16 : i32
        %mul3A_631 = arith.muli %scan3A_629, %mul3A_630 : i32
        %get3A_632 = arith.index_cast %scan3A_526 : i32 to index
        %get3A_633 = arith.index_cast %mul3A_631 : i32 to index
        %get3A_634 = tpu.vector_load %arg10[%get3A_632, %get3A_633] {strides = array<i32>} : memref<16x1024xf32, #tpu.memory_space<vmem>>, vector<1x16xf32>,
        %get3A_635 = vector.shape_cast %get3A_634 : vector<1x16xf32> to vector<16xf32>
        %mul3A_636 = arith.constant 3.200000e+01 : f32
        %mul3A_637 = vector.broadcast %mul3A_636 : f32 to vector<16xf32>
        %mul3A_638 = arith.mulf %get3A_635, %mul3A_637 : vector<16xf32>
        %mul3A_639 = arith.constant 16 : i32
        %mul3A_640 = arith.muli %scan3A_629, %mul3A_639 : i32
        %swap3A_641 = arith.index_cast %scan3A_526 : i32 to index
        %swap3A_642 = arith.index_cast %mul3A_640 : i32 to index
        %swap3A_643 = tpu.vector_load %arg10[%swap3A_641, %swap3A_642] {strides = array<i32>} : memref<16x1024xf32, #tpu.memory_space<vmem>>, vector<1x16xf32>,
        %swap3A_644 = vector.shape_cast %swap3A_643 : vector<1x16xf32> to vector<16xf32>
        %swap3A_645 = vector.shape_cast %mul3A_638 : vector<16xf32> to vector<1x16xf32>
        tpu.vector_store %arg10[%swap3A_641, %swap3A_642], %swap3A_645 {strides = array<i32>} : memref<16x1024xf32, #tpu.memory_space<vmem>>, vector<1x16xf32>,
        %scan3A_646 = arith.constant 0 : i32
        %scan3A_647 = arith.constant 6 : i32
        %scan3A_648 = arith.addi %scan3A_535, %scan3A_647 : i32
        %mul3A_649 = arith.constant 16 : i32
        %mul3A_650 = arith.muli %scan3A_648, %mul3A_649 : i32
        %get3A_651 = arith.index_cast %scan3A_526 : i32 to index
        %get3A_652 = arith.index_cast %mul3A_650 : i32 to index
        %get3A_653 = tpu.vector_load %arg10[%get3A_651, %get3A_652] {strides = array<i32>} : memref<16x1024xf32, #tpu.memory_space<vmem>>, vector<1x16xf32>,
        %get3A_654 = vector.shape_cast %get3A_653 : vector<1x16xf32> to vector<16xf32>
        %mul3A_655 = arith.constant 3.200000e+01 : f32
        %mul3A_656 = vector.broadcast %mul3A_655 : f32 to vector<16xf32>
        %mul3A_657 = arith.mulf %get3A_654, %mul3A_656 : vector<16xf32>
        %mul3A_658 = arith.constant 16 : i32
        %mul3A_659 = arith.muli %scan3A_648, %mul3A_658 : i32
        %swap3A_660 = arith.index_cast %scan3A_526 : i32 to index
        %swap3A_661 = arith.index_cast %mul3A_659 : i32 to index
        %swap3A_662 = tpu.vector_load %arg10[%swap3A_660, %swap3A_661] {strides = array<i32>} : memref<16x1024xf32, #tpu.memory_space<vmem>>, vector<1x16xf32>,
        %swap3A_663 = vector.shape_cast %swap3A_662 : vector<1x16xf32> to vector<16xf32>
        %swap3A_664 = vector.shape_cast %mul3A_657 : vector<16xf32> to vector<1x16xf32>
        tpu.vector_store %arg10[%swap3A_660, %swap3A_661], %swap3A_664 {strides = array<i32>} : memref<16x1024xf32, #tpu.memory_space<vmem>>, vector<1x16xf32>,
        %scan3A_665 = arith.constant 0 : i32
        %scan3A_666 = arith.constant 7 : i32
        %scan3A_667 = arith.addi %scan3A_535, %scan3A_666 : i32
        %mul3A_668 = arith.constant 16 : i32
        %mul3A_669 = arith.muli %scan3A_667, %mul3A_668 : i32
        %get3A_670 = arith.index_cast %scan3A_526 : i32 to index
        %get3A_671 = arith.index_cast %mul3A_669 : i32 to index
        %get3A_672 = tpu.vector_load %arg10[%get3A_670, %get3A_671] {strides = array<i32>} : memref<16x1024xf32, #tpu.memory_space<vmem>>, vector<1x16xf32>,
        %get3A_673 = vector.shape_cast %get3A_672 : vector<1x16xf32> to vector<16xf32>
        %mul3A_674 = arith.constant 3.200000e+01 : f32
        %mul3A_675 = vector.broadcast %mul3A_674 : f32 to vector<16xf32>
        %mul3A_676 = arith.mulf %get3A_673, %mul3A_675 : vector<16xf32>
        %mul3A_677 = arith.constant 16 : i32
        %mul3A_678 = arith.muli %scan3A_667, %mul3A_677 : i32
        %swap3A_679 = arith.index_cast %scan3A_526 : i32 to index
        %swap3A_680 = arith.index_cast %mul3A_678 : i32 to index
        %swap3A_681 = tpu.vector_load %arg10[%swap3A_679, %swap3A_680] {strides = array<i32>} : memref<16x1024xf32, #tpu.memory_space<vmem>>, vector<1x16xf32>,
        %swap3A_682 = vector.shape_cast %swap3A_681 : vector<1x16xf32> to vector<16xf32>
        %swap3A_683 = vector.shape_cast %mul3A_676 : vector<16xf32> to vector<1x16xf32>
        tpu.vector_store %arg10[%swap3A_679, %swap3A_680], %swap3A_683 {strides = array<i32>} : memref<16x1024xf32, #tpu.memory_space<vmem>>, vector<1x16xf32>,
        %scan3A_684 = arith.constant 0 : i32
        scf.yield %scan3A_684 : i32
      }
      %scan3A_534 = arith.constant 64 : i32
      scf.yield %scan3A_533 : i32
    }
    %scan3A_195 = arith.constant 16 : i32
    %add3A_196 = arith.constant 64 : i32
    %add3A_197 = arith.addi %mul3A_32, %add3A_196 : i32
    %dma_start3A_198 = arith.constant 0 : i32
    %dma_start3A_199 = tpu.memref_slice %arg4[%select_n3A, %add3A_197, %dma_start3A_198] : memref<4x2048x1024xf32, #tpu.memory_space<hbm>> -> memref<1x16x1024xf32, #tpu.memory_space<hbm>>
    %dma_start3A_200 = tpu.memref_squeeze %dma_start3A_199 : memref<1x16x1024xf32, #tpu.memory_space<hbm>> -> memref<16x1024xf32, #tpu.memory_space<hbm>>
    %dma_start3A_201 = arith.constant 0 : i32
    %dma_start3A_202 = tpu.memref_slice %arg4[%select_n3A, %add3A_197, %dma_start3A_201] : memref<4x2048x1024xf32, #tpu.memory_space<hbm>> -> memref<1x16x1024xf32, #tpu.memory_space<hbm>>
    %dma_start3A_203 = tpu.memref_squeeze %dma_start3A_202 : memref<1x16x1024xf32, #tpu.memory_space<hbm>> -> memref<16x1024xf32, #tpu.memory_space<hbm>>
    tpu.enqueue_dma source(%arg10 : memref<16x1024xf32, #tpu.memory_space<vmem>>) target(%dma_start3A_203 : memref<16x1024xf32, #tpu.memory_space<hbm>>) target_semaphore(%arg22 : memref<!tpu.dma_semaphore, #tpu.memory_space<semaphore_mem>>)
    %dma_wait3A_204 = arith.constant 0 : i32
    %dma_wait3A_205 = tpu.memref_slice %arg4[%select_n3A, %add3A_197, %dma_wait3A_204] : memref<4x2048x1024xf32, #tpu.memory_space<hbm>> -> memref<1x16x1024xf32, #tpu.memory_space<hbm>>
    %dma_wait3A_206 = tpu.memref_squeeze %dma_wait3A_205 : memref<1x16x1024xf32, #tpu.memory_space<hbm>> -> memref<16x1024xf32, #tpu.memory_space<hbm>>
    %dma_wait3A_207 = arith.constant 0 : i32
    %dma_wait3A_208 = tpu.memref_slice %arg4[%select_n3A, %add3A_197, %dma_wait3A_207] : memref<4x2048x1024xf32, #tpu.memory_space<hbm>> -> memref<1x16x1024xf32, #tpu.memory_space<hbm>>
    %dma_wait3A_209 = tpu.memref_squeeze %dma_wait3A_208 : memref<1x16x1024xf32, #tpu.memory_space<hbm>> -> memref<16x1024xf32, #tpu.memory_space<hbm>>
    tpu.wait_dma2 semaphore(%arg22 : memref<!tpu.dma_semaphore, #tpu.memory_space<semaphore_mem>>) src(%arg10 : memref<16x1024xf32, #tpu.memory_space<vmem>>) dst(%dma_wait3A_209 : memref<16x1024xf32, #tpu.memory_space<hbm>>)
    %dma_start3A_210 = arith.constant 160 : i32
    %dma_start3A_211 = tpu.memref_slice %arg5[%dma_start3A_210] : memref<256xi32, #tpu.memory_space<vmem>> -> memref<16xi32, #tpu.memory_space<vmem>>
    %dma_start3A_212 = arith.constant 0 : i32
    %dma_start3A_213 = arith.constant 0 : i32
    %dma_start3A_214 = tpu.memref_slice %arg3[%dma_start3A_212, %dma_start3A_213] : memref<100000x1024xf32, #tpu.memory_space<hbm>> -> memref<100000x1024xf32, #tpu.memory_space<hbm>>
    tpu.enqueue_indirect_dma source(%dma_start3A_214 : memref<100000x1024xf32, #tpu.memory_space<hbm>>) target(%arg10 : memref<16x1024xf32, #tpu.memory_space<vmem>>) offsets(%dma_start3A_211 : memref<16xi32, #tpu.memory_space<vmem>>) semaphore(%arg16 : memref<!tpu.dma_semaphore, #tpu.memory_space<semaphore_mem>>)
    %dma_wait3A_215 = arith.constant 80 : i32
    %dma_wait3A_216 = tpu.memref_slice %arg5[%dma_wait3A_215] : memref<256xi32, #tpu.memory_space<vmem>> -> memref<16xi32, #tpu.memory_space<vmem>>
    %dma_wait3A_217 = arith.constant 0 : i32
    %dma_wait3A_218 = arith.constant 0 : i32
    %dma_wait3A_219 = tpu.memref_slice %arg3[%dma_wait3A_217, %dma_wait3A_218] : memref<100000x1024xf32, #tpu.memory_space<hbm>> -> memref<100000x1024xf32, #tpu.memory_space<hbm>>
    tpu.wait_indirect_dma semaphore(%arg17 : memref<!tpu.dma_semaphore, #tpu.memory_space<semaphore_mem>>) src(%dma_wait3A_219 : memref<100000x1024xf32, #tpu.memory_space<hbm>>) dst(%arg11 : memref<16x1024xf32, #tpu.memory_space<vmem>>)
    %scan3A_220 = arith.constant 0 : i32
    %scan3A_221 = arith.constant 0 : i32
    %scan3A_222 = arith.constant 16 : i32
    %scan3A_223 = arith.addi %scan3A_221, %scan3A_222 : i32
    %scan3A_224 = arith.constant 1 : i32
    %scan3A_225 = scf.for %scan3A_526 = %scan3A_221 to %scan3A_223 step %scan3A_224 iter_args(%scan3A_527 = %scan3A_220) -> (i32)  : i32 {
      %scan3A_528 = arith.constant 0 : i32
      %scan3A_529 = arith.constant 0 : i32
      %scan3A_530 = arith.constant 64 : i32
      %scan3A_531 = arith.addi %scan3A_529, %scan3A_530 : i32
      %scan3A_532 = arith.constant 8 : i32
      %scan3A_533 = scf.for %scan3A_535 = %scan3A_529 to %scan3A_531 step %scan3A_532 iter_args(%scan3A_536 = %scan3A_528) -> (i32)  : i32 {
        %mul3A_537 = arith.constant 16 : i32
        %mul3A_538 = arith.muli %scan3A_535, %mul3A_537 : i32
        %get3A = arith.index_cast %scan3A_526 : i32 to index
        %get3A_539 = arith.index_cast %mul3A_538 : i32 to index
        %get3A_540 = tpu.vector_load %arg11[%get3A, %get3A_539] {strides = array<i32>} : memref<16x1024xf32, #tpu.memory_space<vmem>>, vector<1x16xf32>,
        %get3A_541 = vector.shape_cast %get3A_540 : vector<1x16xf32> to vector<16xf32>
        %mul3A_542 = arith.constant 3.200000e+01 : f32
        %mul3A_543 = vector.broadcast %mul3A_542 : f32 to vector<16xf32>
        %mul3A_544 = arith.mulf %get3A_541, %mul3A_543 : vector<16xf32>
        %mul3A_545 = arith.constant 16 : i32
        %mul3A_546 = arith.muli %scan3A_535, %mul3A_545 : i32
        %swap3A = arith.index_cast %scan3A_526 : i32 to index
        %swap3A_547 = arith.index_cast %mul3A_546 : i32 to index
        %swap3A_548 = tpu.vector_load %arg11[%swap3A, %swap3A_547] {strides = array<i32>} : memref<16x1024xf32, #tpu.memory_space<vmem>>, vector<1x16xf32>,
        %swap3A_549 = vector.shape_cast %swap3A_548 : vector<1x16xf32> to vector<16xf32>
        %swap3A_550 = vector.shape_cast %mul3A_544 : vector<16xf32> to vector<1x16xf32>
        tpu.vector_store %arg11[%swap3A, %swap3A_547], %swap3A_550 {strides = array<i32>} : memref<16x1024xf32, #tpu.memory_space<vmem>>, vector<1x16xf32>,
        %scan3A_551 = arith.constant 0 : i32
        %scan3A_552 = arith.constant 1 : i32
        %scan3A_553 = arith.addi %scan3A_535, %scan3A_552 : i32
        %mul3A_554 = arith.constant 16 : i32
        %mul3A_555 = arith.muli %scan3A_553, %mul3A_554 : i32
        %get3A_556 = arith.index_cast %scan3A_526 : i32 to index
        %get3A_557 = arith.index_cast %mul3A_555 : i32 to index
        %get3A_558 = tpu.vector_load %arg11[%get3A_556, %get3A_557] {strides = array<i32>} : memref<16x1024xf32, #tpu.memory_space<vmem>>, vector<1x16xf32>,
        %get3A_559 = vector.shape_cast %get3A_558 : vector<1x16xf32> to vector<16xf32>
        %mul3A_560 = arith.constant 3.200000e+01 : f32
        %mul3A_561 = vector.broadcast %mul3A_560 : f32 to vector<16xf32>
        %mul3A_562 = arith.mulf %get3A_559, %mul3A_561 : vector<16xf32>
        %mul3A_563 = arith.constant 16 : i32
        %mul3A_564 = arith.muli %scan3A_553, %mul3A_563 : i32
        %swap3A_565 = arith.index_cast %scan3A_526 : i32 to index
        %swap3A_566 = arith.index_cast %mul3A_564 : i32 to index
        %swap3A_567 = tpu.vector_load %arg11[%swap3A_565, %swap3A_566] {strides = array<i32>} : memref<16x1024xf32, #tpu.memory_space<vmem>>, vector<1x16xf32>,
        %swap3A_568 = vector.shape_cast %swap3A_567 : vector<1x16xf32> to vector<16xf32>
        %swap3A_569 = vector.shape_cast %mul3A_562 : vector<16xf32> to vector<1x16xf32>
        tpu.vector_store %arg11[%swap3A_565, %swap3A_566], %swap3A_569 {strides = array<i32>} : memref<16x1024xf32, #tpu.memory_space<vmem>>, vector<1x16xf32>,
        %scan3A_570 = arith.constant 0 : i32
        %scan3A_571 = arith.constant 2 : i32
        %scan3A_572 = arith.addi %scan3A_535, %scan3A_571 : i32
        %mul3A_573 = arith.constant 16 : i32
        %mul3A_574 = arith.muli %scan3A_572, %mul3A_573 : i32
        %get3A_575 = arith.index_cast %scan3A_526 : i32 to index
        %get3A_576 = arith.index_cast %mul3A_574 : i32 to index
        %get3A_577 = tpu.vector_load %arg11[%get3A_575, %get3A_576] {strides = array<i32>} : memref<16x1024xf32, #tpu.memory_space<vmem>>, vector<1x16xf32>,
        %get3A_578 = vector.shape_cast %get3A_577 : vector<1x16xf32> to vector<16xf32>
        %mul3A_579 = arith.constant 3.200000e+01 : f32
        %mul3A_580 = vector.broadcast %mul3A_579 : f32 to vector<16xf32>
        %mul3A_581 = arith.mulf %get3A_578, %mul3A_580 : vector<16xf32>
        %mul3A_582 = arith.constant 16 : i32
        %mul3A_583 = arith.muli %scan3A_572, %mul3A_582 : i32
        %swap3A_584 = arith.index_cast %scan3A_526 : i32 to index
        %swap3A_585 = arith.index_cast %mul3A_583 : i32 to index
        %swap3A_586 = tpu.vector_load %arg11[%swap3A_584, %swap3A_585] {strides = array<i32>} : memref<16x1024xf32, #tpu.memory_space<vmem>>, vector<1x16xf32>,
        %swap3A_587 = vector.shape_cast %swap3A_586 : vector<1x16xf32> to vector<16xf32>
        %swap3A_588 = vector.shape_cast %mul3A_581 : vector<16xf32> to vector<1x16xf32>
        tpu.vector_store %arg11[%swap3A_584, %swap3A_585], %swap3A_588 {strides = array<i32>} : memref<16x1024xf32, #tpu.memory_space<vmem>>, vector<1x16xf32>,
        %scan3A_589 = arith.constant 0 : i32
        %scan3A_590 = arith.constant 3 : i32
        %scan3A_591 = arith.addi %scan3A_535, %scan3A_590 : i32
        %mul3A_592 = arith.constant 16 : i32
        %mul3A_593 = arith.muli %scan3A_591, %mul3A_592 : i32
        %get3A_594 = arith.index_cast %scan3A_526 : i32 to index
        %get3A_595 = arith.index_cast %mul3A_593 : i32 to index
        %get3A_596 = tpu.vector_load %arg11[%get3A_594, %get3A_595] {strides = array<i32>} : memref<16x1024xf32, #tpu.memory_space<vmem>>, vector<1x16xf32>,
        %get3A_597 = vector.shape_cast %get3A_596 : vector<1x16xf32> to vector<16xf32>
        %mul3A_598 = arith.constant 3.200000e+01 : f32
        %mul3A_599 = vector.broadcast %mul3A_598 : f32 to vector<16xf32>
        %mul3A_600 = arith.mulf %get3A_597, %mul3A_599 : vector<16xf32>
        %mul3A_601 = arith.constant 16 : i32
        %mul3A_602 = arith.muli %scan3A_591, %mul3A_601 : i32
        %swap3A_603 = arith.index_cast %scan3A_526 : i32 to index
        %swap3A_604 = arith.index_cast %mul3A_602 : i32 to index
        %swap3A_605 = tpu.vector_load %arg11[%swap3A_603, %swap3A_604] {strides = array<i32>} : memref<16x1024xf32, #tpu.memory_space<vmem>>, vector<1x16xf32>,
        %swap3A_606 = vector.shape_cast %swap3A_605 : vector<1x16xf32> to vector<16xf32>
        %swap3A_607 = vector.shape_cast %mul3A_600 : vector<16xf32> to vector<1x16xf32>
        tpu.vector_store %arg11[%swap3A_603, %swap3A_604], %swap3A_607 {strides = array<i32>} : memref<16x1024xf32, #tpu.memory_space<vmem>>, vector<1x16xf32>,
        %scan3A_608 = arith.constant 0 : i32
        %scan3A_609 = arith.constant 4 : i32
        %scan3A_610 = arith.addi %scan3A_535, %scan3A_609 : i32
        %mul3A_611 = arith.constant 16 : i32
        %mul3A_612 = arith.muli %scan3A_610, %mul3A_611 : i32
        %get3A_613 = arith.index_cast %scan3A_526 : i32 to index
        %get3A_614 = arith.index_cast %mul3A_612 : i32 to index
        %get3A_615 = tpu.vector_load %arg11[%get3A_613, %get3A_614] {strides = array<i32>} : memref<16x1024xf32, #tpu.memory_space<vmem>>, vector<1x16xf32>,
        %get3A_616 = vector.shape_cast %get3A_615 : vector<1x16xf32> to vector<16xf32>
        %mul3A_617 = arith.constant 3.200000e+01 : f32
        %mul3A_618 = vector.broadcast %mul3A_617 : f32 to vector<16xf32>
        %mul3A_619 = arith.mulf %get3A_616, %mul3A_618 : vector<16xf32>
        %mul3A_620 = arith.constant 16 : i32
        %mul3A_621 = arith.muli %scan3A_610, %mul3A_620 : i32
        %swap3A_622 = arith.index_cast %scan3A_526 : i32 to index
        %swap3A_623 = arith.index_cast %mul3A_621 : i32 to index
        %swap3A_624 = tpu.vector_load %arg11[%swap3A_622, %swap3A_623] {strides = array<i32>} : memref<16x1024xf32, #tpu.memory_space<vmem>>, vector<1x16xf32>,
        %swap3A_625 = vector.shape_cast %swap3A_624 : vector<1x16xf32> to vector<16xf32>
        %swap3A_626 = vector.shape_cast %mul3A_619 : vector<16xf32> to vector<1x16xf32>
        tpu.vector_store %arg11[%swap3A_622, %swap3A_623], %swap3A_626 {strides = array<i32>} : memref<16x1024xf32, #tpu.memory_space<vmem>>, vector<1x16xf32>,
        %scan3A_627 = arith.constant 0 : i32
        %scan3A_628 = arith.constant 5 : i32
        %scan3A_629 = arith.addi %scan3A_535, %scan3A_628 : i32
        %mul3A_630 = arith.constant 16 : i32
        %mul3A_631 = arith.muli %scan3A_629, %mul3A_630 : i32
        %get3A_632 = arith.index_cast %scan3A_526 : i32 to index
        %get3A_633 = arith.index_cast %mul3A_631 : i32 to index
        %get3A_634 = tpu.vector_load %arg11[%get3A_632, %get3A_633] {strides = array<i32>} : memref<16x1024xf32, #tpu.memory_space<vmem>>, vector<1x16xf32>,
        %get3A_635 = vector.shape_cast %get3A_634 : vector<1x16xf32> to vector<16xf32>
        %mul3A_636 = arith.constant 3.200000e+01 : f32
        %mul3A_637 = vector.broadcast %mul3A_636 : f32 to vector<16xf32>
        %mul3A_638 = arith.mulf %get3A_635, %mul3A_637 : vector<16xf32>
        %mul3A_639 = arith.constant 16 : i32
        %mul3A_640 = arith.muli %scan3A_629, %mul3A_639 : i32
        %swap3A_641 = arith.index_cast %scan3A_526 : i32 to index
        %swap3A_642 = arith.index_cast %mul3A_640 : i32 to index
        %swap3A_643 = tpu.vector_load %arg11[%swap3A_641, %swap3A_642] {strides = array<i32>} : memref<16x1024xf32, #tpu.memory_space<vmem>>, vector<1x16xf32>,
        %swap3A_644 = vector.shape_cast %swap3A_643 : vector<1x16xf32> to vector<16xf32>
        %swap3A_645 = vector.shape_cast %mul3A_638 : vector<16xf32> to vector<1x16xf32>
        tpu.vector_store %arg11[%swap3A_641, %swap3A_642], %swap3A_645 {strides = array<i32>} : memref<16x1024xf32, #tpu.memory_space<vmem>>, vector<1x16xf32>,
        %scan3A_646 = arith.constant 0 : i32
        %scan3A_647 = arith.constant 6 : i32
        %scan3A_648 = arith.addi %scan3A_535, %scan3A_647 : i32
        %mul3A_649 = arith.constant 16 : i32
        %mul3A_650 = arith.muli %scan3A_648, %mul3A_649 : i32
        %get3A_651 = arith.index_cast %scan3A_526 : i32 to index
        %get3A_652 = arith.index_cast %mul3A_650 : i32 to index
        %get3A_653 = tpu.vector_load %arg11[%get3A_651, %get3A_652] {strides = array<i32>} : memref<16x1024xf32, #tpu.memory_space<vmem>>, vector<1x16xf32>,
        %get3A_654 = vector.shape_cast %get3A_653 : vector<1x16xf32> to vector<16xf32>
        %mul3A_655 = arith.constant 3.200000e+01 : f32
        %mul3A_656 = vector.broadcast %mul3A_655 : f32 to vector<16xf32>
        %mul3A_657 = arith.mulf %get3A_654, %mul3A_656 : vector<16xf32>
        %mul3A_658 = arith.constant 16 : i32
        %mul3A_659 = arith.muli %scan3A_648, %mul3A_658 : i32
        %swap3A_660 = arith.index_cast %scan3A_526 : i32 to index
        %swap3A_661 = arith.index_cast %mul3A_659 : i32 to index
        %swap3A_662 = tpu.vector_load %arg11[%swap3A_660, %swap3A_661] {strides = array<i32>} : memref<16x1024xf32, #tpu.memory_space<vmem>>, vector<1x16xf32>,
        %swap3A_663 = vector.shape_cast %swap3A_662 : vector<1x16xf32> to vector<16xf32>
        %swap3A_664 = vector.shape_cast %mul3A_657 : vector<16xf32> to vector<1x16xf32>
        tpu.vector_store %arg11[%swap3A_660, %swap3A_661], %swap3A_664 {strides = array<i32>} : memref<16x1024xf32, #tpu.memory_space<vmem>>, vector<1x16xf32>,
        %scan3A_665 = arith.constant 0 : i32
        %scan3A_666 = arith.constant 7 : i32
        %scan3A_667 = arith.addi %scan3A_535, %scan3A_666 : i32
        %mul3A_668 = arith.constant 16 : i32
        %mul3A_669 = arith.muli %scan3A_667, %mul3A_668 : i32
        %get3A_670 = arith.index_cast %scan3A_526 : i32 to index
        %get3A_671 = arith.index_cast %mul3A_669 : i32 to index
        %get3A_672 = tpu.vector_load %arg11[%get3A_670, %get3A_671] {strides = array<i32>} : memref<16x1024xf32, #tpu.memory_space<vmem>>, vector<1x16xf32>,
        %get3A_673 = vector.shape_cast %get3A_672 : vector<1x16xf32> to vector<16xf32>
        %mul3A_674 = arith.constant 3.200000e+01 : f32
        %mul3A_675 = vector.broadcast %mul3A_674 : f32 to vector<16xf32>
        %mul3A_676 = arith.mulf %get3A_673, %mul3A_675 : vector<16xf32>
        %mul3A_677 = arith.constant 16 : i32
        %mul3A_678 = arith.muli %scan3A_667, %mul3A_677 : i32
        %swap3A_679 = arith.index_cast %scan3A_526 : i32 to index
        %swap3A_680 = arith.index_cast %mul3A_678 : i32 to index
        %swap3A_681 = tpu.vector_load %arg11[%swap3A_679, %swap3A_680] {strides = array<i32>} : memref<16x1024xf32, #tpu.memory_space<vmem>>, vector<1x16xf32>,
        %swap3A_682 = vector.shape_cast %swap3A_681 : vector<1x16xf32> to vector<16xf32>
        %swap3A_683 = vector.shape_cast %mul3A_676 : vector<16xf32> to vector<1x16xf32>
        tpu.vector_store %arg11[%swap3A_679, %swap3A_680], %swap3A_683 {strides = array<i32>} : memref<16x1024xf32, #tpu.memory_space<vmem>>, vector<1x16xf32>,
        %scan3A_684 = arith.constant 0 : i32
        scf.yield %scan3A_684 : i32
      }
      %scan3A_534 = arith.constant 64 : i32
      scf.yield %scan3A_533 : i32
    }
    %scan3A_226 = arith.constant 16 : i32
    %add3A_227 = arith.constant 80 : i32
    %add3A_228 = arith.addi %mul3A_32, %add3A_227 : i32
    %dma_start3A_229 = arith.constant 0 : i32
    %dma_start3A_230 = tpu.memref_slice %arg4[%select_n3A, %add3A_228, %dma_start3A_229] : memref<4x2048x1024xf32, #tpu.memory_space<hbm>> -> memref<1x16x1024xf32, #tpu.memory_space<hbm>>
    %dma_start3A_231 = tpu.memref_squeeze %dma_start3A_230 : memref<1x16x1024xf32, #tpu.memory_space<hbm>> -> memref<16x1024xf32, #tpu.memory_space<hbm>>
    %dma_start3A_232 = arith.constant 0 : i32
    %dma_start3A_233 = tpu.memref_slice %arg4[%select_n3A, %add3A_228, %dma_start3A_232] : memref<4x2048x1024xf32, #tpu.memory_space<hbm>> -> memref<1x16x1024xf32, #tpu.memory_space<hbm>>
    %dma_start3A_234 = tpu.memref_squeeze %dma_start3A_233 : memref<1x16x1024xf32, #tpu.memory_space<hbm>> -> memref<16x1024xf32, #tpu.memory_space<hbm>>
    tpu.enqueue_dma source(%arg11 : memref<16x1024xf32, #tpu.memory_space<vmem>>) target(%dma_start3A_234 : memref<16x1024xf32, #tpu.memory_space<hbm>>) target_semaphore(%arg23 : memref<!tpu.dma_semaphore, #tpu.memory_space<semaphore_mem>>)
    %dma_wait3A_235 = arith.constant 0 : i32
    %dma_wait3A_236 = tpu.memref_slice %arg4[%select_n3A, %add3A_228, %dma_wait3A_235] : memref<4x2048x1024xf32, #tpu.memory_space<hbm>> -> memref<1x16x1024xf32, #tpu.memory_space<hbm>>
    %dma_wait3A_237 = tpu.memref_squeeze %dma_wait3A_236 : memref<1x16x1024xf32, #tpu.memory_space<hbm>> -> memref<16x1024xf32, #tpu.memory_space<hbm>>
    %dma_wait3A_238 = arith.constant 0 : i32
    %dma_wait3A_239 = tpu.memref_slice %arg4[%select_n3A, %add3A_228, %dma_wait3A_238] : memref<4x2048x1024xf32, #tpu.memory_space<hbm>> -> memref<1x16x1024xf32, #tpu.memory_space<hbm>>
    %dma_wait3A_240 = tpu.memref_squeeze %dma_wait3A_239 : memref<1x16x1024xf32, #tpu.memory_space<hbm>> -> memref<16x1024xf32, #tpu.memory_space<hbm>>
    tpu.wait_dma2 semaphore(%arg23 : memref<!tpu.dma_semaphore, #tpu.memory_space<semaphore_mem>>) src(%arg11 : memref<16x1024xf32, #tpu.memory_space<vmem>>) dst(%dma_wait3A_240 : memref<16x1024xf32, #tpu.memory_space<hbm>>)
    %dma_start3A_241 = arith.constant 176 : i32
    %dma_start3A_242 = tpu.memref_slice %arg5[%dma_start3A_241] : memref<256xi32, #tpu.memory_space<vmem>> -> memref<16xi32, #tpu.memory_space<vmem>>
    %dma_start3A_243 = arith.constant 0 : i32
    %dma_start3A_244 = arith.constant 0 : i32
    %dma_start3A_245 = tpu.memref_slice %arg3[%dma_start3A_243, %dma_start3A_244] : memref<100000x1024xf32, #tpu.memory_space<hbm>> -> memref<100000x1024xf32, #tpu.memory_space<hbm>>
    tpu.enqueue_indirect_dma source(%dma_start3A_245 : memref<100000x1024xf32, #tpu.memory_space<hbm>>) target(%arg11 : memref<16x1024xf32, #tpu.memory_space<vmem>>) offsets(%dma_start3A_242 : memref<16xi32, #tpu.memory_space<vmem>>) semaphore(%arg17 : memref<!tpu.dma_semaphore, #tpu.memory_space<semaphore_mem>>)
    %dma_wait3A_246 = arith.constant 96 : i32
    %dma_wait3A_247 = tpu.memref_slice %arg5[%dma_wait3A_246] : memref<256xi32, #tpu.memory_space<vmem>> -> memref<16xi32, #tpu.memory_space<vmem>>
    %dma_wait3A_248 = arith.constant 0 : i32
    %dma_wait3A_249 = arith.constant 0 : i32
    %dma_wait3A_250 = tpu.memref_slice %arg3[%dma_wait3A_248, %dma_wait3A_249] : memref<100000x1024xf32, #tpu.memory_space<hbm>> -> memref<100000x1024xf32, #tpu.memory_space<hbm>>
    tpu.wait_indirect_dma semaphore(%arg12 : memref<!tpu.dma_semaphore, #tpu.memory_space<semaphore_mem>>) src(%dma_wait3A_250 : memref<100000x1024xf32, #tpu.memory_space<hbm>>) dst(%arg6 : memref<16x1024xf32, #tpu.memory_space<vmem>>)
    %scan3A_251 = arith.constant 0 : i32
    %scan3A_252 = arith.constant 0 : i32
    %scan3A_253 = arith.constant 16 : i32
    %scan3A_254 = arith.addi %scan3A_252, %scan3A_253 : i32
    %scan3A_255 = arith.constant 1 : i32
    %scan3A_256 = scf.for %scan3A_526 = %scan3A_252 to %scan3A_254 step %scan3A_255 iter_args(%scan3A_527 = %scan3A_251) -> (i32)  : i32 {
      %scan3A_528 = arith.constant 0 : i32
      %scan3A_529 = arith.constant 0 : i32
      %scan3A_530 = arith.constant 64 : i32
      %scan3A_531 = arith.addi %scan3A_529, %scan3A_530 : i32
      %scan3A_532 = arith.constant 8 : i32
      %scan3A_533 = scf.for %scan3A_535 = %scan3A_529 to %scan3A_531 step %scan3A_532 iter_args(%scan3A_536 = %scan3A_528) -> (i32)  : i32 {
        %mul3A_537 = arith.constant 16 : i32
        %mul3A_538 = arith.muli %scan3A_535, %mul3A_537 : i32
        %get3A = arith.index_cast %scan3A_526 : i32 to index
        %get3A_539 = arith.index_cast %mul3A_538 : i32 to index
        %get3A_540 = tpu.vector_load %arg6[%get3A, %get3A_539] {strides = array<i32>} : memref<16x1024xf32, #tpu.memory_space<vmem>>, vector<1x16xf32>,
        %get3A_541 = vector.shape_cast %get3A_540 : vector<1x16xf32> to vector<16xf32>
        %mul3A_542 = arith.constant 3.200000e+01 : f32
        %mul3A_543 = vector.broadcast %mul3A_542 : f32 to vector<16xf32>
        %mul3A_544 = arith.mulf %get3A_541, %mul3A_543 : vector<16xf32>
        %mul3A_545 = arith.constant 16 : i32
        %mul3A_546 = arith.muli %scan3A_535, %mul3A_545 : i32
        %swap3A = arith.index_cast %scan3A_526 : i32 to index
        %swap3A_547 = arith.index_cast %mul3A_546 : i32 to index
        %swap3A_548 = tpu.vector_load %arg6[%swap3A, %swap3A_547] {strides = array<i32>} : memref<16x1024xf32, #tpu.memory_space<vmem>>, vector<1x16xf32>,
        %swap3A_549 = vector.shape_cast %swap3A_548 : vector<1x16xf32> to vector<16xf32>
        %swap3A_550 = vector.shape_cast %mul3A_544 : vector<16xf32> to vector<1x16xf32>
        tpu.vector_store %arg6[%swap3A, %swap3A_547], %swap3A_550 {strides = array<i32>} : memref<16x1024xf32, #tpu.memory_space<vmem>>, vector<1x16xf32>,
        %scan3A_551 = arith.constant 0 : i32
        %scan3A_552 = arith.constant 1 : i32
        %scan3A_553 = arith.addi %scan3A_535, %scan3A_552 : i32
        %mul3A_554 = arith.constant 16 : i32
        %mul3A_555 = arith.muli %scan3A_553, %mul3A_554 : i32
        %get3A_556 = arith.index_cast %scan3A_526 : i32 to index
        %get3A_557 = arith.index_cast %mul3A_555 : i32 to index
        %get3A_558 = tpu.vector_load %arg6[%get3A_556, %get3A_557] {strides = array<i32>} : memref<16x1024xf32, #tpu.memory_space<vmem>>, vector<1x16xf32>,
        %get3A_559 = vector.shape_cast %get3A_558 : vector<1x16xf32> to vector<16xf32>
        %mul3A_560 = arith.constant 3.200000e+01 : f32
        %mul3A_561 = vector.broadcast %mul3A_560 : f32 to vector<16xf32>
        %mul3A_562 = arith.mulf %get3A_559, %mul3A_561 : vector<16xf32>
        %mul3A_563 = arith.constant 16 : i32
        %mul3A_564 = arith.muli %scan3A_553, %mul3A_563 : i32
        %swap3A_565 = arith.index_cast %scan3A_526 : i32 to index
        %swap3A_566 = arith.index_cast %mul3A_564 : i32 to index
        %swap3A_567 = tpu.vector_load %arg6[%swap3A_565, %swap3A_566] {strides = array<i32>} : memref<16x1024xf32, #tpu.memory_space<vmem>>, vector<1x16xf32>,
        %swap3A_568 = vector.shape_cast %swap3A_567 : vector<1x16xf32> to vector<16xf32>
        %swap3A_569 = vector.shape_cast %mul3A_562 : vector<16xf32> to vector<1x16xf32>
        tpu.vector_store %arg6[%swap3A_565, %swap3A_566], %swap3A_569 {strides = array<i32>} : memref<16x1024xf32, #tpu.memory_space<vmem>>, vector<1x16xf32>,
        %scan3A_570 = arith.constant 0 : i32
        %scan3A_571 = arith.constant 2 : i32
        %scan3A_572 = arith.addi %scan3A_535, %scan3A_571 : i32
        %mul3A_573 = arith.constant 16 : i32
        %mul3A_574 = arith.muli %scan3A_572, %mul3A_573 : i32
        %get3A_575 = arith.index_cast %scan3A_526 : i32 to index
        %get3A_576 = arith.index_cast %mul3A_574 : i32 to index
        %get3A_577 = tpu.vector_load %arg6[%get3A_575, %get3A_576] {strides = array<i32>} : memref<16x1024xf32, #tpu.memory_space<vmem>>, vector<1x16xf32>,
        %get3A_578 = vector.shape_cast %get3A_577 : vector<1x16xf32> to vector<16xf32>
        %mul3A_579 = arith.constant 3.200000e+01 : f32
        %mul3A_580 = vector.broadcast %mul3A_579 : f32 to vector<16xf32>
        %mul3A_581 = arith.mulf %get3A_578, %mul3A_580 : vector<16xf32>
        %mul3A_582 = arith.constant 16 : i32
        %mul3A_583 = arith.muli %scan3A_572, %mul3A_582 : i32
        %swap3A_584 = arith.index_cast %scan3A_526 : i32 to index
        %swap3A_585 = arith.index_cast %mul3A_583 : i32 to index
        %swap3A_586 = tpu.vector_load %arg6[%swap3A_584, %swap3A_585] {strides = array<i32>} : memref<16x1024xf32, #tpu.memory_space<vmem>>, vector<1x16xf32>,
        %swap3A_587 = vector.shape_cast %swap3A_586 : vector<1x16xf32> to vector<16xf32>
        %swap3A_588 = vector.shape_cast %mul3A_581 : vector<16xf32> to vector<1x16xf32>
        tpu.vector_store %arg6[%swap3A_584, %swap3A_585], %swap3A_588 {strides = array<i32>} : memref<16x1024xf32, #tpu.memory_space<vmem>>, vector<1x16xf32>,
        %scan3A_589 = arith.constant 0 : i32
        %scan3A_590 = arith.constant 3 : i32
        %scan3A_591 = arith.addi %scan3A_535, %scan3A_590 : i32
        %mul3A_592 = arith.constant 16 : i32
        %mul3A_593 = arith.muli %scan3A_591, %mul3A_592 : i32
        %get3A_594 = arith.index_cast %scan3A_526 : i32 to index
        %get3A_595 = arith.index_cast %mul3A_593 : i32 to index
        %get3A_596 = tpu.vector_load %arg6[%get3A_594, %get3A_595] {strides = array<i32>} : memref<16x1024xf32, #tpu.memory_space<vmem>>, vector<1x16xf32>,
        %get3A_597 = vector.shape_cast %get3A_596 : vector<1x16xf32> to vector<16xf32>
        %mul3A_598 = arith.constant 3.200000e+01 : f32
        %mul3A_599 = vector.broadcast %mul3A_598 : f32 to vector<16xf32>
        %mul3A_600 = arith.mulf %get3A_597, %mul3A_599 : vector<16xf32>
        %mul3A_601 = arith.constant 16 : i32
        %mul3A_602 = arith.muli %scan3A_591, %mul3A_601 : i32
        %swap3A_603 = arith.index_cast %scan3A_526 : i32 to index
        %swap3A_604 = arith.index_cast %mul3A_602 : i32 to index
        %swap3A_605 = tpu.vector_load %arg6[%swap3A_603, %swap3A_604] {strides = array<i32>} : memref<16x1024xf32, #tpu.memory_space<vmem>>, vector<1x16xf32>,
        %swap3A_606 = vector.shape_cast %swap3A_605 : vector<1x16xf32> to vector<16xf32>
        %swap3A_607 = vector.shape_cast %mul3A_600 : vector<16xf32> to vector<1x16xf32>
        tpu.vector_store %arg6[%swap3A_603, %swap3A_604], %swap3A_607 {strides = array<i32>} : memref<16x1024xf32, #tpu.memory_space<vmem>>, vector<1x16xf32>,
        %scan3A_608 = arith.constant 0 : i32
        %scan3A_609 = arith.constant 4 : i32
        %scan3A_610 = arith.addi %scan3A_535, %scan3A_609 : i32
        %mul3A_611 = arith.constant 16 : i32
        %mul3A_612 = arith.muli %scan3A_610, %mul3A_611 : i32
        %get3A_613 = arith.index_cast %scan3A_526 : i32 to index
        %get3A_614 = arith.index_cast %mul3A_612 : i32 to index
        %get3A_615 = tpu.vector_load %arg6[%get3A_613, %get3A_614] {strides = array<i32>} : memref<16x1024xf32, #tpu.memory_space<vmem>>, vector<1x16xf32>,
        %get3A_616 = vector.shape_cast %get3A_615 : vector<1x16xf32> to vector<16xf32>
        %mul3A_617 = arith.constant 3.200000e+01 : f32
        %mul3A_618 = vector.broadcast %mul3A_617 : f32 to vector<16xf32>
        %mul3A_619 = arith.mulf %get3A_616, %mul3A_618 : vector<16xf32>
        %mul3A_620 = arith.constant 16 : i32
        %mul3A_621 = arith.muli %scan3A_610, %mul3A_620 : i32
        %swap3A_622 = arith.index_cast %scan3A_526 : i32 to index
        %swap3A_623 = arith.index_cast %mul3A_621 : i32 to index
        %swap3A_624 = tpu.vector_load %arg6[%swap3A_622, %swap3A_623] {strides = array<i32>} : memref<16x1024xf32, #tpu.memory_space<vmem>>, vector<1x16xf32>,
        %swap3A_625 = vector.shape_cast %swap3A_624 : vector<1x16xf32> to vector<16xf32>
        %swap3A_626 = vector.shape_cast %mul3A_619 : vector<16xf32> to vector<1x16xf32>
        tpu.vector_store %arg6[%swap3A_622, %swap3A_623], %swap3A_626 {strides = array<i32>} : memref<16x1024xf32, #tpu.memory_space<vmem>>, vector<1x16xf32>,
        %scan3A_627 = arith.constant 0 : i32
        %scan3A_628 = arith.constant 5 : i32
        %scan3A_629 = arith.addi %scan3A_535, %scan3A_628 : i32
        %mul3A_630 = arith.constant 16 : i32
        %mul3A_631 = arith.muli %scan3A_629, %mul3A_630 : i32
        %get3A_632 = arith.index_cast %scan3A_526 : i32 to index
        %get3A_633 = arith.index_cast %mul3A_631 : i32 to index
        %get3A_634 = tpu.vector_load %arg6[%get3A_632, %get3A_633] {strides = array<i32>} : memref<16x1024xf32, #tpu.memory_space<vmem>>, vector<1x16xf32>,
        %get3A_635 = vector.shape_cast %get3A_634 : vector<1x16xf32> to vector<16xf32>
        %mul3A_636 = arith.constant 3.200000e+01 : f32
        %mul3A_637 = vector.broadcast %mul3A_636 : f32 to vector<16xf32>
        %mul3A_638 = arith.mulf %get3A_635, %mul3A_637 : vector<16xf32>
        %mul3A_639 = arith.constant 16 : i32
        %mul3A_640 = arith.muli %scan3A_629, %mul3A_639 : i32
        %swap3A_641 = arith.index_cast %scan3A_526 : i32 to index
        %swap3A_642 = arith.index_cast %mul3A_640 : i32 to index
        %swap3A_643 = tpu.vector_load %arg6[%swap3A_641, %swap3A_642] {strides = array<i32>} : memref<16x1024xf32, #tpu.memory_space<vmem>>, vector<1x16xf32>,
        %swap3A_644 = vector.shape_cast %swap3A_643 : vector<1x16xf32> to vector<16xf32>
        %swap3A_645 = vector.shape_cast %mul3A_638 : vector<16xf32> to vector<1x16xf32>
        tpu.vector_store %arg6[%swap3A_641, %swap3A_642], %swap3A_645 {strides = array<i32>} : memref<16x1024xf32, #tpu.memory_space<vmem>>, vector<1x16xf32>,
        %scan3A_646 = arith.constant 0 : i32
        %scan3A_647 = arith.constant 6 : i32
        %scan3A_648 = arith.addi %scan3A_535, %scan3A_647 : i32
        %mul3A_649 = arith.constant 16 : i32
        %mul3A_650 = arith.muli %scan3A_648, %mul3A_649 : i32
        %get3A_651 = arith.index_cast %scan3A_526 : i32 to index
        %get3A_652 = arith.index_cast %mul3A_650 : i32 to index
        %get3A_653 = tpu.vector_load %arg6[%get3A_651, %get3A_652] {strides = array<i32>} : memref<16x1024xf32, #tpu.memory_space<vmem>>, vector<1x16xf32>,
        %get3A_654 = vector.shape_cast %get3A_653 : vector<1x16xf32> to vector<16xf32>
        %mul3A_655 = arith.constant 3.200000e+01 : f32
        %mul3A_656 = vector.broadcast %mul3A_655 : f32 to vector<16xf32>
        %mul3A_657 = arith.mulf %get3A_654, %mul3A_656 : vector<16xf32>
        %mul3A_658 = arith.constant 16 : i32
        %mul3A_659 = arith.muli %scan3A_648, %mul3A_658 : i32
        %swap3A_660 = arith.index_cast %scan3A_526 : i32 to index
        %swap3A_661 = arith.index_cast %mul3A_659 : i32 to index
        %swap3A_662 = tpu.vector_load %arg6[%swap3A_660, %swap3A_661] {strides = array<i32>} : memref<16x1024xf32, #tpu.memory_space<vmem>>, vector<1x16xf32>,
        %swap3A_663 = vector.shape_cast %swap3A_662 : vector<1x16xf32> to vector<16xf32>
        %swap3A_664 = vector.shape_cast %mul3A_657 : vector<16xf32> to vector<1x16xf32>
        tpu.vector_store %arg6[%swap3A_660, %swap3A_661], %swap3A_664 {strides = array<i32>} : memref<16x1024xf32, #tpu.memory_space<vmem>>, vector<1x16xf32>,
        %scan3A_665 = arith.constant 0 : i32
        %scan3A_666 = arith.constant 7 : i32
        %scan3A_667 = arith.addi %scan3A_535, %scan3A_666 : i32
        %mul3A_668 = arith.constant 16 : i32
        %mul3A_669 = arith.muli %scan3A_667, %mul3A_668 : i32
        %get3A_670 = arith.index_cast %scan3A_526 : i32 to index
        %get3A_671 = arith.index_cast %mul3A_669 : i32 to index
        %get3A_672 = tpu.vector_load %arg6[%get3A_670, %get3A_671] {strides = array<i32>} : memref<16x1024xf32, #tpu.memory_space<vmem>>, vector<1x16xf32>,
        %get3A_673 = vector.shape_cast %get3A_672 : vector<1x16xf32> to vector<16xf32>
        %mul3A_674 = arith.constant 3.200000e+01 : f32
        %mul3A_675 = vector.broadcast %mul3A_674 : f32 to vector<16xf32>
        %mul3A_676 = arith.mulf %get3A_673, %mul3A_675 : vector<16xf32>
        %mul3A_677 = arith.constant 16 : i32
        %mul3A_678 = arith.muli %scan3A_667, %mul3A_677 : i32
        %swap3A_679 = arith.index_cast %scan3A_526 : i32 to index
        %swap3A_680 = arith.index_cast %mul3A_678 : i32 to index
        %swap3A_681 = tpu.vector_load %arg6[%swap3A_679, %swap3A_680] {strides = array<i32>} : memref<16x1024xf32, #tpu.memory_space<vmem>>, vector<1x16xf32>,
        %swap3A_682 = vector.shape_cast %swap3A_681 : vector<1x16xf32> to vector<16xf32>
        %swap3A_683 = vector.shape_cast %mul3A_676 : vector<16xf32> to vector<1x16xf32>
        tpu.vector_store %arg6[%swap3A_679, %swap3A_680], %swap3A_683 {strides = array<i32>} : memref<16x1024xf32, #tpu.memory_space<vmem>>, vector<1x16xf32>,
        %scan3A_684 = arith.constant 0 : i32
        scf.yield %scan3A_684 : i32
      }
      %scan3A_534 = arith.constant 64 : i32
      scf.yield %scan3A_533 : i32
    }
    %scan3A_257 = arith.constant 16 : i32
    %add3A_258 = arith.constant 96 : i32
    %add3A_259 = arith.addi %mul3A_32, %add3A_258 : i32
    %dma_start3A_260 = arith.constant 0 : i32
    %dma_start3A_261 = tpu.memref_slice %arg4[%select_n3A, %add3A_259, %dma_start3A_260] : memref<4x2048x1024xf32, #tpu.memory_space<hbm>> -> memref<1x16x1024xf32, #tpu.memory_space<hbm>>
    %dma_start3A_262 = tpu.memref_squeeze %dma_start3A_261 : memref<1x16x1024xf32, #tpu.memory_space<hbm>> -> memref<16x1024xf32, #tpu.memory_space<hbm>>
    %dma_start3A_263 = arith.constant 0 : i32
    %dma_start3A_264 = tpu.memref_slice %arg4[%select_n3A, %add3A_259, %dma_start3A_263] : memref<4x2048x1024xf32, #tpu.memory_space<hbm>> -> memref<1x16x1024xf32, #tpu.memory_space<hbm>>
    %dma_start3A_265 = tpu.memref_squeeze %dma_start3A_264 : memref<1x16x1024xf32, #tpu.memory_space<hbm>> -> memref<16x1024xf32, #tpu.memory_space<hbm>>
    tpu.enqueue_dma source(%arg6 : memref<16x1024xf32, #tpu.memory_space<vmem>>) target(%dma_start3A_265 : memref<16x1024xf32, #tpu.memory_space<hbm>>) target_semaphore(%arg18 : memref<!tpu.dma_semaphore, #tpu.memory_space<semaphore_mem>>)
    %dma_wait3A_266 = arith.constant 0 : i32
    %dma_wait3A_267 = tpu.memref_slice %arg4[%select_n3A, %add3A_259, %dma_wait3A_266] : memref<4x2048x1024xf32, #tpu.memory_space<hbm>> -> memref<1x16x1024xf32, #tpu.memory_space<hbm>>
    %dma_wait3A_268 = tpu.memref_squeeze %dma_wait3A_267 : memref<1x16x1024xf32, #tpu.memory_space<hbm>> -> memref<16x1024xf32, #tpu.memory_space<hbm>>
    %dma_wait3A_269 = arith.constant 0 : i32
    %dma_wait3A_270 = tpu.memref_slice %arg4[%select_n3A, %add3A_259, %dma_wait3A_269] : memref<4x2048x1024xf32, #tpu.memory_space<hbm>> -> memref<1x16x1024xf32, #tpu.memory_space<hbm>>
    %dma_wait3A_271 = tpu.memref_squeeze %dma_wait3A_270 : memref<1x16x1024xf32, #tpu.memory_space<hbm>> -> memref<16x1024xf32, #tpu.memory_space<hbm>>
    tpu.wait_dma2 semaphore(%arg18 : memref<!tpu.dma_semaphore, #tpu.memory_space<semaphore_mem>>) src(%arg6 : memref<16x1024xf32, #tpu.memory_space<vmem>>) dst(%dma_wait3A_271 : memref<16x1024xf32, #tpu.memory_space<hbm>>)
    %dma_start3A_272 = arith.constant 192 : i32
    %dma_start3A_273 = tpu.memref_slice %arg5[%dma_start3A_272] : memref<256xi32, #tpu.memory_space<vmem>> -> memref<16xi32, #tpu.memory_space<vmem>>
    %dma_start3A_274 = arith.constant 0 : i32
    %dma_start3A_275 = arith.constant 0 : i32
    %dma_start3A_276 = tpu.memref_slice %arg3[%dma_start3A_274, %dma_start3A_275] : memref<100000x1024xf32, #tpu.memory_space<hbm>> -> memref<100000x1024xf32, #tpu.memory_space<hbm>>
    tpu.enqueue_indirect_dma source(%dma_start3A_276 : memref<100000x1024xf32, #tpu.memory_space<hbm>>) target(%arg6 : memref<16x1024xf32, #tpu.memory_space<vmem>>) offsets(%dma_start3A_273 : memref<16xi32, #tpu.memory_space<vmem>>) semaphore(%arg12 : memref<!tpu.dma_semaphore, #tpu.memory_space<semaphore_mem>>)
    %dma_wait3A_277 = arith.constant 112 : i32
    %dma_wait3A_278 = tpu.memref_slice %arg5[%dma_wait3A_277] : memref<256xi32, #tpu.memory_space<vmem>> -> memref<16xi32, #tpu.memory_space<vmem>>
    %dma_wait3A_279 = arith.constant 0 : i32
    %dma_wait3A_280 = arith.constant 0 : i32
    %dma_wait3A_281 = tpu.memref_slice %arg3[%dma_wait3A_279, %dma_wait3A_280] : memref<100000x1024xf32, #tpu.memory_space<hbm>> -> memref<100000x1024xf32, #tpu.memory_space<hbm>>
    tpu.wait_indirect_dma semaphore(%arg13 : memref<!tpu.dma_semaphore, #tpu.memory_space<semaphore_mem>>) src(%dma_wait3A_281 : memref<100000x1024xf32, #tpu.memory_space<hbm>>) dst(%arg7 : memref<16x1024xf32, #tpu.memory_space<vmem>>)
    %scan3A_282 = arith.constant 0 : i32
    %scan3A_283 = arith.constant 0 : i32
    %scan3A_284 = arith.constant 16 : i32
    %scan3A_285 = arith.addi %scan3A_283, %scan3A_284 : i32
    %scan3A_286 = arith.constant 1 : i32
    %scan3A_287 = scf.for %scan3A_526 = %scan3A_283 to %scan3A_285 step %scan3A_286 iter_args(%scan3A_527 = %scan3A_282) -> (i32)  : i32 {
      %scan3A_528 = arith.constant 0 : i32
      %scan3A_529 = arith.constant 0 : i32
      %scan3A_530 = arith.constant 64 : i32
      %scan3A_531 = arith.addi %scan3A_529, %scan3A_530 : i32
      %scan3A_532 = arith.constant 8 : i32
      %scan3A_533 = scf.for %scan3A_535 = %scan3A_529 to %scan3A_531 step %scan3A_532 iter_args(%scan3A_536 = %scan3A_528) -> (i32)  : i32 {
        %mul3A_537 = arith.constant 16 : i32
        %mul3A_538 = arith.muli %scan3A_535, %mul3A_537 : i32
        %get3A = arith.index_cast %scan3A_526 : i32 to index
        %get3A_539 = arith.index_cast %mul3A_538 : i32 to index
        %get3A_540 = tpu.vector_load %arg7[%get3A, %get3A_539] {strides = array<i32>} : memref<16x1024xf32, #tpu.memory_space<vmem>>, vector<1x16xf32>,
        %get3A_541 = vector.shape_cast %get3A_540 : vector<1x16xf32> to vector<16xf32>
        %mul3A_542 = arith.constant 3.200000e+01 : f32
        %mul3A_543 = vector.broadcast %mul3A_542 : f32 to vector<16xf32>
        %mul3A_544 = arith.mulf %get3A_541, %mul3A_543 : vector<16xf32>
        %mul3A_545 = arith.constant 16 : i32
        %mul3A_546 = arith.muli %scan3A_535, %mul3A_545 : i32
        %swap3A = arith.index_cast %scan3A_526 : i32 to index
        %swap3A_547 = arith.index_cast %mul3A_546 : i32 to index
        %swap3A_548 = tpu.vector_load %arg7[%swap3A, %swap3A_547] {strides = array<i32>} : memref<16x1024xf32, #tpu.memory_space<vmem>>, vector<1x16xf32>,
        %swap3A_549 = vector.shape_cast %swap3A_548 : vector<1x16xf32> to vector<16xf32>
        %swap3A_550 = vector.shape_cast %mul3A_544 : vector<16xf32> to vector<1x16xf32>
        tpu.vector_store %arg7[%swap3A, %swap3A_547], %swap3A_550 {strides = array<i32>} : memref<16x1024xf32, #tpu.memory_space<vmem>>, vector<1x16xf32>,
        %scan3A_551 = arith.constant 0 : i32
        %scan3A_552 = arith.constant 1 : i32
        %scan3A_553 = arith.addi %scan3A_535, %scan3A_552 : i32
        %mul3A_554 = arith.constant 16 : i32
        %mul3A_555 = arith.muli %scan3A_553, %mul3A_554 : i32
        %get3A_556 = arith.index_cast %scan3A_526 : i32 to index
        %get3A_557 = arith.index_cast %mul3A_555 : i32 to index
        %get3A_558 = tpu.vector_load %arg7[%get3A_556, %get3A_557] {strides = array<i32>} : memref<16x1024xf32, #tpu.memory_space<vmem>>, vector<1x16xf32>,
        %get3A_559 = vector.shape_cast %get3A_558 : vector<1x16xf32> to vector<16xf32>
        %mul3A_560 = arith.constant 3.200000e+01 : f32
        %mul3A_561 = vector.broadcast %mul3A_560 : f32 to vector<16xf32>
        %mul3A_562 = arith.mulf %get3A_559, %mul3A_561 : vector<16xf32>
        %mul3A_563 = arith.constant 16 : i32
        %mul3A_564 = arith.muli %scan3A_553, %mul3A_563 : i32
        %swap3A_565 = arith.index_cast %scan3A_526 : i32 to index
        %swap3A_566 = arith.index_cast %mul3A_564 : i32 to index
        %swap3A_567 = tpu.vector_load %arg7[%swap3A_565, %swap3A_566] {strides = array<i32>} : memref<16x1024xf32, #tpu.memory_space<vmem>>, vector<1x16xf32>,
        %swap3A_568 = vector.shape_cast %swap3A_567 : vector<1x16xf32> to vector<16xf32>
        %swap3A_569 = vector.shape_cast %mul3A_562 : vector<16xf32> to vector<1x16xf32>
        tpu.vector_store %arg7[%swap3A_565, %swap3A_566], %swap3A_569 {strides = array<i32>} : memref<16x1024xf32, #tpu.memory_space<vmem>>, vector<1x16xf32>,
        %scan3A_570 = arith.constant 0 : i32
        %scan3A_571 = arith.constant 2 : i32
        %scan3A_572 = arith.addi %scan3A_535, %scan3A_571 : i32
        %mul3A_573 = arith.constant 16 : i32
        %mul3A_574 = arith.muli %scan3A_572, %mul3A_573 : i32
        %get3A_575 = arith.index_cast %scan3A_526 : i32 to index
        %get3A_576 = arith.index_cast %mul3A_574 : i32 to index
        %get3A_577 = tpu.vector_load %arg7[%get3A_575, %get3A_576] {strides = array<i32>} : memref<16x1024xf32, #tpu.memory_space<vmem>>, vector<1x16xf32>,
        %get3A_578 = vector.shape_cast %get3A_577 : vector<1x16xf32> to vector<16xf32>
        %mul3A_579 = arith.constant 3.200000e+01 : f32
        %mul3A_580 = vector.broadcast %mul3A_579 : f32 to vector<16xf32>
        %mul3A_581 = arith.mulf %get3A_578, %mul3A_580 : vector<16xf32>
        %mul3A_582 = arith.constant 16 : i32
        %mul3A_583 = arith.muli %scan3A_572, %mul3A_582 : i32
        %swap3A_584 = arith.index_cast %scan3A_526 : i32 to index
        %swap3A_585 = arith.index_cast %mul3A_583 : i32 to index
        %swap3A_586 = tpu.vector_load %arg7[%swap3A_584, %swap3A_585] {strides = array<i32>} : memref<16x1024xf32, #tpu.memory_space<vmem>>, vector<1x16xf32>,
        %swap3A_587 = vector.shape_cast %swap3A_586 : vector<1x16xf32> to vector<16xf32>
        %swap3A_588 = vector.shape_cast %mul3A_581 : vector<16xf32> to vector<1x16xf32>
        tpu.vector_store %arg7[%swap3A_584, %swap3A_585], %swap3A_588 {strides = array<i32>} : memref<16x1024xf32, #tpu.memory_space<vmem>>, vector<1x16xf32>,
        %scan3A_589 = arith.constant 0 : i32
        %scan3A_590 = arith.constant 3 : i32
        %scan3A_591 = arith.addi %scan3A_535, %scan3A_590 : i32
        %mul3A_592 = arith.constant 16 : i32
        %mul3A_593 = arith.muli %scan3A_591, %mul3A_592 : i32
        %get3A_594 = arith.index_cast %scan3A_526 : i32 to index
        %get3A_595 = arith.index_cast %mul3A_593 : i32 to index
        %get3A_596 = tpu.vector_load %arg7[%get3A_594, %get3A_595] {strides = array<i32>} : memref<16x1024xf32, #tpu.memory_space<vmem>>, vector<1x16xf32>,
        %get3A_597 = vector.shape_cast %get3A_596 : vector<1x16xf32> to vector<16xf32>
        %mul3A_598 = arith.constant 3.200000e+01 : f32
        %mul3A_599 = vector.broadcast %mul3A_598 : f32 to vector<16xf32>
        %mul3A_600 = arith.mulf %get3A_597, %mul3A_599 : vector<16xf32>
        %mul3A_601 = arith.constant 16 : i32
        %mul3A_602 = arith.muli %scan3A_591, %mul3A_601 : i32
        %swap3A_603 = arith.index_cast %scan3A_526 : i32 to index
        %swap3A_604 = arith.index_cast %mul3A_602 : i32 to index
        %swap3A_605 = tpu.vector_load %arg7[%swap3A_603, %swap3A_604] {strides = array<i32>} : memref<16x1024xf32, #tpu.memory_space<vmem>>, vector<1x16xf32>,
        %swap3A_606 = vector.shape_cast %swap3A_605 : vector<1x16xf32> to vector<16xf32>
        %swap3A_607 = vector.shape_cast %mul3A_600 : vector<16xf32> to vector<1x16xf32>
        tpu.vector_store %arg7[%swap3A_603, %swap3A_604], %swap3A_607 {strides = array<i32>} : memref<16x1024xf32, #tpu.memory_space<vmem>>, vector<1x16xf32>,
        %scan3A_608 = arith.constant 0 : i32
        %scan3A_609 = arith.constant 4 : i32
        %scan3A_610 = arith.addi %scan3A_535, %scan3A_609 : i32
        %mul3A_611 = arith.constant 16 : i32
        %mul3A_612 = arith.muli %scan3A_610, %mul3A_611 : i32
        %get3A_613 = arith.index_cast %scan3A_526 : i32 to index
        %get3A_614 = arith.index_cast %mul3A_612 : i32 to index
        %get3A_615 = tpu.vector_load %arg7[%get3A_613, %get3A_614] {strides = array<i32>} : memref<16x1024xf32, #tpu.memory_space<vmem>>, vector<1x16xf32>,
        %get3A_616 = vector.shape_cast %get3A_615 : vector<1x16xf32> to vector<16xf32>
        %mul3A_617 = arith.constant 3.200000e+01 : f32
        %mul3A_618 = vector.broadcast %mul3A_617 : f32 to vector<16xf32>
        %mul3A_619 = arith.mulf %get3A_616, %mul3A_618 : vector<16xf32>
        %mul3A_620 = arith.constant 16 : i32
        %mul3A_621 = arith.muli %scan3A_610, %mul3A_620 : i32
        %swap3A_622 = arith.index_cast %scan3A_526 : i32 to index
        %swap3A_623 = arith.index_cast %mul3A_621 : i32 to index
        %swap3A_624 = tpu.vector_load %arg7[%swap3A_622, %swap3A_623] {strides = array<i32>} : memref<16x1024xf32, #tpu.memory_space<vmem>>, vector<1x16xf32>,
        %swap3A_625 = vector.shape_cast %swap3A_624 : vector<1x16xf32> to vector<16xf32>
        %swap3A_626 = vector.shape_cast %mul3A_619 : vector<16xf32> to vector<1x16xf32>
        tpu.vector_store %arg7[%swap3A_622, %swap3A_623], %swap3A_626 {strides = array<i32>} : memref<16x1024xf32, #tpu.memory_space<vmem>>, vector<1x16xf32>,
        %scan3A_627 = arith.constant 0 : i32
        %scan3A_628 = arith.constant 5 : i32
        %scan3A_629 = arith.addi %scan3A_535, %scan3A_628 : i32
        %mul3A_630 = arith.constant 16 : i32
        %mul3A_631 = arith.muli %scan3A_629, %mul3A_630 : i32
        %get3A_632 = arith.index_cast %scan3A_526 : i32 to index
        %get3A_633 = arith.index_cast %mul3A_631 : i32 to index
        %get3A_634 = tpu.vector_load %arg7[%get3A_632, %get3A_633] {strides = array<i32>} : memref<16x1024xf32, #tpu.memory_space<vmem>>, vector<1x16xf32>,
        %get3A_635 = vector.shape_cast %get3A_634 : vector<1x16xf32> to vector<16xf32>
        %mul3A_636 = arith.constant 3.200000e+01 : f32
        %mul3A_637 = vector.broadcast %mul3A_636 : f32 to vector<16xf32>
        %mul3A_638 = arith.mulf %get3A_635, %mul3A_637 : vector<16xf32>
        %mul3A_639 = arith.constant 16 : i32
        %mul3A_640 = arith.muli %scan3A_629, %mul3A_639 : i32
        %swap3A_641 = arith.index_cast %scan3A_526 : i32 to index
        %swap3A_642 = arith.index_cast %mul3A_640 : i32 to index
        %swap3A_643 = tpu.vector_load %arg7[%swap3A_641, %swap3A_642] {strides = array<i32>} : memref<16x1024xf32, #tpu.memory_space<vmem>>, vector<1x16xf32>,
        %swap3A_644 = vector.shape_cast %swap3A_643 : vector<1x16xf32> to vector<16xf32>
        %swap3A_645 = vector.shape_cast %mul3A_638 : vector<16xf32> to vector<1x16xf32>
        tpu.vector_store %arg7[%swap3A_641, %swap3A_642], %swap3A_645 {strides = array<i32>} : memref<16x1024xf32, #tpu.memory_space<vmem>>, vector<1x16xf32>,
        %scan3A_646 = arith.constant 0 : i32
        %scan3A_647 = arith.constant 6 : i32
        %scan3A_648 = arith.addi %scan3A_535, %scan3A_647 : i32
        %mul3A_649 = arith.constant 16 : i32
        %mul3A_650 = arith.muli %scan3A_648, %mul3A_649 : i32
        %get3A_651 = arith.index_cast %scan3A_526 : i32 to index
        %get3A_652 = arith.index_cast %mul3A_650 : i32 to index
        %get3A_653 = tpu.vector_load %arg7[%get3A_651, %get3A_652] {strides = array<i32>} : memref<16x1024xf32, #tpu.memory_space<vmem>>, vector<1x16xf32>,
        %get3A_654 = vector.shape_cast %get3A_653 : vector<1x16xf32> to vector<16xf32>
        %mul3A_655 = arith.constant 3.200000e+01 : f32
        %mul3A_656 = vector.broadcast %mul3A_655 : f32 to vector<16xf32>
        %mul3A_657 = arith.mulf %get3A_654, %mul3A_656 : vector<16xf32>
        %mul3A_658 = arith.constant 16 : i32
        %mul3A_659 = arith.muli %scan3A_648, %mul3A_658 : i32
        %swap3A_660 = arith.index_cast %scan3A_526 : i32 to index
        %swap3A_661 = arith.index_cast %mul3A_659 : i32 to index
        %swap3A_662 = tpu.vector_load %arg7[%swap3A_660, %swap3A_661] {strides = array<i32>} : memref<16x1024xf32, #tpu.memory_space<vmem>>, vector<1x16xf32>,
        %swap3A_663 = vector.shape_cast %swap3A_662 : vector<1x16xf32> to vector<16xf32>
        %swap3A_664 = vector.shape_cast %mul3A_657 : vector<16xf32> to vector<1x16xf32>
        tpu.vector_store %arg7[%swap3A_660, %swap3A_661], %swap3A_664 {strides = array<i32>} : memref<16x1024xf32, #tpu.memory_space<vmem>>, vector<1x16xf32>,
        %scan3A_665 = arith.constant 0 : i32
        %scan3A_666 = arith.constant 7 : i32
        %scan3A_667 = arith.addi %scan3A_535, %scan3A_666 : i32
        %mul3A_668 = arith.constant 16 : i32
        %mul3A_669 = arith.muli %scan3A_667, %mul3A_668 : i32
        %get3A_670 = arith.index_cast %scan3A_526 : i32 to index
        %get3A_671 = arith.index_cast %mul3A_669 : i32 to index
        %get3A_672 = tpu.vector_load %arg7[%get3A_670, %get3A_671] {strides = array<i32>} : memref<16x1024xf32, #tpu.memory_space<vmem>>, vector<1x16xf32>,
        %get3A_673 = vector.shape_cast %get3A_672 : vector<1x16xf32> to vector<16xf32>
        %mul3A_674 = arith.constant 3.200000e+01 : f32
        %mul3A_675 = vector.broadcast %mul3A_674 : f32 to vector<16xf32>
        %mul3A_676 = arith.mulf %get3A_673, %mul3A_675 : vector<16xf32>
        %mul3A_677 = arith.constant 16 : i32
        %mul3A_678 = arith.muli %scan3A_667, %mul3A_677 : i32
        %swap3A_679 = arith.index_cast %scan3A_526 : i32 to index
        %swap3A_680 = arith.index_cast %mul3A_678 : i32 to index
        %swap3A_681 = tpu.vector_load %arg7[%swap3A_679, %swap3A_680] {strides = array<i32>} : memref<16x1024xf32, #tpu.memory_space<vmem>>, vector<1x16xf32>,
        %swap3A_682 = vector.shape_cast %swap3A_681 : vector<1x16xf32> to vector<16xf32>
        %swap3A_683 = vector.shape_cast %mul3A_676 : vector<16xf32> to vector<1x16xf32>
        tpu.vector_store %arg7[%swap3A_679, %swap3A_680], %swap3A_683 {strides = array<i32>} : memref<16x1024xf32, #tpu.memory_space<vmem>>, vector<1x16xf32>,
        %scan3A_684 = arith.constant 0 : i32
        scf.yield %scan3A_684 : i32
      }
      %scan3A_534 = arith.constant 64 : i32
      scf.yield %scan3A_533 : i32
    }
    %scan3A_288 = arith.constant 16 : i32
    %add3A_289 = arith.constant 112 : i32
    %add3A_290 = arith.addi %mul3A_32, %add3A_289 : i32
    %dma_start3A_291 = arith.constant 0 : i32
    %dma_start3A_292 = tpu.memref_slice %arg4[%select_n3A, %add3A_290, %dma_start3A_291] : memref<4x2048x1024xf32, #tpu.memory_space<hbm>> -> memref<1x16x1024xf32, #tpu.memory_space<hbm>>
    %dma_start3A_293 = tpu.memref_squeeze %dma_start3A_292 : memref<1x16x1024xf32, #tpu.memory_space<hbm>> -> memref<16x1024xf32, #tpu.memory_space<hbm>>
    %dma_start3A_294 = arith.constant 0 : i32
    %dma_start3A_295 = tpu.memref_slice %arg4[%select_n3A, %add3A_290, %dma_start3A_294] : memref<4x2048x1024xf32, #tpu.memory_space<hbm>> -> memref<1x16x1024xf32, #tpu.memory_space<hbm>>
    %dma_start3A_296 = tpu.memref_squeeze %dma_start3A_295 : memref<1x16x1024xf32, #tpu.memory_space<hbm>> -> memref<16x1024xf32, #tpu.memory_space<hbm>>
    tpu.enqueue_dma source(%arg7 : memref<16x1024xf32, #tpu.memory_space<vmem>>) target(%dma_start3A_296 : memref<16x1024xf32, #tpu.memory_space<hbm>>) target_semaphore(%arg19 : memref<!tpu.dma_semaphore, #tpu.memory_space<semaphore_mem>>)
    %dma_wait3A_297 = arith.constant 0 : i32
    %dma_wait3A_298 = tpu.memref_slice %arg4[%select_n3A, %add3A_290, %dma_wait3A_297] : memref<4x2048x1024xf32, #tpu.memory_space<hbm>> -> memref<1x16x1024xf32, #tpu.memory_space<hbm>>
    %dma_wait3A_299 = tpu.memref_squeeze %dma_wait3A_298 : memref<1x16x1024xf32, #tpu.memory_space<hbm>> -> memref<16x1024xf32, #tpu.memory_space<hbm>>
    %dma_wait3A_300 = arith.constant 0 : i32
    %dma_wait3A_301 = tpu.memref_slice %arg4[%select_n3A, %add3A_290, %dma_wait3A_300] : memref<4x2048x1024xf32, #tpu.memory_space<hbm>> -> memref<1x16x1024xf32, #tpu.memory_space<hbm>>
    %dma_wait3A_302 = tpu.memref_squeeze %dma_wait3A_301 : memref<1x16x1024xf32, #tpu.memory_space<hbm>> -> memref<16x1024xf32, #tpu.memory_space<hbm>>
    tpu.wait_dma2 semaphore(%arg19 : memref<!tpu.dma_semaphore, #tpu.memory_space<semaphore_mem>>) src(%arg7 : memref<16x1024xf32, #tpu.memory_space<vmem>>) dst(%dma_wait3A_302 : memref<16x1024xf32, #tpu.memory_space<hbm>>)
    %dma_start3A_303 = arith.constant 208 : i32
    %dma_start3A_304 = tpu.memref_slice %arg5[%dma_start3A_303] : memref<256xi32, #tpu.memory_space<vmem>> -> memref<16xi32, #tpu.memory_space<vmem>>
    %dma_start3A_305 = arith.constant 0 : i32
    %dma_start3A_306 = arith.constant 0 : i32
    %dma_start3A_307 = tpu.memref_slice %arg3[%dma_start3A_305, %dma_start3A_306] : memref<100000x1024xf32, #tpu.memory_space<hbm>> -> memref<100000x1024xf32, #tpu.memory_space<hbm>>
    tpu.enqueue_indirect_dma source(%dma_start3A_307 : memref<100000x1024xf32, #tpu.memory_space<hbm>>) target(%arg7 : memref<16x1024xf32, #tpu.memory_space<vmem>>) offsets(%dma_start3A_304 : memref<16xi32, #tpu.memory_space<vmem>>) semaphore(%arg13 : memref<!tpu.dma_semaphore, #tpu.memory_space<semaphore_mem>>)
    %dma_wait3A_308 = arith.constant 128 : i32
    %dma_wait3A_309 = tpu.memref_slice %arg5[%dma_wait3A_308] : memref<256xi32, #tpu.memory_space<vmem>> -> memref<16xi32, #tpu.memory_space<vmem>>
    %dma_wait3A_310 = arith.constant 0 : i32
    %dma_wait3A_311 = arith.constant 0 : i32
    %dma_wait3A_312 = tpu.memref_slice %arg3[%dma_wait3A_310, %dma_wait3A_311] : memref<100000x1024xf32, #tpu.memory_space<hbm>> -> memref<100000x1024xf32, #tpu.memory_space<hbm>>
    tpu.wait_indirect_dma semaphore(%arg14 : memref<!tpu.dma_semaphore, #tpu.memory_space<semaphore_mem>>) src(%dma_wait3A_312 : memref<100000x1024xf32, #tpu.memory_space<hbm>>) dst(%arg8 : memref<16x1024xf32, #tpu.memory_space<vmem>>)
    %scan3A_313 = arith.constant 0 : i32
    %scan3A_314 = arith.constant 0 : i32
    %scan3A_315 = arith.constant 16 : i32
    %scan3A_316 = arith.addi %scan3A_314, %scan3A_315 : i32
    %scan3A_317 = arith.constant 1 : i32
    %scan3A_318 = scf.for %scan3A_526 = %scan3A_314 to %scan3A_316 step %scan3A_317 iter_args(%scan3A_527 = %scan3A_313) -> (i32)  : i32 {
      %scan3A_528 = arith.constant 0 : i32
      %scan3A_529 = arith.constant 0 : i32
      %scan3A_530 = arith.constant 64 : i32
      %scan3A_531 = arith.addi %scan3A_529, %scan3A_530 : i32
      %scan3A_532 = arith.constant 8 : i32
      %scan3A_533 = scf.for %scan3A_535 = %scan3A_529 to %scan3A_531 step %scan3A_532 iter_args(%scan3A_536 = %scan3A_528) -> (i32)  : i32 {
        %mul3A_537 = arith.constant 16 : i32
        %mul3A_538 = arith.muli %scan3A_535, %mul3A_537 : i32
        %get3A = arith.index_cast %scan3A_526 : i32 to index
        %get3A_539 = arith.index_cast %mul3A_538 : i32 to index
        %get3A_540 = tpu.vector_load %arg8[%get3A, %get3A_539] {strides = array<i32>} : memref<16x1024xf32, #tpu.memory_space<vmem>>, vector<1x16xf32>,
        %get3A_541 = vector.shape_cast %get3A_540 : vector<1x16xf32> to vector<16xf32>
        %mul3A_542 = arith.constant 3.200000e+01 : f32
        %mul3A_543 = vector.broadcast %mul3A_542 : f32 to vector<16xf32>
        %mul3A_544 = arith.mulf %get3A_541, %mul3A_543 : vector<16xf32>
        %mul3A_545 = arith.constant 16 : i32
        %mul3A_546 = arith.muli %scan3A_535, %mul3A_545 : i32
        %swap3A = arith.index_cast %scan3A_526 : i32 to index
        %swap3A_547 = arith.index_cast %mul3A_546 : i32 to index
        %swap3A_548 = tpu.vector_load %arg8[%swap3A, %swap3A_547] {strides = array<i32>} : memref<16x1024xf32, #tpu.memory_space<vmem>>, vector<1x16xf32>,
        %swap3A_549 = vector.shape_cast %swap3A_548 : vector<1x16xf32> to vector<16xf32>
        %swap3A_550 = vector.shape_cast %mul3A_544 : vector<16xf32> to vector<1x16xf32>
        tpu.vector_store %arg8[%swap3A, %swap3A_547], %swap3A_550 {strides = array<i32>} : memref<16x1024xf32, #tpu.memory_space<vmem>>, vector<1x16xf32>,
        %scan3A_551 = arith.constant 0 : i32
        %scan3A_552 = arith.constant 1 : i32
        %scan3A_553 = arith.addi %scan3A_535, %scan3A_552 : i32
        %mul3A_554 = arith.constant 16 : i32
        %mul3A_555 = arith.muli %scan3A_553, %mul3A_554 : i32
        %get3A_556 = arith.index_cast %scan3A_526 : i32 to index
        %get3A_557 = arith.index_cast %mul3A_555 : i32 to index
        %get3A_558 = tpu.vector_load %arg8[%get3A_556, %get3A_557] {strides = array<i32>} : memref<16x1024xf32, #tpu.memory_space<vmem>>, vector<1x16xf32>,
        %get3A_559 = vector.shape_cast %get3A_558 : vector<1x16xf32> to vector<16xf32>
        %mul3A_560 = arith.constant 3.200000e+01 : f32
        %mul3A_561 = vector.broadcast %mul3A_560 : f32 to vector<16xf32>
        %mul3A_562 = arith.mulf %get3A_559, %mul3A_561 : vector<16xf32>
        %mul3A_563 = arith.constant 16 : i32
        %mul3A_564 = arith.muli %scan3A_553, %mul3A_563 : i32
        %swap3A_565 = arith.index_cast %scan3A_526 : i32 to index
        %swap3A_566 = arith.index_cast %mul3A_564 : i32 to index
        %swap3A_567 = tpu.vector_load %arg8[%swap3A_565, %swap3A_566] {strides = array<i32>} : memref<16x1024xf32, #tpu.memory_space<vmem>>, vector<1x16xf32>,
        %swap3A_568 = vector.shape_cast %swap3A_567 : vector<1x16xf32> to vector<16xf32>
        %swap3A_569 = vector.shape_cast %mul3A_562 : vector<16xf32> to vector<1x16xf32>
        tpu.vector_store %arg8[%swap3A_565, %swap3A_566], %swap3A_569 {strides = array<i32>} : memref<16x1024xf32, #tpu.memory_space<vmem>>, vector<1x16xf32>,
        %scan3A_570 = arith.constant 0 : i32
        %scan3A_571 = arith.constant 2 : i32
        %scan3A_572 = arith.addi %scan3A_535, %scan3A_571 : i32
        %mul3A_573 = arith.constant 16 : i32
        %mul3A_574 = arith.muli %scan3A_572, %mul3A_573 : i32
        %get3A_575 = arith.index_cast %scan3A_526 : i32 to index
        %get3A_576 = arith.index_cast %mul3A_574 : i32 to index
        %get3A_577 = tpu.vector_load %arg8[%get3A_575, %get3A_576] {strides = array<i32>} : memref<16x1024xf32, #tpu.memory_space<vmem>>, vector<1x16xf32>,
        %get3A_578 = vector.shape_cast %get3A_577 : vector<1x16xf32> to vector<16xf32>
        %mul3A_579 = arith.constant 3.200000e+01 : f32
        %mul3A_580 = vector.broadcast %mul3A_579 : f32 to vector<16xf32>
        %mul3A_581 = arith.mulf %get3A_578, %mul3A_580 : vector<16xf32>
        %mul3A_582 = arith.constant 16 : i32
        %mul3A_583 = arith.muli %scan3A_572, %mul3A_582 : i32
        %swap3A_584 = arith.index_cast %scan3A_526 : i32 to index
        %swap3A_585 = arith.index_cast %mul3A_583 : i32 to index
        %swap3A_586 = tpu.vector_load %arg8[%swap3A_584, %swap3A_585] {strides = array<i32>} : memref<16x1024xf32, #tpu.memory_space<vmem>>, vector<1x16xf32>,
        %swap3A_587 = vector.shape_cast %swap3A_586 : vector<1x16xf32> to vector<16xf32>
        %swap3A_588 = vector.shape_cast %mul3A_581 : vector<16xf32> to vector<1x16xf32>
        tpu.vector_store %arg8[%swap3A_584, %swap3A_585], %swap3A_588 {strides = array<i32>} : memref<16x1024xf32, #tpu.memory_space<vmem>>, vector<1x16xf32>,
        %scan3A_589 = arith.constant 0 : i32
        %scan3A_590 = arith.constant 3 : i32
        %scan3A_591 = arith.addi %scan3A_535, %scan3A_590 : i32
        %mul3A_592 = arith.constant 16 : i32
        %mul3A_593 = arith.muli %scan3A_591, %mul3A_592 : i32
        %get3A_594 = arith.index_cast %scan3A_526 : i32 to index
        %get3A_595 = arith.index_cast %mul3A_593 : i32 to index
        %get3A_596 = tpu.vector_load %arg8[%get3A_594, %get3A_595] {strides = array<i32>} : memref<16x1024xf32, #tpu.memory_space<vmem>>, vector<1x16xf32>,
        %get3A_597 = vector.shape_cast %get3A_596 : vector<1x16xf32> to vector<16xf32>
        %mul3A_598 = arith.constant 3.200000e+01 : f32
        %mul3A_599 = vector.broadcast %mul3A_598 : f32 to vector<16xf32>
        %mul3A_600 = arith.mulf %get3A_597, %mul3A_599 : vector<16xf32>
        %mul3A_601 = arith.constant 16 : i32
        %mul3A_602 = arith.muli %scan3A_591, %mul3A_601 : i32
        %swap3A_603 = arith.index_cast %scan3A_526 : i32 to index
        %swap3A_604 = arith.index_cast %mul3A_602 : i32 to index
        %swap3A_605 = tpu.vector_load %arg8[%swap3A_603, %swap3A_604] {strides = array<i32>} : memref<16x1024xf32, #tpu.memory_space<vmem>>, vector<1x16xf32>,
        %swap3A_606 = vector.shape_cast %swap3A_605 : vector<1x16xf32> to vector<16xf32>
        %swap3A_607 = vector.shape_cast %mul3A_600 : vector<16xf32> to vector<1x16xf32>
        tpu.vector_store %arg8[%swap3A_603, %swap3A_604], %swap3A_607 {strides = array<i32>} : memref<16x1024xf32, #tpu.memory_space<vmem>>, vector<1x16xf32>,
        %scan3A_608 = arith.constant 0 : i32
        %scan3A_609 = arith.constant 4 : i32
        %scan3A_610 = arith.addi %scan3A_535, %scan3A_609 : i32
        %mul3A_611 = arith.constant 16 : i32
        %mul3A_612 = arith.muli %scan3A_610, %mul3A_611 : i32
        %get3A_613 = arith.index_cast %scan3A_526 : i32 to index
        %get3A_614 = arith.index_cast %mul3A_612 : i32 to index
        %get3A_615 = tpu.vector_load %arg8[%get3A_613, %get3A_614] {strides = array<i32>} : memref<16x1024xf32, #tpu.memory_space<vmem>>, vector<1x16xf32>,
        %get3A_616 = vector.shape_cast %get3A_615 : vector<1x16xf32> to vector<16xf32>
        %mul3A_617 = arith.constant 3.200000e+01 : f32
        %mul3A_618 = vector.broadcast %mul3A_617 : f32 to vector<16xf32>
        %mul3A_619 = arith.mulf %get3A_616, %mul3A_618 : vector<16xf32>
        %mul3A_620 = arith.constant 16 : i32
        %mul3A_621 = arith.muli %scan3A_610, %mul3A_620 : i32
        %swap3A_622 = arith.index_cast %scan3A_526 : i32 to index
        %swap3A_623 = arith.index_cast %mul3A_621 : i32 to index
        %swap3A_624 = tpu.vector_load %arg8[%swap3A_622, %swap3A_623] {strides = array<i32>} : memref<16x1024xf32, #tpu.memory_space<vmem>>, vector<1x16xf32>,
        %swap3A_625 = vector.shape_cast %swap3A_624 : vector<1x16xf32> to vector<16xf32>
        %swap3A_626 = vector.shape_cast %mul3A_619 : vector<16xf32> to vector<1x16xf32>
        tpu.vector_store %arg8[%swap3A_622, %swap3A_623], %swap3A_626 {strides = array<i32>} : memref<16x1024xf32, #tpu.memory_space<vmem>>, vector<1x16xf32>,
        %scan3A_627 = arith.constant 0 : i32
        %scan3A_628 = arith.constant 5 : i32
        %scan3A_629 = arith.addi %scan3A_535, %scan3A_628 : i32
        %mul3A_630 = arith.constant 16 : i32
        %mul3A_631 = arith.muli %scan3A_629, %mul3A_630 : i32
        %get3A_632 = arith.index_cast %scan3A_526 : i32 to index
        %get3A_633 = arith.index_cast %mul3A_631 : i32 to index
        %get3A_634 = tpu.vector_load %arg8[%get3A_632, %get3A_633] {strides = array<i32>} : memref<16x1024xf32, #tpu.memory_space<vmem>>, vector<1x16xf32>,
        %get3A_635 = vector.shape_cast %get3A_634 : vector<1x16xf32> to vector<16xf32>
        %mul3A_636 = arith.constant 3.200000e+01 : f32
        %mul3A_637 = vector.broadcast %mul3A_636 : f32 to vector<16xf32>
        %mul3A_638 = arith.mulf %get3A_635, %mul3A_637 : vector<16xf32>
        %mul3A_639 = arith.constant 16 : i32
        %mul3A_640 = arith.muli %scan3A_629, %mul3A_639 : i32
        %swap3A_641 = arith.index_cast %scan3A_526 : i32 to index
        %swap3A_642 = arith.index_cast %mul3A_640 : i32 to index
        %swap3A_643 = tpu.vector_load %arg8[%swap3A_641, %swap3A_642] {strides = array<i32>} : memref<16x1024xf32, #tpu.memory_space<vmem>>, vector<1x16xf32>,
        %swap3A_644 = vector.shape_cast %swap3A_643 : vector<1x16xf32> to vector<16xf32>
        %swap3A_645 = vector.shape_cast %mul3A_638 : vector<16xf32> to vector<1x16xf32>
        tpu.vector_store %arg8[%swap3A_641, %swap3A_642], %swap3A_645 {strides = array<i32>} : memref<16x1024xf32, #tpu.memory_space<vmem>>, vector<1x16xf32>,
        %scan3A_646 = arith.constant 0 : i32
        %scan3A_647 = arith.constant 6 : i32
        %scan3A_648 = arith.addi %scan3A_535, %scan3A_647 : i32
        %mul3A_649 = arith.constant 16 : i32
        %mul3A_650 = arith.muli %scan3A_648, %mul3A_649 : i32
        %get3A_651 = arith.index_cast %scan3A_526 : i32 to index
        %get3A_652 = arith.index_cast %mul3A_650 : i32 to index
        %get3A_653 = tpu.vector_load %arg8[%get3A_651, %get3A_652] {strides = array<i32>} : memref<16x1024xf32, #tpu.memory_space<vmem>>, vector<1x16xf32>,
        %get3A_654 = vector.shape_cast %get3A_653 : vector<1x16xf32> to vector<16xf32>
        %mul3A_655 = arith.constant 3.200000e+01 : f32
        %mul3A_656 = vector.broadcast %mul3A_655 : f32 to vector<16xf32>
        %mul3A_657 = arith.mulf %get3A_654, %mul3A_656 : vector<16xf32>
        %mul3A_658 = arith.constant 16 : i32
        %mul3A_659 = arith.muli %scan3A_648, %mul3A_658 : i32
        %swap3A_660 = arith.index_cast %scan3A_526 : i32 to index
        %swap3A_661 = arith.index_cast %mul3A_659 : i32 to index
        %swap3A_662 = tpu.vector_load %arg8[%swap3A_660, %swap3A_661] {strides = array<i32>} : memref<16x1024xf32, #tpu.memory_space<vmem>>, vector<1x16xf32>,
        %swap3A_663 = vector.shape_cast %swap3A_662 : vector<1x16xf32> to vector<16xf32>
        %swap3A_664 = vector.shape_cast %mul3A_657 : vector<16xf32> to vector<1x16xf32>
        tpu.vector_store %arg8[%swap3A_660, %swap3A_661], %swap3A_664 {strides = array<i32>} : memref<16x1024xf32, #tpu.memory_space<vmem>>, vector<1x16xf32>,
        %scan3A_665 = arith.constant 0 : i32
        %scan3A_666 = arith.constant 7 : i32
        %scan3A_667 = arith.addi %scan3A_535, %scan3A_666 : i32
        %mul3A_668 = arith.constant 16 : i32
        %mul3A_669 = arith.muli %scan3A_667, %mul3A_668 : i32
        %get3A_670 = arith.index_cast %scan3A_526 : i32 to index
        %get3A_671 = arith.index_cast %mul3A_669 : i32 to index
        %get3A_672 = tpu.vector_load %arg8[%get3A_670, %get3A_671] {strides = array<i32>} : memref<16x1024xf32, #tpu.memory_space<vmem>>, vector<1x16xf32>,
        %get3A_673 = vector.shape_cast %get3A_672 : vector<1x16xf32> to vector<16xf32>
        %mul3A_674 = arith.constant 3.200000e+01 : f32
        %mul3A_675 = vector.broadcast %mul3A_674 : f32 to vector<16xf32>
        %mul3A_676 = arith.mulf %get3A_673, %mul3A_675 : vector<16xf32>
        %mul3A_677 = arith.constant 16 : i32
        %mul3A_678 = arith.muli %scan3A_667, %mul3A_677 : i32
        %swap3A_679 = arith.index_cast %scan3A_526 : i32 to index
        %swap3A_680 = arith.index_cast %mul3A_678 : i32 to index
        %swap3A_681 = tpu.vector_load %arg8[%swap3A_679, %swap3A_680] {strides = array<i32>} : memref<16x1024xf32, #tpu.memory_space<vmem>>, vector<1x16xf32>,
        %swap3A_682 = vector.shape_cast %swap3A_681 : vector<1x16xf32> to vector<16xf32>
        %swap3A_683 = vector.shape_cast %mul3A_676 : vector<16xf32> to vector<1x16xf32>
        tpu.vector_store %arg8[%swap3A_679, %swap3A_680], %swap3A_683 {strides = array<i32>} : memref<16x1024xf32, #tpu.memory_space<vmem>>, vector<1x16xf32>,
        %scan3A_684 = arith.constant 0 : i32
        scf.yield %scan3A_684 : i32
      }
      %scan3A_534 = arith.constant 64 : i32
      scf.yield %scan3A_533 : i32
    }
    %scan3A_319 = arith.constant 16 : i32
    %add3A_320 = arith.constant 128 : i32
    %add3A_321 = arith.addi %mul3A_32, %add3A_320 : i32
    %dma_start3A_322 = arith.constant 0 : i32
    %dma_start3A_323 = tpu.memref_slice %arg4[%select_n3A, %add3A_321, %dma_start3A_322] : memref<4x2048x1024xf32, #tpu.memory_space<hbm>> -> memref<1x16x1024xf32, #tpu.memory_space<hbm>>
    %dma_start3A_324 = tpu.memref_squeeze %dma_start3A_323 : memref<1x16x1024xf32, #tpu.memory_space<hbm>> -> memref<16x1024xf32, #tpu.memory_space<hbm>>
    %dma_start3A_325 = arith.constant 0 : i32
    %dma_start3A_326 = tpu.memref_slice %arg4[%select_n3A, %add3A_321, %dma_start3A_325] : memref<4x2048x1024xf32, #tpu.memory_space<hbm>> -> memref<1x16x1024xf32, #tpu.memory_space<hbm>>
    %dma_start3A_327 = tpu.memref_squeeze %dma_start3A_326 : memref<1x16x1024xf32, #tpu.memory_space<hbm>> -> memref<16x1024xf32, #tpu.memory_space<hbm>>
    tpu.enqueue_dma source(%arg8 : memref<16x1024xf32, #tpu.memory_space<vmem>>) target(%dma_start3A_327 : memref<16x1024xf32, #tpu.memory_space<hbm>>) target_semaphore(%arg20 : memref<!tpu.dma_semaphore, #tpu.memory_space<semaphore_mem>>)
    %dma_wait3A_328 = arith.constant 0 : i32
    %dma_wait3A_329 = tpu.memref_slice %arg4[%select_n3A, %add3A_321, %dma_wait3A_328] : memref<4x2048x1024xf32, #tpu.memory_space<hbm>> -> memref<1x16x1024xf32, #tpu.memory_space<hbm>>
    %dma_wait3A_330 = tpu.memref_squeeze %dma_wait3A_329 : memref<1x16x1024xf32, #tpu.memory_space<hbm>> -> memref<16x1024xf32, #tpu.memory_space<hbm>>
    %dma_wait3A_331 = arith.constant 0 : i32
    %dma_wait3A_332 = tpu.memref_slice %arg4[%select_n3A, %add3A_321, %dma_wait3A_331] : memref<4x2048x1024xf32, #tpu.memory_space<hbm>> -> memref<1x16x1024xf32, #tpu.memory_space<hbm>>
    %dma_wait3A_333 = tpu.memref_squeeze %dma_wait3A_332 : memref<1x16x1024xf32, #tpu.memory_space<hbm>> -> memref<16x1024xf32, #tpu.memory_space<hbm>>
    tpu.wait_dma2 semaphore(%arg20 : memref<!tpu.dma_semaphore, #tpu.memory_space<semaphore_mem>>) src(%arg8 : memref<16x1024xf32, #tpu.memory_space<vmem>>) dst(%dma_wait3A_333 : memref<16x1024xf32, #tpu.memory_space<hbm>>)
    %dma_start3A_334 = arith.constant 224 : i32
    %dma_start3A_335 = tpu.memref_slice %arg5[%dma_start3A_334] : memref<256xi32, #tpu.memory_space<vmem>> -> memref<16xi32, #tpu.memory_space<vmem>>
    %dma_start3A_336 = arith.constant 0 : i32
    %dma_start3A_337 = arith.constant 0 : i32
    %dma_start3A_338 = tpu.memref_slice %arg3[%dma_start3A_336, %dma_start3A_337] : memref<100000x1024xf32, #tpu.memory_space<hbm>> -> memref<100000x1024xf32, #tpu.memory_space<hbm>>
    tpu.enqueue_indirect_dma source(%dma_start3A_338 : memref<100000x1024xf32, #tpu.memory_space<hbm>>) target(%arg8 : memref<16x1024xf32, #tpu.memory_space<vmem>>) offsets(%dma_start3A_335 : memref<16xi32, #tpu.memory_space<vmem>>) semaphore(%arg14 : memref<!tpu.dma_semaphore, #tpu.memory_space<semaphore_mem>>)
    %dma_wait3A_339 = arith.constant 144 : i32
    %dma_wait3A_340 = tpu.memref_slice %arg5[%dma_wait3A_339] : memref<256xi32, #tpu.memory_space<vmem>> -> memref<16xi32, #tpu.memory_space<vmem>>
    %dma_wait3A_341 = arith.constant 0 : i32
    %dma_wait3A_342 = arith.constant 0 : i32
    %dma_wait3A_343 = tpu.memref_slice %arg3[%dma_wait3A_341, %dma_wait3A_342] : memref<100000x1024xf32, #tpu.memory_space<hbm>> -> memref<100000x1024xf32, #tpu.memory_space<hbm>>
    tpu.wait_indirect_dma semaphore(%arg15 : memref<!tpu.dma_semaphore, #tpu.memory_space<semaphore_mem>>) src(%dma_wait3A_343 : memref<100000x1024xf32, #tpu.memory_space<hbm>>) dst(%arg9 : memref<16x1024xf32, #tpu.memory_space<vmem>>)
    %scan3A_344 = arith.constant 0 : i32
    %scan3A_345 = arith.constant 0 : i32
    %scan3A_346 = arith.constant 16 : i32
    %scan3A_347 = arith.addi %scan3A_345, %scan3A_346 : i32
    %scan3A_348 = arith.constant 1 : i32
    %scan3A_349 = scf.for %scan3A_526 = %scan3A_345 to %scan3A_347 step %scan3A_348 iter_args(%scan3A_527 = %scan3A_344) -> (i32)  : i32 {
      %scan3A_528 = arith.constant 0 : i32
      %scan3A_529 = arith.constant 0 : i32
      %scan3A_530 = arith.constant 64 : i32
      %scan3A_531 = arith.addi %scan3A_529, %scan3A_530 : i32
      %scan3A_532 = arith.constant 8 : i32
      %scan3A_533 = scf.for %scan3A_535 = %scan3A_529 to %scan3A_531 step %scan3A_532 iter_args(%scan3A_536 = %scan3A_528) -> (i32)  : i32 {
        %mul3A_537 = arith.constant 16 : i32
        %mul3A_538 = arith.muli %scan3A_535, %mul3A_537 : i32
        %get3A = arith.index_cast %scan3A_526 : i32 to index
        %get3A_539 = arith.index_cast %mul3A_538 : i32 to index
        %get3A_540 = tpu.vector_load %arg9[%get3A, %get3A_539] {strides = array<i32>} : memref<16x1024xf32, #tpu.memory_space<vmem>>, vector<1x16xf32>,
        %get3A_541 = vector.shape_cast %get3A_540 : vector<1x16xf32> to vector<16xf32>
        %mul3A_542 = arith.constant 3.200000e+01 : f32
        %mul3A_543 = vector.broadcast %mul3A_542 : f32 to vector<16xf32>
        %mul3A_544 = arith.mulf %get3A_541, %mul3A_543 : vector<16xf32>
        %mul3A_545 = arith.constant 16 : i32
        %mul3A_546 = arith.muli %scan3A_535, %mul3A_545 : i32
        %swap3A = arith.index_cast %scan3A_526 : i32 to index
        %swap3A_547 = arith.index_cast %mul3A_546 : i32 to index
        %swap3A_548 = tpu.vector_load %arg9[%swap3A, %swap3A_547] {strides = array<i32>} : memref<16x1024xf32, #tpu.memory_space<vmem>>, vector<1x16xf32>,
        %swap3A_549 = vector.shape_cast %swap3A_548 : vector<1x16xf32> to vector<16xf32>
        %swap3A_550 = vector.shape_cast %mul3A_544 : vector<16xf32> to vector<1x16xf32>
        tpu.vector_store %arg9[%swap3A, %swap3A_547], %swap3A_550 {strides = array<i32>} : memref<16x1024xf32, #tpu.memory_space<vmem>>, vector<1x16xf32>,
        %scan3A_551 = arith.constant 0 : i32
        %scan3A_552 = arith.constant 1 : i32
        %scan3A_553 = arith.addi %scan3A_535, %scan3A_552 : i32
        %mul3A_554 = arith.constant 16 : i32
        %mul3A_555 = arith.muli %scan3A_553, %mul3A_554 : i32
        %get3A_556 = arith.index_cast %scan3A_526 : i32 to index
        %get3A_557 = arith.index_cast %mul3A_555 : i32 to index
        %get3A_558 = tpu.vector_load %arg9[%get3A_556, %get3A_557] {strides = array<i32>} : memref<16x1024xf32, #tpu.memory_space<vmem>>, vector<1x16xf32>,
        %get3A_559 = vector.shape_cast %get3A_558 : vector<1x16xf32> to vector<16xf32>
        %mul3A_560 = arith.constant 3.200000e+01 : f32
        %mul3A_561 = vector.broadcast %mul3A_560 : f32 to vector<16xf32>
        %mul3A_562 = arith.mulf %get3A_559, %mul3A_561 : vector<16xf32>
        %mul3A_563 = arith.constant 16 : i32
        %mul3A_564 = arith.muli %scan3A_553, %mul3A_563 : i32
        %swap3A_565 = arith.index_cast %scan3A_526 : i32 to index
        %swap3A_566 = arith.index_cast %mul3A_564 : i32 to index
        %swap3A_567 = tpu.vector_load %arg9[%swap3A_565, %swap3A_566] {strides = array<i32>} : memref<16x1024xf32, #tpu.memory_space<vmem>>, vector<1x16xf32>,
        %swap3A_568 = vector.shape_cast %swap3A_567 : vector<1x16xf32> to vector<16xf32>
        %swap3A_569 = vector.shape_cast %mul3A_562 : vector<16xf32> to vector<1x16xf32>
        tpu.vector_store %arg9[%swap3A_565, %swap3A_566], %swap3A_569 {strides = array<i32>} : memref<16x1024xf32, #tpu.memory_space<vmem>>, vector<1x16xf32>,
        %scan3A_570 = arith.constant 0 : i32
        %scan3A_571 = arith.constant 2 : i32
        %scan3A_572 = arith.addi %scan3A_535, %scan3A_571 : i32
        %mul3A_573 = arith.constant 16 : i32
        %mul3A_574 = arith.muli %scan3A_572, %mul3A_573 : i32
        %get3A_575 = arith.index_cast %scan3A_526 : i32 to index
        %get3A_576 = arith.index_cast %mul3A_574 : i32 to index
        %get3A_577 = tpu.vector_load %arg9[%get3A_575, %get3A_576] {strides = array<i32>} : memref<16x1024xf32, #tpu.memory_space<vmem>>, vector<1x16xf32>,
        %get3A_578 = vector.shape_cast %get3A_577 : vector<1x16xf32> to vector<16xf32>
        %mul3A_579 = arith.constant 3.200000e+01 : f32
        %mul3A_580 = vector.broadcast %mul3A_579 : f32 to vector<16xf32>
        %mul3A_581 = arith.mulf %get3A_578, %mul3A_580 : vector<16xf32>
        %mul3A_582 = arith.constant 16 : i32
        %mul3A_583 = arith.muli %scan3A_572, %mul3A_582 : i32
        %swap3A_584 = arith.index_cast %scan3A_526 : i32 to index
        %swap3A_585 = arith.index_cast %mul3A_583 : i32 to index
        %swap3A_586 = tpu.vector_load %arg9[%swap3A_584, %swap3A_585] {strides = array<i32>} : memref<16x1024xf32, #tpu.memory_space<vmem>>, vector<1x16xf32>,
        %swap3A_587 = vector.shape_cast %swap3A_586 : vector<1x16xf32> to vector<16xf32>
        %swap3A_588 = vector.shape_cast %mul3A_581 : vector<16xf32> to vector<1x16xf32>
        tpu.vector_store %arg9[%swap3A_584, %swap3A_585], %swap3A_588 {strides = array<i32>} : memref<16x1024xf32, #tpu.memory_space<vmem>>, vector<1x16xf32>,
        %scan3A_589 = arith.constant 0 : i32
        %scan3A_590 = arith.constant 3 : i32
        %scan3A_591 = arith.addi %scan3A_535, %scan3A_590 : i32
        %mul3A_592 = arith.constant 16 : i32
        %mul3A_593 = arith.muli %scan3A_591, %mul3A_592 : i32
        %get3A_594 = arith.index_cast %scan3A_526 : i32 to index
        %get3A_595 = arith.index_cast %mul3A_593 : i32 to index
        %get3A_596 = tpu.vector_load %arg9[%get3A_594, %get3A_595] {strides = array<i32>} : memref<16x1024xf32, #tpu.memory_space<vmem>>, vector<1x16xf32>,
        %get3A_597 = vector.shape_cast %get3A_596 : vector<1x16xf32> to vector<16xf32>
        %mul3A_598 = arith.constant 3.200000e+01 : f32
        %mul3A_599 = vector.broadcast %mul3A_598 : f32 to vector<16xf32>
        %mul3A_600 = arith.mulf %get3A_597, %mul3A_599 : vector<16xf32>
        %mul3A_601 = arith.constant 16 : i32
        %mul3A_602 = arith.muli %scan3A_591, %mul3A_601 : i32
        %swap3A_603 = arith.index_cast %scan3A_526 : i32 to index
        %swap3A_604 = arith.index_cast %mul3A_602 : i32 to index
        %swap3A_605 = tpu.vector_load %arg9[%swap3A_603, %swap3A_604] {strides = array<i32>} : memref<16x1024xf32, #tpu.memory_space<vmem>>, vector<1x16xf32>,
        %swap3A_606 = vector.shape_cast %swap3A_605 : vector<1x16xf32> to vector<16xf32>
        %swap3A_607 = vector.shape_cast %mul3A_600 : vector<16xf32> to vector<1x16xf32>
        tpu.vector_store %arg9[%swap3A_603, %swap3A_604], %swap3A_607 {strides = array<i32>} : memref<16x1024xf32, #tpu.memory_space<vmem>>, vector<1x16xf32>,
        %scan3A_608 = arith.constant 0 : i32
        %scan3A_609 = arith.constant 4 : i32
        %scan3A_610 = arith.addi %scan3A_535, %scan3A_609 : i32
        %mul3A_611 = arith.constant 16 : i32
        %mul3A_612 = arith.muli %scan3A_610, %mul3A_611 : i32
        %get3A_613 = arith.index_cast %scan3A_526 : i32 to index
        %get3A_614 = arith.index_cast %mul3A_612 : i32 to index
        %get3A_615 = tpu.vector_load %arg9[%get3A_613, %get3A_614] {strides = array<i32>} : memref<16x1024xf32, #tpu.memory_space<vmem>>, vector<1x16xf32>,
        %get3A_616 = vector.shape_cast %get3A_615 : vector<1x16xf32> to vector<16xf32>
        %mul3A_617 = arith.constant 3.200000e+01 : f32
        %mul3A_618 = vector.broadcast %mul3A_617 : f32 to vector<16xf32>
        %mul3A_619 = arith.mulf %get3A_616, %mul3A_618 : vector<16xf32>
        %mul3A_620 = arith.constant 16 : i32
        %mul3A_621 = arith.muli %scan3A_610, %mul3A_620 : i32
        %swap3A_622 = arith.index_cast %scan3A_526 : i32 to index
        %swap3A_623 = arith.index_cast %mul3A_621 : i32 to index
        %swap3A_624 = tpu.vector_load %arg9[%swap3A_622, %swap3A_623] {strides = array<i32>} : memref<16x1024xf32, #tpu.memory_space<vmem>>, vector<1x16xf32>,
        %swap3A_625 = vector.shape_cast %swap3A_624 : vector<1x16xf32> to vector<16xf32>
        %swap3A_626 = vector.shape_cast %mul3A_619 : vector<16xf32> to vector<1x16xf32>
        tpu.vector_store %arg9[%swap3A_622, %swap3A_623], %swap3A_626 {strides = array<i32>} : memref<16x1024xf32, #tpu.memory_space<vmem>>, vector<1x16xf32>,
        %scan3A_627 = arith.constant 0 : i32
        %scan3A_628 = arith.constant 5 : i32
        %scan3A_629 = arith.addi %scan3A_535, %scan3A_628 : i32
        %mul3A_630 = arith.constant 16 : i32
        %mul3A_631 = arith.muli %scan3A_629, %mul3A_630 : i32
        %get3A_632 = arith.index_cast %scan3A_526 : i32 to index
        %get3A_633 = arith.index_cast %mul3A_631 : i32 to index
        %get3A_634 = tpu.vector_load %arg9[%get3A_632, %get3A_633] {strides = array<i32>} : memref<16x1024xf32, #tpu.memory_space<vmem>>, vector<1x16xf32>,
        %get3A_635 = vector.shape_cast %get3A_634 : vector<1x16xf32> to vector<16xf32>
        %mul3A_636 = arith.constant 3.200000e+01 : f32
        %mul3A_637 = vector.broadcast %mul3A_636 : f32 to vector<16xf32>
        %mul3A_638 = arith.mulf %get3A_635, %mul3A_637 : vector<16xf32>
        %mul3A_639 = arith.constant 16 : i32
        %mul3A_640 = arith.muli %scan3A_629, %mul3A_639 : i32
        %swap3A_641 = arith.index_cast %scan3A_526 : i32 to index
        %swap3A_642 = arith.index_cast %mul3A_640 : i32 to index
        %swap3A_643 = tpu.vector_load %arg9[%swap3A_641, %swap3A_642] {strides = array<i32>} : memref<16x1024xf32, #tpu.memory_space<vmem>>, vector<1x16xf32>,
        %swap3A_644 = vector.shape_cast %swap3A_643 : vector<1x16xf32> to vector<16xf32>
        %swap3A_645 = vector.shape_cast %mul3A_638 : vector<16xf32> to vector<1x16xf32>
        tpu.vector_store %arg9[%swap3A_641, %swap3A_642], %swap3A_645 {strides = array<i32>} : memref<16x1024xf32, #tpu.memory_space<vmem>>, vector<1x16xf32>,
        %scan3A_646 = arith.constant 0 : i32
        %scan3A_647 = arith.constant 6 : i32
        %scan3A_648 = arith.addi %scan3A_535, %scan3A_647 : i32
        %mul3A_649 = arith.constant 16 : i32
        %mul3A_650 = arith.muli %scan3A_648, %mul3A_649 : i32
        %get3A_651 = arith.index_cast %scan3A_526 : i32 to index
        %get3A_652 = arith.index_cast %mul3A_650 : i32 to index
        %get3A_653 = tpu.vector_load %arg9[%get3A_651, %get3A_652] {strides = array<i32>} : memref<16x1024xf32, #tpu.memory_space<vmem>>, vector<1x16xf32>,
        %get3A_654 = vector.shape_cast %get3A_653 : vector<1x16xf32> to vector<16xf32>
        %mul3A_655 = arith.constant 3.200000e+01 : f32
        %mul3A_656 = vector.broadcast %mul3A_655 : f32 to vector<16xf32>
        %mul3A_657 = arith.mulf %get3A_654, %mul3A_656 : vector<16xf32>
        %mul3A_658 = arith.constant 16 : i32
        %mul3A_659 = arith.muli %scan3A_648, %mul3A_658 : i32
        %swap3A_660 = arith.index_cast %scan3A_526 : i32 to index
        %swap3A_661 = arith.index_cast %mul3A_659 : i32 to index
        %swap3A_662 = tpu.vector_load %arg9[%swap3A_660, %swap3A_661] {strides = array<i32>} : memref<16x1024xf32, #tpu.memory_space<vmem>>, vector<1x16xf32>,
        %swap3A_663 = vector.shape_cast %swap3A_662 : vector<1x16xf32> to vector<16xf32>
        %swap3A_664 = vector.shape_cast %mul3A_657 : vector<16xf32> to vector<1x16xf32>
        tpu.vector_store %arg9[%swap3A_660, %swap3A_661], %swap3A_664 {strides = array<i32>} : memref<16x1024xf32, #tpu.memory_space<vmem>>, vector<1x16xf32>,
        %scan3A_665 = arith.constant 0 : i32
        %scan3A_666 = arith.constant 7 : i32
        %scan3A_667 = arith.addi %scan3A_535, %scan3A_666 : i32
        %mul3A_668 = arith.constant 16 : i32
        %mul3A_669 = arith.muli %scan3A_667, %mul3A_668 : i32
        %get3A_670 = arith.index_cast %scan3A_526 : i32 to index
        %get3A_671 = arith.index_cast %mul3A_669 : i32 to index
        %get3A_672 = tpu.vector_load %arg9[%get3A_670, %get3A_671] {strides = array<i32>} : memref<16x1024xf32, #tpu.memory_space<vmem>>, vector<1x16xf32>,
        %get3A_673 = vector.shape_cast %get3A_672 : vector<1x16xf32> to vector<16xf32>
        %mul3A_674 = arith.constant 3.200000e+01 : f32
        %mul3A_675 = vector.broadcast %mul3A_674 : f32 to vector<16xf32>
        %mul3A_676 = arith.mulf %get3A_673, %mul3A_675 : vector<16xf32>
        %mul3A_677 = arith.constant 16 : i32
        %mul3A_678 = arith.muli %scan3A_667, %mul3A_677 : i32
        %swap3A_679 = arith.index_cast %scan3A_526 : i32 to index
        %swap3A_680 = arith.index_cast %mul3A_678 : i32 to index
        %swap3A_681 = tpu.vector_load %arg9[%swap3A_679, %swap3A_680] {strides = array<i32>} : memref<16x1024xf32, #tpu.memory_space<vmem>>, vector<1x16xf32>,
        %swap3A_682 = vector.shape_cast %swap3A_681 : vector<1x16xf32> to vector<16xf32>
        %swap3A_683 = vector.shape_cast %mul3A_676 : vector<16xf32> to vector<1x16xf32>
        tpu.vector_store %arg9[%swap3A_679, %swap3A_680], %swap3A_683 {strides = array<i32>} : memref<16x1024xf32, #tpu.memory_space<vmem>>, vector<1x16xf32>,
        %scan3A_684 = arith.constant 0 : i32
        scf.yield %scan3A_684 : i32
      }
      %scan3A_534 = arith.constant 64 : i32
      scf.yield %scan3A_533 : i32
    }
    %scan3A_350 = arith.constant 16 : i32
    %add3A_351 = arith.constant 144 : i32
    %add3A_352 = arith.addi %mul3A_32, %add3A_351 : i32
    %dma_start3A_353 = arith.constant 0 : i32
    %dma_start3A_354 = tpu.memref_slice %arg4[%select_n3A, %add3A_352, %dma_start3A_353] : memref<4x2048x1024xf32, #tpu.memory_space<hbm>> -> memref<1x16x1024xf32, #tpu.memory_space<hbm>>
    %dma_start3A_355 = tpu.memref_squeeze %dma_start3A_354 : memref<1x16x1024xf32, #tpu.memory_space<hbm>> -> memref<16x1024xf32, #tpu.memory_space<hbm>>
    %dma_start3A_356 = arith.constant 0 : i32
    %dma_start3A_357 = tpu.memref_slice %arg4[%select_n3A, %add3A_352, %dma_start3A_356] : memref<4x2048x1024xf32, #tpu.memory_space<hbm>> -> memref<1x16x1024xf32, #tpu.memory_space<hbm>>
    %dma_start3A_358 = tpu.memref_squeeze %dma_start3A_357 : memref<1x16x1024xf32, #tpu.memory_space<hbm>> -> memref<16x1024xf32, #tpu.memory_space<hbm>>
    tpu.enqueue_dma source(%arg9 : memref<16x1024xf32, #tpu.memory_space<vmem>>) target(%dma_start3A_358 : memref<16x1024xf32, #tpu.memory_space<hbm>>) target_semaphore(%arg21 : memref<!tpu.dma_semaphore, #tpu.memory_space<semaphore_mem>>)
    %dma_wait3A_359 = arith.constant 0 : i32
    %dma_wait3A_360 = tpu.memref_slice %arg4[%select_n3A, %add3A_352, %dma_wait3A_359] : memref<4x2048x1024xf32, #tpu.memory_space<hbm>> -> memref<1x16x1024xf32, #tpu.memory_space<hbm>>
    %dma_wait3A_361 = tpu.memref_squeeze %dma_wait3A_360 : memref<1x16x1024xf32, #tpu.memory_space<hbm>> -> memref<16x1024xf32, #tpu.memory_space<hbm>>
    %dma_wait3A_362 = arith.constant 0 : i32
    %dma_wait3A_363 = tpu.memref_slice %arg4[%select_n3A, %add3A_352, %dma_wait3A_362] : memref<4x2048x1024xf32, #tpu.memory_space<hbm>> -> memref<1x16x1024xf32, #tpu.memory_space<hbm>>
    %dma_wait3A_364 = tpu.memref_squeeze %dma_wait3A_363 : memref<1x16x1024xf32, #tpu.memory_space<hbm>> -> memref<16x1024xf32, #tpu.memory_space<hbm>>
    tpu.wait_dma2 semaphore(%arg21 : memref<!tpu.dma_semaphore, #tpu.memory_space<semaphore_mem>>) src(%arg9 : memref<16x1024xf32, #tpu.memory_space<vmem>>) dst(%dma_wait3A_364 : memref<16x1024xf32, #tpu.memory_space<hbm>>)
    %dma_start3A_365 = arith.constant 240 : i32
    %dma_start3A_366 = tpu.memref_slice %arg5[%dma_start3A_365] : memref<256xi32, #tpu.memory_space<vmem>> -> memref<16xi32, #tpu.memory_space<vmem>>
    %dma_start3A_367 = arith.constant 0 : i32
    %dma_start3A_368 = arith.constant 0 : i32
    %dma_start3A_369 = tpu.memref_slice %arg3[%dma_start3A_367, %dma_start3A_368] : memref<100000x1024xf32, #tpu.memory_space<hbm>> -> memref<100000x1024xf32, #tpu.memory_space<hbm>>
    tpu.enqueue_indirect_dma source(%dma_start3A_369 : memref<100000x1024xf32, #tpu.memory_space<hbm>>) target(%arg9 : memref<16x1024xf32, #tpu.memory_space<vmem>>) offsets(%dma_start3A_366 : memref<16xi32, #tpu.memory_space<vmem>>) semaphore(%arg15 : memref<!tpu.dma_semaphore, #tpu.memory_space<semaphore_mem>>)
    %dma_wait3A_370 = arith.constant 160 : i32
    %dma_wait3A_371 = tpu.memref_slice %arg5[%dma_wait3A_370] : memref<256xi32, #tpu.memory_space<vmem>> -> memref<16xi32, #tpu.memory_space<vmem>>
    %dma_wait3A_372 = arith.constant 0 : i32
    %dma_wait3A_373 = arith.constant 0 : i32
    %dma_wait3A_374 = tpu.memref_slice %arg3[%dma_wait3A_372, %dma_wait3A_373] : memref<100000x1024xf32, #tpu.memory_space<hbm>> -> memref<100000x1024xf32, #tpu.memory_space<hbm>>
    tpu.wait_indirect_dma semaphore(%arg16 : memref<!tpu.dma_semaphore, #tpu.memory_space<semaphore_mem>>) src(%dma_wait3A_374 : memref<100000x1024xf32, #tpu.memory_space<hbm>>) dst(%arg10 : memref<16x1024xf32, #tpu.memory_space<vmem>>)
    %scan3A_375 = arith.constant 0 : i32
    %scan3A_376 = arith.constant 0 : i32
    %scan3A_377 = arith.constant 16 : i32
    %scan3A_378 = arith.addi %scan3A_376, %scan3A_377 : i32
    %scan3A_379 = arith.constant 1 : i32
    %scan3A_380 = scf.for %scan3A_526 = %scan3A_376 to %scan3A_378 step %scan3A_379 iter_args(%scan3A_527 = %scan3A_375) -> (i32)  : i32 {
      %scan3A_528 = arith.constant 0 : i32
      %scan3A_529 = arith.constant 0 : i32
      %scan3A_530 = arith.constant 64 : i32
      %scan3A_531 = arith.addi %scan3A_529, %scan3A_530 : i32
      %scan3A_532 = arith.constant 8 : i32
      %scan3A_533 = scf.for %scan3A_535 = %scan3A_529 to %scan3A_531 step %scan3A_532 iter_args(%scan3A_536 = %scan3A_528) -> (i32)  : i32 {
        %mul3A_537 = arith.constant 16 : i32
        %mul3A_538 = arith.muli %scan3A_535, %mul3A_537 : i32
        %get3A = arith.index_cast %scan3A_526 : i32 to index
        %get3A_539 = arith.index_cast %mul3A_538 : i32 to index
        %get3A_540 = tpu.vector_load %arg10[%get3A, %get3A_539] {strides = array<i32>} : memref<16x1024xf32, #tpu.memory_space<vmem>>, vector<1x16xf32>,
        %get3A_541 = vector.shape_cast %get3A_540 : vector<1x16xf32> to vector<16xf32>
        %mul3A_542 = arith.constant 3.200000e+01 : f32
        %mul3A_543 = vector.broadcast %mul3A_542 : f32 to vector<16xf32>
        %mul3A_544 = arith.mulf %get3A_541, %mul3A_543 : vector<16xf32>
        %mul3A_545 = arith.constant 16 : i32
        %mul3A_546 = arith.muli %scan3A_535, %mul3A_545 : i32
        %swap3A = arith.index_cast %scan3A_526 : i32 to index
        %swap3A_547 = arith.index_cast %mul3A_546 : i32 to index
        %swap3A_548 = tpu.vector_load %arg10[%swap3A, %swap3A_547] {strides = array<i32>} : memref<16x1024xf32, #tpu.memory_space<vmem>>, vector<1x16xf32>,
        %swap3A_549 = vector.shape_cast %swap3A_548 : vector<1x16xf32> to vector<16xf32>
        %swap3A_550 = vector.shape_cast %mul3A_544 : vector<16xf32> to vector<1x16xf32>
        tpu.vector_store %arg10[%swap3A, %swap3A_547], %swap3A_550 {strides = array<i32>} : memref<16x1024xf32, #tpu.memory_space<vmem>>, vector<1x16xf32>,
        %scan3A_551 = arith.constant 0 : i32
        %scan3A_552 = arith.constant 1 : i32
        %scan3A_553 = arith.addi %scan3A_535, %scan3A_552 : i32
        %mul3A_554 = arith.constant 16 : i32
        %mul3A_555 = arith.muli %scan3A_553, %mul3A_554 : i32
        %get3A_556 = arith.index_cast %scan3A_526 : i32 to index
        %get3A_557 = arith.index_cast %mul3A_555 : i32 to index
        %get3A_558 = tpu.vector_load %arg10[%get3A_556, %get3A_557] {strides = array<i32>} : memref<16x1024xf32, #tpu.memory_space<vmem>>, vector<1x16xf32>,
        %get3A_559 = vector.shape_cast %get3A_558 : vector<1x16xf32> to vector<16xf32>
        %mul3A_560 = arith.constant 3.200000e+01 : f32
        %mul3A_561 = vector.broadcast %mul3A_560 : f32 to vector<16xf32>
        %mul3A_562 = arith.mulf %get3A_559, %mul3A_561 : vector<16xf32>
        %mul3A_563 = arith.constant 16 : i32
        %mul3A_564 = arith.muli %scan3A_553, %mul3A_563 : i32
        %swap3A_565 = arith.index_cast %scan3A_526 : i32 to index
        %swap3A_566 = arith.index_cast %mul3A_564 : i32 to index
        %swap3A_567 = tpu.vector_load %arg10[%swap3A_565, %swap3A_566] {strides = array<i32>} : memref<16x1024xf32, #tpu.memory_space<vmem>>, vector<1x16xf32>,
        %swap3A_568 = vector.shape_cast %swap3A_567 : vector<1x16xf32> to vector<16xf32>
        %swap3A_569 = vector.shape_cast %mul3A_562 : vector<16xf32> to vector<1x16xf32>
        tpu.vector_store %arg10[%swap3A_565, %swap3A_566], %swap3A_569 {strides = array<i32>} : memref<16x1024xf32, #tpu.memory_space<vmem>>, vector<1x16xf32>,
        %scan3A_570 = arith.constant 0 : i32
        %scan3A_571 = arith.constant 2 : i32
        %scan3A_572 = arith.addi %scan3A_535, %scan3A_571 : i32
        %mul3A_573 = arith.constant 16 : i32
        %mul3A_574 = arith.muli %scan3A_572, %mul3A_573 : i32
        %get3A_575 = arith.index_cast %scan3A_526 : i32 to index
        %get3A_576 = arith.index_cast %mul3A_574 : i32 to index
        %get3A_577 = tpu.vector_load %arg10[%get3A_575, %get3A_576] {strides = array<i32>} : memref<16x1024xf32, #tpu.memory_space<vmem>>, vector<1x16xf32>,
        %get3A_578 = vector.shape_cast %get3A_577 : vector<1x16xf32> to vector<16xf32>
        %mul3A_579 = arith.constant 3.200000e+01 : f32
        %mul3A_580 = vector.broadcast %mul3A_579 : f32 to vector<16xf32>
        %mul3A_581 = arith.mulf %get3A_578, %mul3A_580 : vector<16xf32>
        %mul3A_582 = arith.constant 16 : i32
        %mul3A_583 = arith.muli %scan3A_572, %mul3A_582 : i32
        %swap3A_584 = arith.index_cast %scan3A_526 : i32 to index
        %swap3A_585 = arith.index_cast %mul3A_583 : i32 to index
        %swap3A_586 = tpu.vector_load %arg10[%swap3A_584, %swap3A_585] {strides = array<i32>} : memref<16x1024xf32, #tpu.memory_space<vmem>>, vector<1x16xf32>,
        %swap3A_587 = vector.shape_cast %swap3A_586 : vector<1x16xf32> to vector<16xf32>
        %swap3A_588 = vector.shape_cast %mul3A_581 : vector<16xf32> to vector<1x16xf32>
        tpu.vector_store %arg10[%swap3A_584, %swap3A_585], %swap3A_588 {strides = array<i32>} : memref<16x1024xf32, #tpu.memory_space<vmem>>, vector<1x16xf32>,
        %scan3A_589 = arith.constant 0 : i32
        %scan3A_590 = arith.constant 3 : i32
        %scan3A_591 = arith.addi %scan3A_535, %scan3A_590 : i32
        %mul3A_592 = arith.constant 16 : i32
        %mul3A_593 = arith.muli %scan3A_591, %mul3A_592 : i32
        %get3A_594 = arith.index_cast %scan3A_526 : i32 to index
        %get3A_595 = arith.index_cast %mul3A_593 : i32 to index
        %get3A_596 = tpu.vector_load %arg10[%get3A_594, %get3A_595] {strides = array<i32>} : memref<16x1024xf32, #tpu.memory_space<vmem>>, vector<1x16xf32>,
        %get3A_597 = vector.shape_cast %get3A_596 : vector<1x16xf32> to vector<16xf32>
        %mul3A_598 = arith.constant 3.200000e+01 : f32
        %mul3A_599 = vector.broadcast %mul3A_598 : f32 to vector<16xf32>
        %mul3A_600 = arith.mulf %get3A_597, %mul3A_599 : vector<16xf32>
        %mul3A_601 = arith.constant 16 : i32
        %mul3A_602 = arith.muli %scan3A_591, %mul3A_601 : i32
        %swap3A_603 = arith.index_cast %scan3A_526 : i32 to index
        %swap3A_604 = arith.index_cast %mul3A_602 : i32 to index
        %swap3A_605 = tpu.vector_load %arg10[%swap3A_603, %swap3A_604] {strides = array<i32>} : memref<16x1024xf32, #tpu.memory_space<vmem>>, vector<1x16xf32>,
        %swap3A_606 = vector.shape_cast %swap3A_605 : vector<1x16xf32> to vector<16xf32>
        %swap3A_607 = vector.shape_cast %mul3A_600 : vector<16xf32> to vector<1x16xf32>
        tpu.vector_store %arg10[%swap3A_603, %swap3A_604], %swap3A_607 {strides = array<i32>} : memref<16x1024xf32, #tpu.memory_space<vmem>>, vector<1x16xf32>,
        %scan3A_608 = arith.constant 0 : i32
        %scan3A_609 = arith.constant 4 : i32
        %scan3A_610 = arith.addi %scan3A_535, %scan3A_609 : i32
        %mul3A_611 = arith.constant 16 : i32
        %mul3A_612 = arith.muli %scan3A_610, %mul3A_611 : i32
        %get3A_613 = arith.index_cast %scan3A_526 : i32 to index
        %get3A_614 = arith.index_cast %mul3A_612 : i32 to index
        %get3A_615 = tpu.vector_load %arg10[%get3A_613, %get3A_614] {strides = array<i32>} : memref<16x1024xf32, #tpu.memory_space<vmem>>, vector<1x16xf32>,
        %get3A_616 = vector.shape_cast %get3A_615 : vector<1x16xf32> to vector<16xf32>
        %mul3A_617 = arith.constant 3.200000e+01 : f32
        %mul3A_618 = vector.broadcast %mul3A_617 : f32 to vector<16xf32>
        %mul3A_619 = arith.mulf %get3A_616, %mul3A_618 : vector<16xf32>
        %mul3A_620 = arith.constant 16 : i32
        %mul3A_621 = arith.muli %scan3A_610, %mul3A_620 : i32
        %swap3A_622 = arith.index_cast %scan3A_526 : i32 to index
        %swap3A_623 = arith.index_cast %mul3A_621 : i32 to index
        %swap3A_624 = tpu.vector_load %arg10[%swap3A_622, %swap3A_623] {strides = array<i32>} : memref<16x1024xf32, #tpu.memory_space<vmem>>, vector<1x16xf32>,
        %swap3A_625 = vector.shape_cast %swap3A_624 : vector<1x16xf32> to vector<16xf32>
        %swap3A_626 = vector.shape_cast %mul3A_619 : vector<16xf32> to vector<1x16xf32>
        tpu.vector_store %arg10[%swap3A_622, %swap3A_623], %swap3A_626 {strides = array<i32>} : memref<16x1024xf32, #tpu.memory_space<vmem>>, vector<1x16xf32>,
        %scan3A_627 = arith.constant 0 : i32
        %scan3A_628 = arith.constant 5 : i32
        %scan3A_629 = arith.addi %scan3A_535, %scan3A_628 : i32
        %mul3A_630 = arith.constant 16 : i32
        %mul3A_631 = arith.muli %scan3A_629, %mul3A_630 : i32
        %get3A_632 = arith.index_cast %scan3A_526 : i32 to index
        %get3A_633 = arith.index_cast %mul3A_631 : i32 to index
        %get3A_634 = tpu.vector_load %arg10[%get3A_632, %get3A_633] {strides = array<i32>} : memref<16x1024xf32, #tpu.memory_space<vmem>>, vector<1x16xf32>,
        %get3A_635 = vector.shape_cast %get3A_634 : vector<1x16xf32> to vector<16xf32>
        %mul3A_636 = arith.constant 3.200000e+01 : f32
        %mul3A_637 = vector.broadcast %mul3A_636 : f32 to vector<16xf32>
        %mul3A_638 = arith.mulf %get3A_635, %mul3A_637 : vector<16xf32>
        %mul3A_639 = arith.constant 16 : i32
        %mul3A_640 = arith.muli %scan3A_629, %mul3A_639 : i32
        %swap3A_641 = arith.index_cast %scan3A_526 : i32 to index
        %swap3A_642 = arith.index_cast %mul3A_640 : i32 to index
        %swap3A_643 = tpu.vector_load %arg10[%swap3A_641, %swap3A_642] {strides = array<i32>} : memref<16x1024xf32, #tpu.memory_space<vmem>>, vector<1x16xf32>,
        %swap3A_644 = vector.shape_cast %swap3A_643 : vector<1x16xf32> to vector<16xf32>
        %swap3A_645 = vector.shape_cast %mul3A_638 : vector<16xf32> to vector<1x16xf32>
        tpu.vector_store %arg10[%swap3A_641, %swap3A_642], %swap3A_645 {strides = array<i32>} : memref<16x1024xf32, #tpu.memory_space<vmem>>, vector<1x16xf32>,
        %scan3A_646 = arith.constant 0 : i32
        %scan3A_647 = arith.constant 6 : i32
        %scan3A_648 = arith.addi %scan3A_535, %scan3A_647 : i32
        %mul3A_649 = arith.constant 16 : i32
        %mul3A_650 = arith.muli %scan3A_648, %mul3A_649 : i32
        %get3A_651 = arith.index_cast %scan3A_526 : i32 to index
        %get3A_652 = arith.index_cast %mul3A_650 : i32 to index
        %get3A_653 = tpu.vector_load %arg10[%get3A_651, %get3A_652] {strides = array<i32>} : memref<16x1024xf32, #tpu.memory_space<vmem>>, vector<1x16xf32>,
        %get3A_654 = vector.shape_cast %get3A_653 : vector<1x16xf32> to vector<16xf32>
        %mul3A_655 = arith.constant 3.200000e+01 : f32
        %mul3A_656 = vector.broadcast %mul3A_655 : f32 to vector<16xf32>
        %mul3A_657 = arith.mulf %get3A_654, %mul3A_656 : vector<16xf32>
        %mul3A_658 = arith.constant 16 : i32
        %mul3A_659 = arith.muli %scan3A_648, %mul3A_658 : i32
        %swap3A_660 = arith.index_cast %scan3A_526 : i32 to index
        %swap3A_661 = arith.index_cast %mul3A_659 : i32 to index
        %swap3A_662 = tpu.vector_load %arg10[%swap3A_660, %swap3A_661] {strides = array<i32>} : memref<16x1024xf32, #tpu.memory_space<vmem>>, vector<1x16xf32>,
        %swap3A_663 = vector.shape_cast %swap3A_662 : vector<1x16xf32> to vector<16xf32>
        %swap3A_664 = vector.shape_cast %mul3A_657 : vector<16xf32> to vector<1x16xf32>
        tpu.vector_store %arg10[%swap3A_660, %swap3A_661], %swap3A_664 {strides = array<i32>} : memref<16x1024xf32, #tpu.memory_space<vmem>>, vector<1x16xf32>,
        %scan3A_665 = arith.constant 0 : i32
        %scan3A_666 = arith.constant 7 : i32
        %scan3A_667 = arith.addi %scan3A_535, %scan3A_666 : i32
        %mul3A_668 = arith.constant 16 : i32
        %mul3A_669 = arith.muli %scan3A_667, %mul3A_668 : i32
        %get3A_670 = arith.index_cast %scan3A_526 : i32 to index
        %get3A_671 = arith.index_cast %mul3A_669 : i32 to index
        %get3A_672 = tpu.vector_load %arg10[%get3A_670, %get3A_671] {strides = array<i32>} : memref<16x1024xf32, #tpu.memory_space<vmem>>, vector<1x16xf32>,
        %get3A_673 = vector.shape_cast %get3A_672 : vector<1x16xf32> to vector<16xf32>
        %mul3A_674 = arith.constant 3.200000e+01 : f32
        %mul3A_675 = vector.broadcast %mul3A_674 : f32 to vector<16xf32>
        %mul3A_676 = arith.mulf %get3A_673, %mul3A_675 : vector<16xf32>
        %mul3A_677 = arith.constant 16 : i32
        %mul3A_678 = arith.muli %scan3A_667, %mul3A_677 : i32
        %swap3A_679 = arith.index_cast %scan3A_526 : i32 to index
        %swap3A_680 = arith.index_cast %mul3A_678 : i32 to index
        %swap3A_681 = tpu.vector_load %arg10[%swap3A_679, %swap3A_680] {strides = array<i32>} : memref<16x1024xf32, #tpu.memory_space<vmem>>, vector<1x16xf32>,
        %swap3A_682 = vector.shape_cast %swap3A_681 : vector<1x16xf32> to vector<16xf32>
        %swap3A_683 = vector.shape_cast %mul3A_676 : vector<16xf32> to vector<1x16xf32>
        tpu.vector_store %arg10[%swap3A_679, %swap3A_680], %swap3A_683 {strides = array<i32>} : memref<16x1024xf32, #tpu.memory_space<vmem>>, vector<1x16xf32>,
        %scan3A_684 = arith.constant 0 : i32
        scf.yield %scan3A_684 : i32
      }
      %scan3A_534 = arith.constant 64 : i32
      scf.yield %scan3A_533 : i32
    }
    %scan3A_381 = arith.constant 16 : i32
    %add3A_382 = arith.constant 160 : i32
    %add3A_383 = arith.addi %mul3A_32, %add3A_382 : i32
    %dma_start3A_384 = arith.constant 0 : i32
    %dma_start3A_385 = tpu.memref_slice %arg4[%select_n3A, %add3A_383, %dma_start3A_384] : memref<4x2048x1024xf32, #tpu.memory_space<hbm>> -> memref<1x16x1024xf32, #tpu.memory_space<hbm>>
    %dma_start3A_386 = tpu.memref_squeeze %dma_start3A_385 : memref<1x16x1024xf32, #tpu.memory_space<hbm>> -> memref<16x1024xf32, #tpu.memory_space<hbm>>
    %dma_start3A_387 = arith.constant 0 : i32
    %dma_start3A_388 = tpu.memref_slice %arg4[%select_n3A, %add3A_383, %dma_start3A_387] : memref<4x2048x1024xf32, #tpu.memory_space<hbm>> -> memref<1x16x1024xf32, #tpu.memory_space<hbm>>
    %dma_start3A_389 = tpu.memref_squeeze %dma_start3A_388 : memref<1x16x1024xf32, #tpu.memory_space<hbm>> -> memref<16x1024xf32, #tpu.memory_space<hbm>>
    tpu.enqueue_dma source(%arg10 : memref<16x1024xf32, #tpu.memory_space<vmem>>) target(%dma_start3A_389 : memref<16x1024xf32, #tpu.memory_space<hbm>>) target_semaphore(%arg22 : memref<!tpu.dma_semaphore, #tpu.memory_space<semaphore_mem>>)
    %dma_wait3A_390 = arith.constant 176 : i32
    %dma_wait3A_391 = tpu.memref_slice %arg5[%dma_wait3A_390] : memref<256xi32, #tpu.memory_space<vmem>> -> memref<16xi32, #tpu.memory_space<vmem>>
    %dma_wait3A_392 = arith.constant 0 : i32
    %dma_wait3A_393 = arith.constant 0 : i32
    %dma_wait3A_394 = tpu.memref_slice %arg3[%dma_wait3A_392, %dma_wait3A_393] : memref<100000x1024xf32, #tpu.memory_space<hbm>> -> memref<100000x1024xf32, #tpu.memory_space<hbm>>
    tpu.wait_indirect_dma semaphore(%arg17 : memref<!tpu.dma_semaphore, #tpu.memory_space<semaphore_mem>>) src(%dma_wait3A_394 : memref<100000x1024xf32, #tpu.memory_space<hbm>>) dst(%arg11 : memref<16x1024xf32, #tpu.memory_space<vmem>>)
    %scan3A_395 = arith.constant 0 : i32
    %scan3A_396 = arith.constant 0 : i32
    %scan3A_397 = arith.constant 16 : i32
    %scan3A_398 = arith.addi %scan3A_396, %scan3A_397 : i32
    %scan3A_399 = arith.constant 1 : i32
    %scan3A_400 = scf.for %scan3A_526 = %scan3A_396 to %scan3A_398 step %scan3A_399 iter_args(%scan3A_527 = %scan3A_395) -> (i32)  : i32 {
      %scan3A_528 = arith.constant 0 : i32
      %scan3A_529 = arith.constant 0 : i32
      %scan3A_530 = arith.constant 64 : i32
      %scan3A_531 = arith.addi %scan3A_529, %scan3A_530 : i32
      %scan3A_532 = arith.constant 8 : i32
      %scan3A_533 = scf.for %scan3A_535 = %scan3A_529 to %scan3A_531 step %scan3A_532 iter_args(%scan3A_536 = %scan3A_528) -> (i32)  : i32 {
        %mul3A_537 = arith.constant 16 : i32
        %mul3A_538 = arith.muli %scan3A_535, %mul3A_537 : i32
        %get3A = arith.index_cast %scan3A_526 : i32 to index
        %get3A_539 = arith.index_cast %mul3A_538 : i32 to index
        %get3A_540 = tpu.vector_load %arg11[%get3A, %get3A_539] {strides = array<i32>} : memref<16x1024xf32, #tpu.memory_space<vmem>>, vector<1x16xf32>,
        %get3A_541 = vector.shape_cast %get3A_540 : vector<1x16xf32> to vector<16xf32>
        %mul3A_542 = arith.constant 3.200000e+01 : f32
        %mul3A_543 = vector.broadcast %mul3A_542 : f32 to vector<16xf32>
        %mul3A_544 = arith.mulf %get3A_541, %mul3A_543 : vector<16xf32>
        %mul3A_545 = arith.constant 16 : i32
        %mul3A_546 = arith.muli %scan3A_535, %mul3A_545 : i32
        %swap3A = arith.index_cast %scan3A_526 : i32 to index
        %swap3A_547 = arith.index_cast %mul3A_546 : i32 to index
        %swap3A_548 = tpu.vector_load %arg11[%swap3A, %swap3A_547] {strides = array<i32>} : memref<16x1024xf32, #tpu.memory_space<vmem>>, vector<1x16xf32>,
        %swap3A_549 = vector.shape_cast %swap3A_548 : vector<1x16xf32> to vector<16xf32>
        %swap3A_550 = vector.shape_cast %mul3A_544 : vector<16xf32> to vector<1x16xf32>
        tpu.vector_store %arg11[%swap3A, %swap3A_547], %swap3A_550 {strides = array<i32>} : memref<16x1024xf32, #tpu.memory_space<vmem>>, vector<1x16xf32>,
        %scan3A_551 = arith.constant 0 : i32
        %scan3A_552 = arith.constant 1 : i32
        %scan3A_553 = arith.addi %scan3A_535, %scan3A_552 : i32
        %mul3A_554 = arith.constant 16 : i32
        %mul3A_555 = arith.muli %scan3A_553, %mul3A_554 : i32
        %get3A_556 = arith.index_cast %scan3A_526 : i32 to index
        %get3A_557 = arith.index_cast %mul3A_555 : i32 to index
        %get3A_558 = tpu.vector_load %arg11[%get3A_556, %get3A_557] {strides = array<i32>} : memref<16x1024xf32, #tpu.memory_space<vmem>>, vector<1x16xf32>,
        %get3A_559 = vector.shape_cast %get3A_558 : vector<1x16xf32> to vector<16xf32>
        %mul3A_560 = arith.constant 3.200000e+01 : f32
        %mul3A_561 = vector.broadcast %mul3A_560 : f32 to vector<16xf32>
        %mul3A_562 = arith.mulf %get3A_559, %mul3A_561 : vector<16xf32>
        %mul3A_563 = arith.constant 16 : i32
        %mul3A_564 = arith.muli %scan3A_553, %mul3A_563 : i32
        %swap3A_565 = arith.index_cast %scan3A_526 : i32 to index
        %swap3A_566 = arith.index_cast %mul3A_564 : i32 to index
        %swap3A_567 = tpu.vector_load %arg11[%swap3A_565, %swap3A_566] {strides = array<i32>} : memref<16x1024xf32, #tpu.memory_space<vmem>>, vector<1x16xf32>,
        %swap3A_568 = vector.shape_cast %swap3A_567 : vector<1x16xf32> to vector<16xf32>
        %swap3A_569 = vector.shape_cast %mul3A_562 : vector<16xf32> to vector<1x16xf32>
        tpu.vector_store %arg11[%swap3A_565, %swap3A_566], %swap3A_569 {strides = array<i32>} : memref<16x1024xf32, #tpu.memory_space<vmem>>, vector<1x16xf32>,
        %scan3A_570 = arith.constant 0 : i32
        %scan3A_571 = arith.constant 2 : i32
        %scan3A_572 = arith.addi %scan3A_535, %scan3A_571 : i32
        %mul3A_573 = arith.constant 16 : i32
        %mul3A_574 = arith.muli %scan3A_572, %mul3A_573 : i32
        %get3A_575 = arith.index_cast %scan3A_526 : i32 to index
        %get3A_576 = arith.index_cast %mul3A_574 : i32 to index
        %get3A_577 = tpu.vector_load %arg11[%get3A_575, %get3A_576] {strides = array<i32>} : memref<16x1024xf32, #tpu.memory_space<vmem>>, vector<1x16xf32>,
        %get3A_578 = vector.shape_cast %get3A_577 : vector<1x16xf32> to vector<16xf32>
        %mul3A_579 = arith.constant 3.200000e+01 : f32
        %mul3A_580 = vector.broadcast %mul3A_579 : f32 to vector<16xf32>
        %mul3A_581 = arith.mulf %get3A_578, %mul3A_580 : vector<16xf32>
        %mul3A_582 = arith.constant 16 : i32
        %mul3A_583 = arith.muli %scan3A_572, %mul3A_582 : i32
        %swap3A_584 = arith.index_cast %scan3A_526 : i32 to index
        %swap3A_585 = arith.index_cast %mul3A_583 : i32 to index
        %swap3A_586 = tpu.vector_load %arg11[%swap3A_584, %swap3A_585] {strides = array<i32>} : memref<16x1024xf32, #tpu.memory_space<vmem>>, vector<1x16xf32>,
        %swap3A_587 = vector.shape_cast %swap3A_586 : vector<1x16xf32> to vector<16xf32>
        %swap3A_588 = vector.shape_cast %mul3A_581 : vector<16xf32> to vector<1x16xf32>
        tpu.vector_store %arg11[%swap3A_584, %swap3A_585], %swap3A_588 {strides = array<i32>} : memref<16x1024xf32, #tpu.memory_space<vmem>>, vector<1x16xf32>,
        %scan3A_589 = arith.constant 0 : i32
        %scan3A_590 = arith.constant 3 : i32
        %scan3A_591 = arith.addi %scan3A_535, %scan3A_590 : i32
        %mul3A_592 = arith.constant 16 : i32
        %mul3A_593 = arith.muli %scan3A_591, %mul3A_592 : i32
        %get3A_594 = arith.index_cast %scan3A_526 : i32 to index
        %get3A_595 = arith.index_cast %mul3A_593 : i32 to index
        %get3A_596 = tpu.vector_load %arg11[%get3A_594, %get3A_595] {strides = array<i32>} : memref<16x1024xf32, #tpu.memory_space<vmem>>, vector<1x16xf32>,
        %get3A_597 = vector.shape_cast %get3A_596 : vector<1x16xf32> to vector<16xf32>
        %mul3A_598 = arith.constant 3.200000e+01 : f32
        %mul3A_599 = vector.broadcast %mul3A_598 : f32 to vector<16xf32>
        %mul3A_600 = arith.mulf %get3A_597, %mul3A_599 : vector<16xf32>
        %mul3A_601 = arith.constant 16 : i32
        %mul3A_602 = arith.muli %scan3A_591, %mul3A_601 : i32
        %swap3A_603 = arith.index_cast %scan3A_526 : i32 to index
        %swap3A_604 = arith.index_cast %mul3A_602 : i32 to index
        %swap3A_605 = tpu.vector_load %arg11[%swap3A_603, %swap3A_604] {strides = array<i32>} : memref<16x1024xf32, #tpu.memory_space<vmem>>, vector<1x16xf32>,
        %swap3A_606 = vector.shape_cast %swap3A_605 : vector<1x16xf32> to vector<16xf32>
        %swap3A_607 = vector.shape_cast %mul3A_600 : vector<16xf32> to vector<1x16xf32>
        tpu.vector_store %arg11[%swap3A_603, %swap3A_604], %swap3A_607 {strides = array<i32>} : memref<16x1024xf32, #tpu.memory_space<vmem>>, vector<1x16xf32>,
        %scan3A_608 = arith.constant 0 : i32
        %scan3A_609 = arith.constant 4 : i32
        %scan3A_610 = arith.addi %scan3A_535, %scan3A_609 : i32
        %mul3A_611 = arith.constant 16 : i32
        %mul3A_612 = arith.muli %scan3A_610, %mul3A_611 : i32
        %get3A_613 = arith.index_cast %scan3A_526 : i32 to index
        %get3A_614 = arith.index_cast %mul3A_612 : i32 to index
        %get3A_615 = tpu.vector_load %arg11[%get3A_613, %get3A_614] {strides = array<i32>} : memref<16x1024xf32, #tpu.memory_space<vmem>>, vector<1x16xf32>,
        %get3A_616 = vector.shape_cast %get3A_615 : vector<1x16xf32> to vector<16xf32>
        %mul3A_617 = arith.constant 3.200000e+01 : f32
        %mul3A_618 = vector.broadcast %mul3A_617 : f32 to vector<16xf32>
        %mul3A_619 = arith.mulf %get3A_616, %mul3A_618 : vector<16xf32>
        %mul3A_620 = arith.constant 16 : i32
        %mul3A_621 = arith.muli %scan3A_610, %mul3A_620 : i32
        %swap3A_622 = arith.index_cast %scan3A_526 : i32 to index
        %swap3A_623 = arith.index_cast %mul3A_621 : i32 to index
        %swap3A_624 = tpu.vector_load %arg11[%swap3A_622, %swap3A_623] {strides = array<i32>} : memref<16x1024xf32, #tpu.memory_space<vmem>>, vector<1x16xf32>,
        %swap3A_625 = vector.shape_cast %swap3A_624 : vector<1x16xf32> to vector<16xf32>
        %swap3A_626 = vector.shape_cast %mul3A_619 : vector<16xf32> to vector<1x16xf32>
        tpu.vector_store %arg11[%swap3A_622, %swap3A_623], %swap3A_626 {strides = array<i32>} : memref<16x1024xf32, #tpu.memory_space<vmem>>, vector<1x16xf32>,
        %scan3A_627 = arith.constant 0 : i32
        %scan3A_628 = arith.constant 5 : i32
        %scan3A_629 = arith.addi %scan3A_535, %scan3A_628 : i32
        %mul3A_630 = arith.constant 16 : i32
        %mul3A_631 = arith.muli %scan3A_629, %mul3A_630 : i32
        %get3A_632 = arith.index_cast %scan3A_526 : i32 to index
        %get3A_633 = arith.index_cast %mul3A_631 : i32 to index
        %get3A_634 = tpu.vector_load %arg11[%get3A_632, %get3A_633] {strides = array<i32>} : memref<16x1024xf32, #tpu.memory_space<vmem>>, vector<1x16xf32>,
        %get3A_635 = vector.shape_cast %get3A_634 : vector<1x16xf32> to vector<16xf32>
        %mul3A_636 = arith.constant 3.200000e+01 : f32
        %mul3A_637 = vector.broadcast %mul3A_636 : f32 to vector<16xf32>
        %mul3A_638 = arith.mulf %get3A_635, %mul3A_637 : vector<16xf32>
        %mul3A_639 = arith.constant 16 : i32
        %mul3A_640 = arith.muli %scan3A_629, %mul3A_639 : i32
        %swap3A_641 = arith.index_cast %scan3A_526 : i32 to index
        %swap3A_642 = arith.index_cast %mul3A_640 : i32 to index
        %swap3A_643 = tpu.vector_load %arg11[%swap3A_641, %swap3A_642] {strides = array<i32>} : memref<16x1024xf32, #tpu.memory_space<vmem>>, vector<1x16xf32>,
        %swap3A_644 = vector.shape_cast %swap3A_643 : vector<1x16xf32> to vector<16xf32>
        %swap3A_645 = vector.shape_cast %mul3A_638 : vector<16xf32> to vector<1x16xf32>
        tpu.vector_store %arg11[%swap3A_641, %swap3A_642], %swap3A_645 {strides = array<i32>} : memref<16x1024xf32, #tpu.memory_space<vmem>>, vector<1x16xf32>,
        %scan3A_646 = arith.constant 0 : i32
        %scan3A_647 = arith.constant 6 : i32
        %scan3A_648 = arith.addi %scan3A_535, %scan3A_647 : i32
        %mul3A_649 = arith.constant 16 : i32
        %mul3A_650 = arith.muli %scan3A_648, %mul3A_649 : i32
        %get3A_651 = arith.index_cast %scan3A_526 : i32 to index
        %get3A_652 = arith.index_cast %mul3A_650 : i32 to index
        %get3A_653 = tpu.vector_load %arg11[%get3A_651, %get3A_652] {strides = array<i32>} : memref<16x1024xf32, #tpu.memory_space<vmem>>, vector<1x16xf32>,
        %get3A_654 = vector.shape_cast %get3A_653 : vector<1x16xf32> to vector<16xf32>
        %mul3A_655 = arith.constant 3.200000e+01 : f32
        %mul3A_656 = vector.broadcast %mul3A_655 : f32 to vector<16xf32>
        %mul3A_657 = arith.mulf %get3A_654, %mul3A_656 : vector<16xf32>
        %mul3A_658 = arith.constant 16 : i32
        %mul3A_659 = arith.muli %scan3A_648, %mul3A_658 : i32
        %swap3A_660 = arith.index_cast %scan3A_526 : i32 to index
        %swap3A_661 = arith.index_cast %mul3A_659 : i32 to index
        %swap3A_662 = tpu.vector_load %arg11[%swap3A_660, %swap3A_661] {strides = array<i32>} : memref<16x1024xf32, #tpu.memory_space<vmem>>, vector<1x16xf32>,
        %swap3A_663 = vector.shape_cast %swap3A_662 : vector<1x16xf32> to vector<16xf32>
        %swap3A_664 = vector.shape_cast %mul3A_657 : vector<16xf32> to vector<1x16xf32>
        tpu.vector_store %arg11[%swap3A_660, %swap3A_661], %swap3A_664 {strides = array<i32>} : memref<16x1024xf32, #tpu.memory_space<vmem>>, vector<1x16xf32>,
        %scan3A_665 = arith.constant 0 : i32
        %scan3A_666 = arith.constant 7 : i32
        %scan3A_667 = arith.addi %scan3A_535, %scan3A_666 : i32
        %mul3A_668 = arith.constant 16 : i32
        %mul3A_669 = arith.muli %scan3A_667, %mul3A_668 : i32
        %get3A_670 = arith.index_cast %scan3A_526 : i32 to index
        %get3A_671 = arith.index_cast %mul3A_669 : i32 to index
        %get3A_672 = tpu.vector_load %arg11[%get3A_670, %get3A_671] {strides = array<i32>} : memref<16x1024xf32, #tpu.memory_space<vmem>>, vector<1x16xf32>,
        %get3A_673 = vector.shape_cast %get3A_672 : vector<1x16xf32> to vector<16xf32>
        %mul3A_674 = arith.constant 3.200000e+01 : f32
        %mul3A_675 = vector.broadcast %mul3A_674 : f32 to vector<16xf32>
        %mul3A_676 = arith.mulf %get3A_673, %mul3A_675 : vector<16xf32>
        %mul3A_677 = arith.constant 16 : i32
        %mul3A_678 = arith.muli %scan3A_667, %mul3A_677 : i32
        %swap3A_679 = arith.index_cast %scan3A_526 : i32 to index
        %swap3A_680 = arith.index_cast %mul3A_678 : i32 to index
        %swap3A_681 = tpu.vector_load %arg11[%swap3A_679, %swap3A_680] {strides = array<i32>} : memref<16x1024xf32, #tpu.memory_space<vmem>>, vector<1x16xf32>,
        %swap3A_682 = vector.shape_cast %swap3A_681 : vector<1x16xf32> to vector<16xf32>
        %swap3A_683 = vector.shape_cast %mul3A_676 : vector<16xf32> to vector<1x16xf32>
        tpu.vector_store %arg11[%swap3A_679, %swap3A_680], %swap3A_683 {strides = array<i32>} : memref<16x1024xf32, #tpu.memory_space<vmem>>, vector<1x16xf32>,
        %scan3A_684 = arith.constant 0 : i32
        scf.yield %scan3A_684 : i32
      }
      %scan3A_534 = arith.constant 64 : i32
      scf.yield %scan3A_533 : i32
    }
    %scan3A_401 = arith.constant 16 : i32
    %add3A_402 = arith.constant 176 : i32
    %add3A_403 = arith.addi %mul3A_32, %add3A_402 : i32
    %dma_start3A_404 = arith.constant 0 : i32
    %dma_start3A_405 = tpu.memref_slice %arg4[%select_n3A, %add3A_403, %dma_start3A_404] : memref<4x2048x1024xf32, #tpu.memory_space<hbm>> -> memref<1x16x1024xf32, #tpu.memory_space<hbm>>
    %dma_start3A_406 = tpu.memref_squeeze %dma_start3A_405 : memref<1x16x1024xf32, #tpu.memory_space<hbm>> -> memref<16x1024xf32, #tpu.memory_space<hbm>>
    %dma_start3A_407 = arith.constant 0 : i32
    %dma_start3A_408 = tpu.memref_slice %arg4[%select_n3A, %add3A_403, %dma_start3A_407] : memref<4x2048x1024xf32, #tpu.memory_space<hbm>> -> memref<1x16x1024xf32, #tpu.memory_space<hbm>>
    %dma_start3A_409 = tpu.memref_squeeze %dma_start3A_408 : memref<1x16x1024xf32, #tpu.memory_space<hbm>> -> memref<16x1024xf32, #tpu.memory_space<hbm>>
    tpu.enqueue_dma source(%arg11 : memref<16x1024xf32, #tpu.memory_space<vmem>>) target(%dma_start3A_409 : memref<16x1024xf32, #tpu.memory_space<hbm>>) target_semaphore(%arg23 : memref<!tpu.dma_semaphore, #tpu.memory_space<semaphore_mem>>)
    %dma_wait3A_410 = arith.constant 192 : i32
    %dma_wait3A_411 = tpu.memref_slice %arg5[%dma_wait3A_410] : memref<256xi32, #tpu.memory_space<vmem>> -> memref<16xi32, #tpu.memory_space<vmem>>
    %dma_wait3A_412 = arith.constant 0 : i32
    %dma_wait3A_413 = arith.constant 0 : i32
    %dma_wait3A_414 = tpu.memref_slice %arg3[%dma_wait3A_412, %dma_wait3A_413] : memref<100000x1024xf32, #tpu.memory_space<hbm>> -> memref<100000x1024xf32, #tpu.memory_space<hbm>>
    tpu.wait_indirect_dma semaphore(%arg12 : memref<!tpu.dma_semaphore, #tpu.memory_space<semaphore_mem>>) src(%dma_wait3A_414 : memref<100000x1024xf32, #tpu.memory_space<hbm>>) dst(%arg6 : memref<16x1024xf32, #tpu.memory_space<vmem>>)
    %scan3A_415 = arith.constant 0 : i32
    %scan3A_416 = arith.constant 0 : i32
    %scan3A_417 = arith.constant 16 : i32
    %scan3A_418 = arith.addi %scan3A_416, %scan3A_417 : i32
    %scan3A_419 = arith.constant 1 : i32
    %scan3A_420 = scf.for %scan3A_526 = %scan3A_416 to %scan3A_418 step %scan3A_419 iter_args(%scan3A_527 = %scan3A_415) -> (i32)  : i32 {
      %scan3A_528 = arith.constant 0 : i32
      %scan3A_529 = arith.constant 0 : i32
      %scan3A_530 = arith.constant 64 : i32
      %scan3A_531 = arith.addi %scan3A_529, %scan3A_530 : i32
      %scan3A_532 = arith.constant 8 : i32
      %scan3A_533 = scf.for %scan3A_535 = %scan3A_529 to %scan3A_531 step %scan3A_532 iter_args(%scan3A_536 = %scan3A_528) -> (i32)  : i32 {
        %mul3A_537 = arith.constant 16 : i32
        %mul3A_538 = arith.muli %scan3A_535, %mul3A_537 : i32
        %get3A = arith.index_cast %scan3A_526 : i32 to index
        %get3A_539 = arith.index_cast %mul3A_538 : i32 to index
        %get3A_540 = tpu.vector_load %arg6[%get3A, %get3A_539] {strides = array<i32>} : memref<16x1024xf32, #tpu.memory_space<vmem>>, vector<1x16xf32>,
        %get3A_541 = vector.shape_cast %get3A_540 : vector<1x16xf32> to vector<16xf32>
        %mul3A_542 = arith.constant 3.200000e+01 : f32
        %mul3A_543 = vector.broadcast %mul3A_542 : f32 to vector<16xf32>
        %mul3A_544 = arith.mulf %get3A_541, %mul3A_543 : vector<16xf32>
        %mul3A_545 = arith.constant 16 : i32
        %mul3A_546 = arith.muli %scan3A_535, %mul3A_545 : i32
        %swap3A = arith.index_cast %scan3A_526 : i32 to index
        %swap3A_547 = arith.index_cast %mul3A_546 : i32 to index
        %swap3A_548 = tpu.vector_load %arg6[%swap3A, %swap3A_547] {strides = array<i32>} : memref<16x1024xf32, #tpu.memory_space<vmem>>, vector<1x16xf32>,
        %swap3A_549 = vector.shape_cast %swap3A_548 : vector<1x16xf32> to vector<16xf32>
        %swap3A_550 = vector.shape_cast %mul3A_544 : vector<16xf32> to vector<1x16xf32>
        tpu.vector_store %arg6[%swap3A, %swap3A_547], %swap3A_550 {strides = array<i32>} : memref<16x1024xf32, #tpu.memory_space<vmem>>, vector<1x16xf32>,
        %scan3A_551 = arith.constant 0 : i32
        %scan3A_552 = arith.constant 1 : i32
        %scan3A_553 = arith.addi %scan3A_535, %scan3A_552 : i32
        %mul3A_554 = arith.constant 16 : i32
        %mul3A_555 = arith.muli %scan3A_553, %mul3A_554 : i32
        %get3A_556 = arith.index_cast %scan3A_526 : i32 to index
        %get3A_557 = arith.index_cast %mul3A_555 : i32 to index
        %get3A_558 = tpu.vector_load %arg6[%get3A_556, %get3A_557] {strides = array<i32>} : memref<16x1024xf32, #tpu.memory_space<vmem>>, vector<1x16xf32>,
        %get3A_559 = vector.shape_cast %get3A_558 : vector<1x16xf32> to vector<16xf32>
        %mul3A_560 = arith.constant 3.200000e+01 : f32
        %mul3A_561 = vector.broadcast %mul3A_560 : f32 to vector<16xf32>
        %mul3A_562 = arith.mulf %get3A_559, %mul3A_561 : vector<16xf32>
        %mul3A_563 = arith.constant 16 : i32
        %mul3A_564 = arith.muli %scan3A_553, %mul3A_563 : i32
        %swap3A_565 = arith.index_cast %scan3A_526 : i32 to index
        %swap3A_566 = arith.index_cast %mul3A_564 : i32 to index
        %swap3A_567 = tpu.vector_load %arg6[%swap3A_565, %swap3A_566] {strides = array<i32>} : memref<16x1024xf32, #tpu.memory_space<vmem>>, vector<1x16xf32>,
        %swap3A_568 = vector.shape_cast %swap3A_567 : vector<1x16xf32> to vector<16xf32>
        %swap3A_569 = vector.shape_cast %mul3A_562 : vector<16xf32> to vector<1x16xf32>
        tpu.vector_store %arg6[%swap3A_565, %swap3A_566], %swap3A_569 {strides = array<i32>} : memref<16x1024xf32, #tpu.memory_space<vmem>>, vector<1x16xf32>,
        %scan3A_570 = arith.constant 0 : i32
        %scan3A_571 = arith.constant 2 : i32
        %scan3A_572 = arith.addi %scan3A_535, %scan3A_571 : i32
        %mul3A_573 = arith.constant 16 : i32
        %mul3A_574 = arith.muli %scan3A_572, %mul3A_573 : i32
        %get3A_575 = arith.index_cast %scan3A_526 : i32 to index
        %get3A_576 = arith.index_cast %mul3A_574 : i32 to index
        %get3A_577 = tpu.vector_load %arg6[%get3A_575, %get3A_576] {strides = array<i32>} : memref<16x1024xf32, #tpu.memory_space<vmem>>, vector<1x16xf32>,
        %get3A_578 = vector.shape_cast %get3A_577 : vector<1x16xf32> to vector<16xf32>
        %mul3A_579 = arith.constant 3.200000e+01 : f32
        %mul3A_580 = vector.broadcast %mul3A_579 : f32 to vector<16xf32>
        %mul3A_581 = arith.mulf %get3A_578, %mul3A_580 : vector<16xf32>
        %mul3A_582 = arith.constant 16 : i32
        %mul3A_583 = arith.muli %scan3A_572, %mul3A_582 : i32
        %swap3A_584 = arith.index_cast %scan3A_526 : i32 to index
        %swap3A_585 = arith.index_cast %mul3A_583 : i32 to index
        %swap3A_586 = tpu.vector_load %arg6[%swap3A_584, %swap3A_585] {strides = array<i32>} : memref<16x1024xf32, #tpu.memory_space<vmem>>, vector<1x16xf32>,
        %swap3A_587 = vector.shape_cast %swap3A_586 : vector<1x16xf32> to vector<16xf32>
        %swap3A_588 = vector.shape_cast %mul3A_581 : vector<16xf32> to vector<1x16xf32>
        tpu.vector_store %arg6[%swap3A_584, %swap3A_585], %swap3A_588 {strides = array<i32>} : memref<16x1024xf32, #tpu.memory_space<vmem>>, vector<1x16xf32>,
        %scan3A_589 = arith.constant 0 : i32
        %scan3A_590 = arith.constant 3 : i32
        %scan3A_591 = arith.addi %scan3A_535, %scan3A_590 : i32
        %mul3A_592 = arith.constant 16 : i32
        %mul3A_593 = arith.muli %scan3A_591, %mul3A_592 : i32
        %get3A_594 = arith.index_cast %scan3A_526 : i32 to index
        %get3A_595 = arith.index_cast %mul3A_593 : i32 to index
        %get3A_596 = tpu.vector_load %arg6[%get3A_594, %get3A_595] {strides = array<i32>} : memref<16x1024xf32, #tpu.memory_space<vmem>>, vector<1x16xf32>,
        %get3A_597 = vector.shape_cast %get3A_596 : vector<1x16xf32> to vector<16xf32>
        %mul3A_598 = arith.constant 3.200000e+01 : f32
        %mul3A_599 = vector.broadcast %mul3A_598 : f32 to vector<16xf32>
        %mul3A_600 = arith.mulf %get3A_597, %mul3A_599 : vector<16xf32>
        %mul3A_601 = arith.constant 16 : i32
        %mul3A_602 = arith.muli %scan3A_591, %mul3A_601 : i32
        %swap3A_603 = arith.index_cast %scan3A_526 : i32 to index
        %swap3A_604 = arith.index_cast %mul3A_602 : i32 to index
        %swap3A_605 = tpu.vector_load %arg6[%swap3A_603, %swap3A_604] {strides = array<i32>} : memref<16x1024xf32, #tpu.memory_space<vmem>>, vector<1x16xf32>,
        %swap3A_606 = vector.shape_cast %swap3A_605 : vector<1x16xf32> to vector<16xf32>
        %swap3A_607 = vector.shape_cast %mul3A_600 : vector<16xf32> to vector<1x16xf32>
        tpu.vector_store %arg6[%swap3A_603, %swap3A_604], %swap3A_607 {strides = array<i32>} : memref<16x1024xf32, #tpu.memory_space<vmem>>, vector<1x16xf32>,
        %scan3A_608 = arith.constant 0 : i32
        %scan3A_609 = arith.constant 4 : i32
        %scan3A_610 = arith.addi %scan3A_535, %scan3A_609 : i32
        %mul3A_611 = arith.constant 16 : i32
        %mul3A_612 = arith.muli %scan3A_610, %mul3A_611 : i32
        %get3A_613 = arith.index_cast %scan3A_526 : i32 to index
        %get3A_614 = arith.index_cast %mul3A_612 : i32 to index
        %get3A_615 = tpu.vector_load %arg6[%get3A_613, %get3A_614] {strides = array<i32>} : memref<16x1024xf32, #tpu.memory_space<vmem>>, vector<1x16xf32>,
        %get3A_616 = vector.shape_cast %get3A_615 : vector<1x16xf32> to vector<16xf32>
        %mul3A_617 = arith.constant 3.200000e+01 : f32
        %mul3A_618 = vector.broadcast %mul3A_617 : f32 to vector<16xf32>
        %mul3A_619 = arith.mulf %get3A_616, %mul3A_618 : vector<16xf32>
        %mul3A_620 = arith.constant 16 : i32
        %mul3A_621 = arith.muli %scan3A_610, %mul3A_620 : i32
        %swap3A_622 = arith.index_cast %scan3A_526 : i32 to index
        %swap3A_623 = arith.index_cast %mul3A_621 : i32 to index
        %swap3A_624 = tpu.vector_load %arg6[%swap3A_622, %swap3A_623] {strides = array<i32>} : memref<16x1024xf32, #tpu.memory_space<vmem>>, vector<1x16xf32>,
        %swap3A_625 = vector.shape_cast %swap3A_624 : vector<1x16xf32> to vector<16xf32>
        %swap3A_626 = vector.shape_cast %mul3A_619 : vector<16xf32> to vector<1x16xf32>
        tpu.vector_store %arg6[%swap3A_622, %swap3A_623], %swap3A_626 {strides = array<i32>} : memref<16x1024xf32, #tpu.memory_space<vmem>>, vector<1x16xf32>,
        %scan3A_627 = arith.constant 0 : i32
        %scan3A_628 = arith.constant 5 : i32
        %scan3A_629 = arith.addi %scan3A_535, %scan3A_628 : i32
        %mul3A_630 = arith.constant 16 : i32
        %mul3A_631 = arith.muli %scan3A_629, %mul3A_630 : i32
        %get3A_632 = arith.index_cast %scan3A_526 : i32 to index
        %get3A_633 = arith.index_cast %mul3A_631 : i32 to index
        %get3A_634 = tpu.vector_load %arg6[%get3A_632, %get3A_633] {strides = array<i32>} : memref<16x1024xf32, #tpu.memory_space<vmem>>, vector<1x16xf32>,
        %get3A_635 = vector.shape_cast %get3A_634 : vector<1x16xf32> to vector<16xf32>
        %mul3A_636 = arith.constant 3.200000e+01 : f32
        %mul3A_637 = vector.broadcast %mul3A_636 : f32 to vector<16xf32>
        %mul3A_638 = arith.mulf %get3A_635, %mul3A_637 : vector<16xf32>
        %mul3A_639 = arith.constant 16 : i32
        %mul3A_640 = arith.muli %scan3A_629, %mul3A_639 : i32
        %swap3A_641 = arith.index_cast %scan3A_526 : i32 to index
        %swap3A_642 = arith.index_cast %mul3A_640 : i32 to index
        %swap3A_643 = tpu.vector_load %arg6[%swap3A_641, %swap3A_642] {strides = array<i32>} : memref<16x1024xf32, #tpu.memory_space<vmem>>, vector<1x16xf32>,
        %swap3A_644 = vector.shape_cast %swap3A_643 : vector<1x16xf32> to vector<16xf32>
        %swap3A_645 = vector.shape_cast %mul3A_638 : vector<16xf32> to vector<1x16xf32>
        tpu.vector_store %arg6[%swap3A_641, %swap3A_642], %swap3A_645 {strides = array<i32>} : memref<16x1024xf32, #tpu.memory_space<vmem>>, vector<1x16xf32>,
        %scan3A_646 = arith.constant 0 : i32
        %scan3A_647 = arith.constant 6 : i32
        %scan3A_648 = arith.addi %scan3A_535, %scan3A_647 : i32
        %mul3A_649 = arith.constant 16 : i32
        %mul3A_650 = arith.muli %scan3A_648, %mul3A_649 : i32
        %get3A_651 = arith.index_cast %scan3A_526 : i32 to index
        %get3A_652 = arith.index_cast %mul3A_650 : i32 to index
        %get3A_653 = tpu.vector_load %arg6[%get3A_651, %get3A_652] {strides = array<i32>} : memref<16x1024xf32, #tpu.memory_space<vmem>>, vector<1x16xf32>,
        %get3A_654 = vector.shape_cast %get3A_653 : vector<1x16xf32> to vector<16xf32>
        %mul3A_655 = arith.constant 3.200000e+01 : f32
        %mul3A_656 = vector.broadcast %mul3A_655 : f32 to vector<16xf32>
        %mul3A_657 = arith.mulf %get3A_654, %mul3A_656 : vector<16xf32>
        %mul3A_658 = arith.constant 16 : i32
        %mul3A_659 = arith.muli %scan3A_648, %mul3A_658 : i32
        %swap3A_660 = arith.index_cast %scan3A_526 : i32 to index
        %swap3A_661 = arith.index_cast %mul3A_659 : i32 to index
        %swap3A_662 = tpu.vector_load %arg6[%swap3A_660, %swap3A_661] {strides = array<i32>} : memref<16x1024xf32, #tpu.memory_space<vmem>>, vector<1x16xf32>,
        %swap3A_663 = vector.shape_cast %swap3A_662 : vector<1x16xf32> to vector<16xf32>
        %swap3A_664 = vector.shape_cast %mul3A_657 : vector<16xf32> to vector<1x16xf32>
        tpu.vector_store %arg6[%swap3A_660, %swap3A_661], %swap3A_664 {strides = array<i32>} : memref<16x1024xf32, #tpu.memory_space<vmem>>, vector<1x16xf32>,
        %scan3A_665 = arith.constant 0 : i32
        %scan3A_666 = arith.constant 7 : i32
        %scan3A_667 = arith.addi %scan3A_535, %scan3A_666 : i32
        %mul3A_668 = arith.constant 16 : i32
        %mul3A_669 = arith.muli %scan3A_667, %mul3A_668 : i32
        %get3A_670 = arith.index_cast %scan3A_526 : i32 to index
        %get3A_671 = arith.index_cast %mul3A_669 : i32 to index
        %get3A_672 = tpu.vector_load %arg6[%get3A_670, %get3A_671] {strides = array<i32>} : memref<16x1024xf32, #tpu.memory_space<vmem>>, vector<1x16xf32>,
        %get3A_673 = vector.shape_cast %get3A_672 : vector<1x16xf32> to vector<16xf32>
        %mul3A_674 = arith.constant 3.200000e+01 : f32
        %mul3A_675 = vector.broadcast %mul3A_674 : f32 to vector<16xf32>
        %mul3A_676 = arith.mulf %get3A_673, %mul3A_675 : vector<16xf32>
        %mul3A_677 = arith.constant 16 : i32
        %mul3A_678 = arith.muli %scan3A_667, %mul3A_677 : i32
        %swap3A_679 = arith.index_cast %scan3A_526 : i32 to index
        %swap3A_680 = arith.index_cast %mul3A_678 : i32 to index
        %swap3A_681 = tpu.vector_load %arg6[%swap3A_679, %swap3A_680] {strides = array<i32>} : memref<16x1024xf32, #tpu.memory_space<vmem>>, vector<1x16xf32>,
        %swap3A_682 = vector.shape_cast %swap3A_681 : vector<1x16xf32> to vector<16xf32>
        %swap3A_683 = vector.shape_cast %mul3A_676 : vector<16xf32> to vector<1x16xf32>
        tpu.vector_store %arg6[%swap3A_679, %swap3A_680], %swap3A_683 {strides = array<i32>} : memref<16x1024xf32, #tpu.memory_space<vmem>>, vector<1x16xf32>,
        %scan3A_684 = arith.constant 0 : i32
        scf.yield %scan3A_684 : i32
      }
      %scan3A_534 = arith.constant 64 : i32
      scf.yield %scan3A_533 : i32
    }
    %scan3A_421 = arith.constant 16 : i32
    %add3A_422 = arith.constant 192 : i32
    %add3A_423 = arith.addi %mul3A_32, %add3A_422 : i32
    %dma_start3A_424 = arith.constant 0 : i32
    %dma_start3A_425 = tpu.memref_slice %arg4[%select_n3A, %add3A_423, %dma_start3A_424] : memref<4x2048x1024xf32, #tpu.memory_space<hbm>> -> memref<1x16x1024xf32, #tpu.memory_space<hbm>>
    %dma_start3A_426 = tpu.memref_squeeze %dma_start3A_425 : memref<1x16x1024xf32, #tpu.memory_space<hbm>> -> memref<16x1024xf32, #tpu.memory_space<hbm>>
    %dma_start3A_427 = arith.constant 0 : i32
    %dma_start3A_428 = tpu.memref_slice %arg4[%select_n3A, %add3A_423, %dma_start3A_427] : memref<4x2048x1024xf32, #tpu.memory_space<hbm>> -> memref<1x16x1024xf32, #tpu.memory_space<hbm>>
    %dma_start3A_429 = tpu.memref_squeeze %dma_start3A_428 : memref<1x16x1024xf32, #tpu.memory_space<hbm>> -> memref<16x1024xf32, #tpu.memory_space<hbm>>
    tpu.enqueue_dma source(%arg6 : memref<16x1024xf32, #tpu.memory_space<vmem>>) target(%dma_start3A_429 : memref<16x1024xf32, #tpu.memory_space<hbm>>) target_semaphore(%arg18 : memref<!tpu.dma_semaphore, #tpu.memory_space<semaphore_mem>>)
    %dma_wait3A_430 = arith.constant 208 : i32
    %dma_wait3A_431 = tpu.memref_slice %arg5[%dma_wait3A_430] : memref<256xi32, #tpu.memory_space<vmem>> -> memref<16xi32, #tpu.memory_space<vmem>>
    %dma_wait3A_432 = arith.constant 0 : i32
    %dma_wait3A_433 = arith.constant 0 : i32
    %dma_wait3A_434 = tpu.memref_slice %arg3[%dma_wait3A_432, %dma_wait3A_433] : memref<100000x1024xf32, #tpu.memory_space<hbm>> -> memref<100000x1024xf32, #tpu.memory_space<hbm>>
    tpu.wait_indirect_dma semaphore(%arg13 : memref<!tpu.dma_semaphore, #tpu.memory_space<semaphore_mem>>) src(%dma_wait3A_434 : memref<100000x1024xf32, #tpu.memory_space<hbm>>) dst(%arg7 : memref<16x1024xf32, #tpu.memory_space<vmem>>)
    %scan3A_435 = arith.constant 0 : i32
    %scan3A_436 = arith.constant 0 : i32
    %scan3A_437 = arith.constant 16 : i32
    %scan3A_438 = arith.addi %scan3A_436, %scan3A_437 : i32
    %scan3A_439 = arith.constant 1 : i32
    %scan3A_440 = scf.for %scan3A_526 = %scan3A_436 to %scan3A_438 step %scan3A_439 iter_args(%scan3A_527 = %scan3A_435) -> (i32)  : i32 {
      %scan3A_528 = arith.constant 0 : i32
      %scan3A_529 = arith.constant 0 : i32
      %scan3A_530 = arith.constant 64 : i32
      %scan3A_531 = arith.addi %scan3A_529, %scan3A_530 : i32
      %scan3A_532 = arith.constant 8 : i32
      %scan3A_533 = scf.for %scan3A_535 = %scan3A_529 to %scan3A_531 step %scan3A_532 iter_args(%scan3A_536 = %scan3A_528) -> (i32)  : i32 {
        %mul3A_537 = arith.constant 16 : i32
        %mul3A_538 = arith.muli %scan3A_535, %mul3A_537 : i32
        %get3A = arith.index_cast %scan3A_526 : i32 to index
        %get3A_539 = arith.index_cast %mul3A_538 : i32 to index
        %get3A_540 = tpu.vector_load %arg7[%get3A, %get3A_539] {strides = array<i32>} : memref<16x1024xf32, #tpu.memory_space<vmem>>, vector<1x16xf32>,
        %get3A_541 = vector.shape_cast %get3A_540 : vector<1x16xf32> to vector<16xf32>
        %mul3A_542 = arith.constant 3.200000e+01 : f32
        %mul3A_543 = vector.broadcast %mul3A_542 : f32 to vector<16xf32>
        %mul3A_544 = arith.mulf %get3A_541, %mul3A_543 : vector<16xf32>
        %mul3A_545 = arith.constant 16 : i32
        %mul3A_546 = arith.muli %scan3A_535, %mul3A_545 : i32
        %swap3A = arith.index_cast %scan3A_526 : i32 to index
        %swap3A_547 = arith.index_cast %mul3A_546 : i32 to index
        %swap3A_548 = tpu.vector_load %arg7[%swap3A, %swap3A_547] {strides = array<i32>} : memref<16x1024xf32, #tpu.memory_space<vmem>>, vector<1x16xf32>,
        %swap3A_549 = vector.shape_cast %swap3A_548 : vector<1x16xf32> to vector<16xf32>
        %swap3A_550 = vector.shape_cast %mul3A_544 : vector<16xf32> to vector<1x16xf32>
        tpu.vector_store %arg7[%swap3A, %swap3A_547], %swap3A_550 {strides = array<i32>} : memref<16x1024xf32, #tpu.memory_space<vmem>>, vector<1x16xf32>,
        %scan3A_551 = arith.constant 0 : i32
        %scan3A_552 = arith.constant 1 : i32
        %scan3A_553 = arith.addi %scan3A_535, %scan3A_552 : i32
        %mul3A_554 = arith.constant 16 : i32
        %mul3A_555 = arith.muli %scan3A_553, %mul3A_554 : i32
        %get3A_556 = arith.index_cast %scan3A_526 : i32 to index
        %get3A_557 = arith.index_cast %mul3A_555 : i32 to index
        %get3A_558 = tpu.vector_load %arg7[%get3A_556, %get3A_557] {strides = array<i32>} : memref<16x1024xf32, #tpu.memory_space<vmem>>, vector<1x16xf32>,
        %get3A_559 = vector.shape_cast %get3A_558 : vector<1x16xf32> to vector<16xf32>
        %mul3A_560 = arith.constant 3.200000e+01 : f32
        %mul3A_561 = vector.broadcast %mul3A_560 : f32 to vector<16xf32>
        %mul3A_562 = arith.mulf %get3A_559, %mul3A_561 : vector<16xf32>
        %mul3A_563 = arith.constant 16 : i32
        %mul3A_564 = arith.muli %scan3A_553, %mul3A_563 : i32
        %swap3A_565 = arith.index_cast %scan3A_526 : i32 to index
        %swap3A_566 = arith.index_cast %mul3A_564 : i32 to index
        %swap3A_567 = tpu.vector_load %arg7[%swap3A_565, %swap3A_566] {strides = array<i32>} : memref<16x1024xf32, #tpu.memory_space<vmem>>, vector<1x16xf32>,
        %swap3A_568 = vector.shape_cast %swap3A_567 : vector<1x16xf32> to vector<16xf32>
        %swap3A_569 = vector.shape_cast %mul3A_562 : vector<16xf32> to vector<1x16xf32>
        tpu.vector_store %arg7[%swap3A_565, %swap3A_566], %swap3A_569 {strides = array<i32>} : memref<16x1024xf32, #tpu.memory_space<vmem>>, vector<1x16xf32>,
        %scan3A_570 = arith.constant 0 : i32
        %scan3A_571 = arith.constant 2 : i32
        %scan3A_572 = arith.addi %scan3A_535, %scan3A_571 : i32
        %mul3A_573 = arith.constant 16 : i32
        %mul3A_574 = arith.muli %scan3A_572, %mul3A_573 : i32
        %get3A_575 = arith.index_cast %scan3A_526 : i32 to index
        %get3A_576 = arith.index_cast %mul3A_574 : i32 to index
        %get3A_577 = tpu.vector_load %arg7[%get3A_575, %get3A_576] {strides = array<i32>} : memref<16x1024xf32, #tpu.memory_space<vmem>>, vector<1x16xf32>,
        %get3A_578 = vector.shape_cast %get3A_577 : vector<1x16xf32> to vector<16xf32>
        %mul3A_579 = arith.constant 3.200000e+01 : f32
        %mul3A_580 = vector.broadcast %mul3A_579 : f32 to vector<16xf32>
        %mul3A_581 = arith.mulf %get3A_578, %mul3A_580 : vector<16xf32>
        %mul3A_582 = arith.constant 16 : i32
        %mul3A_583 = arith.muli %scan3A_572, %mul3A_582 : i32
        %swap3A_584 = arith.index_cast %scan3A_526 : i32 to index
        %swap3A_585 = arith.index_cast %mul3A_583 : i32 to index
        %swap3A_586 = tpu.vector_load %arg7[%swap3A_584, %swap3A_585] {strides = array<i32>} : memref<16x1024xf32, #tpu.memory_space<vmem>>, vector<1x16xf32>,
        %swap3A_587 = vector.shape_cast %swap3A_586 : vector<1x16xf32> to vector<16xf32>
        %swap3A_588 = vector.shape_cast %mul3A_581 : vector<16xf32> to vector<1x16xf32>
        tpu.vector_store %arg7[%swap3A_584, %swap3A_585], %swap3A_588 {strides = array<i32>} : memref<16x1024xf32, #tpu.memory_space<vmem>>, vector<1x16xf32>,
        %scan3A_589 = arith.constant 0 : i32
        %scan3A_590 = arith.constant 3 : i32
        %scan3A_591 = arith.addi %scan3A_535, %scan3A_590 : i32
        %mul3A_592 = arith.constant 16 : i32
        %mul3A_593 = arith.muli %scan3A_591, %mul3A_592 : i32
        %get3A_594 = arith.index_cast %scan3A_526 : i32 to index
        %get3A_595 = arith.index_cast %mul3A_593 : i32 to index
        %get3A_596 = tpu.vector_load %arg7[%get3A_594, %get3A_595] {strides = array<i32>} : memref<16x1024xf32, #tpu.memory_space<vmem>>, vector<1x16xf32>,
        %get3A_597 = vector.shape_cast %get3A_596 : vector<1x16xf32> to vector<16xf32>
        %mul3A_598 = arith.constant 3.200000e+01 : f32
        %mul3A_599 = vector.broadcast %mul3A_598 : f32 to vector<16xf32>
        %mul3A_600 = arith.mulf %get3A_597, %mul3A_599 : vector<16xf32>
        %mul3A_601 = arith.constant 16 : i32
        %mul3A_602 = arith.muli %scan3A_591, %mul3A_601 : i32
        %swap3A_603 = arith.index_cast %scan3A_526 : i32 to index
        %swap3A_604 = arith.index_cast %mul3A_602 : i32 to index
        %swap3A_605 = tpu.vector_load %arg7[%swap3A_603, %swap3A_604] {strides = array<i32>} : memref<16x1024xf32, #tpu.memory_space<vmem>>, vector<1x16xf32>,
        %swap3A_606 = vector.shape_cast %swap3A_605 : vector<1x16xf32> to vector<16xf32>
        %swap3A_607 = vector.shape_cast %mul3A_600 : vector<16xf32> to vector<1x16xf32>
        tpu.vector_store %arg7[%swap3A_603, %swap3A_604], %swap3A_607 {strides = array<i32>} : memref<16x1024xf32, #tpu.memory_space<vmem>>, vector<1x16xf32>,
        %scan3A_608 = arith.constant 0 : i32
        %scan3A_609 = arith.constant 4 : i32
        %scan3A_610 = arith.addi %scan3A_535, %scan3A_609 : i32
        %mul3A_611 = arith.constant 16 : i32
        %mul3A_612 = arith.muli %scan3A_610, %mul3A_611 : i32
        %get3A_613 = arith.index_cast %scan3A_526 : i32 to index
        %get3A_614 = arith.index_cast %mul3A_612 : i32 to index
        %get3A_615 = tpu.vector_load %arg7[%get3A_613, %get3A_614] {strides = array<i32>} : memref<16x1024xf32, #tpu.memory_space<vmem>>, vector<1x16xf32>,
        %get3A_616 = vector.shape_cast %get3A_615 : vector<1x16xf32> to vector<16xf32>
        %mul3A_617 = arith.constant 3.200000e+01 : f32
        %mul3A_618 = vector.broadcast %mul3A_617 : f32 to vector<16xf32>
        %mul3A_619 = arith.mulf %get3A_616, %mul3A_618 : vector<16xf32>
        %mul3A_620 = arith.constant 16 : i32
        %mul3A_621 = arith.muli %scan3A_610, %mul3A_620 : i32
        %swap3A_622 = arith.index_cast %scan3A_526 : i32 to index
        %swap3A_623 = arith.index_cast %mul3A_621 : i32 to index
        %swap3A_624 = tpu.vector_load %arg7[%swap3A_622, %swap3A_623] {strides = array<i32>} : memref<16x1024xf32, #tpu.memory_space<vmem>>, vector<1x16xf32>,
        %swap3A_625 = vector.shape_cast %swap3A_624 : vector<1x16xf32> to vector<16xf32>
        %swap3A_626 = vector.shape_cast %mul3A_619 : vector<16xf32> to vector<1x16xf32>
        tpu.vector_store %arg7[%swap3A_622, %swap3A_623], %swap3A_626 {strides = array<i32>} : memref<16x1024xf32, #tpu.memory_space<vmem>>, vector<1x16xf32>,
        %scan3A_627 = arith.constant 0 : i32
        %scan3A_628 = arith.constant 5 : i32
        %scan3A_629 = arith.addi %scan3A_535, %scan3A_628 : i32
        %mul3A_630 = arith.constant 16 : i32
        %mul3A_631 = arith.muli %scan3A_629, %mul3A_630 : i32
        %get3A_632 = arith.index_cast %scan3A_526 : i32 to index
        %get3A_633 = arith.index_cast %mul3A_631 : i32 to index
        %get3A_634 = tpu.vector_load %arg7[%get3A_632, %get3A_633] {strides = array<i32>} : memref<16x1024xf32, #tpu.memory_space<vmem>>, vector<1x16xf32>,
        %get3A_635 = vector.shape_cast %get3A_634 : vector<1x16xf32> to vector<16xf32>
        %mul3A_636 = arith.constant 3.200000e+01 : f32
        %mul3A_637 = vector.broadcast %mul3A_636 : f32 to vector<16xf32>
        %mul3A_638 = arith.mulf %get3A_635, %mul3A_637 : vector<16xf32>
        %mul3A_639 = arith.constant 16 : i32
        %mul3A_640 = arith.muli %scan3A_629, %mul3A_639 : i32
        %swap3A_641 = arith.index_cast %scan3A_526 : i32 to index
        %swap3A_642 = arith.index_cast %mul3A_640 : i32 to index
        %swap3A_643 = tpu.vector_load %arg7[%swap3A_641, %swap3A_642] {strides = array<i32>} : memref<16x1024xf32, #tpu.memory_space<vmem>>, vector<1x16xf32>,
        %swap3A_644 = vector.shape_cast %swap3A_643 : vector<1x16xf32> to vector<16xf32>
        %swap3A_645 = vector.shape_cast %mul3A_638 : vector<16xf32> to vector<1x16xf32>
        tpu.vector_store %arg7[%swap3A_641, %swap3A_642], %swap3A_645 {strides = array<i32>} : memref<16x1024xf32, #tpu.memory_space<vmem>>, vector<1x16xf32>,
        %scan3A_646 = arith.constant 0 : i32
        %scan3A_647 = arith.constant 6 : i32
        %scan3A_648 = arith.addi %scan3A_535, %scan3A_647 : i32
        %mul3A_649 = arith.constant 16 : i32
        %mul3A_650 = arith.muli %scan3A_648, %mul3A_649 : i32
        %get3A_651 = arith.index_cast %scan3A_526 : i32 to index
        %get3A_652 = arith.index_cast %mul3A_650 : i32 to index
        %get3A_653 = tpu.vector_load %arg7[%get3A_651, %get3A_652] {strides = array<i32>} : memref<16x1024xf32, #tpu.memory_space<vmem>>, vector<1x16xf32>,
        %get3A_654 = vector.shape_cast %get3A_653 : vector<1x16xf32> to vector<16xf32>
        %mul3A_655 = arith.constant 3.200000e+01 : f32
        %mul3A_656 = vector.broadcast %mul3A_655 : f32 to vector<16xf32>
        %mul3A_657 = arith.mulf %get3A_654, %mul3A_656 : vector<16xf32>
        %mul3A_658 = arith.constant 16 : i32
        %mul3A_659 = arith.muli %scan3A_648, %mul3A_658 : i32
        %swap3A_660 = arith.index_cast %scan3A_526 : i32 to index
        %swap3A_661 = arith.index_cast %mul3A_659 : i32 to index
        %swap3A_662 = tpu.vector_load %arg7[%swap3A_660, %swap3A_661] {strides = array<i32>} : memref<16x1024xf32, #tpu.memory_space<vmem>>, vector<1x16xf32>,
        %swap3A_663 = vector.shape_cast %swap3A_662 : vector<1x16xf32> to vector<16xf32>
        %swap3A_664 = vector.shape_cast %mul3A_657 : vector<16xf32> to vector<1x16xf32>
        tpu.vector_store %arg7[%swap3A_660, %swap3A_661], %swap3A_664 {strides = array<i32>} : memref<16x1024xf32, #tpu.memory_space<vmem>>, vector<1x16xf32>,
        %scan3A_665 = arith.constant 0 : i32
        %scan3A_666 = arith.constant 7 : i32
        %scan3A_667 = arith.addi %scan3A_535, %scan3A_666 : i32
        %mul3A_668 = arith.constant 16 : i32
        %mul3A_669 = arith.muli %scan3A_667, %mul3A_668 : i32
        %get3A_670 = arith.index_cast %scan3A_526 : i32 to index
        %get3A_671 = arith.index_cast %mul3A_669 : i32 to index
        %get3A_672 = tpu.vector_load %arg7[%get3A_670, %get3A_671] {strides = array<i32>} : memref<16x1024xf32, #tpu.memory_space<vmem>>, vector<1x16xf32>,
        %get3A_673 = vector.shape_cast %get3A_672 : vector<1x16xf32> to vector<16xf32>
        %mul3A_674 = arith.constant 3.200000e+01 : f32
        %mul3A_675 = vector.broadcast %mul3A_674 : f32 to vector<16xf32>
        %mul3A_676 = arith.mulf %get3A_673, %mul3A_675 : vector<16xf32>
        %mul3A_677 = arith.constant 16 : i32
        %mul3A_678 = arith.muli %scan3A_667, %mul3A_677 : i32
        %swap3A_679 = arith.index_cast %scan3A_526 : i32 to index
        %swap3A_680 = arith.index_cast %mul3A_678 : i32 to index
        %swap3A_681 = tpu.vector_load %arg7[%swap3A_679, %swap3A_680] {strides = array<i32>} : memref<16x1024xf32, #tpu.memory_space<vmem>>, vector<1x16xf32>,
        %swap3A_682 = vector.shape_cast %swap3A_681 : vector<1x16xf32> to vector<16xf32>
        %swap3A_683 = vector.shape_cast %mul3A_676 : vector<16xf32> to vector<1x16xf32>
        tpu.vector_store %arg7[%swap3A_679, %swap3A_680], %swap3A_683 {strides = array<i32>} : memref<16x1024xf32, #tpu.memory_space<vmem>>, vector<1x16xf32>,
        %scan3A_684 = arith.constant 0 : i32
        scf.yield %scan3A_684 : i32
      }
      %scan3A_534 = arith.constant 64 : i32
      scf.yield %scan3A_533 : i32
    }
    %scan3A_441 = arith.constant 16 : i32
    %add3A_442 = arith.constant 208 : i32
    %add3A_443 = arith.addi %mul3A_32, %add3A_442 : i32
    %dma_start3A_444 = arith.constant 0 : i32
    %dma_start3A_445 = tpu.memref_slice %arg4[%select_n3A, %add3A_443, %dma_start3A_444] : memref<4x2048x1024xf32, #tpu.memory_space<hbm>> -> memref<1x16x1024xf32, #tpu.memory_space<hbm>>
    %dma_start3A_446 = tpu.memref_squeeze %dma_start3A_445 : memref<1x16x1024xf32, #tpu.memory_space<hbm>> -> memref<16x1024xf32, #tpu.memory_space<hbm>>
    %dma_start3A_447 = arith.constant 0 : i32
    %dma_start3A_448 = tpu.memref_slice %arg4[%select_n3A, %add3A_443, %dma_start3A_447] : memref<4x2048x1024xf32, #tpu.memory_space<hbm>> -> memref<1x16x1024xf32, #tpu.memory_space<hbm>>
    %dma_start3A_449 = tpu.memref_squeeze %dma_start3A_448 : memref<1x16x1024xf32, #tpu.memory_space<hbm>> -> memref<16x1024xf32, #tpu.memory_space<hbm>>
    tpu.enqueue_dma source(%arg7 : memref<16x1024xf32, #tpu.memory_space<vmem>>) target(%dma_start3A_449 : memref<16x1024xf32, #tpu.memory_space<hbm>>) target_semaphore(%arg19 : memref<!tpu.dma_semaphore, #tpu.memory_space<semaphore_mem>>)
    %dma_wait3A_450 = arith.constant 224 : i32
    %dma_wait3A_451 = tpu.memref_slice %arg5[%dma_wait3A_450] : memref<256xi32, #tpu.memory_space<vmem>> -> memref<16xi32, #tpu.memory_space<vmem>>
    %dma_wait3A_452 = arith.constant 0 : i32
    %dma_wait3A_453 = arith.constant 0 : i32
    %dma_wait3A_454 = tpu.memref_slice %arg3[%dma_wait3A_452, %dma_wait3A_453] : memref<100000x1024xf32, #tpu.memory_space<hbm>> -> memref<100000x1024xf32, #tpu.memory_space<hbm>>
    tpu.wait_indirect_dma semaphore(%arg14 : memref<!tpu.dma_semaphore, #tpu.memory_space<semaphore_mem>>) src(%dma_wait3A_454 : memref<100000x1024xf32, #tpu.memory_space<hbm>>) dst(%arg8 : memref<16x1024xf32, #tpu.memory_space<vmem>>)
    %scan3A_455 = arith.constant 0 : i32
    %scan3A_456 = arith.constant 0 : i32
    %scan3A_457 = arith.constant 16 : i32
    %scan3A_458 = arith.addi %scan3A_456, %scan3A_457 : i32
    %scan3A_459 = arith.constant 1 : i32
    %scan3A_460 = scf.for %scan3A_526 = %scan3A_456 to %scan3A_458 step %scan3A_459 iter_args(%scan3A_527 = %scan3A_455) -> (i32)  : i32 {
      %scan3A_528 = arith.constant 0 : i32
      %scan3A_529 = arith.constant 0 : i32
      %scan3A_530 = arith.constant 64 : i32
      %scan3A_531 = arith.addi %scan3A_529, %scan3A_530 : i32
      %scan3A_532 = arith.constant 8 : i32
      %scan3A_533 = scf.for %scan3A_535 = %scan3A_529 to %scan3A_531 step %scan3A_532 iter_args(%scan3A_536 = %scan3A_528) -> (i32)  : i32 {
        %mul3A_537 = arith.constant 16 : i32
        %mul3A_538 = arith.muli %scan3A_535, %mul3A_537 : i32
        %get3A = arith.index_cast %scan3A_526 : i32 to index
        %get3A_539 = arith.index_cast %mul3A_538 : i32 to index
        %get3A_540 = tpu.vector_load %arg8[%get3A, %get3A_539] {strides = array<i32>} : memref<16x1024xf32, #tpu.memory_space<vmem>>, vector<1x16xf32>,
        %get3A_541 = vector.shape_cast %get3A_540 : vector<1x16xf32> to vector<16xf32>
        %mul3A_542 = arith.constant 3.200000e+01 : f32
        %mul3A_543 = vector.broadcast %mul3A_542 : f32 to vector<16xf32>
        %mul3A_544 = arith.mulf %get3A_541, %mul3A_543 : vector<16xf32>
        %mul3A_545 = arith.constant 16 : i32
        %mul3A_546 = arith.muli %scan3A_535, %mul3A_545 : i32
        %swap3A = arith.index_cast %scan3A_526 : i32 to index
        %swap3A_547 = arith.index_cast %mul3A_546 : i32 to index
        %swap3A_548 = tpu.vector_load %arg8[%swap3A, %swap3A_547] {strides = array<i32>} : memref<16x1024xf32, #tpu.memory_space<vmem>>, vector<1x16xf32>,
        %swap3A_549 = vector.shape_cast %swap3A_548 : vector<1x16xf32> to vector<16xf32>
        %swap3A_550 = vector.shape_cast %mul3A_544 : vector<16xf32> to vector<1x16xf32>
        tpu.vector_store %arg8[%swap3A, %swap3A_547], %swap3A_550 {strides = array<i32>} : memref<16x1024xf32, #tpu.memory_space<vmem>>, vector<1x16xf32>,
        %scan3A_551 = arith.constant 0 : i32
        %scan3A_552 = arith.constant 1 : i32
        %scan3A_553 = arith.addi %scan3A_535, %scan3A_552 : i32
        %mul3A_554 = arith.constant 16 : i32
        %mul3A_555 = arith.muli %scan3A_553, %mul3A_554 : i32
        %get3A_556 = arith.index_cast %scan3A_526 : i32 to index
        %get3A_557 = arith.index_cast %mul3A_555 : i32 to index
        %get3A_558 = tpu.vector_load %arg8[%get3A_556, %get3A_557] {strides = array<i32>} : memref<16x1024xf32, #tpu.memory_space<vmem>>, vector<1x16xf32>,
        %get3A_559 = vector.shape_cast %get3A_558 : vector<1x16xf32> to vector<16xf32>
        %mul3A_560 = arith.constant 3.200000e+01 : f32
        %mul3A_561 = vector.broadcast %mul3A_560 : f32 to vector<16xf32>
        %mul3A_562 = arith.mulf %get3A_559, %mul3A_561 : vector<16xf32>
        %mul3A_563 = arith.constant 16 : i32
        %mul3A_564 = arith.muli %scan3A_553, %mul3A_563 : i32
        %swap3A_565 = arith.index_cast %scan3A_526 : i32 to index
        %swap3A_566 = arith.index_cast %mul3A_564 : i32 to index
        %swap3A_567 = tpu.vector_load %arg8[%swap3A_565, %swap3A_566] {strides = array<i32>} : memref<16x1024xf32, #tpu.memory_space<vmem>>, vector<1x16xf32>,
        %swap3A_568 = vector.shape_cast %swap3A_567 : vector<1x16xf32> to vector<16xf32>
        %swap3A_569 = vector.shape_cast %mul3A_562 : vector<16xf32> to vector<1x16xf32>
        tpu.vector_store %arg8[%swap3A_565, %swap3A_566], %swap3A_569 {strides = array<i32>} : memref<16x1024xf32, #tpu.memory_space<vmem>>, vector<1x16xf32>,
        %scan3A_570 = arith.constant 0 : i32
        %scan3A_571 = arith.constant 2 : i32
        %scan3A_572 = arith.addi %scan3A_535, %scan3A_571 : i32
        %mul3A_573 = arith.constant 16 : i32
        %mul3A_574 = arith.muli %scan3A_572, %mul3A_573 : i32
        %get3A_575 = arith.index_cast %scan3A_526 : i32 to index
        %get3A_576 = arith.index_cast %mul3A_574 : i32 to index
        %get3A_577 = tpu.vector_load %arg8[%get3A_575, %get3A_576] {strides = array<i32>} : memref<16x1024xf32, #tpu.memory_space<vmem>>, vector<1x16xf32>,
        %get3A_578 = vector.shape_cast %get3A_577 : vector<1x16xf32> to vector<16xf32>
        %mul3A_579 = arith.constant 3.200000e+01 : f32
        %mul3A_580 = vector.broadcast %mul3A_579 : f32 to vector<16xf32>
        %mul3A_581 = arith.mulf %get3A_578, %mul3A_580 : vector<16xf32>
        %mul3A_582 = arith.constant 16 : i32
        %mul3A_583 = arith.muli %scan3A_572, %mul3A_582 : i32
        %swap3A_584 = arith.index_cast %scan3A_526 : i32 to index
        %swap3A_585 = arith.index_cast %mul3A_583 : i32 to index
        %swap3A_586 = tpu.vector_load %arg8[%swap3A_584, %swap3A_585] {strides = array<i32>} : memref<16x1024xf32, #tpu.memory_space<vmem>>, vector<1x16xf32>,
        %swap3A_587 = vector.shape_cast %swap3A_586 : vector<1x16xf32> to vector<16xf32>
        %swap3A_588 = vector.shape_cast %mul3A_581 : vector<16xf32> to vector<1x16xf32>
        tpu.vector_store %arg8[%swap3A_584, %swap3A_585], %swap3A_588 {strides = array<i32>} : memref<16x1024xf32, #tpu.memory_space<vmem>>, vector<1x16xf32>,
        %scan3A_589 = arith.constant 0 : i32
        %scan3A_590 = arith.constant 3 : i32
        %scan3A_591 = arith.addi %scan3A_535, %scan3A_590 : i32
        %mul3A_592 = arith.constant 16 : i32
        %mul3A_593 = arith.muli %scan3A_591, %mul3A_592 : i32
        %get3A_594 = arith.index_cast %scan3A_526 : i32 to index
        %get3A_595 = arith.index_cast %mul3A_593 : i32 to index
        %get3A_596 = tpu.vector_load %arg8[%get3A_594, %get3A_595] {strides = array<i32>} : memref<16x1024xf32, #tpu.memory_space<vmem>>, vector<1x16xf32>,
        %get3A_597 = vector.shape_cast %get3A_596 : vector<1x16xf32> to vector<16xf32>
        %mul3A_598 = arith.constant 3.200000e+01 : f32
        %mul3A_599 = vector.broadcast %mul3A_598 : f32 to vector<16xf32>
        %mul3A_600 = arith.mulf %get3A_597, %mul3A_599 : vector<16xf32>
        %mul3A_601 = arith.constant 16 : i32
        %mul3A_602 = arith.muli %scan3A_591, %mul3A_601 : i32
        %swap3A_603 = arith.index_cast %scan3A_526 : i32 to index
        %swap3A_604 = arith.index_cast %mul3A_602 : i32 to index
        %swap3A_605 = tpu.vector_load %arg8[%swap3A_603, %swap3A_604] {strides = array<i32>} : memref<16x1024xf32, #tpu.memory_space<vmem>>, vector<1x16xf32>,
        %swap3A_606 = vector.shape_cast %swap3A_605 : vector<1x16xf32> to vector<16xf32>
        %swap3A_607 = vector.shape_cast %mul3A_600 : vector<16xf32> to vector<1x16xf32>
        tpu.vector_store %arg8[%swap3A_603, %swap3A_604], %swap3A_607 {strides = array<i32>} : memref<16x1024xf32, #tpu.memory_space<vmem>>, vector<1x16xf32>,
        %scan3A_608 = arith.constant 0 : i32
        %scan3A_609 = arith.constant 4 : i32
        %scan3A_610 = arith.addi %scan3A_535, %scan3A_609 : i32
        %mul3A_611 = arith.constant 16 : i32
        %mul3A_612 = arith.muli %scan3A_610, %mul3A_611 : i32
        %get3A_613 = arith.index_cast %scan3A_526 : i32 to index
        %get3A_614 = arith.index_cast %mul3A_612 : i32 to index
        %get3A_615 = tpu.vector_load %arg8[%get3A_613, %get3A_614] {strides = array<i32>} : memref<16x1024xf32, #tpu.memory_space<vmem>>, vector<1x16xf32>,
        %get3A_616 = vector.shape_cast %get3A_615 : vector<1x16xf32> to vector<16xf32>
        %mul3A_617 = arith.constant 3.200000e+01 : f32
        %mul3A_618 = vector.broadcast %mul3A_617 : f32 to vector<16xf32>
        %mul3A_619 = arith.mulf %get3A_616, %mul3A_618 : vector<16xf32>
        %mul3A_620 = arith.constant 16 : i32
        %mul3A_621 = arith.muli %scan3A_610, %mul3A_620 : i32
        %swap3A_622 = arith.index_cast %scan3A_526 : i32 to index
        %swap3A_623 = arith.index_cast %mul3A_621 : i32 to index
        %swap3A_624 = tpu.vector_load %arg8[%swap3A_622, %swap3A_623] {strides = array<i32>} : memref<16x1024xf32, #tpu.memory_space<vmem>>, vector<1x16xf32>,
        %swap3A_625 = vector.shape_cast %swap3A_624 : vector<1x16xf32> to vector<16xf32>
        %swap3A_626 = vector.shape_cast %mul3A_619 : vector<16xf32> to vector<1x16xf32>
        tpu.vector_store %arg8[%swap3A_622, %swap3A_623], %swap3A_626 {strides = array<i32>} : memref<16x1024xf32, #tpu.memory_space<vmem>>, vector<1x16xf32>,
        %scan3A_627 = arith.constant 0 : i32
        %scan3A_628 = arith.constant 5 : i32
        %scan3A_629 = arith.addi %scan3A_535, %scan3A_628 : i32
        %mul3A_630 = arith.constant 16 : i32
        %mul3A_631 = arith.muli %scan3A_629, %mul3A_630 : i32
        %get3A_632 = arith.index_cast %scan3A_526 : i32 to index
        %get3A_633 = arith.index_cast %mul3A_631 : i32 to index
        %get3A_634 = tpu.vector_load %arg8[%get3A_632, %get3A_633] {strides = array<i32>} : memref<16x1024xf32, #tpu.memory_space<vmem>>, vector<1x16xf32>,
        %get3A_635 = vector.shape_cast %get3A_634 : vector<1x16xf32> to vector<16xf32>
        %mul3A_636 = arith.constant 3.200000e+01 : f32
        %mul3A_637 = vector.broadcast %mul3A_636 : f32 to vector<16xf32>
        %mul3A_638 = arith.mulf %get3A_635, %mul3A_637 : vector<16xf32>
        %mul3A_639 = arith.constant 16 : i32
        %mul3A_640 = arith.muli %scan3A_629, %mul3A_639 : i32
        %swap3A_641 = arith.index_cast %scan3A_526 : i32 to index
        %swap3A_642 = arith.index_cast %mul3A_640 : i32 to index
        %swap3A_643 = tpu.vector_load %arg8[%swap3A_641, %swap3A_642] {strides = array<i32>} : memref<16x1024xf32, #tpu.memory_space<vmem>>, vector<1x16xf32>,
        %swap3A_644 = vector.shape_cast %swap3A_643 : vector<1x16xf32> to vector<16xf32>
        %swap3A_645 = vector.shape_cast %mul3A_638 : vector<16xf32> to vector<1x16xf32>
        tpu.vector_store %arg8[%swap3A_641, %swap3A_642], %swap3A_645 {strides = array<i32>} : memref<16x1024xf32, #tpu.memory_space<vmem>>, vector<1x16xf32>,
        %scan3A_646 = arith.constant 0 : i32
        %scan3A_647 = arith.constant 6 : i32
        %scan3A_648 = arith.addi %scan3A_535, %scan3A_647 : i32
        %mul3A_649 = arith.constant 16 : i32
        %mul3A_650 = arith.muli %scan3A_648, %mul3A_649 : i32
        %get3A_651 = arith.index_cast %scan3A_526 : i32 to index
        %get3A_652 = arith.index_cast %mul3A_650 : i32 to index
        %get3A_653 = tpu.vector_load %arg8[%get3A_651, %get3A_652] {strides = array<i32>} : memref<16x1024xf32, #tpu.memory_space<vmem>>, vector<1x16xf32>,
        %get3A_654 = vector.shape_cast %get3A_653 : vector<1x16xf32> to vector<16xf32>
        %mul3A_655 = arith.constant 3.200000e+01 : f32
        %mul3A_656 = vector.broadcast %mul3A_655 : f32 to vector<16xf32>
        %mul3A_657 = arith.mulf %get3A_654, %mul3A_656 : vector<16xf32>
        %mul3A_658 = arith.constant 16 : i32
        %mul3A_659 = arith.muli %scan3A_648, %mul3A_658 : i32
        %swap3A_660 = arith.index_cast %scan3A_526 : i32 to index
        %swap3A_661 = arith.index_cast %mul3A_659 : i32 to index
        %swap3A_662 = tpu.vector_load %arg8[%swap3A_660, %swap3A_661] {strides = array<i32>} : memref<16x1024xf32, #tpu.memory_space<vmem>>, vector<1x16xf32>,
        %swap3A_663 = vector.shape_cast %swap3A_662 : vector<1x16xf32> to vector<16xf32>
        %swap3A_664 = vector.shape_cast %mul3A_657 : vector<16xf32> to vector<1x16xf32>
        tpu.vector_store %arg8[%swap3A_660, %swap3A_661], %swap3A_664 {strides = array<i32>} : memref<16x1024xf32, #tpu.memory_space<vmem>>, vector<1x16xf32>,
        %scan3A_665 = arith.constant 0 : i32
        %scan3A_666 = arith.constant 7 : i32
        %scan3A_667 = arith.addi %scan3A_535, %scan3A_666 : i32
        %mul3A_668 = arith.constant 16 : i32
        %mul3A_669 = arith.muli %scan3A_667, %mul3A_668 : i32
        %get3A_670 = arith.index_cast %scan3A_526 : i32 to index
        %get3A_671 = arith.index_cast %mul3A_669 : i32 to index
        %get3A_672 = tpu.vector_load %arg8[%get3A_670, %get3A_671] {strides = array<i32>} : memref<16x1024xf32, #tpu.memory_space<vmem>>, vector<1x16xf32>,
        %get3A_673 = vector.shape_cast %get3A_672 : vector<1x16xf32> to vector<16xf32>
        %mul3A_674 = arith.constant 3.200000e+01 : f32
        %mul3A_675 = vector.broadcast %mul3A_674 : f32 to vector<16xf32>
        %mul3A_676 = arith.mulf %get3A_673, %mul3A_675 : vector<16xf32>
        %mul3A_677 = arith.constant 16 : i32
        %mul3A_678 = arith.muli %scan3A_667, %mul3A_677 : i32
        %swap3A_679 = arith.index_cast %scan3A_526 : i32 to index
        %swap3A_680 = arith.index_cast %mul3A_678 : i32 to index
        %swap3A_681 = tpu.vector_load %arg8[%swap3A_679, %swap3A_680] {strides = array<i32>} : memref<16x1024xf32, #tpu.memory_space<vmem>>, vector<1x16xf32>,
        %swap3A_682 = vector.shape_cast %swap3A_681 : vector<1x16xf32> to vector<16xf32>
        %swap3A_683 = vector.shape_cast %mul3A_676 : vector<16xf32> to vector<1x16xf32>
        tpu.vector_store %arg8[%swap3A_679, %swap3A_680], %swap3A_683 {strides = array<i32>} : memref<16x1024xf32, #tpu.memory_space<vmem>>, vector<1x16xf32>,
        %scan3A_684 = arith.constant 0 : i32
        scf.yield %scan3A_684 : i32
      }
      %scan3A_534 = arith.constant 64 : i32
      scf.yield %scan3A_533 : i32
    }
    %scan3A_461 = arith.constant 16 : i32
    %add3A_462 = arith.constant 224 : i32
    %add3A_463 = arith.addi %mul3A_32, %add3A_462 : i32
    %dma_start3A_464 = arith.constant 0 : i32
    %dma_start3A_465 = tpu.memref_slice %arg4[%select_n3A, %add3A_463, %dma_start3A_464] : memref<4x2048x1024xf32, #tpu.memory_space<hbm>> -> memref<1x16x1024xf32, #tpu.memory_space<hbm>>
    %dma_start3A_466 = tpu.memref_squeeze %dma_start3A_465 : memref<1x16x1024xf32, #tpu.memory_space<hbm>> -> memref<16x1024xf32, #tpu.memory_space<hbm>>
    %dma_start3A_467 = arith.constant 0 : i32
    %dma_start3A_468 = tpu.memref_slice %arg4[%select_n3A, %add3A_463, %dma_start3A_467] : memref<4x2048x1024xf32, #tpu.memory_space<hbm>> -> memref<1x16x1024xf32, #tpu.memory_space<hbm>>
    %dma_start3A_469 = tpu.memref_squeeze %dma_start3A_468 : memref<1x16x1024xf32, #tpu.memory_space<hbm>> -> memref<16x1024xf32, #tpu.memory_space<hbm>>
    tpu.enqueue_dma source(%arg8 : memref<16x1024xf32, #tpu.memory_space<vmem>>) target(%dma_start3A_469 : memref<16x1024xf32, #tpu.memory_space<hbm>>) target_semaphore(%arg20 : memref<!tpu.dma_semaphore, #tpu.memory_space<semaphore_mem>>)
    %dma_wait3A_470 = arith.constant 240 : i32
    %dma_wait3A_471 = tpu.memref_slice %arg5[%dma_wait3A_470] : memref<256xi32, #tpu.memory_space<vmem>> -> memref<16xi32, #tpu.memory_space<vmem>>
    %dma_wait3A_472 = arith.constant 0 : i32
    %dma_wait3A_473 = arith.constant 0 : i32
    %dma_wait3A_474 = tpu.memref_slice %arg3[%dma_wait3A_472, %dma_wait3A_473] : memref<100000x1024xf32, #tpu.memory_space<hbm>> -> memref<100000x1024xf32, #tpu.memory_space<hbm>>
    tpu.wait_indirect_dma semaphore(%arg15 : memref<!tpu.dma_semaphore, #tpu.memory_space<semaphore_mem>>) src(%dma_wait3A_474 : memref<100000x1024xf32, #tpu.memory_space<hbm>>) dst(%arg9 : memref<16x1024xf32, #tpu.memory_space<vmem>>)
    %scan3A_475 = arith.constant 0 : i32
    %scan3A_476 = arith.constant 0 : i32
    %scan3A_477 = arith.constant 16 : i32
    %scan3A_478 = arith.addi %scan3A_476, %scan3A_477 : i32
    %scan3A_479 = arith.constant 1 : i32
    %scan3A_480 = scf.for %scan3A_526 = %scan3A_476 to %scan3A_478 step %scan3A_479 iter_args(%scan3A_527 = %scan3A_475) -> (i32)  : i32 {
      %scan3A_528 = arith.constant 0 : i32
      %scan3A_529 = arith.constant 0 : i32
      %scan3A_530 = arith.constant 64 : i32
      %scan3A_531 = arith.addi %scan3A_529, %scan3A_530 : i32
      %scan3A_532 = arith.constant 8 : i32
      %scan3A_533 = scf.for %scan3A_535 = %scan3A_529 to %scan3A_531 step %scan3A_532 iter_args(%scan3A_536 = %scan3A_528) -> (i32)  : i32 {
        %mul3A_537 = arith.constant 16 : i32
        %mul3A_538 = arith.muli %scan3A_535, %mul3A_537 : i32
        %get3A = arith.index_cast %scan3A_526 : i32 to index
        %get3A_539 = arith.index_cast %mul3A_538 : i32 to index
        %get3A_540 = tpu.vector_load %arg9[%get3A, %get3A_539] {strides = array<i32>} : memref<16x1024xf32, #tpu.memory_space<vmem>>, vector<1x16xf32>,
        %get3A_541 = vector.shape_cast %get3A_540 : vector<1x16xf32> to vector<16xf32>
        %mul3A_542 = arith.constant 3.200000e+01 : f32
        %mul3A_543 = vector.broadcast %mul3A_542 : f32 to vector<16xf32>
        %mul3A_544 = arith.mulf %get3A_541, %mul3A_543 : vector<16xf32>
        %mul3A_545 = arith.constant 16 : i32
        %mul3A_546 = arith.muli %scan3A_535, %mul3A_545 : i32
        %swap3A = arith.index_cast %scan3A_526 : i32 to index
        %swap3A_547 = arith.index_cast %mul3A_546 : i32 to index
        %swap3A_548 = tpu.vector_load %arg9[%swap3A, %swap3A_547] {strides = array<i32>} : memref<16x1024xf32, #tpu.memory_space<vmem>>, vector<1x16xf32>,
        %swap3A_549 = vector.shape_cast %swap3A_548 : vector<1x16xf32> to vector<16xf32>
        %swap3A_550 = vector.shape_cast %mul3A_544 : vector<16xf32> to vector<1x16xf32>
        tpu.vector_store %arg9[%swap3A, %swap3A_547], %swap3A_550 {strides = array<i32>} : memref<16x1024xf32, #tpu.memory_space<vmem>>, vector<1x16xf32>,
        %scan3A_551 = arith.constant 0 : i32
        %scan3A_552 = arith.constant 1 : i32
        %scan3A_553 = arith.addi %scan3A_535, %scan3A_552 : i32
        %mul3A_554 = arith.constant 16 : i32
        %mul3A_555 = arith.muli %scan3A_553, %mul3A_554 : i32
        %get3A_556 = arith.index_cast %scan3A_526 : i32 to index
        %get3A_557 = arith.index_cast %mul3A_555 : i32 to index
        %get3A_558 = tpu.vector_load %arg9[%get3A_556, %get3A_557] {strides = array<i32>} : memref<16x1024xf32, #tpu.memory_space<vmem>>, vector<1x16xf32>,
        %get3A_559 = vector.shape_cast %get3A_558 : vector<1x16xf32> to vector<16xf32>
        %mul3A_560 = arith.constant 3.200000e+01 : f32
        %mul3A_561 = vector.broadcast %mul3A_560 : f32 to vector<16xf32>
        %mul3A_562 = arith.mulf %get3A_559, %mul3A_561 : vector<16xf32>
        %mul3A_563 = arith.constant 16 : i32
        %mul3A_564 = arith.muli %scan3A_553, %mul3A_563 : i32
        %swap3A_565 = arith.index_cast %scan3A_526 : i32 to index
        %swap3A_566 = arith.index_cast %mul3A_564 : i32 to index
        %swap3A_567 = tpu.vector_load %arg9[%swap3A_565, %swap3A_566] {strides = array<i32>} : memref<16x1024xf32, #tpu.memory_space<vmem>>, vector<1x16xf32>,
        %swap3A_568 = vector.shape_cast %swap3A_567 : vector<1x16xf32> to vector<16xf32>
        %swap3A_569 = vector.shape_cast %mul3A_562 : vector<16xf32> to vector<1x16xf32>
        tpu.vector_store %arg9[%swap3A_565, %swap3A_566], %swap3A_569 {strides = array<i32>} : memref<16x1024xf32, #tpu.memory_space<vmem>>, vector<1x16xf32>,
        %scan3A_570 = arith.constant 0 : i32
        %scan3A_571 = arith.constant 2 : i32
        %scan3A_572 = arith.addi %scan3A_535, %scan3A_571 : i32
        %mul3A_573 = arith.constant 16 : i32
        %mul3A_574 = arith.muli %scan3A_572, %mul3A_573 : i32
        %get3A_575 = arith.index_cast %scan3A_526 : i32 to index
        %get3A_576 = arith.index_cast %mul3A_574 : i32 to index
        %get3A_577 = tpu.vector_load %arg9[%get3A_575, %get3A_576] {strides = array<i32>} : memref<16x1024xf32, #tpu.memory_space<vmem>>, vector<1x16xf32>,
        %get3A_578 = vector.shape_cast %get3A_577 : vector<1x16xf32> to vector<16xf32>
        %mul3A_579 = arith.constant 3.200000e+01 : f32
        %mul3A_580 = vector.broadcast %mul3A_579 : f32 to vector<16xf32>
        %mul3A_581 = arith.mulf %get3A_578, %mul3A_580 : vector<16xf32>
        %mul3A_582 = arith.constant 16 : i32
        %mul3A_583 = arith.muli %scan3A_572, %mul3A_582 : i32
        %swap3A_584 = arith.index_cast %scan3A_526 : i32 to index
        %swap3A_585 = arith.index_cast %mul3A_583 : i32 to index
        %swap3A_586 = tpu.vector_load %arg9[%swap3A_584, %swap3A_585] {strides = array<i32>} : memref<16x1024xf32, #tpu.memory_space<vmem>>, vector<1x16xf32>,
        %swap3A_587 = vector.shape_cast %swap3A_586 : vector<1x16xf32> to vector<16xf32>
        %swap3A_588 = vector.shape_cast %mul3A_581 : vector<16xf32> to vector<1x16xf32>
        tpu.vector_store %arg9[%swap3A_584, %swap3A_585], %swap3A_588 {strides = array<i32>} : memref<16x1024xf32, #tpu.memory_space<vmem>>, vector<1x16xf32>,
        %scan3A_589 = arith.constant 0 : i32
        %scan3A_590 = arith.constant 3 : i32
        %scan3A_591 = arith.addi %scan3A_535, %scan3A_590 : i32
        %mul3A_592 = arith.constant 16 : i32
        %mul3A_593 = arith.muli %scan3A_591, %mul3A_592 : i32
        %get3A_594 = arith.index_cast %scan3A_526 : i32 to index
        %get3A_595 = arith.index_cast %mul3A_593 : i32 to index
        %get3A_596 = tpu.vector_load %arg9[%get3A_594, %get3A_595] {strides = array<i32>} : memref<16x1024xf32, #tpu.memory_space<vmem>>, vector<1x16xf32>,
        %get3A_597 = vector.shape_cast %get3A_596 : vector<1x16xf32> to vector<16xf32>
        %mul3A_598 = arith.constant 3.200000e+01 : f32
        %mul3A_599 = vector.broadcast %mul3A_598 : f32 to vector<16xf32>
        %mul3A_600 = arith.mulf %get3A_597, %mul3A_599 : vector<16xf32>
        %mul3A_601 = arith.constant 16 : i32
        %mul3A_602 = arith.muli %scan3A_591, %mul3A_601 : i32
        %swap3A_603 = arith.index_cast %scan3A_526 : i32 to index
        %swap3A_604 = arith.index_cast %mul3A_602 : i32 to index
        %swap3A_605 = tpu.vector_load %arg9[%swap3A_603, %swap3A_604] {strides = array<i32>} : memref<16x1024xf32, #tpu.memory_space<vmem>>, vector<1x16xf32>,
        %swap3A_606 = vector.shape_cast %swap3A_605 : vector<1x16xf32> to vector<16xf32>
        %swap3A_607 = vector.shape_cast %mul3A_600 : vector<16xf32> to vector<1x16xf32>
        tpu.vector_store %arg9[%swap3A_603, %swap3A_604], %swap3A_607 {strides = array<i32>} : memref<16x1024xf32, #tpu.memory_space<vmem>>, vector<1x16xf32>,
        %scan3A_608 = arith.constant 0 : i32
        %scan3A_609 = arith.constant 4 : i32
        %scan3A_610 = arith.addi %scan3A_535, %scan3A_609 : i32
        %mul3A_611 = arith.constant 16 : i32
        %mul3A_612 = arith.muli %scan3A_610, %mul3A_611 : i32
        %get3A_613 = arith.index_cast %scan3A_526 : i32 to index
        %get3A_614 = arith.index_cast %mul3A_612 : i32 to index
        %get3A_615 = tpu.vector_load %arg9[%get3A_613, %get3A_614] {strides = array<i32>} : memref<16x1024xf32, #tpu.memory_space<vmem>>, vector<1x16xf32>,
        %get3A_616 = vector.shape_cast %get3A_615 : vector<1x16xf32> to vector<16xf32>
        %mul3A_617 = arith.constant 3.200000e+01 : f32
        %mul3A_618 = vector.broadcast %mul3A_617 : f32 to vector<16xf32>
        %mul3A_619 = arith.mulf %get3A_616, %mul3A_618 : vector<16xf32>
        %mul3A_620 = arith.constant 16 : i32
        %mul3A_621 = arith.muli %scan3A_610, %mul3A_620 : i32
        %swap3A_622 = arith.index_cast %scan3A_526 : i32 to index
        %swap3A_623 = arith.index_cast %mul3A_621 : i32 to index
        %swap3A_624 = tpu.vector_load %arg9[%swap3A_622, %swap3A_623] {strides = array<i32>} : memref<16x1024xf32, #tpu.memory_space<vmem>>, vector<1x16xf32>,
        %swap3A_625 = vector.shape_cast %swap3A_624 : vector<1x16xf32> to vector<16xf32>
        %swap3A_626 = vector.shape_cast %mul3A_619 : vector<16xf32> to vector<1x16xf32>
        tpu.vector_store %arg9[%swap3A_622, %swap3A_623], %swap3A_626 {strides = array<i32>} : memref<16x1024xf32, #tpu.memory_space<vmem>>, vector<1x16xf32>,
        %scan3A_627 = arith.constant 0 : i32
        %scan3A_628 = arith.constant 5 : i32
        %scan3A_629 = arith.addi %scan3A_535, %scan3A_628 : i32
        %mul3A_630 = arith.constant 16 : i32
        %mul3A_631 = arith.muli %scan3A_629, %mul3A_630 : i32
        %get3A_632 = arith.index_cast %scan3A_526 : i32 to index
        %get3A_633 = arith.index_cast %mul3A_631 : i32 to index
        %get3A_634 = tpu.vector_load %arg9[%get3A_632, %get3A_633] {strides = array<i32>} : memref<16x1024xf32, #tpu.memory_space<vmem>>, vector<1x16xf32>,
        %get3A_635 = vector.shape_cast %get3A_634 : vector<1x16xf32> to vector<16xf32>
        %mul3A_636 = arith.constant 3.200000e+01 : f32
        %mul3A_637 = vector.broadcast %mul3A_636 : f32 to vector<16xf32>
        %mul3A_638 = arith.mulf %get3A_635, %mul3A_637 : vector<16xf32>
        %mul3A_639 = arith.constant 16 : i32
        %mul3A_640 = arith.muli %scan3A_629, %mul3A_639 : i32
        %swap3A_641 = arith.index_cast %scan3A_526 : i32 to index
        %swap3A_642 = arith.index_cast %mul3A_640 : i32 to index
        %swap3A_643 = tpu.vector_load %arg9[%swap3A_641, %swap3A_642] {strides = array<i32>} : memref<16x1024xf32, #tpu.memory_space<vmem>>, vector<1x16xf32>,
        %swap3A_644 = vector.shape_cast %swap3A_643 : vector<1x16xf32> to vector<16xf32>
        %swap3A_645 = vector.shape_cast %mul3A_638 : vector<16xf32> to vector<1x16xf32>
        tpu.vector_store %arg9[%swap3A_641, %swap3A_642], %swap3A_645 {strides = array<i32>} : memref<16x1024xf32, #tpu.memory_space<vmem>>, vector<1x16xf32>,
        %scan3A_646 = arith.constant 0 : i32
        %scan3A_647 = arith.constant 6 : i32
        %scan3A_648 = arith.addi %scan3A_535, %scan3A_647 : i32
        %mul3A_649 = arith.constant 16 : i32
        %mul3A_650 = arith.muli %scan3A_648, %mul3A_649 : i32
        %get3A_651 = arith.index_cast %scan3A_526 : i32 to index
        %get3A_652 = arith.index_cast %mul3A_650 : i32 to index
        %get3A_653 = tpu.vector_load %arg9[%get3A_651, %get3A_652] {strides = array<i32>} : memref<16x1024xf32, #tpu.memory_space<vmem>>, vector<1x16xf32>,
        %get3A_654 = vector.shape_cast %get3A_653 : vector<1x16xf32> to vector<16xf32>
        %mul3A_655 = arith.constant 3.200000e+01 : f32
        %mul3A_656 = vector.broadcast %mul3A_655 : f32 to vector<16xf32>
        %mul3A_657 = arith.mulf %get3A_654, %mul3A_656 : vector<16xf32>
        %mul3A_658 = arith.constant 16 : i32
        %mul3A_659 = arith.muli %scan3A_648, %mul3A_658 : i32
        %swap3A_660 = arith.index_cast %scan3A_526 : i32 to index
        %swap3A_661 = arith.index_cast %mul3A_659 : i32 to index
        %swap3A_662 = tpu.vector_load %arg9[%swap3A_660, %swap3A_661] {strides = array<i32>} : memref<16x1024xf32, #tpu.memory_space<vmem>>, vector<1x16xf32>,
        %swap3A_663 = vector.shape_cast %swap3A_662 : vector<1x16xf32> to vector<16xf32>
        %swap3A_664 = vector.shape_cast %mul3A_657 : vector<16xf32> to vector<1x16xf32>
        tpu.vector_store %arg9[%swap3A_660, %swap3A_661], %swap3A_664 {strides = array<i32>} : memref<16x1024xf32, #tpu.memory_space<vmem>>, vector<1x16xf32>,
        %scan3A_665 = arith.constant 0 : i32
        %scan3A_666 = arith.constant 7 : i32
        %scan3A_667 = arith.addi %scan3A_535, %scan3A_666 : i32
        %mul3A_668 = arith.constant 16 : i32
        %mul3A_669 = arith.muli %scan3A_667, %mul3A_668 : i32
        %get3A_670 = arith.index_cast %scan3A_526 : i32 to index
        %get3A_671 = arith.index_cast %mul3A_669 : i32 to index
        %get3A_672 = tpu.vector_load %arg9[%get3A_670, %get3A_671] {strides = array<i32>} : memref<16x1024xf32, #tpu.memory_space<vmem>>, vector<1x16xf32>,
        %get3A_673 = vector.shape_cast %get3A_672 : vector<1x16xf32> to vector<16xf32>
        %mul3A_674 = arith.constant 3.200000e+01 : f32
        %mul3A_675 = vector.broadcast %mul3A_674 : f32 to vector<16xf32>
        %mul3A_676 = arith.mulf %get3A_673, %mul3A_675 : vector<16xf32>
        %mul3A_677 = arith.constant 16 : i32
        %mul3A_678 = arith.muli %scan3A_667, %mul3A_677 : i32
        %swap3A_679 = arith.index_cast %scan3A_526 : i32 to index
        %swap3A_680 = arith.index_cast %mul3A_678 : i32 to index
        %swap3A_681 = tpu.vector_load %arg9[%swap3A_679, %swap3A_680] {strides = array<i32>} : memref<16x1024xf32, #tpu.memory_space<vmem>>, vector<1x16xf32>,
        %swap3A_682 = vector.shape_cast %swap3A_681 : vector<1x16xf32> to vector<16xf32>
        %swap3A_683 = vector.shape_cast %mul3A_676 : vector<16xf32> to vector<1x16xf32>
        tpu.vector_store %arg9[%swap3A_679, %swap3A_680], %swap3A_683 {strides = array<i32>} : memref<16x1024xf32, #tpu.memory_space<vmem>>, vector<1x16xf32>,
        %scan3A_684 = arith.constant 0 : i32
        scf.yield %scan3A_684 : i32
      }
      %scan3A_534 = arith.constant 64 : i32
      scf.yield %scan3A_533 : i32
    }
    %scan3A_481 = arith.constant 16 : i32
    %add3A_482 = arith.constant 240 : i32
    %add3A_483 = arith.addi %mul3A_32, %add3A_482 : i32
    %dma_start3A_484 = arith.constant 0 : i32
    %dma_start3A_485 = tpu.memref_slice %arg4[%select_n3A, %add3A_483, %dma_start3A_484] : memref<4x2048x1024xf32, #tpu.memory_space<hbm>> -> memref<1x16x1024xf32, #tpu.memory_space<hbm>>
    %dma_start3A_486 = tpu.memref_squeeze %dma_start3A_485 : memref<1x16x1024xf32, #tpu.memory_space<hbm>> -> memref<16x1024xf32, #tpu.memory_space<hbm>>
    %dma_start3A_487 = arith.constant 0 : i32
    %dma_start3A_488 = tpu.memref_slice %arg4[%select_n3A, %add3A_483, %dma_start3A_487] : memref<4x2048x1024xf32, #tpu.memory_space<hbm>> -> memref<1x16x1024xf32, #tpu.memory_space<hbm>>
    %dma_start3A_489 = tpu.memref_squeeze %dma_start3A_488 : memref<1x16x1024xf32, #tpu.memory_space<hbm>> -> memref<16x1024xf32, #tpu.memory_space<hbm>>
    tpu.enqueue_dma source(%arg9 : memref<16x1024xf32, #tpu.memory_space<vmem>>) target(%dma_start3A_489 : memref<16x1024xf32, #tpu.memory_space<hbm>>) target_semaphore(%arg21 : memref<!tpu.dma_semaphore, #tpu.memory_space<semaphore_mem>>)
    %dma_wait3A_490 = arith.constant 0 : i32
    %dma_wait3A_491 = tpu.memref_slice %arg4[%select_n3A, %add3A_423, %dma_wait3A_490] : memref<4x2048x1024xf32, #tpu.memory_space<hbm>> -> memref<1x16x1024xf32, #tpu.memory_space<hbm>>
    %dma_wait3A_492 = tpu.memref_squeeze %dma_wait3A_491 : memref<1x16x1024xf32, #tpu.memory_space<hbm>> -> memref<16x1024xf32, #tpu.memory_space<hbm>>
    %dma_wait3A_493 = arith.constant 0 : i32
    %dma_wait3A_494 = tpu.memref_slice %arg4[%select_n3A, %add3A_423, %dma_wait3A_493] : memref<4x2048x1024xf32, #tpu.memory_space<hbm>> -> memref<1x16x1024xf32, #tpu.memory_space<hbm>>
    %dma_wait3A_495 = tpu.memref_squeeze %dma_wait3A_494 : memref<1x16x1024xf32, #tpu.memory_space<hbm>> -> memref<16x1024xf32, #tpu.memory_space<hbm>>
    tpu.wait_dma2 semaphore(%arg18 : memref<!tpu.dma_semaphore, #tpu.memory_space<semaphore_mem>>) src(%arg6 : memref<16x1024xf32, #tpu.memory_space<vmem>>) dst(%dma_wait3A_495 : memref<16x1024xf32, #tpu.memory_space<hbm>>)
    %dma_wait3A_496 = arith.constant 0 : i32
    %dma_wait3A_497 = tpu.memref_slice %arg4[%select_n3A, %add3A_443, %dma_wait3A_496] : memref<4x2048x1024xf32, #tpu.memory_space<hbm>> -> memref<1x16x1024xf32, #tpu.memory_space<hbm>>
    %dma_wait3A_498 = tpu.memref_squeeze %dma_wait3A_497 : memref<1x16x1024xf32, #tpu.memory_space<hbm>> -> memref<16x1024xf32, #tpu.memory_space<hbm>>
    %dma_wait3A_499 = arith.constant 0 : i32
    %dma_wait3A_500 = tpu.memref_slice %arg4[%select_n3A, %add3A_443, %dma_wait3A_499] : memref<4x2048x1024xf32, #tpu.memory_space<hbm>> -> memref<1x16x1024xf32, #tpu.memory_space<hbm>>
    %dma_wait3A_501 = tpu.memref_squeeze %dma_wait3A_500 : memref<1x16x1024xf32, #tpu.memory_space<hbm>> -> memref<16x1024xf32, #tpu.memory_space<hbm>>
    tpu.wait_dma2 semaphore(%arg19 : memref<!tpu.dma_semaphore, #tpu.memory_space<semaphore_mem>>) src(%arg7 : memref<16x1024xf32, #tpu.memory_space<vmem>>) dst(%dma_wait3A_501 : memref<16x1024xf32, #tpu.memory_space<hbm>>)
    %dma_wait3A_502 = arith.constant 0 : i32
    %dma_wait3A_503 = tpu.memref_slice %arg4[%select_n3A, %add3A_463, %dma_wait3A_502] : memref<4x2048x1024xf32, #tpu.memory_space<hbm>> -> memref<1x16x1024xf32, #tpu.memory_space<hbm>>
    %dma_wait3A_504 = tpu.memref_squeeze %dma_wait3A_503 : memref<1x16x1024xf32, #tpu.memory_space<hbm>> -> memref<16x1024xf32, #tpu.memory_space<hbm>>
    %dma_wait3A_505 = arith.constant 0 : i32
    %dma_wait3A_506 = tpu.memref_slice %arg4[%select_n3A, %add3A_463, %dma_wait3A_505] : memref<4x2048x1024xf32, #tpu.memory_space<hbm>> -> memref<1x16x1024xf32, #tpu.memory_space<hbm>>
    %dma_wait3A_507 = tpu.memref_squeeze %dma_wait3A_506 : memref<1x16x1024xf32, #tpu.memory_space<hbm>> -> memref<16x1024xf32, #tpu.memory_space<hbm>>
    tpu.wait_dma2 semaphore(%arg20 : memref<!tpu.dma_semaphore, #tpu.memory_space<semaphore_mem>>) src(%arg8 : memref<16x1024xf32, #tpu.memory_space<vmem>>) dst(%dma_wait3A_507 : memref<16x1024xf32, #tpu.memory_space<hbm>>)
    %dma_wait3A_508 = arith.constant 0 : i32
    %dma_wait3A_509 = tpu.memref_slice %arg4[%select_n3A, %add3A_483, %dma_wait3A_508] : memref<4x2048x1024xf32, #tpu.memory_space<hbm>> -> memref<1x16x1024xf32, #tpu.memory_space<hbm>>
    %dma_wait3A_510 = tpu.memref_squeeze %dma_wait3A_509 : memref<1x16x1024xf32, #tpu.memory_space<hbm>> -> memref<16x1024xf32, #tpu.memory_space<hbm>>
    %dma_wait3A_511 = arith.constant 0 : i32
    %dma_wait3A_512 = tpu.memref_slice %arg4[%select_n3A, %add3A_483, %dma_wait3A_511] : memref<4x2048x1024xf32, #tpu.memory_space<hbm>> -> memref<1x16x1024xf32, #tpu.memory_space<hbm>>
    %dma_wait3A_513 = tpu.memref_squeeze %dma_wait3A_512 : memref<1x16x1024xf32, #tpu.memory_space<hbm>> -> memref<16x1024xf32, #tpu.memory_space<hbm>>
    tpu.wait_dma2 semaphore(%arg21 : memref<!tpu.dma_semaphore, #tpu.memory_space<semaphore_mem>>) src(%arg9 : memref<16x1024xf32, #tpu.memory_space<vmem>>) dst(%dma_wait3A_513 : memref<16x1024xf32, #tpu.memory_space<hbm>>)
    %dma_wait3A_514 = arith.constant 0 : i32
    %dma_wait3A_515 = tpu.memref_slice %arg4[%select_n3A, %add3A_383, %dma_wait3A_514] : memref<4x2048x1024xf32, #tpu.memory_space<hbm>> -> memref<1x16x1024xf32, #tpu.memory_space<hbm>>
    %dma_wait3A_516 = tpu.memref_squeeze %dma_wait3A_515 : memref<1x16x1024xf32, #tpu.memory_space<hbm>> -> memref<16x1024xf32, #tpu.memory_space<hbm>>
    %dma_wait3A_517 = arith.constant 0 : i32
    %dma_wait3A_518 = tpu.memref_slice %arg4[%select_n3A, %add3A_383, %dma_wait3A_517] : memref<4x2048x1024xf32, #tpu.memory_space<hbm>> -> memref<1x16x1024xf32, #tpu.memory_space<hbm>>
    %dma_wait3A_519 = tpu.memref_squeeze %dma_wait3A_518 : memref<1x16x1024xf32, #tpu.memory_space<hbm>> -> memref<16x1024xf32, #tpu.memory_space<hbm>>
    tpu.wait_dma2 semaphore(%arg22 : memref<!tpu.dma_semaphore, #tpu.memory_space<semaphore_mem>>) src(%arg10 : memref<16x1024xf32, #tpu.memory_space<vmem>>) dst(%dma_wait3A_519 : memref<16x1024xf32, #tpu.memory_space<hbm>>)
    %dma_wait3A_520 = arith.constant 0 : i32
    %dma_wait3A_521 = tpu.memref_slice %arg4[%select_n3A, %add3A_403, %dma_wait3A_520] : memref<4x2048x1024xf32, #tpu.memory_space<hbm>> -> memref<1x16x1024xf32, #tpu.memory_space<hbm>>
    %dma_wait3A_522 = tpu.memref_squeeze %dma_wait3A_521 : memref<1x16x1024xf32, #tpu.memory_space<hbm>> -> memref<16x1024xf32, #tpu.memory_space<hbm>>
    %dma_wait3A_523 = arith.constant 0 : i32
    %dma_wait3A_524 = tpu.memref_slice %arg4[%select_n3A, %add3A_403, %dma_wait3A_523] : memref<4x2048x1024xf32, #tpu.memory_space<hbm>> -> memref<1x16x1024xf32, #tpu.memory_space<hbm>>
    %dma_wait3A_525 = tpu.memref_squeeze %dma_wait3A_524 : memref<1x16x1024xf32, #tpu.memory_space<hbm>> -> memref<16x1024xf32, #tpu.memory_space<hbm>>
    tpu.wait_dma2 semaphore(%arg23 : memref<!tpu.dma_semaphore, #tpu.memory_space<semaphore_mem>>) src(%arg11 : memref<16x1024xf32, #tpu.memory_space<vmem>>) dst(%dma_wait3A_525 : memref<16x1024xf32, #tpu.memory_space<hbm>>)
    return
  }
}

</mosaic_0001>

<sc_bundles>
// kernel: kernel.3.cloned.1.call-start
scs
__scs_entry_jumppad:
0x0: {  	(pc) =	sbr.rel $0x88, $3  }
0x1: {  	(tag) =	ssettag $0x0;
	lr =	simm.s32 $0x1  }
0x2: {  	[smem:$0x3F9F] =	sst lr;
	_ =	strace $0xD0000000  }
0x3: {  	_ = 	snop  }
0x4: {  	_ = 	snop  }
0x5: {  	_ = 	snop  }
0x6: {  	_ = 	snop  }
0x7: {  	_ = 	snop  }
__scs_overlays_trampoline_lowered:
0x8: {  	[smem:$0x3FAE] =	sst s0  }
0x9: {  	[smem:$0x3FAF] =	sst s1  }
0xa: {  	[smem:$0x3FB0] =	sst s2  }
0xb: {  	[smem:$0x3FB1] =	sst s3  }
0xc: {  	[smem:$0x3FB2] =	sst s4  }
0xd: {  	[smem:$0x3FB3] =	sst s5  }
0xe: {  	[smem:$0x3FB4] =	sst s6  }
0xf: {  	[smem:$0x3FB5] =	sst s7  }
0x10: {  	[smem:$0x3FB6] =	sst s8  }
0x11: {  	[smem:$0x3FB7] =	sst s9;
	s0 =	simm.s32 @!p0 $0x0  }
0x12: {  	s1 =	sld [smem:$0x3F9D];
	s0 =	simm.s32 @p0 $0x1  }
0x13: {  	[smem:$0x3FB8] =	sst s0;
	s0 =	simm.s32 @!p1 $0x0  }
0x14: {  	s2 =	sld [smem:$0x3F9C];
	s0 =	simm.s32 @p1 $0x1  }
0x15: {  	[smem:$0x3FB9] =	sst s0;
	s0 =	simm.s32 @!p2 $0x0  }
0x16: {  	s3 =	sld [smem:$0x3FDB];
	s0 =	simm.s32 @p2 $0x1  }
0x17: {  	s4 =	simm.s32 $0x1BF5;
	[smem:$0x3FBB] =	sst s0  }
0x18: {  	s0 =	sld [smem:$0x3F9E];
	_ =	swait.ge [sflag:s4], $0x0  }
0x19: {  	s7 =	sld [smem:$0x3F9F]  }
0x1a: {  	s8 =	sadd.s32 $0xFFFFE003, lr  }
0x1b: {  	s9 =	sadd.s32 $0xFFFFFEF7, lr;
	s5 =	simm.s32 $0xFFFFFFFF;
	p2 =	slt.u32 s8, $0xFFFFF086  }
0x1c: {  	p1 =	slt.u32 s9, $0xF7A;
	s5 =	simm.s32 @!p2 $0x0  }
0x1d: {  	s5 =	simm.s32 @p1 $0x1;
	p0 =	seq.s32 s7, s2  }
0x1e: {  	s7 =	smul.u32 @!p0 $0xF7A, s2;
	p2 =	seq.s32 @!p0 s5, $0x0  }
0x1f: {  	s9 =	smul.u32 $0xF7A, s1;
	s8 =	simm.s32 @!p0 $0x1BF5;
	p2 =	por !p2, p0  }
0x20: {  	[sflag:s8] =	ssyncset.s32 @!p0 $0xFFFFF086;
	s6 =	sadd.s32 @!p0 s3, s7;
	s7 =	simm.s32 @!p0 $0x108  }
0x21: {  	s3 =	sadd.s32 s3, s9;
	s6 =	sadd.s32 @!p0 $0x88, s6;
	s7 =	simm.s32 @p2 $0x1082  }
0x22: {  	[simem:s7], [sflag:s8] =	dma.local @!p0 [hbm:s6], $0xF7A  }
0x23: {  	s9 =	sor.u32 $0xD0000000, s2;
	s6 =	simm.s32 $0x108;
	_ =	swait.ge @!p0 [sflag:s8], $0x0  }
0x24: {  	s3 =	sadd.s32 $0x88, s3;
	s6 =	simm.s32 @!p1 $0x1082;
	[sflag:s4] =	ssyncset.s32 $0xFFFFF086  }
0x25: {  	[simem:s6], [sflag:s4] =	dma.local [hbm:s3], $0xF7A  }
0x26: {  	[smem:$0x3F9F] =	sst s1;
	(tag) =	ssettag s2;
	_ =	strace s9  }
0x27: {  	s1 =	sld [smem:$0x3FAF]  }
0x28: {  	s2 =	sld [smem:$0x3FB0]  }
0x29: {  	s4 =	sld [smem:$0x3FB2]  }
0x2a: {  	p0 =	seq.s32 s5, $0x0;
	s5 =	sld [smem:$0x3FB3]  }
0x2b: {  	s6 =	sld [smem:$0x3FB4]  }
0x2c: {  	s7 =	sld [smem:$0x3FB5]  }
0x2d: {  	s3 =	simm.s32 $0x108;
	s8 =	sld [smem:$0x3FB6]  }
0x2e: {  	s3 =	simm.s32 @!p0 $0x1082;
	s9 =	sld [smem:$0x3FB7]  }
0x2f: {  	lr =	sadd.s32 s0, s3;
	s0 =	sld [smem:$0x3FAE]  }
0x30: {  	s3 =	sld [smem:$0x3FB1]  }
0x31: {  	[smem:$0x3FBA] =	sst s10  }
0x32: {  	s10 =	sld [smem:$0x3FB8];
	_ =	sdelay $0x3  }
0x33: {  	p0 =	seq.s32 s10, $0x1;
	s10 =	sld [smem:$0x3FBA];
	_ =	sdelay $0x3  }
0x34: {  	[smem:$0x3FBA] =	sst s10  }
0x35: {  	s10 =	sld [smem:$0x3FB9];
	_ =	sdelay $0x3  }
0x36: {  	p1 =	seq.s32 s10, $0x1;
	s10 =	sld [smem:$0x3FBA];
	_ =	sdelay $0x3  }
0x37: {  	[smem:$0x3FBA] =	sst s10  }
0x38: {  	s10 =	sld [smem:$0x3FBB]  }
0x39: {  	_ = 	snop;
	(pc) =	sbr.ind lr, $3  }
0x3a: {  	_ = 	snop  }
0x3b: {  	_ = 	snop  }
0x3c: {  	p2 =	seq.s32 s10, $0x1;
	s10 =	sld [smem:$0x3FBA]  }
0x3d: {  	_ =	shalt  }
0x3e: {  	_ =	shalt  }
0x3f: {  	_ =	shalt  }
0x40: {  	_ =	shalt  }
0x41: {  	_ =	shalt  }
0x42: {  	_ =	shalt  }
0x43: {  	_ =	shalt  }
0x44: {  	_ =	shalt  }
0x45: {  	_ =	shalt  }
0x46: {  	_ =	shalt  }
0x47: {  	_ =	shalt  }
0x48: {  	_ =	shalt  }
0x49: {  	_ =	shalt  }
0x4a: {  	_ =	shalt  }
0x4b: {  	_ =	shalt  }
0x4c: {  	_ =	shalt  }
0x4d: {  	_ =	shalt  }
0x4e: {  	_ =	shalt  }
0x4f: {  	_ =	shalt  }
0x50: {  	_ =	shalt  }
0x51: {  	_ =	shalt  }
0x52: {  	_ =	shalt  }
0x53: {  	_ =	shalt  }
0x54: {  	_ =	shalt  }
0x55: {  	_ =	shalt  }
0x56: {  	_ =	shalt  }
0x57: {  	_ =	shalt  }
0x58: {  	_ =	shalt  }
0x59: {  	_ =	shalt  }
0x5a: {  	_ =	shalt  }
0x5b: {  	_ =	shalt  }
0x5c: {  	_ =	shalt  }
0x5d: {  	_ =	shalt  }
0x5e: {  	_ =	shalt  }
0x5f: {  	_ =	shalt  }
0x60: {  	_ =	shalt  }
0x61: {  	_ =	shalt  }
0x62: {  	_ =	shalt  }
0x63: {  	_ =	shalt  }
0x64: {  	_ =	shalt  }
0x65: {  	_ =	shalt  }
0x66: {  	_ =	shalt  }
0x67: {  	_ =	shalt  }
0x68: {  	_ =	shalt  }
0x69: {  	_ =	shalt  }
0x6a: {  	_ =	shalt  }
0x6b: {  	_ =	shalt  }
0x6c: {  	_ =	shalt  }
0x6d: {  	_ =	shalt  }
0x6e: {  	_ =	shalt  }
0x6f: {  	_ =	shalt  }
0x70: {  	_ =	shalt  }
0x71: {  	_ =	shalt  }
0x72: {  	_ =	shalt  }
0x73: {  	_ =	shalt  }
0x74: {  	_ =	shalt  }
0x75: {  	_ =	shalt  }
0x76: {  	_ =	shalt  }
0x77: {  	_ =	shalt  }
0x78: {  	_ =	shalt  }
0x79: {  	_ =	shalt  }
0x7a: {  	_ =	shalt  }
0x7b: {  	_ =	shalt  }
0x7c: {  	_ =	shalt  }
0x7d: {  	_ =	shalt  }
0x7e: {  	_ =	shalt  }
0x7f: {  	_ =	shalt  }
0x80: {  	_ =	shalt  }
0x81: {  	_ =	shalt  }
0x82: {  	_ =	shalt  }
0x83: {  	_ =	shalt  }
0x84: {  	_ =	shalt  }
0x85: {  	_ =	shalt  }
0x86: {  	_ =	shalt  }
0x87: {  	_ =	shalt  }
.Lfunc_end0:
.L_simem_size_0:
called_computation_lowered:
.L_overlay_start_0:
0x88: {  	s2 =	sld [smem:$0x3FD9]  }
0x89: {  	s3 =	sld [smem:$0x3FFE];
	_ =	sdelay $0x1  }
0x8a: {  	s1 =	srdreg.scid  }
0x8b: {  	s0 =	sand.u32 $0x1, s1  }
0x8c: {  	s18 =	sshll.u32 s0, $0xA;
	s2 =	sadd.s32 s3, s2  }
0x8d: {  	s2 =	sadd.s32 s2, s18  }
0x8e: {  	[smem:$0x3FC6] =	sst s2  }
0x8f: {  	_ = 	snop  }
0x90: {  	s2 =	sld [smem:$0x3FC9]  }
0x91: {  	s19 =	sld [smem:$0x3FC8]  }
0x92: {  	s4 =	sld [smem:$0x3FD0];
	(tm) =	ssettm $0x1  }
0x93: {  	s5 =	sld [smem:$0x3FFB];
	_ =	sdelay $0x3  }
0x94: {  	_ =	strace s5  }
0x95: {  	s5 =	sld [smem:$0x3FFC];
	_ =	sdelay $0x3  }
0x96: {  	_ =	strace s5  }
0x97: {  	s5 =	sld [smem:$0x3FFD];
	_ =	sdelay $0x3  }
0x98: {  	_ =	strace s5  }
0x99: {  	_ =	strace $0x8FFFFFFF  }
0x9a: {  	s20 =	sld [smem:$0x3FDB];
	_ =	sdelay $0x1  }
0x9b: {  	s6 =	simm.s32 $_scs_section_size  }
0x9c: {  	s7 =	simm.s32 $_size__tile_overlayer_lowered;
	s8 =	simm.s32 $_tile_overlayer_lowered  }
0x9d: {  	s23 =	simm.s32 $0x1BFF;
	s22 =	sshll.u32 s8, $0x1;
	s5 =	sadd.s32 s6, s20  }
0x9e: {  	s9 =	simm.s32 $0x0;
	s21 =	sshll.u32 s7, $0x1;
	s7 =	sadd.s32 s22, s5  }
0x9f: {  	[timem:s9], [sflag:s23] =	dma.local [hbm:s7], s21  }
0xa0: {  	_ =	swait.ge [sflag:s23], s21  }
0xa1: {  	s6 =	ssub.s32 $0x0, s21;
	[sflag:s23] =	ssyncset.done $0x0  }
0xa2: {  	[sflag:s23] =	ssyncadd.s32 s6;
	_ =	sdelay $0x1  }
0xa3: {  	s24 =	simm.s32 $0x1B8B  }
0xa4: {  	_ =	swait.ge [sflag:s24], $0x1  }
0xa5: {  	[sflag:s24] =	ssyncset.done $0x0  }
0xa6: {  	s25 =	simm.s32 $0x1B8E;
	[sflag:s24] =	ssyncadd.s32 $0xFFFFFFFF  }
0xa7: {  	s26 =	simm.s32 $execute0_lowered;
	[smem:$0x3FD2] =	sst s25  }
0xa8: {  	s6 =	sshll.u32 s26, $0x1;
	_ =	strace $0x80000046;
	[dreg:$0x1] =	wrdreg $0xFFFFFFFF  }
0xa9: {  	s28 =	simm.s32 $_size_execute0_lowered;
	s5 =	sadd.s32 s5, s6;
	[dreg:$0x0] =	wrdreg $0x0  }
0xaa: {  	s6 =	sshll.u32 s28, $0x1;
	[dreg:$0x2] =	wrdreg s5  }
0xab: {  	[dreg:$0x3] =	wrdreg s6  }
0xac: {  	[dreg:$0x4] =	wrdreg $0xC0  }
0xad: {  	_ =	task [dreg:s9], $0x5FFFF  }
0xae: {  	[dreg:$0x1] =	wrdreg $0xFFFFFFFF  }
0xaf: {  	[dreg:$0x0] =	wrdreg $0x60  }
0xb0: {  	[dreg:$0x2] =	wrdreg s2  }
0xb1: {  	[dreg:$0x3] =	wrdreg s19  }
0xb2: {  	[dreg:$0x4] =	wrdreg s4  }
0xb3: {  	[dreg:$0x5] =	wrdreg $0x9  }
0xb4: {  	_ =	task.clear_ibuf [dreg:s9], $0x6FFFF;
	_ =	strace $0x90000046  }
0xb5: {  	s29 =	simm.s32 $0x9;
	_ =	strace $0x80000048  }
0xb6: {  	_ =	swait.ge [sflag:s29], $0x1  }
0xb7: {  	[sflag:s29] =	ssyncadd.s32 $0xFFFFFFFF  }
0xb8: {  	_ =	strace $0x90000048  }
0xb9: {  	_ =	sfence  }
0xba: {  	s30 =	sld [smem:$0x0];
	_ =	sdelay $0x2  }
0xbb: {  	s31 =	sshll.u32 s1, $0xD;
	s1 =	sshrl.u32 s1, $0x2  }
0xbc: {  	s3 =	sand.u32 $0x4000, s31;
	s1 =	sadd.s32 s1, s30  }
0xbd: {  	s0 =	sor.u32 s3, s0;
	s1 =	sshll.u32 s1, $0x11  }
0xbe: {  	s0 =	sor.u32 s1, s0  }
0xbf: {  	s0 =	sadd.s32 $0x8F2B, s0  }
0xc0: {  	[sflag:s0] =	ssyncadd.remote.s32 $0x1  }
0xc1: {  	_ =	sfence.sel $0xFFFF  }
0xc2: {  	[dreg:$0x0] =	wrdreg $0xFFFFFFFF;
	(pc) =	sbr.abs _section_cstart, $3  }
0xc3: {  	[dreg:$0x1] =	wrdreg $0xFFFFFFFF  }
0xc4: {  	_ =	task.clear_ibuf [dreg:s9], $0x2FFFF;
	_ =	strace $0x9FFFFFFF  }
0xc5: {  	(tm) =	ssettm $0x7FFFFFFF  }
tec
execute0_lowered:
.L_overlay_start_1:
0x0: {  	(tag) =	ssettag $0x1  }
0x1: {  	s0 =	rddreg [dreg:$0x0]  }
0x2: {  	s2 =	rddreg [dreg:$0x1]  }
0x3: {  	s1 =	rddreg [dreg:$0x2];
	s3 =	simm.s32 $0x0;
	s7 =	stileid.u32  }
0x4: {  	s4 =	srdreg.scid;
	[smem:$0x7FF] =	sst s3  }
0x5: {  	s5 =	sshll.u32 s7, $0x1;
	s4 =	sand.u32 $0x1, s4;
	s7 =	sshrl.u32 s7, $0x2  }
0x6: {  	_ =	strace $0x80000047;
	s5 =	sand.u32 $0x6, s5;
	s6 =	ssub.s32 $0x2, s4  }
0x7: {  	s9 =	sshll.u32 s7, $0x4;
	s4 =	sor.u32 s4, s5;
	s13 =	sshrl.u32 s6, $0x1  }
0x8: {  	s0 =	sadd.s32 s0, s9;
	s8 =	sshll.u32 s4, $0xF;
	s4 =	sshll.u32 s4, $0x7  }
0x9: {  	s7 =	sshll.u32 s7, $0x12;
	s14 =	ssub.s32 s6, s13;
	s0 =	sadd.s32 s4, s0  }
0xa: {  	s15 =	sor.u32 s7, s8;
	s31 =	smax.u32 s14, $0x1;
	[dreg:$0x4] =	wrdreg s0  }
0xb: {  	s0 =	sadd.s32 s1, s15;
	[dreg:$0x15] =	wrdreg s31  }
0xc: {  	s1 =	sadd.s32 $0x800, s0;
	[dreg:$0x5] =	wrdreg s0  }
0xd: {  	s16 =	sadd.s32 $0x1000, s0;
	[dreg:$0x6] =	wrdreg s1  }
0xe: {  	s17 =	sadd.s32 $0x1800, s0;
	[dreg:$0x7] =	wrdreg s16  }
0xf: {  	s29 =	simm.s32 $0x100;
	s18 =	sadd.s32 $0x2000, s0;
	[dreg:$0x8] =	wrdreg s17  }
0x10: {  	s10 =	simm.s32 $0x14100;
	s19 =	sadd.s32 $0x2800, s0;
	[dreg:$0x9] =	wrdreg s18  }
0x11: {  	s11 =	simm.s32 $0x1;
	s20 =	sadd.s32 $0x3000, s0;
	[dreg:$0xa] =	wrdreg s19  }
0x12: {  	s12 =	simm.s32 $0x7;
	s21 =	sadd.s32 $0x3800, s0;
	[dreg:$0xb] =	wrdreg s20  }
0x13: {  	s5 =	sadd.s32 $0x100, s2;
	s22 =	sadd.s32 $0x4000, s0;
	[dreg:$0xc] =	wrdreg s21  }
0x14: {  	s9 =	simm.s32 $0x4100;
	s23 =	sadd.s32 $0x4800, s0;
	[dreg:$0xd] =	wrdreg s22  }
0x15: {  	s6 =	sadd.s32 $0x200, s2;
	s24 =	sadd.s32 $0x5000, s0;
	[dreg:$0xe] =	wrdreg s23  }
0x16: {  	s13 =	simm.s32 $0x2;
	s25 =	sadd.s32 $0x5800, s0;
	[dreg:$0xf] =	wrdreg s24  }
0x17: {  	s8 =	sadd.s32 $0x300, s2;
	s26 =	sadd.s32 $0x6000, s0;
	[dreg:$0x10] =	wrdreg s25  }
0x18: {  	s7 =	simm.s32 $0xC100;
	s28 =	sadd.s32 $0x6800, s0;
	[dreg:$0x11] =	wrdreg s26  }
0x19: {  	s4 =	simm.s32 $0x10100;
	s30 =	sadd.s32 $0x7000, s0;
	[dreg:$0x12] =	wrdreg s28  }
0x1a: {  	s14 =	simm.s32 $0x8;
	s0 =	sadd.s32 $0x7800, s0;
	[dreg:$0x13] =	wrdreg s30  }
0x1b: {  	s15 =	simm.s32 $0x3;
	[dreg:$0x14] =	wrdreg s0;
	s17 =	simm.s32 $0x8100  }
0x1c: {  	v2 =	vlaneseq.u32;
	s26 =	simm.s32 $0xF900;
	s16 =	simm.s32 $0x9;
	s18 =	simm.s32 $0x4  }
0x1d: {  	vm0 =	vmmov $0xffff;
	v1 =	vshrl.u32 v2, $0x3;
	s19 =	simm.s32 $0xA;
	s20 =	simm.s32 $0x5;
	s21 =	simm.s32 $0xB  }
0x1e: {  	v0 =	vand.u32 $0x7, v2;
	v2 =	vor.u32 $0x8, v2;
	v1 =	vmul.u32 $0x8, v1;
	s22 =	simm.s32 $0x6;
	s23 =	simm.s32 $0xC;
	s24 =	simm.s32 $0x0  }
.LBB2_1:
0x1f: {  	s0 =	rddreg [dreg:$0x4];
	s1 =	simm.s32 $0x80;
	s25 =	simm.s32 $0x200  }
0x20: {  	[tilespmem:s3], [sflag:$0xD] =	stream.strided.gather [hbm4b:s0+s1], $0x100, s25, s1, $0x38;
	[tilespmem:$0x18100] =	vst v63  }
0x21: {  	s1 =	simm.s32 $0xD  }
0x22: {  	_ =	swait.ge [sflag:s1], $0x100  }
0x23: {  	[sflag:s1] =	ssyncset.done $0x0  }
0x24: {  	[sflag:s1] =	ssyncadd.s32 $0xFFFFFF00  }
0x25: {  	v3 =	vld [tilespmem:$0x0];
	_ =	sdelay $0x4  }
0x26: {  	v4 =	vshll.u32 v3, $0x3  }
0x27: {  	v3 =	vand.u32 $0x7, v3;
	v4 =	vand.u32 $0xFFFFFFC0, v4  }
0x28: {  	v3 =	vor.u32 v3, v4  }
0x29: {  	v4 =	vperm.xlane v3, v0;
	_ =	sdelay $0x1  }
0x2a: {  	v4 =	vadd.s32 v1, v4;
	_ =	sdelay $0x4  }
0x2b: {  	[tilespmem:s29], [sflag:$0x1] =	stream.indirect_vreg.gather [hbm4b:s2+s3], $0x80, v4, vm0, $0xb8;
	[tilespmem:$0x18100] =	vst v63  }
0x2c: {  	s25 =	simm.s32 $0x900;
	v3 =	vperm.xlane v3, v2  }
0x2d: {  	[tilespmem:s25], [sflag:$0x1] =	stream.indirect_vreg.gather [hbm4b:s5+s3], $0x80, v4, vm0, $0xb8;
	[tilespmem:$0x18100] =	vst v63  }
0x2e: {  	s1 =	simm.s32 $0x1100;
	v3 =	vadd.s32 v1, v3  }
0x2f: {  	[tilespmem:s1], [sflag:$0x1] =	stream.indirect_vreg.gather [hbm4b:s6+s3], $0x80, v4, vm0, $0xb8;
	[tilespmem:$0x18100] =	vst v63  }
0x30: {  	s25 =	simm.s32 $0x1900  }
0x31: {  	[tilespmem:s25], [sflag:$0x1] =	stream.indirect_vreg.gather [hbm4b:s8+s3], $0x80, v4, vm0, $0xb8;
	[tilespmem:$0x18100] =	vst v63  }
0x32: {  	s1 =	simm.s32 $0x2100  }
0x33: {  	[tilespmem:s1], [sflag:$0x1] =	stream.indirect_vreg.gather [hbm4b:s2+s3], $0x80, v3, vm0, $0xb8;
	[tilespmem:$0x18100] =	vst v63  }
0x34: {  	s25 =	simm.s32 $0x2900  }
0x35: {  	[tilespmem:s25], [sflag:$0x1] =	stream.indirect_vreg.gather [hbm4b:s5+s3], $0x80, v3, vm0, $0xb8;
	[tilespmem:$0x18100] =	vst v63  }
0x36: {  	s1 =	simm.s32 $0x3100  }
0x37: {  	[tilespmem:s1], [sflag:$0x1] =	stream.indirect_vreg.gather [hbm4b:s6+s3], $0x80, v3, vm0, $0xb8;
	[tilespmem:$0x18100] =	vst v63  }
0x38: {  	s25 =	simm.s32 $0x3900  }
0x39: {  	[tilespmem:s25], [sflag:$0x1] =	stream.indirect_vreg.gather [hbm4b:s8+s3], $0x80, v3, vm0, $0xb8;
	[tilespmem:$0x18100] =	vst v63  }
0x3a: {  	v3 =	vld [tilespmem:$0x10];
	_ =	sdelay $0x4  }
0x3b: {  	v59 =	vshll.u32 v3, $0x3  }
0x3c: {  	v3 =	vand.u32 $0x7, v3;
	v4 =	vand.u32 $0xFFFFFFC0, v59  }
0x3d: {  	v3 =	vor.u32 v3, v4  }
0x3e: {  	v4 =	vperm.xlane v3, v0;
	_ =	sdelay $0x1  }
0x3f: {  	v4 =	vadd.s32 v1, v4;
	_ =	sdelay $0x4  }
0x40: {  	[tilespmem:s9], [sflag:$0x2] =	stream.indirect_vreg.gather [hbm4b:s2+s3], $0x80, v4, vm0, $0xb8;
	[tilespmem:$0x18100] =	vst v63  }
0x41: {  	s1 =	simm.s32 $0x4900;
	v3 =	vperm.xlane v3, v2  }
0x42: {  	[tilespmem:s1], [sflag:$0x2] =	stream.indirect_vreg.gather [hbm4b:s5+s3], $0x80, v4, vm0, $0xb8;
	[tilespmem:$0x18100] =	vst v63  }
0x43: {  	s25 =	simm.s32 $0x5100;
	v3 =	vadd.s32 v1, v3  }
0x44: {  	[tilespmem:s25], [sflag:$0x2] =	stream.indirect_vreg.gather [hbm4b:s6+s3], $0x80, v4, vm0, $0xb8;
	[tilespmem:$0x18100] =	vst v63  }
0x45: {  	s1 =	simm.s32 $0x5900  }
0x46: {  	[tilespmem:s1], [sflag:$0x2] =	stream.indirect_vreg.gather [hbm4b:s8+s3], $0x80, v4, vm0, $0xb8;
	[tilespmem:$0x18100] =	vst v63  }
0x47: {  	s25 =	simm.s32 $0x6100  }
0x48: {  	[tilespmem:s25], [sflag:$0x2] =	stream.indirect_vreg.gather [hbm4b:s2+s3], $0x80, v3, vm0, $0xb8;
	[tilespmem:$0x18100] =	vst v63  }
0x49: {  	s1 =	simm.s32 $0x6900  }
0x4a: {  	[tilespmem:s1], [sflag:$0x2] =	stream.indirect_vreg.gather [hbm4b:s5+s3], $0x80, v3, vm0, $0xb8;
	[tilespmem:$0x18100] =	vst v63  }
0x4b: {  	s25 =	simm.s32 $0x7100  }
0x4c: {  	[tilespmem:s25], [sflag:$0x2] =	stream.indirect_vreg.gather [hbm4b:s6+s3], $0x80, v3, vm0, $0xb8;
	[tilespmem:$0x18100] =	vst v63  }
0x4d: {  	s1 =	simm.s32 $0x7900  }
0x4e: {  	[tilespmem:s1], [sflag:$0x2] =	stream.indirect_vreg.gather [hbm4b:s8+s3], $0x80, v3, vm0, $0xb8;
	[tilespmem:$0x18100] =	vst v63  }
0x4f: {  	v3 =	vld [tilespmem:$0x20];
	_ =	sdelay $0x4  }
0x50: {  	v60 =	vshll.u32 v3, $0x3  }
0x51: {  	v3 =	vand.u32 $0x7, v3;
	v4 =	vand.u32 $0xFFFFFFC0, v60  }
0x52: {  	v3 =	vor.u32 v3, v4  }
0x53: {  	v4 =	vperm.xlane v3, v0;
	_ =	sdelay $0x1  }
0x54: {  	v4 =	vadd.s32 v1, v4;
	_ =	sdelay $0x4  }
0x55: {  	[tilespmem:s17], [sflag:$0x3] =	stream.indirect_vreg.gather [hbm4b:s2+s3], $0x80, v4, vm0, $0xb8;
	[tilespmem:$0x18100] =	vst v63  }
0x56: {  	s25 =	simm.s32 $0x8900;
	v3 =	vperm.xlane v3, v2  }
0x57: {  	[tilespmem:s25], [sflag:$0x3] =	stream.indirect_vreg.gather [hbm4b:s5+s3], $0x80, v4, vm0, $0xb8;
	[tilespmem:$0x18100] =	vst v63  }
0x58: {  	s1 =	simm.s32 $0x9100;
	v3 =	vadd.s32 v1, v3  }
0x59: {  	[tilespmem:s1], [sflag:$0x3] =	stream.indirect_vreg.gather [hbm4b:s6+s3], $0x80, v4, vm0, $0xb8;
	[tilespmem:$0x18100] =	vst v63  }
0x5a: {  	s25 =	simm.s32 $0x9900  }
0x5b: {  	[tilespmem:s25], [sflag:$0x3] =	stream.indirect_vreg.gather [hbm4b:s8+s3], $0x80, v4, vm0, $0xb8;
	[tilespmem:$0x18100] =	vst v63  }
0x5c: {  	s1 =	simm.s32 $0xA100  }
0x5d: {  	[tilespmem:s1], [sflag:$0x3] =	stream.indirect_vreg.gather [hbm4b:s2+s3], $0x80, v3, vm0, $0xb8;
	[tilespmem:$0x18100] =	vst v63  }
0x5e: {  	s25 =	simm.s32 $0xA900  }
0x5f: {  	[tilespmem:s25], [sflag:$0x3] =	stream.indirect_vreg.gather [hbm4b:s5+s3], $0x80, v3, vm0, $0xb8;
	[tilespmem:$0x18100] =	vst v63  }
0x60: {  	s1 =	simm.s32 $0xB100  }
0x61: {  	[tilespmem:s1], [sflag:$0x3] =	stream.indirect_vreg.gather [hbm4b:s6+s3], $0x80, v3, vm0, $0xb8;
	[tilespmem:$0x18100] =	vst v63  }
0x62: {  	s25 =	simm.s32 $0xB900  }
0x63: {  	[tilespmem:s25], [sflag:$0x3] =	stream.indirect_vreg.gather [hbm4b:s8+s3], $0x80, v3, vm0, $0xb8;
	[tilespmem:$0x18100] =	vst v63  }
0x64: {  	v3 =	vld [tilespmem:$0x30];
	_ =	sdelay $0x4  }
0x65: {  	v61 =	vshll.u32 v3, $0x3  }
0x66: {  	v3 =	vand.u32 $0x7, v3;
	v4 =	vand.u32 $0xFFFFFFC0, v61  }
0x67: {  	v3 =	vor.u32 v3, v4  }
0x68: {  	v4 =	vperm.xlane v3, v0;
	_ =	sdelay $0x1  }
0x69: {  	v4 =	vadd.s32 v1, v4;
	_ =	sdelay $0x4  }
0x6a: {  	[tilespmem:s7], [sflag:$0x4] =	stream.indirect_vreg.gather [hbm4b:s2+s3], $0x80, v4, vm0, $0xb8;
	[tilespmem:$0x18100] =	vst v63  }
0x6b: {  	s1 =	simm.s32 $0xC900;
	v3 =	vperm.xlane v3, v2  }
0x6c: {  	[tilespmem:s1], [sflag:$0x4] =	stream.indirect_vreg.gather [hbm4b:s5+s3], $0x80, v4, vm0, $0xb8;
	[tilespmem:$0x18100] =	vst v63  }
0x6d: {  	s25 =	simm.s32 $0xD100;
	v3 =	vadd.s32 v1, v3  }
0x6e: {  	[tilespmem:s25], [sflag:$0x4] =	stream.indirect_vreg.gather [hbm4b:s6+s3], $0x80, v4, vm0, $0xb8;
	[tilespmem:$0x18100] =	vst v63  }
0x6f: {  	s1 =	simm.s32 $0xD900  }
0x70: {  	[tilespmem:s1], [sflag:$0x4] =	stream.indirect_vreg.gather [hbm4b:s8+s3], $0x80, v4, vm0, $0xb8;
	[tilespmem:$0x18100] =	vst v63  }
0x71: {  	s25 =	simm.s32 $0xE100  }
0x72: {  	[tilespmem:s25], [sflag:$0x4] =	stream.indirect_vreg.gather [hbm4b:s2+s3], $0x80, v3, vm0, $0xb8;
	[tilespmem:$0x18100] =	vst v63  }
0x73: {  	s1 =	simm.s32 $0xE900  }
0x74: {  	[tilespmem:s1], [sflag:$0x4] =	stream.indirect_vreg.gather [hbm4b:s5+s3], $0x80, v3, vm0, $0xb8;
	[tilespmem:$0x18100] =	vst v63  }
0x75: {  	s25 =	simm.s32 $0xF100  }
0x76: {  	[tilespmem:s25], [sflag:$0x4] =	stream.indirect_vreg.gather [hbm4b:s6+s3], $0x80, v3, vm0, $0xb8;
	[tilespmem:$0x18100] =	vst v63  }
0x77: {  	_ = 	snop  }
0x78: {  	[tilespmem:s26], [sflag:$0x4] =	stream.indirect_vreg.gather [hbm4b:s8+s3], $0x80, v3, vm0, $0xb8;
	[tilespmem:$0x18100] =	vst v63  }
0x79: {  	v3 =	vld [tilespmem:$0x40];
	_ =	sdelay $0x4  }
0x7a: {  	v62 =	vshll.u32 v3, $0x3  }
0x7b: {  	v3 =	vand.u32 $0x7, v3;
	v4 =	vand.u32 $0xFFFFFFC0, v62  }
0x7c: {  	v3 =	vor.u32 v3, v4  }
0x7d: {  	v4 =	vperm.xlane v3, v0;
	_ =	sdelay $0x1  }
0x7e: {  	v4 =	vadd.s32 v1, v4;
	_ =	sdelay $0x4  }
0x7f: {  	[tilespmem:s4], [sflag:$0x5] =	stream.indirect_vreg.gather [hbm4b:s2+s3], $0x80, v4, vm0, $0xb8;
	[tilespmem:$0x18100] =	vst v63  }
0x80: {  	s1 =	simm.s32 $0x10900;
	v3 =	vperm.xlane v3, v2  }
0x81: {  	[tilespmem:s1], [sflag:$0x5] =	stream.indirect_vreg.gather [hbm4b:s5+s3], $0x80, v4, vm0, $0xb8;
	[tilespmem:$0x18100] =	vst v63  }
0x82: {  	s25 =	simm.s32 $0x11100;
	v3 =	vadd.s32 v1, v3  }
0x83: {  	[tilespmem:s25], [sflag:$0x5] =	stream.indirect_vreg.gather [hbm4b:s6+s3], $0x80, v4, vm0, $0xb8;
	[tilespmem:$0x18100] =	vst v63  }
0x84: {  	s1 =	simm.s32 $0x11900  }
0x85: {  	[tilespmem:s1], [sflag:$0x5] =	stream.indirect_vreg.gather [hbm4b:s8+s3], $0x80, v4, vm0, $0xb8;
	[tilespmem:$0x18100] =	vst v63  }
0x86: {  	s25 =	simm.s32 $0x12100  }
0x87: {  	[tilespmem:s25], [sflag:$0x5] =	stream.indirect_vreg.gather [hbm4b:s2+s3], $0x80, v3, vm0, $0xb8;
	[tilespmem:$0x18100] =	vst v63  }
0x88: {  	s1 =	simm.s32 $0x12900  }
0x89: {  	[tilespmem:s1], [sflag:$0x5] =	stream.indirect_vreg.gather [hbm4b:s5+s3], $0x80, v3, vm0, $0xb8;
	[tilespmem:$0x18100] =	vst v63  }
0x8a: {  	s25 =	simm.s32 $0x13100  }
0x8b: {  	[tilespmem:s25], [sflag:$0x5] =	stream.indirect_vreg.gather [hbm4b:s6+s3], $0x80, v3, vm0, $0xb8;
	[tilespmem:$0x18100] =	vst v63  }
0x8c: {  	s1 =	simm.s32 $0x13900  }
0x8d: {  	[tilespmem:s1], [sflag:$0x5] =	stream.indirect_vreg.gather [hbm4b:s8+s3], $0x80, v3, vm0, $0xb8;
	[tilespmem:$0x18100] =	vst v63  }
0x8e: {  	v3 =	vld [tilespmem:$0x50];
	_ =	sdelay $0x4  }
0x8f: {  	v63 =	vshll.u32 v3, $0x3  }
0x90: {  	v3 =	vand.u32 $0x7, v3;
	v4 =	vand.u32 $0xFFFFFFC0, v63  }
0x91: {  	v3 =	vor.u32 v3, v4  }
0x92: {  	v4 =	vperm.xlane v3, v0;
	_ =	sdelay $0x1  }
0x93: {  	v4 =	vadd.s32 v1, v4;
	_ =	sdelay $0x4  }
0x94: {  	[tilespmem:s10], [sflag:$0x6] =	stream.indirect_vreg.gather [hbm4b:s2+s3], $0x80, v4, vm0, $0xb8;
	[tilespmem:$0x18100] =	vst v63  }
0x95: {  	s25 =	simm.s32 $0x14900;
	v3 =	vperm.xlane v3, v2  }
0x96: {  	[tilespmem:s25], [sflag:$0x6] =	stream.indirect_vreg.gather [hbm4b:s5+s3], $0x80, v4, vm0, $0xb8;
	[tilespmem:$0x18100] =	vst v63  }
0x97: {  	s1 =	simm.s32 $0x15100;
	v3 =	vadd.s32 v1, v3  }
0x98: {  	[tilespmem:s1], [sflag:$0x6] =	stream.indirect_vreg.gather [hbm4b:s6+s3], $0x80, v4, vm0, $0xb8;
	[tilespmem:$0x18100] =	vst v63  }
0x99: {  	s25 =	simm.s32 $0x15900  }
0x9a: {  	[tilespmem:s25], [sflag:$0x6] =	stream.indirect_vreg.gather [hbm4b:s8+s3], $0x80, v4, vm0, $0xb8;
	[tilespmem:$0x18100] =	vst v63  }
0x9b: {  	s1 =	simm.s32 $0x16100  }
0x9c: {  	[tilespmem:s1], [sflag:$0x6] =	stream.indirect_vreg.gather [hbm4b:s2+s3], $0x80, v3, vm0, $0xb8;
	[tilespmem:$0x18100] =	vst v63  }
0x9d: {  	s25 =	simm.s32 $0x16900  }
0x9e: {  	[tilespmem:s25], [sflag:$0x6] =	stream.indirect_vreg.gather [hbm4b:s5+s3], $0x80, v3, vm0, $0xb8;
	[tilespmem:$0x18100] =	vst v63  }
0x9f: {  	s1 =	simm.s32 $0x17100  }
0xa0: {  	[tilespmem:s1], [sflag:$0x6] =	stream.indirect_vreg.gather [hbm4b:s6+s3], $0x80, v3, vm0, $0xb8;
	[tilespmem:$0x18100] =	vst v63  }
0xa1: {  	s25 =	simm.s32 $0x17900  }
0xa2: {  	[tilespmem:s25], [sflag:$0x6] =	stream.indirect_vreg.gather [hbm4b:s8+s3], $0x80, v3, vm0, $0xb8;
	[tilespmem:$0x18100] =	vst v63  }
0xa3: {  	_ =	swait.ge [sflag:s11], $0x4000  }
0xa4: {  	s28 =	simm.s32 $0x0;
	[sflag:s11] =	ssyncset.done $0x0  }
0xa5: {  	s30 =	simm.s32 $0x0;
	s31 =	simm.s32 $0x0;
	[sflag:s11] =	ssyncadd.s32 $0xFFFFC000  }
.LBB2_2:
0xa6: {  	s0 =	sshll.u32 s30, $0x2;
	s1 =	sand.u32 $0x7, s28  }
0xa7: {  	s0 =	sand.u32 $0xFFFF8000, s0;
	s1 =	sshll.u32 s1, $0x9  }
0xa8: {  	s0 =	sor.u32 s1, s0  }
0xa9: {  	s0 =	sshrl.u32 s0, $0x2  }
0xaa: {  	s0 =	sadd.s32 $0x140, s0  }
0xab: {  	v4 =	vld [tilespmem:s0+$0xFFFFFFC0];
	_ =	sdelay $0x1  }
0xac: {  	v7 =	vld [tilespmem:s0+$0xFFFFFFD0]  }
0xad: {  	v9 =	vld [tilespmem:s0+$0xFFFFFFE0]  }
0xae: {  	v5 =	vld [tilespmem:s0+$0x0]  }
0xaf: {  	v3 =	vld [tilespmem:s0+$0x10];
	v8 =	vmul.f32 $3.200000000e+01, v4  }
0xb0: {  	v6 =	vld [tilespmem:s0+$0x20]  }
0xb1: {  	v4 =	vld [tilespmem:s0+$0x30];
	[tilespmem:s0+$0xFFFFFFC0] =	vst v8;
	v8 =	vmul.f32 $3.200000000e+01, v7  }
0xb2: {  	s1 =	simm.s32 $0x0;
	s25 =	sadd.s32 $0x400, s0;
	v9 =	vmul.f32 $3.200000000e+01, v9;
	v7 =	vld [tilespmem:s0+$0xFFFFFFF0]  }
.LBB2_3:
0xb3: {  	v10 =	vld [tilespmem:s25+$0xFFFFFFC0];
	[tilespmem:s0+$0xFFFFFFD0] =	vst v8;
	v5 =	vmul.f32 $3.200000000e+01, v5  }
0xb4: {  	s1 =	sadd.s32 $0x8, s1;
	v8 =	vld [tilespmem:s25+$0xFFFFFFD0];
	[tilespmem:s0+$0xFFFFFFE0] =	vst v9;
	v3 =	vmul.f32 $3.200000000e+01, v3  }
0xb5: {  	p0 =	slt.u32 s1, $0x38;
	v9 =	vld [tilespmem:s25+$0xFFFFFFE0];
	[tilespmem:s0+$0x0] =	vst v5;
	v6 =	vmul.f32 $3.200000000e+01, v6  }
.Ltmp0:
0xb6: {  	v5 =	vld [tilespmem:s25+$0x0];
	[tilespmem:s0+$0x10] =	vst v3;
	v4 =	vmul.f32 $3.200000000e+01, v4;
	(pc) =	sbr.rel @p0 .LBB2_3-.Ltmp0, $4  }
0xb7: {  	v3 =	vld [tilespmem:s25+$0x10];
	v7 =	vmul.f32 $3.200000000e+01, v7;
	[tilespmem:s0+$0x20] =	vst v6  }
0xb8: {  	v10 =	vmul.f32 $3.200000000e+01, v10;
	v6 =	vld [tilespmem:s25+$0x20];
	[tilespmem:s0+$0x30] =	vst v4  }
0xb9: {  	v8 =	vmul.f32 $3.200000000e+01, v8;
	v4 =	vld [tilespmem:s25+$0x30];
	[tilespmem:s0+$0xFFFFFFF0] =	vst v7;
	s0 =	smov.u32 s25  }
0xba: {  	s25 =	sadd.s32 $0x400, s25;
	[tilespmem:s0+$0xFFFFFFC0] =	vst v10;
	v9 =	vmul.f32 $3.200000000e+01, v9;
	v7 =	vld [tilespmem:s0+$0xFFFFFFF0]  }
0xbb: {  	[tilespmem:s0+$0xFFFFFFD0] =	vst v8;
	v5 =	vmul.f32 $3.200000000e+01, v5;
	s31 =	sadd.s32 $0x1, s31  }
0xbc: {  	[tilespmem:s0+$0xFFFFFFE0] =	vst v9;
	v3 =	vmul.f32 $3.200000000e+01, v3;
	p0 =	sne.s32 s31, $0x10  }
.Ltmp1:
0xbd: {  	[tilespmem:s0+$0x0] =	vst v5;
	v62 =	vmul.f32 $3.200000000e+01, v6;
	(pc) =	sbr.rel @p0 .LBB2_2-.Ltmp1, $4  }
0xbe: {  	[tilespmem:s0+$0x10] =	vst v3;
	v3 =	vmul.f32 $3.200000000e+01, v4  }
0xbf: {  	v63 =	vmul.f32 $3.200000000e+01, v7;
	[tilespmem:s0+$0x20] =	vst v62  }
0xc0: {  	[tilespmem:s0+$0x30] =	vst v3  }
0xc1: {  	s30 =	sadd.s32 $0x400, s30;
	s28 =	sadd.s32 $0x1, s28;
	[tilespmem:s0+$0xFFFFFFF0] =	vst v63  }
0xc2: {  	s28 =	simm.s32 $0x0;
	s0 =	rddreg [dreg:$0x5]  }
0xc3: {  	[hbm4b:s0+s28] =	stream.linear.scatter [tilespmem:s29], [sflag:$0x7], $0x4000, $0x38;
	[tilespmem:$0x18100] =	vst v63  }
0xc4: {  	_ =	swait.ge [sflag:s12], $0x4000  }
0xc5: {  	[sflag:s12] =	ssyncset.done $0x0  }
0xc6: {  	[sflag:s12] =	ssyncadd.s32 $0xFFFFC000  }
0xc7: {  	v3 =	vld [tilespmem:$0x60];
	_ =	sdelay $0x4  }
0xc8: {  	v4 =	vshll.u32 v3, $0x3  }
0xc9: {  	v3 =	vand.u32 $0x7, v3;
	v4 =	vand.u32 $0xFFFFFFC0, v4  }
0xca: {  	v3 =	vor.u32 v3, v4  }
0xcb: {  	v4 =	vperm.xlane v3, v0;
	_ =	sdelay $0x1  }
0xcc: {  	v4 =	vadd.s32 v1, v4;
	_ =	sdelay $0x4  }
0xcd: {  	[tilespmem:s29], [sflag:$0x1] =	stream.indirect_vreg.gather [hbm4b:s2+s28], $0x80, v4, vm0, $0xb8;
	[tilespmem:$0x18100] =	vst v63  }
0xce: {  	s25 =	simm.s32 $0x900;
	v3 =	vperm.xlane v3, v2  }
0xcf: {  	[tilespmem:s25], [sflag:$0x1] =	stream.indirect_vreg.gather [hbm4b:s5+s28], $0x80, v4, vm0, $0xb8;
	[tilespmem:$0x18100] =	vst v63  }
0xd0: {  	s1 =	simm.s32 $0x1100;
	v3 =	vadd.s32 v1, v3  }
0xd1: {  	[tilespmem:s1], [sflag:$0x1] =	stream.indirect_vreg.gather [hbm4b:s6+s28], $0x80, v4, vm0, $0xb8;
	[tilespmem:$0x18100] =	vst v63  }
0xd2: {  	s25 =	simm.s32 $0x1900  }
0xd3: {  	[tilespmem:s25], [sflag:$0x1] =	stream.indirect_vreg.gather [hbm4b:s8+s28], $0x80, v4, vm0, $0xb8;
	[tilespmem:$0x18100] =	vst v63  }
0xd4: {  	s1 =	simm.s32 $0x2100  }
0xd5: {  	[tilespmem:s1], [sflag:$0x1] =	stream.indirect_vreg.gather [hbm4b:s2+s28], $0x80, v3, vm0, $0xb8;
	[tilespmem:$0x18100] =	vst v63  }
0xd6: {  	s25 =	simm.s32 $0x2900  }
0xd7: {  	[tilespmem:s25], [sflag:$0x1] =	stream.indirect_vreg.gather [hbm4b:s5+s28], $0x80, v3, vm0, $0xb8;
	[tilespmem:$0x18100] =	vst v63  }
0xd8: {  	s1 =	simm.s32 $0x3100  }
0xd9: {  	[tilespmem:s1], [sflag:$0x1] =	stream.indirect_vreg.gather [hbm4b:s6+s28], $0x80, v3, vm0, $0xb8;
	[tilespmem:$0x18100] =	vst v63  }
0xda: {  	s25 =	simm.s32 $0x3900  }
0xdb: {  	[tilespmem:s25], [sflag:$0x1] =	stream.indirect_vreg.gather [hbm4b:s8+s28], $0x80, v3, vm0, $0xb8;
	[tilespmem:$0x18100] =	vst v63  }
0xdc: {  	_ =	swait.ge [sflag:s13], $0x4000  }
0xdd: {  	[sflag:s13] =	ssyncset.done $0x0  }
0xde: {  	s30 =	simm.s32 $0x0;
	s31 =	simm.s32 $0x0;
	[sflag:s13] =	ssyncadd.s32 $0xFFFFC000  }
.LBB2_6:
0xdf: {  	s0 =	sshll.u32 s30, $0x2;
	s1 =	sand.u32 $0x7, s28  }
0xe0: {  	s0 =	sand.u32 $0xFFFF8000, s0;
	s1 =	sshll.u32 s1, $0x9  }
0xe1: {  	s0 =	sor.u32 s1, s0  }
0xe2: {  	s0 =	sshrl.u32 s0, $0x2  }
0xe3: {  	s0 =	sadd.s32 $0x4140, s0  }
0xe4: {  	v4 =	vld [tilespmem:s0+$0xFFFFFFC0];
	_ =	sdelay $0x1  }
0xe5: {  	v7 =	vld [tilespmem:s0+$0xFFFFFFD0]  }
0xe6: {  	v9 =	vld [tilespmem:s0+$0xFFFFFFE0]  }
0xe7: {  	v5 =	vld [tilespmem:s0+$0x0]  }
0xe8: {  	v3 =	vld [tilespmem:s0+$0x10];
	v8 =	vmul.f32 $3.200000000e+01, v4  }
0xe9: {  	v6 =	vld [tilespmem:s0+$0x20]  }
0xea: {  	v4 =	vld [tilespmem:s0+$0x30];
	[tilespmem:s0+$0xFFFFFFC0] =	vst v8;
	v8 =	vmul.f32 $3.200000000e+01, v7  }
0xeb: {  	s1 =	simm.s32 $0x0;
	s25 =	sadd.s32 $0x400, s0;
	v9 =	vmul.f32 $3.200000000e+01, v9;
	v7 =	vld [tilespmem:s0+$0xFFFFFFF0]  }
.LBB2_7:
0xec: {  	v10 =	vld [tilespmem:s25+$0xFFFFFFC0];
	[tilespmem:s0+$0xFFFFFFD0] =	vst v8;
	v5 =	vmul.f32 $3.200000000e+01, v5  }
0xed: {  	s1 =	sadd.s32 $0x8, s1;
	v8 =	vld [tilespmem:s25+$0xFFFFFFD0];
	[tilespmem:s0+$0xFFFFFFE0] =	vst v9;
	v3 =	vmul.f32 $3.200000000e+01, v3  }
0xee: {  	p0 =	slt.u32 s1, $0x38;
	v9 =	vld [tilespmem:s25+$0xFFFFFFE0];
	[tilespmem:s0+$0x0] =	vst v5;
	v6 =	vmul.f32 $3.200000000e+01, v6  }
.Ltmp2:
0xef: {  	v5 =	vld [tilespmem:s25+$0x0];
	[tilespmem:s0+$0x10] =	vst v3;
	v4 =	vmul.f32 $3.200000000e+01, v4;
	(pc) =	sbr.rel @p0 .LBB2_7-.Ltmp2, $4  }
0xf0: {  	v3 =	vld [tilespmem:s25+$0x10];
	v7 =	vmul.f32 $3.200000000e+01, v7;
	[tilespmem:s0+$0x20] =	vst v6  }
0xf1: {  	v10 =	vmul.f32 $3.200000000e+01, v10;
	v6 =	vld [tilespmem:s25+$0x20];
	[tilespmem:s0+$0x30] =	vst v4  }
0xf2: {  	v8 =	vmul.f32 $3.200000000e+01, v8;
	v4 =	vld [tilespmem:s25+$0x30];
	[tilespmem:s0+$0xFFFFFFF0] =	vst v7;
	s0 =	smov.u32 s25  }
0xf3: {  	s25 =	sadd.s32 $0x400, s25;
	[tilespmem:s0+$0xFFFFFFC0] =	vst v10;
	v9 =	vmul.f32 $3.200000000e+01, v9;
	v7 =	vld [tilespmem:s0+$0xFFFFFFF0]  }
0xf4: {  	[tilespmem:s0+$0xFFFFFFD0] =	vst v8;
	v5 =	vmul.f32 $3.200000000e+01, v5;
	s31 =	sadd.s32 $0x1, s31  }
0xf5: {  	[tilespmem:s0+$0xFFFFFFE0] =	vst v9;
	v3 =	vmul.f32 $3.200000000e+01, v3;
	p0 =	sne.s32 s31, $0x10  }
.Ltmp3:
0xf6: {  	[tilespmem:s0+$0x0] =	vst v5;
	v62 =	vmul.f32 $3.200000000e+01, v6;
	(pc) =	sbr.rel @p0 .LBB2_6-.Ltmp3, $4  }
0xf7: {  	[tilespmem:s0+$0x10] =	vst v3;
	v3 =	vmul.f32 $3.200000000e+01, v4  }
0xf8: {  	v63 =	vmul.f32 $3.200000000e+01, v7;
	[tilespmem:s0+$0x20] =	vst v62  }
0xf9: {  	[tilespmem:s0+$0x30] =	vst v3  }
0xfa: {  	s30 =	sadd.s32 $0x400, s30;
	s28 =	sadd.s32 $0x1, s28;
	[tilespmem:s0+$0xFFFFFFF0] =	vst v63  }
0xfb: {  	s28 =	simm.s32 $0x0;
	s0 =	rddreg [dreg:$0x6]  }
0xfc: {  	[hbm4b:s0+s28] =	stream.linear.scatter [tilespmem:s9], [sflag:$0x8], $0x4000, $0x38;
	[tilespmem:$0x18100] =	vst v63  }
0xfd: {  	_ =	swait.ge [sflag:s14], $0x4000  }
0xfe: {  	[sflag:s14] =	ssyncset.done $0x0  }
0xff: {  	[sflag:s14] =	ssyncadd.s32 $0xFFFFC000  }
0x100: {  	v3 =	vld [tilespmem:$0x70];
	_ =	sdelay $0x4  }
0x101: {  	v4 =	vshll.u32 v3, $0x3  }
0x102: {  	v3 =	vand.u32 $0x7, v3;
	v4 =	vand.u32 $0xFFFFFFC0, v4  }
0x103: {  	v3 =	vor.u32 v3, v4  }
0x104: {  	v4 =	vperm.xlane v3, v0;
	_ =	sdelay $0x1  }
0x105: {  	v4 =	vadd.s32 v1, v4;
	_ =	sdelay $0x4  }
0x106: {  	[tilespmem:s9], [sflag:$0x2] =	stream.indirect_vreg.gather [hbm4b:s2+s28], $0x80, v4, vm0, $0xb8;
	[tilespmem:$0x18100] =	vst v63  }
0x107: {  	s25 =	simm.s32 $0x4900;
	v3 =	vperm.xlane v3, v2  }
0x108: {  	[tilespmem:s25], [sflag:$0x2] =	stream.indirect_vreg.gather [hbm4b:s5+s28], $0x80, v4, vm0, $0xb8;
	[tilespmem:$0x18100] =	vst v63  }
0x109: {  	s1 =	simm.s32 $0x5100;
	v3 =	vadd.s32 v1, v3  }
0x10a: {  	[tilespmem:s1], [sflag:$0x2] =	stream.indirect_vreg.gather [hbm4b:s6+s28], $0x80, v4, vm0, $0xb8;
	[tilespmem:$0x18100] =	vst v63  }
0x10b: {  	s25 =	simm.s32 $0x5900  }
0x10c: {  	[tilespmem:s25], [sflag:$0x2] =	stream.indirect_vreg.gather [hbm4b:s8+s28], $0x80, v4, vm0, $0xb8;
	[tilespmem:$0x18100] =	vst v63  }
0x10d: {  	s1 =	simm.s32 $0x6100  }
0x10e: {  	[tilespmem:s1], [sflag:$0x2] =	stream.indirect_vreg.gather [hbm4b:s2+s28], $0x80, v3, vm0, $0xb8;
	[tilespmem:$0x18100] =	vst v63  }
0x10f: {  	s25 =	simm.s32 $0x6900  }
0x110: {  	[tilespmem:s25], [sflag:$0x2] =	stream.indirect_vreg.gather [hbm4b:s5+s28], $0x80, v3, vm0, $0xb8;
	[tilespmem:$0x18100] =	vst v63  }
0x111: {  	s1 =	simm.s32 $0x7100  }
0x112: {  	[tilespmem:s1], [sflag:$0x2] =	stream.indirect_vreg.gather [hbm4b:s6+s28], $0x80, v3, vm0, $0xb8;
	[tilespmem:$0x18100] =	vst v63  }
0x113: {  	s25 =	simm.s32 $0x7900  }
0x114: {  	[tilespmem:s25], [sflag:$0x2] =	stream.indirect_vreg.gather [hbm4b:s8+s28], $0x80, v3, vm0, $0xb8;
	[tilespmem:$0x18100] =	vst v63  }
0x115: {  	_ =	swait.ge [sflag:s15], $0x4000  }
0x116: {  	[sflag:s15] =	ssyncset.done $0x0  }
0x117: {  	s30 =	simm.s32 $0x0;
	s31 =	simm.s32 $0x0;
	[sflag:s15] =	ssyncadd.s32 $0xFFFFC000  }
.LBB2_10:
0x118: {  	s0 =	sshll.u32 s30, $0x2;
	s1 =	sand.u32 $0x7, s28  }
0x119: {  	s0 =	sand.u32 $0xFFFF8000, s0;
	s1 =	sshll.u32 s1, $0x9  }
0x11a: {  	s0 =	sor.u32 s1, s0  }
0x11b: {  	s0 =	sshrl.u32 s0, $0x2  }
0x11c: {  	s0 =	sadd.s32 $0x8140, s0  }
0x11d: {  	v4 =	vld [tilespmem:s0+$0xFFFFFFC0];
	_ =	sdelay $0x1  }
0x11e: {  	v7 =	vld [tilespmem:s0+$0xFFFFFFD0]  }
0x11f: {  	v9 =	vld [tilespmem:s0+$0xFFFFFFE0]  }
0x120: {  	v5 =	vld [tilespmem:s0+$0x0]  }
0x121: {  	v3 =	vld [tilespmem:s0+$0x10];
	v8 =	vmul.f32 $3.200000000e+01, v4  }
0x122: {  	v6 =	vld [tilespmem:s0+$0x20]  }
0x123: {  	v4 =	vld [tilespmem:s0+$0x30];
	[tilespmem:s0+$0xFFFFFFC0] =	vst v8;
	v8 =	vmul.f32 $3.200000000e+01, v7  }
0x124: {  	s1 =	simm.s32 $0x0;
	s25 =	sadd.s32 $0x400, s0;
	v9 =	vmul.f32 $3.200000000e+01, v9;
	v7 =	vld [tilespmem:s0+$0xFFFFFFF0]  }
.LBB2_11:
0x125: {  	v10 =	vld [tilespmem:s25+$0xFFFFFFC0];
	[tilespmem:s0+$0xFFFFFFD0] =	vst v8;
	v5 =	vmul.f32 $3.200000000e+01, v5  }
0x126: {  	s1 =	sadd.s32 $0x8, s1;
	v8 =	vld [tilespmem:s25+$0xFFFFFFD0];
	[tilespmem:s0+$0xFFFFFFE0] =	vst v9;
	v3 =	vmul.f32 $3.200000000e+01, v3  }
0x127: {  	p0 =	slt.u32 s1, $0x38;
	v9 =	vld [tilespmem:s25+$0xFFFFFFE0];
	[tilespmem:s0+$0x0] =	vst v5;
	v6 =	vmul.f32 $3.200000000e+01, v6  }
.Ltmp4:
0x128: {  	v5 =	vld [tilespmem:s25+$0x0];
	[tilespmem:s0+$0x10] =	vst v3;
	v4 =	vmul.f32 $3.200000000e+01, v4;
	(pc) =	sbr.rel @p0 .LBB2_11-.Ltmp4, $4  }
0x129: {  	v3 =	vld [tilespmem:s25+$0x10];
	v7 =	vmul.f32 $3.200000000e+01, v7;
	[tilespmem:s0+$0x20] =	vst v6  }
0x12a: {  	v10 =	vmul.f32 $3.200000000e+01, v10;
	v6 =	vld [tilespmem:s25+$0x20];
	[tilespmem:s0+$0x30] =	vst v4  }
0x12b: {  	v8 =	vmul.f32 $3.200000000e+01, v8;
	v4 =	vld [tilespmem:s25+$0x30];
	[tilespmem:s0+$0xFFFFFFF0] =	vst v7;
	s0 =	smov.u32 s25  }
0x12c: {  	s25 =	sadd.s32 $0x400, s25;
	[tilespmem:s0+$0xFFFFFFC0] =	vst v10;
	v9 =	vmul.f32 $3.200000000e+01, v9;
	v7 =	vld [tilespmem:s0+$0xFFFFFFF0]  }
0x12d: {  	[tilespmem:s0+$0xFFFFFFD0] =	vst v8;
	v5 =	vmul.f32 $3.200000000e+01, v5;
	s31 =	sadd.s32 $0x1, s31  }
0x12e: {  	[tilespmem:s0+$0xFFFFFFE0] =	vst v9;
	v3 =	vmul.f32 $3.200000000e+01, v3;
	p0 =	sne.s32 s31, $0x10  }
.Ltmp5:
0x12f: {  	[tilespmem:s0+$0x0] =	vst v5;
	v62 =	vmul.f32 $3.200000000e+01, v6;
	(pc) =	sbr.rel @p0 .LBB2_10-.Ltmp5, $4  }
0x130: {  	[tilespmem:s0+$0x10] =	vst v3;
	v3 =	vmul.f32 $3.200000000e+01, v4  }
0x131: {  	v63 =	vmul.f32 $3.200000000e+01, v7;
	[tilespmem:s0+$0x20] =	vst v62  }
0x132: {  	[tilespmem:s0+$0x30] =	vst v3  }
0x133: {  	s30 =	sadd.s32 $0x400, s30;
	s28 =	sadd.s32 $0x1, s28;
	[tilespmem:s0+$0xFFFFFFF0] =	vst v63  }
0x134: {  	s28 =	simm.s32 $0x0;
	s0 =	rddreg [dreg:$0x7]  }
0x135: {  	[hbm4b:s0+s28] =	stream.linear.scatter [tilespmem:s17], [sflag:$0x9], $0x4000, $0x38;
	[tilespmem:$0x18100] =	vst v63  }
0x136: {  	_ =	swait.ge [sflag:s16], $0x4000  }
0x137: {  	[sflag:s16] =	ssyncset.done $0x0  }
0x138: {  	[sflag:s16] =	ssyncadd.s32 $0xFFFFC000  }
0x139: {  	v3 =	vld [tilespmem:$0x80];
	_ =	sdelay $0x4  }
0x13a: {  	v4 =	vshll.u32 v3, $0x3  }
0x13b: {  	v3 =	vand.u32 $0x7, v3;
	v4 =	vand.u32 $0xFFFFFFC0, v4  }
0x13c: {  	v3 =	vor.u32 v3, v4  }
0x13d: {  	v4 =	vperm.xlane v3, v0;
	_ =	sdelay $0x1  }
0x13e: {  	v4 =	vadd.s32 v1, v4;
	_ =	sdelay $0x4  }
0x13f: {  	[tilespmem:s17], [sflag:$0x3] =	stream.indirect_vreg.gather [hbm4b:s2+s28], $0x80, v4, vm0, $0xb8;
	[tilespmem:$0x18100] =	vst v63  }
0x140: {  	s25 =	simm.s32 $0x8900;
	v3 =	vperm.xlane v3, v2  }
0x141: {  	[tilespmem:s25], [sflag:$0x3] =	stream.indirect_vreg.gather [hbm4b:s5+s28], $0x80, v4, vm0, $0xb8;
	[tilespmem:$0x18100] =	vst v63  }
0x142: {  	s1 =	simm.s32 $0x9100;
	v3 =	vadd.s32 v1, v3  }
0x143: {  	[tilespmem:s1], [sflag:$0x3] =	stream.indirect_vreg.gather [hbm4b:s6+s28], $0x80, v4, vm0, $0xb8;
	[tilespmem:$0x18100] =	vst v63  }
0x144: {  	s25 =	simm.s32 $0x9900  }
0x145: {  	[tilespmem:s25], [sflag:$0x3] =	stream.indirect_vreg.gather [hbm4b:s8+s28], $0x80, v4, vm0, $0xb8;
	[tilespmem:$0x18100] =	vst v63  }
0x146: {  	s1 =	simm.s32 $0xA100  }
0x147: {  	[tilespmem:s1], [sflag:$0x3] =	stream.indirect_vreg.gather [hbm4b:s2+s28], $0x80, v3, vm0, $0xb8;
	[tilespmem:$0x18100] =	vst v63  }
0x148: {  	s25 =	simm.s32 $0xA900  }
0x149: {  	[tilespmem:s25], [sflag:$0x3] =	stream.indirect_vreg.gather [hbm4b:s5+s28], $0x80, v3, vm0, $0xb8;
	[tilespmem:$0x18100] =	vst v63  }
0x14a: {  	s1 =	simm.s32 $0xB100  }
0x14b: {  	[tilespmem:s1], [sflag:$0x3] =	stream.indirect_vreg.gather [hbm4b:s6+s28], $0x80, v3, vm0, $0xb8;
	[tilespmem:$0x18100] =	vst v63  }
0x14c: {  	s25 =	simm.s32 $0xB900  }
0x14d: {  	[tilespmem:s25], [sflag:$0x3] =	stream.indirect_vreg.gather [hbm4b:s8+s28], $0x80, v3, vm0, $0xb8;
	[tilespmem:$0x18100] =	vst v63  }
0x14e: {  	_ =	swait.ge [sflag:s18], $0x4000  }
0x14f: {  	[sflag:s18] =	ssyncset.done $0x0  }
0x150: {  	s30 =	simm.s32 $0x0;
	s31 =	simm.s32 $0x0;
	[sflag:s18] =	ssyncadd.s32 $0xFFFFC000  }
.LBB2_14:
0x151: {  	s0 =	sshll.u32 s30, $0x2;
	s1 =	sand.u32 $0x7, s28  }
0x152: {  	s0 =	sand.u32 $0xFFFF8000, s0;
	s1 =	sshll.u32 s1, $0x9  }
0x153: {  	s0 =	sor.u32 s1, s0  }
0x154: {  	s0 =	sshrl.u32 s0, $0x2  }
0x155: {  	s0 =	sadd.s32 $0xC140, s0  }
0x156: {  	v4 =	vld [tilespmem:s0+$0xFFFFFFC0];
	_ =	sdelay $0x1  }
0x157: {  	v7 =	vld [tilespmem:s0+$0xFFFFFFD0]  }
0x158: {  	v9 =	vld [tilespmem:s0+$0xFFFFFFE0]  }
0x159: {  	v5 =	vld [tilespmem:s0+$0x0]  }
0x15a: {  	v3 =	vld [tilespmem:s0+$0x10];
	v8 =	vmul.f32 $3.200000000e+01, v4  }
0x15b: {  	v6 =	vld [tilespmem:s0+$0x20]  }
0x15c: {  	v4 =	vld [tilespmem:s0+$0x30];
	[tilespmem:s0+$0xFFFFFFC0] =	vst v8;
	v8 =	vmul.f32 $3.200000000e+01, v7  }
0x15d: {  	s1 =	simm.s32 $0x0;
	s25 =	sadd.s32 $0x400, s0;
	v9 =	vmul.f32 $3.200000000e+01, v9;
	v7 =	vld [tilespmem:s0+$0xFFFFFFF0]  }
.LBB2_15:
0x15e: {  	v10 =	vld [tilespmem:s25+$0xFFFFFFC0];
	[tilespmem:s0+$0xFFFFFFD0] =	vst v8;
	v5 =	vmul.f32 $3.200000000e+01, v5  }
0x15f: {  	s1 =	sadd.s32 $0x8, s1;
	v8 =	vld [tilespmem:s25+$0xFFFFFFD0];
	[tilespmem:s0+$0xFFFFFFE0] =	vst v9;
	v3 =	vmul.f32 $3.200000000e+01, v3  }
0x160: {  	p0 =	slt.u32 s1, $0x38;
	v9 =	vld [tilespmem:s25+$0xFFFFFFE0];
	[tilespmem:s0+$0x0] =	vst v5;
	v6 =	vmul.f32 $3.200000000e+01, v6  }
.Ltmp6:
0x161: {  	v5 =	vld [tilespmem:s25+$0x0];
	[tilespmem:s0+$0x10] =	vst v3;
	v4 =	vmul.f32 $3.200000000e+01, v4;
	(pc) =	sbr.rel @p0 .LBB2_15-.Ltmp6, $4  }
0x162: {  	v3 =	vld [tilespmem:s25+$0x10];
	v7 =	vmul.f32 $3.200000000e+01, v7;
	[tilespmem:s0+$0x20] =	vst v6  }
0x163: {  	v10 =	vmul.f32 $3.200000000e+01, v10;
	v6 =	vld [tilespmem:s25+$0x20];
	[tilespmem:s0+$0x30] =	vst v4  }
0x164: {  	v8 =	vmul.f32 $3.200000000e+01, v8;
	v4 =	vld [tilespmem:s25+$0x30];
	[tilespmem:s0+$0xFFFFFFF0] =	vst v7;
	s0 =	smov.u32 s25  }
0x165: {  	s25 =	sadd.s32 $0x400, s25;
	[tilespmem:s0+$0xFFFFFFC0] =	vst v10;
	v9 =	vmul.f32 $3.200000000e+01, v9;
	v7 =	vld [tilespmem:s0+$0xFFFFFFF0]  }
0x166: {  	[tilespmem:s0+$0xFFFFFFD0] =	vst v8;
	v5 =	vmul.f32 $3.200000000e+01, v5;
	s31 =	sadd.s32 $0x1, s31  }
0x167: {  	[tilespmem:s0+$0xFFFFFFE0] =	vst v9;
	v3 =	vmul.f32 $3.200000000e+01, v3;
	p0 =	sne.s32 s31, $0x10  }
.Ltmp7:
0x168: {  	[tilespmem:s0+$0x0] =	vst v5;
	v62 =	vmul.f32 $3.200000000e+01, v6;
	(pc) =	sbr.rel @p0 .LBB2_14-.Ltmp7, $4  }
0x169: {  	[tilespmem:s0+$0x10] =	vst v3;
	v3 =	vmul.f32 $3.200000000e+01, v4  }
0x16a: {  	v63 =	vmul.f32 $3.200000000e+01, v7;
	[tilespmem:s0+$0x20] =	vst v62  }
0x16b: {  	[tilespmem:s0+$0x30] =	vst v3  }
0x16c: {  	s30 =	sadd.s32 $0x400, s30;
	s28 =	sadd.s32 $0x1, s28;
	[tilespmem:s0+$0xFFFFFFF0] =	vst v63  }
0x16d: {  	s28 =	simm.s32 $0x0;
	s0 =	rddreg [dreg:$0x8]  }
0x16e: {  	[hbm4b:s0+s28] =	stream.linear.scatter [tilespmem:s7], [sflag:$0xA], $0x4000, $0x38;
	[tilespmem:$0x18100] =	vst v63  }
0x16f: {  	_ =	swait.ge [sflag:s19], $0x4000  }
0x170: {  	[sflag:s19] =	ssyncset.done $0x0  }
0x171: {  	[sflag:s19] =	ssyncadd.s32 $0xFFFFC000  }
0x172: {  	v3 =	vld [tilespmem:$0x90];
	_ =	sdelay $0x4  }
0x173: {  	v4 =	vshll.u32 v3, $0x3  }
0x174: {  	v3 =	vand.u32 $0x7, v3;
	v4 =	vand.u32 $0xFFFFFFC0, v4  }
0x175: {  	v3 =	vor.u32 v3, v4  }
0x176: {  	v4 =	vperm.xlane v3, v0;
	_ =	sdelay $0x1  }
0x177: {  	v4 =	vadd.s32 v1, v4;
	_ =	sdelay $0x4  }
0x178: {  	[tilespmem:s7], [sflag:$0x4] =	stream.indirect_vreg.gather [hbm4b:s2+s28], $0x80, v4, vm0, $0xb8;
	[tilespmem:$0x18100] =	vst v63  }
0x179: {  	s1 =	simm.s32 $0xC900;
	v3 =	vperm.xlane v3, v2  }
0x17a: {  	[tilespmem:s1], [sflag:$0x4] =	stream.indirect_vreg.gather [hbm4b:s5+s28], $0x80, v4, vm0, $0xb8;
	[tilespmem:$0x18100] =	vst v63  }
0x17b: {  	s25 =	simm.s32 $0xD100;
	v3 =	vadd.s32 v1, v3  }
0x17c: {  	[tilespmem:s25], [sflag:$0x4] =	stream.indirect_vreg.gather [hbm4b:s6+s28], $0x80, v4, vm0, $0xb8;
	[tilespmem:$0x18100] =	vst v63  }
0x17d: {  	s1 =	simm.s32 $0xD900  }
0x17e: {  	[tilespmem:s1], [sflag:$0x4] =	stream.indirect_vreg.gather [hbm4b:s8+s28], $0x80, v4, vm0, $0xb8;
	[tilespmem:$0x18100] =	vst v63  }
0x17f: {  	s25 =	simm.s32 $0xE100  }
0x180: {  	[tilespmem:s25], [sflag:$0x4] =	stream.indirect_vreg.gather [hbm4b:s2+s28], $0x80, v3, vm0, $0xb8;
	[tilespmem:$0x18100] =	vst v63  }
0x181: {  	s1 =	simm.s32 $0xE900  }
0x182: {  	[tilespmem:s1], [sflag:$0x4] =	stream.indirect_vreg.gather [hbm4b:s5+s28], $0x80, v3, vm0, $0xb8;
	[tilespmem:$0x18100] =	vst v63  }
0x183: {  	s25 =	simm.s32 $0xF100  }
0x184: {  	[tilespmem:s25], [sflag:$0x4] =	stream.indirect_vreg.gather [hbm4b:s6+s28], $0x80, v3, vm0, $0xb8;
	[tilespmem:$0x18100] =	vst v63  }
0x185: {  	_ = 	snop  }
0x186: {  	[tilespmem:s26], [sflag:$0x4] =	stream.indirect_vreg.gather [hbm4b:s8+s28], $0x80, v3, vm0, $0xb8;
	[tilespmem:$0x18100] =	vst v63  }
0x187: {  	_ =	swait.ge [sflag:s20], $0x4000  }
0x188: {  	[sflag:s20] =	ssyncset.done $0x0  }
0x189: {  	s30 =	simm.s32 $0x0;
	s31 =	simm.s32 $0x0;
	[sflag:s20] =	ssyncadd.s32 $0xFFFFC000  }
.LBB2_18:
0x18a: {  	s0 =	sshll.u32 s30, $0x2;
	s1 =	sand.u32 $0x7, s28  }
0x18b: {  	s0 =	sand.u32 $0xFFFF8000, s0;
	s1 =	sshll.u32 s1, $0x9  }
0x18c: {  	s0 =	sor.u32 s1, s0  }
0x18d: {  	s0 =	sshrl.u32 s0, $0x2  }
0x18e: {  	s0 =	sadd.s32 $0x10140, s0  }
0x18f: {  	v4 =	vld [tilespmem:s0+$0xFFFFFFC0];
	_ =	sdelay $0x1  }
0x190: {  	v7 =	vld [tilespmem:s0+$0xFFFFFFD0]  }
0x191: {  	v9 =	vld [tilespmem:s0+$0xFFFFFFE0]  }
0x192: {  	v5 =	vld [tilespmem:s0+$0x0]  }
0x193: {  	v3 =	vld [tilespmem:s0+$0x10];
	v8 =	vmul.f32 $3.200000000e+01, v4  }
0x194: {  	v6 =	vld [tilespmem:s0+$0x20]  }
0x195: {  	v4 =	vld [tilespmem:s0+$0x30];
	[tilespmem:s0+$0xFFFFFFC0] =	vst v8;
	v8 =	vmul.f32 $3.200000000e+01, v7  }
0x196: {  	s1 =	simm.s32 $0x0;
	s25 =	sadd.s32 $0x400, s0;
	v9 =	vmul.f32 $3.200000000e+01, v9;
	v7 =	vld [tilespmem:s0+$0xFFFFFFF0]  }
.LBB2_19:
0x197: {  	v10 =	vld [tilespmem:s25+$0xFFFFFFC0];
	[tilespmem:s0+$0xFFFFFFD0] =	vst v8;
	v5 =	vmul.f32 $3.200000000e+01, v5  }
0x198: {  	s1 =	sadd.s32 $0x8, s1;
	v8 =	vld [tilespmem:s25+$0xFFFFFFD0];
	[tilespmem:s0+$0xFFFFFFE0] =	vst v9;
	v3 =	vmul.f32 $3.200000000e+01, v3  }
0x199: {  	p0 =	slt.u32 s1, $0x38;
	v9 =	vld [tilespmem:s25+$0xFFFFFFE0];
	[tilespmem:s0+$0x0] =	vst v5;
	v6 =	vmul.f32 $3.200000000e+01, v6  }
.Ltmp8:
0x19a: {  	v5 =	vld [tilespmem:s25+$0x0];
	[tilespmem:s0+$0x10] =	vst v3;
	v4 =	vmul.f32 $3.200000000e+01, v4;
	(pc) =	sbr.rel @p0 .LBB2_19-.Ltmp8, $4  }
0x19b: {  	v3 =	vld [tilespmem:s25+$0x10];
	v7 =	vmul.f32 $3.200000000e+01, v7;
	[tilespmem:s0+$0x20] =	vst v6  }
0x19c: {  	v10 =	vmul.f32 $3.200000000e+01, v10;
	v6 =	vld [tilespmem:s25+$0x20];
	[tilespmem:s0+$0x30] =	vst v4  }
0x19d: {  	v8 =	vmul.f32 $3.200000000e+01, v8;
	v4 =	vld [tilespmem:s25+$0x30];
	[tilespmem:s0+$0xFFFFFFF0] =	vst v7;
	s0 =	smov.u32 s25  }
0x19e: {  	s25 =	sadd.s32 $0x400, s25;
	[tilespmem:s0+$0xFFFFFFC0] =	vst v10;
	v9 =	vmul.f32 $3.200000000e+01, v9;
	v7 =	vld [tilespmem:s0+$0xFFFFFFF0]  }
0x19f: {  	[tilespmem:s0+$0xFFFFFFD0] =	vst v8;
	v5 =	vmul.f32 $3.200000000e+01, v5;
	s31 =	sadd.s32 $0x1, s31  }
0x1a0: {  	[tilespmem:s0+$0xFFFFFFE0] =	vst v9;
	v3 =	vmul.f32 $3.200000000e+01, v3;
	p0 =	sne.s32 s31, $0x10  }
.Ltmp9:
0x1a1: {  	[tilespmem:s0+$0x0] =	vst v5;
	v62 =	vmul.f32 $3.200000000e+01, v6;
	(pc) =	sbr.rel @p0 .LBB2_18-.Ltmp9, $4  }
0x1a2: {  	[tilespmem:s0+$0x10] =	vst v3;
	v3 =	vmul.f32 $3.200000000e+01, v4  }
0x1a3: {  	v63 =	vmul.f32 $3.200000000e+01, v7;
	[tilespmem:s0+$0x20] =	vst v62  }
0x1a4: {  	[tilespmem:s0+$0x30] =	vst v3  }
0x1a5: {  	s30 =	sadd.s32 $0x400, s30;
	s28 =	sadd.s32 $0x1, s28;
	[tilespmem:s0+$0xFFFFFFF0] =	vst v63  }
0x1a6: {  	s28 =	simm.s32 $0x0;
	s0 =	rddreg [dreg:$0x9]  }
0x1a7: {  	[hbm4b:s0+s28] =	stream.linear.scatter [tilespmem:s4], [sflag:$0xB], $0x4000, $0x38;
	[tilespmem:$0x18100] =	vst v63  }
0x1a8: {  	_ =	swait.ge [sflag:s21], $0x4000  }
0x1a9: {  	[sflag:s21] =	ssyncset.done $0x0  }
0x1aa: {  	[sflag:s21] =	ssyncadd.s32 $0xFFFFC000  }
0x1ab: {  	v3 =	vld [tilespmem:$0xA0];
	_ =	sdelay $0x4  }
0x1ac: {  	v4 =	vshll.u32 v3, $0x3  }
0x1ad: {  	v3 =	vand.u32 $0x7, v3;
	v4 =	vand.u32 $0xFFFFFFC0, v4  }
0x1ae: {  	v3 =	vor.u32 v3, v4  }
0x1af: {  	v4 =	vperm.xlane v3, v0;
	_ =	sdelay $0x1  }
0x1b0: {  	v4 =	vadd.s32 v1, v4;
	_ =	sdelay $0x4  }
0x1b1: {  	[tilespmem:s4], [sflag:$0x5] =	stream.indirect_vreg.gather [hbm4b:s2+s28], $0x80, v4, vm0, $0xb8;
	[tilespmem:$0x18100] =	vst v63  }
0x1b2: {  	s25 =	simm.s32 $0x10900;
	v3 =	vperm.xlane v3, v2  }
0x1b3: {  	[tilespmem:s25], [sflag:$0x5] =	stream.indirect_vreg.gather [hbm4b:s5+s28], $0x80, v4, vm0, $0xb8;
	[tilespmem:$0x18100] =	vst v63  }
0x1b4: {  	s1 =	simm.s32 $0x11100;
	v3 =	vadd.s32 v1, v3  }
0x1b5: {  	[tilespmem:s1], [sflag:$0x5] =	stream.indirect_vreg.gather [hbm4b:s6+s28], $0x80, v4, vm0, $0xb8;
	[tilespmem:$0x18100] =	vst v63  }
0x1b6: {  	s25 =	simm.s32 $0x11900  }
0x1b7: {  	[tilespmem:s25], [sflag:$0x5] =	stream.indirect_vreg.gather [hbm4b:s8+s28], $0x80, v4, vm0, $0xb8;
	[tilespmem:$0x18100] =	vst v63  }
0x1b8: {  	s1 =	simm.s32 $0x12100  }
0x1b9: {  	[tilespmem:s1], [sflag:$0x5] =	stream.indirect_vreg.gather [hbm4b:s2+s28], $0x80, v3, vm0, $0xb8;
	[tilespmem:$0x18100] =	vst v63  }
0x1ba: {  	s25 =	simm.s32 $0x12900  }
0x1bb: {  	[tilespmem:s25], [sflag:$0x5] =	stream.indirect_vreg.gather [hbm4b:s5+s28], $0x80, v3, vm0, $0xb8;
	[tilespmem:$0x18100] =	vst v63  }
0x1bc: {  	s1 =	simm.s32 $0x13100  }
0x1bd: {  	[tilespmem:s1], [sflag:$0x5] =	stream.indirect_vreg.gather [hbm4b:s6+s28], $0x80, v3, vm0, $0xb8;
	[tilespmem:$0x18100] =	vst v63  }
0x1be: {  	s25 =	simm.s32 $0x13900  }
0x1bf: {  	[tilespmem:s25], [sflag:$0x5] =	stream.indirect_vreg.gather [hbm4b:s8+s28], $0x80, v3, vm0, $0xb8;
	[tilespmem:$0x18100] =	vst v63  }
0x1c0: {  	_ =	swait.ge [sflag:s22], $0x4000  }
0x1c1: {  	[sflag:s22] =	ssyncset.done $0x0  }
0x1c2: {  	s30 =	simm.s32 $0x0;
	s31 =	simm.s32 $0x0;
	[sflag:s22] =	ssyncadd.s32 $0xFFFFC000  }
.LBB2_22:
0x1c3: {  	s0 =	sshll.u32 s30, $0x2;
	s1 =	sand.u32 $0x7, s28  }
0x1c4: {  	s0 =	sand.u32 $0xFFFF8000, s0;
	s1 =	sshll.u32 s1, $0x9  }
0x1c5: {  	s0 =	sor.u32 s1, s0  }
0x1c6: {  	s0 =	sshrl.u32 s0, $0x2  }
0x1c7: {  	s0 =	sadd.s32 $0x14140, s0  }
0x1c8: {  	v4 =	vld [tilespmem:s0+$0xFFFFFFC0];
	_ =	sdelay $0x1  }
0x1c9: {  	v7 =	vld [tilespmem:s0+$0xFFFFFFD0]  }
0x1ca: {  	v9 =	vld [tilespmem:s0+$0xFFFFFFE0]  }
0x1cb: {  	v5 =	vld [tilespmem:s0+$0x0]  }
0x1cc: {  	v3 =	vld [tilespmem:s0+$0x10];
	v8 =	vmul.f32 $3.200000000e+01, v4  }
0x1cd: {  	v6 =	vld [tilespmem:s0+$0x20]  }
0x1ce: {  	v4 =	vld [tilespmem:s0+$0x30];
	[tilespmem:s0+$0xFFFFFFC0] =	vst v8;
	v8 =	vmul.f32 $3.200000000e+01, v7  }
0x1cf: {  	s1 =	simm.s32 $0x0;
	s25 =	sadd.s32 $0x400, s0;
	v9 =	vmul.f32 $3.200000000e+01, v9;
	v7 =	vld [tilespmem:s0+$0xFFFFFFF0]  }
.LBB2_23:
0x1d0: {  	v10 =	vld [tilespmem:s25+$0xFFFFFFC0];
	[tilespmem:s0+$0xFFFFFFD0] =	vst v8;
	v5 =	vmul.f32 $3.200000000e+01, v5  }
0x1d1: {  	s1 =	sadd.s32 $0x8, s1;
	v8 =	vld [tilespmem:s25+$0xFFFFFFD0];
	[tilespmem:s0+$0xFFFFFFE0] =	vst v9;
	v3 =	vmul.f32 $3.200000000e+01, v3  }
0x1d2: {  	p0 =	slt.u32 s1, $0x38;
	v9 =	vld [tilespmem:s25+$0xFFFFFFE0];
	[tilespmem:s0+$0x0] =	vst v5;
	v6 =	vmul.f32 $3.200000000e+01, v6  }
.Ltmp10:
0x1d3: {  	v5 =	vld [tilespmem:s25+$0x0];
	[tilespmem:s0+$0x10] =	vst v3;
	v4 =	vmul.f32 $3.200000000e+01, v4;
	(pc) =	sbr.rel @p0 .LBB2_23-.Ltmp10, $4  }
0x1d4: {  	v3 =	vld [tilespmem:s25+$0x10];
	v7 =	vmul.f32 $3.200000000e+01, v7;
	[tilespmem:s0+$0x20] =	vst v6  }
0x1d5: {  	v10 =	vmul.f32 $3.200000000e+01, v10;
	v6 =	vld [tilespmem:s25+$0x20];
	[tilespmem:s0+$0x30] =	vst v4  }
0x1d6: {  	v8 =	vmul.f32 $3.200000000e+01, v8;
	v4 =	vld [tilespmem:s25+$0x30];
	[tilespmem:s0+$0xFFFFFFF0] =	vst v7;
	s0 =	smov.u32 s25  }
0x1d7: {  	s25 =	sadd.s32 $0x400, s25;
	[tilespmem:s0+$0xFFFFFFC0] =	vst v10;
	v9 =	vmul.f32 $3.200000000e+01, v9;
	v7 =	vld [tilespmem:s0+$0xFFFFFFF0]  }
0x1d8: {  	[tilespmem:s0+$0xFFFFFFD0] =	vst v8;
	v5 =	vmul.f32 $3.200000000e+01, v5;
	s31 =	sadd.s32 $0x1, s31  }
0x1d9: {  	[tilespmem:s0+$0xFFFFFFE0] =	vst v9;
	v3 =	vmul.f32 $3.200000000e+01, v3;
	p0 =	sne.s32 s31, $0x10  }
.Ltmp11:
0x1da: {  	[tilespmem:s0+$0x0] =	vst v5;
	v62 =	vmul.f32 $3.200000000e+01, v6;
	(pc) =	sbr.rel @p0 .LBB2_22-.Ltmp11, $4  }
0x1db: {  	[tilespmem:s0+$0x10] =	vst v3;
	v3 =	vmul.f32 $3.200000000e+01, v4  }
0x1dc: {  	v63 =	vmul.f32 $3.200000000e+01, v7;
	[tilespmem:s0+$0x20] =	vst v62  }
0x1dd: {  	[tilespmem:s0+$0x30] =	vst v3  }
0x1de: {  	s30 =	sadd.s32 $0x400, s30;
	s28 =	sadd.s32 $0x1, s28;
	[tilespmem:s0+$0xFFFFFFF0] =	vst v63  }
0x1df: {  	s28 =	simm.s32 $0x0;
	s0 =	rddreg [dreg:$0xa]  }
0x1e0: {  	[hbm4b:s0+s28] =	stream.linear.scatter [tilespmem:s10], [sflag:$0xC], $0x4000, $0x38;
	[tilespmem:$0x18100] =	vst v63  }
0x1e1: {  	_ =	swait.ge [sflag:s23], $0x4000  }
0x1e2: {  	[sflag:s23] =	ssyncset.done $0x0  }
0x1e3: {  	[sflag:s23] =	ssyncadd.s32 $0xFFFFC000  }
0x1e4: {  	v3 =	vld [tilespmem:$0xB0];
	_ =	sdelay $0x4  }
0x1e5: {  	v4 =	vshll.u32 v3, $0x3  }
0x1e6: {  	v3 =	vand.u32 $0x7, v3;
	v4 =	vand.u32 $0xFFFFFFC0, v4  }
0x1e7: {  	v3 =	vor.u32 v3, v4  }
0x1e8: {  	v4 =	vperm.xlane v3, v0;
	_ =	sdelay $0x1  }
0x1e9: {  	v4 =	vadd.s32 v1, v4;
	_ =	sdelay $0x4  }
0x1ea: {  	[tilespmem:s10], [sflag:$0x6] =	stream.indirect_vreg.gather [hbm4b:s2+s28], $0x80, v4, vm0, $0xb8;
	[tilespmem:$0x18100] =	vst v63  }
0x1eb: {  	s25 =	simm.s32 $0x14900;
	v3 =	vperm.xlane v3, v2  }
0x1ec: {  	[tilespmem:s25], [sflag:$0x6] =	stream.indirect_vreg.gather [hbm4b:s5+s28], $0x80, v4, vm0, $0xb8;
	[tilespmem:$0x18100] =	vst v63  }
0x1ed: {  	s1 =	simm.s32 $0x15100;
	v3 =	vadd.s32 v1, v3  }
0x1ee: {  	[tilespmem:s1], [sflag:$0x6] =	stream.indirect_vreg.gather [hbm4b:s6+s28], $0x80, v4, vm0, $0xb8;
	[tilespmem:$0x18100] =	vst v63  }
0x1ef: {  	s25 =	simm.s32 $0x15900  }
0x1f0: {  	[tilespmem:s25], [sflag:$0x6] =	stream.indirect_vreg.gather [hbm4b:s8+s28], $0x80, v4, vm0, $0xb8;
	[tilespmem:$0x18100] =	vst v63  }
0x1f1: {  	s1 =	simm.s32 $0x16100  }
0x1f2: {  	[tilespmem:s1], [sflag:$0x6] =	stream.indirect_vreg.gather [hbm4b:s2+s28], $0x80, v3, vm0, $0xb8;
	[tilespmem:$0x18100] =	vst v63  }
0x1f3: {  	s25 =	simm.s32 $0x16900  }
0x1f4: {  	[tilespmem:s25], [sflag:$0x6] =	stream.indirect_vreg.gather [hbm4b:s5+s28], $0x80, v3, vm0, $0xb8;
	[tilespmem:$0x18100] =	vst v63  }
0x1f5: {  	s1 =	simm.s32 $0x17100  }
0x1f6: {  	[tilespmem:s1], [sflag:$0x6] =	stream.indirect_vreg.gather [hbm4b:s6+s28], $0x80, v3, vm0, $0xb8;
	[tilespmem:$0x18100] =	vst v63  }
0x1f7: {  	s25 =	simm.s32 $0x17900  }
0x1f8: {  	[tilespmem:s25], [sflag:$0x6] =	stream.indirect_vreg.gather [hbm4b:s8+s28], $0x80, v3, vm0, $0xb8;
	[tilespmem:$0x18100] =	vst v63  }
0x1f9: {  	_ =	swait.ge [sflag:s11], $0x4000  }
0x1fa: {  	[sflag:s11] =	ssyncset.done $0x0  }
0x1fb: {  	s30 =	simm.s32 $0x0;
	s31 =	simm.s32 $0x0;
	[sflag:s11] =	ssyncadd.s32 $0xFFFFC000  }
.LBB2_26:
0x1fc: {  	s0 =	sshll.u32 s30, $0x2;
	s1 =	sand.u32 $0x7, s28  }
0x1fd: {  	s0 =	sand.u32 $0xFFFF8000, s0;
	s1 =	sshll.u32 s1, $0x9  }
0x1fe: {  	s0 =	sor.u32 s1, s0  }
0x1ff: {  	s0 =	sshrl.u32 s0, $0x2  }
0x200: {  	s0 =	sadd.s32 $0x140, s0  }
0x201: {  	v4 =	vld [tilespmem:s0+$0xFFFFFFC0];
	_ =	sdelay $0x1  }
0x202: {  	v7 =	vld [tilespmem:s0+$0xFFFFFFD0]  }
0x203: {  	v9 =	vld [tilespmem:s0+$0xFFFFFFE0]  }
0x204: {  	v5 =	vld [tilespmem:s0+$0x0]  }
0x205: {  	v3 =	vld [tilespmem:s0+$0x10];
	v8 =	vmul.f32 $3.200000000e+01, v4  }
0x206: {  	v6 =	vld [tilespmem:s0+$0x20]  }
0x207: {  	v4 =	vld [tilespmem:s0+$0x30];
	[tilespmem:s0+$0xFFFFFFC0] =	vst v8;
	v8 =	vmul.f32 $3.200000000e+01, v7  }
0x208: {  	s1 =	simm.s32 $0x0;
	s25 =	sadd.s32 $0x400, s0;
	v9 =	vmul.f32 $3.200000000e+01, v9;
	v7 =	vld [tilespmem:s0+$0xFFFFFFF0]  }
.LBB2_27:
0x209: {  	v10 =	vld [tilespmem:s25+$0xFFFFFFC0];
	[tilespmem:s0+$0xFFFFFFD0] =	vst v8;
	v5 =	vmul.f32 $3.200000000e+01, v5  }
0x20a: {  	s1 =	sadd.s32 $0x8, s1;
	v8 =	vld [tilespmem:s25+$0xFFFFFFD0];
	[tilespmem:s0+$0xFFFFFFE0] =	vst v9;
	v3 =	vmul.f32 $3.200000000e+01, v3  }
0x20b: {  	p0 =	slt.u32 s1, $0x38;
	v9 =	vld [tilespmem:s25+$0xFFFFFFE0];
	[tilespmem:s0+$0x0] =	vst v5;
	v6 =	vmul.f32 $3.200000000e+01, v6  }
.Ltmp12:
0x20c: {  	v5 =	vld [tilespmem:s25+$0x0];
	[tilespmem:s0+$0x10] =	vst v3;
	v4 =	vmul.f32 $3.200000000e+01, v4;
	(pc) =	sbr.rel @p0 .LBB2_27-.Ltmp12, $4  }
0x20d: {  	v3 =	vld [tilespmem:s25+$0x10];
	v7 =	vmul.f32 $3.200000000e+01, v7;
	[tilespmem:s0+$0x20] =	vst v6  }
0x20e: {  	v10 =	vmul.f32 $3.200000000e+01, v10;
	v6 =	vld [tilespmem:s25+$0x20];
	[tilespmem:s0+$0x30] =	vst v4  }
0x20f: {  	v8 =	vmul.f32 $3.200000000e+01, v8;
	v4 =	vld [tilespmem:s25+$0x30];
	[tilespmem:s0+$0xFFFFFFF0] =	vst v7;
	s0 =	smov.u32 s25  }
0x210: {  	s25 =	sadd.s32 $0x400, s25;
	[tilespmem:s0+$0xFFFFFFC0] =	vst v10;
	v9 =	vmul.f32 $3.200000000e+01, v9;
	v7 =	vld [tilespmem:s0+$0xFFFFFFF0]  }
0x211: {  	[tilespmem:s0+$0xFFFFFFD0] =	vst v8;
	v5 =	vmul.f32 $3.200000000e+01, v5;
	s31 =	sadd.s32 $0x1, s31  }
0x212: {  	[tilespmem:s0+$0xFFFFFFE0] =	vst v9;
	v3 =	vmul.f32 $3.200000000e+01, v3;
	p0 =	sne.s32 s31, $0x10  }
.Ltmp13:
0x213: {  	[tilespmem:s0+$0x0] =	vst v5;
	v62 =	vmul.f32 $3.200000000e+01, v6;
	(pc) =	sbr.rel @p0 .LBB2_26-.Ltmp13, $4  }
0x214: {  	[tilespmem:s0+$0x10] =	vst v3;
	v3 =	vmul.f32 $3.200000000e+01, v4  }
0x215: {  	v63 =	vmul.f32 $3.200000000e+01, v7;
	[tilespmem:s0+$0x20] =	vst v62  }
0x216: {  	[tilespmem:s0+$0x30] =	vst v3  }
0x217: {  	s30 =	sadd.s32 $0x400, s30;
	s28 =	sadd.s32 $0x1, s28;
	[tilespmem:s0+$0xFFFFFFF0] =	vst v63  }
0x218: {  	s28 =	simm.s32 $0x0;
	s0 =	rddreg [dreg:$0xb]  }
0x219: {  	[hbm4b:s0+s28] =	stream.linear.scatter [tilespmem:s29], [sflag:$0x7], $0x4000, $0x38;
	[tilespmem:$0x18100] =	vst v63  }
0x21a: {  	_ =	swait.ge [sflag:s12], $0x4000  }
0x21b: {  	[sflag:s12] =	ssyncset.done $0x0  }
0x21c: {  	[sflag:s12] =	ssyncadd.s32 $0xFFFFC000  }
0x21d: {  	v3 =	vld [tilespmem:$0xC0];
	_ =	sdelay $0x4  }
0x21e: {  	v4 =	vshll.u32 v3, $0x3  }
0x21f: {  	v3 =	vand.u32 $0x7, v3;
	v4 =	vand.u32 $0xFFFFFFC0, v4  }
0x220: {  	v3 =	vor.u32 v3, v4  }
0x221: {  	v4 =	vperm.xlane v3, v0;
	_ =	sdelay $0x1  }
0x222: {  	v4 =	vadd.s32 v1, v4;
	_ =	sdelay $0x4  }
0x223: {  	[tilespmem:s29], [sflag:$0x1] =	stream.indirect_vreg.gather [hbm4b:s2+s28], $0x80, v4, vm0, $0xb8;
	[tilespmem:$0x18100] =	vst v63  }
0x224: {  	s25 =	simm.s32 $0x900;
	v3 =	vperm.xlane v3, v2  }
0x225: {  	[tilespmem:s25], [sflag:$0x1] =	stream.indirect_vreg.gather [hbm4b:s5+s28], $0x80, v4, vm0, $0xb8;
	[tilespmem:$0x18100] =	vst v63  }
0x226: {  	s1 =	simm.s32 $0x1100;
	v3 =	vadd.s32 v1, v3  }
0x227: {  	[tilespmem:s1], [sflag:$0x1] =	stream.indirect_vreg.gather [hbm4b:s6+s28], $0x80, v4, vm0, $0xb8;
	[tilespmem:$0x18100] =	vst v63  }
0x228: {  	s25 =	simm.s32 $0x1900  }
0x229: {  	[tilespmem:s25], [sflag:$0x1] =	stream.indirect_vreg.gather [hbm4b:s8+s28], $0x80, v4, vm0, $0xb8;
	[tilespmem:$0x18100] =	vst v63  }
0x22a: {  	s1 =	simm.s32 $0x2100  }
0x22b: {  	[tilespmem:s1], [sflag:$0x1] =	stream.indirect_vreg.gather [hbm4b:s2+s28], $0x80, v3, vm0, $0xb8;
	[tilespmem:$0x18100] =	vst v63  }
0x22c: {  	s25 =	simm.s32 $0x2900  }
0x22d: {  	[tilespmem:s25], [sflag:$0x1] =	stream.indirect_vreg.gather [hbm4b:s5+s28], $0x80, v3, vm0, $0xb8;
	[tilespmem:$0x18100] =	vst v63  }
0x22e: {  	s1 =	simm.s32 $0x3100  }
0x22f: {  	[tilespmem:s1], [sflag:$0x1] =	stream.indirect_vreg.gather [hbm4b:s6+s28], $0x80, v3, vm0, $0xb8;
	[tilespmem:$0x18100] =	vst v63  }
0x230: {  	s25 =	simm.s32 $0x3900  }
0x231: {  	[tilespmem:s25], [sflag:$0x1] =	stream.indirect_vreg.gather [hbm4b:s8+s28], $0x80, v3, vm0, $0xb8;
	[tilespmem:$0x18100] =	vst v63  }
0x232: {  	_ =	swait.ge [sflag:s13], $0x4000  }
0x233: {  	[sflag:s13] =	ssyncset.done $0x0  }
0x234: {  	s30 =	simm.s32 $0x0;
	s31 =	simm.s32 $0x0;
	[sflag:s13] =	ssyncadd.s32 $0xFFFFC000  }
.LBB2_30:
0x235: {  	s0 =	sshll.u32 s30, $0x2;
	s1 =	sand.u32 $0x7, s28  }
0x236: {  	s0 =	sand.u32 $0xFFFF8000, s0;
	s1 =	sshll.u32 s1, $0x9  }
0x237: {  	s0 =	sor.u32 s1, s0  }
0x238: {  	s0 =	sshrl.u32 s0, $0x2  }
0x239: {  	s0 =	sadd.s32 $0x4140, s0  }
0x23a: {  	v4 =	vld [tilespmem:s0+$0xFFFFFFC0];
	_ =	sdelay $0x1  }
0x23b: {  	v7 =	vld [tilespmem:s0+$0xFFFFFFD0]  }
0x23c: {  	v9 =	vld [tilespmem:s0+$0xFFFFFFE0]  }
0x23d: {  	v5 =	vld [tilespmem:s0+$0x0]  }
0x23e: {  	v3 =	vld [tilespmem:s0+$0x10];
	v8 =	vmul.f32 $3.200000000e+01, v4  }
0x23f: {  	v6 =	vld [tilespmem:s0+$0x20]  }
0x240: {  	v4 =	vld [tilespmem:s0+$0x30];
	[tilespmem:s0+$0xFFFFFFC0] =	vst v8;
	v8 =	vmul.f32 $3.200000000e+01, v7  }
0x241: {  	s1 =	simm.s32 $0x0;
	s25 =	sadd.s32 $0x400, s0;
	v9 =	vmul.f32 $3.200000000e+01, v9;
	v7 =	vld [tilespmem:s0+$0xFFFFFFF0]  }
.LBB2_31:
0x242: {  	v10 =	vld [tilespmem:s25+$0xFFFFFFC0];
	[tilespmem:s0+$0xFFFFFFD0] =	vst v8;
	v5 =	vmul.f32 $3.200000000e+01, v5  }
0x243: {  	s1 =	sadd.s32 $0x8, s1;
	v8 =	vld [tilespmem:s25+$0xFFFFFFD0];
	[tilespmem:s0+$0xFFFFFFE0] =	vst v9;
	v3 =	vmul.f32 $3.200000000e+01, v3  }
0x244: {  	p0 =	slt.u32 s1, $0x38;
	v9 =	vld [tilespmem:s25+$0xFFFFFFE0];
	[tilespmem:s0+$0x0] =	vst v5;
	v6 =	vmul.f32 $3.200000000e+01, v6  }
.Ltmp14:
0x245: {  	v5 =	vld [tilespmem:s25+$0x0];
	[tilespmem:s0+$0x10] =	vst v3;
	v4 =	vmul.f32 $3.200000000e+01, v4;
	(pc) =	sbr.rel @p0 .LBB2_31-.Ltmp14, $4  }
0x246: {  	v3 =	vld [tilespmem:s25+$0x10];
	v7 =	vmul.f32 $3.200000000e+01, v7;
	[tilespmem:s0+$0x20] =	vst v6  }
0x247: {  	v10 =	vmul.f32 $3.200000000e+01, v10;
	v6 =	vld [tilespmem:s25+$0x20];
	[tilespmem:s0+$0x30] =	vst v4  }
0x248: {  	v8 =	vmul.f32 $3.200000000e+01, v8;
	v4 =	vld [tilespmem:s25+$0x30];
	[tilespmem:s0+$0xFFFFFFF0] =	vst v7;
	s0 =	smov.u32 s25  }
0x249: {  	s25 =	sadd.s32 $0x400, s25;
	[tilespmem:s0+$0xFFFFFFC0] =	vst v10;
	v9 =	vmul.f32 $3.200000000e+01, v9;
	v7 =	vld [tilespmem:s0+$0xFFFFFFF0]  }
0x24a: {  	[tilespmem:s0+$0xFFFFFFD0] =	vst v8;
	v5 =	vmul.f32 $3.200000000e+01, v5;
	s31 =	sadd.s32 $0x1, s31  }
0x24b: {  	[tilespmem:s0+$0xFFFFFFE0] =	vst v9;
	v3 =	vmul.f32 $3.200000000e+01, v3;
	p0 =	sne.s32 s31, $0x10  }
.Ltmp15:
0x24c: {  	[tilespmem:s0+$0x0] =	vst v5;
	v62 =	vmul.f32 $3.200000000e+01, v6;
	(pc) =	sbr.rel @p0 .LBB2_30-.Ltmp15, $4  }
0x24d: {  	[tilespmem:s0+$0x10] =	vst v3;
	v3 =	vmul.f32 $3.200000000e+01, v4  }
0x24e: {  	v63 =	vmul.f32 $3.200000000e+01, v7;
	[tilespmem:s0+$0x20] =	vst v62  }
0x24f: {  	[tilespmem:s0+$0x30] =	vst v3  }
0x250: {  	s30 =	sadd.s32 $0x400, s30;
	s28 =	sadd.s32 $0x1, s28;
	[tilespmem:s0+$0xFFFFFFF0] =	vst v63  }
0x251: {  	s28 =	simm.s32 $0x0;
	s0 =	rddreg [dreg:$0xc]  }
0x252: {  	[hbm4b:s0+s28] =	stream.linear.scatter [tilespmem:s9], [sflag:$0x8], $0x4000, $0x38;
	[tilespmem:$0x18100] =	vst v63  }
0x253: {  	_ =	swait.ge [sflag:s14], $0x4000  }
0x254: {  	[sflag:s14] =	ssyncset.done $0x0  }
0x255: {  	[sflag:s14] =	ssyncadd.s32 $0xFFFFC000  }
0x256: {  	v3 =	vld [tilespmem:$0xD0];
	_ =	sdelay $0x4  }
0x257: {  	v4 =	vshll.u32 v3, $0x3  }
0x258: {  	v3 =	vand.u32 $0x7, v3;
	v4 =	vand.u32 $0xFFFFFFC0, v4  }
0x259: {  	v3 =	vor.u32 v3, v4  }
0x25a: {  	v4 =	vperm.xlane v3, v0;
	_ =	sdelay $0x1  }
0x25b: {  	v4 =	vadd.s32 v1, v4;
	_ =	sdelay $0x4  }
0x25c: {  	[tilespmem:s9], [sflag:$0x2] =	stream.indirect_vreg.gather [hbm4b:s2+s28], $0x80, v4, vm0, $0xb8;
	[tilespmem:$0x18100] =	vst v63  }
0x25d: {  	s25 =	simm.s32 $0x4900;
	v3 =	vperm.xlane v3, v2  }
0x25e: {  	[tilespmem:s25], [sflag:$0x2] =	stream.indirect_vreg.gather [hbm4b:s5+s28], $0x80, v4, vm0, $0xb8;
	[tilespmem:$0x18100] =	vst v63  }
0x25f: {  	s1 =	simm.s32 $0x5100;
	v3 =	vadd.s32 v1, v3  }
0x260: {  	[tilespmem:s1], [sflag:$0x2] =	stream.indirect_vreg.gather [hbm4b:s6+s28], $0x80, v4, vm0, $0xb8;
	[tilespmem:$0x18100] =	vst v63  }
0x261: {  	s25 =	simm.s32 $0x5900  }
0x262: {  	[tilespmem:s25], [sflag:$0x2] =	stream.indirect_vreg.gather [hbm4b:s8+s28], $0x80, v4, vm0, $0xb8;
	[tilespmem:$0x18100] =	vst v63  }
0x263: {  	s1 =	simm.s32 $0x6100  }
0x264: {  	[tilespmem:s1], [sflag:$0x2] =	stream.indirect_vreg.gather [hbm4b:s2+s28], $0x80, v3, vm0, $0xb8;
	[tilespmem:$0x18100] =	vst v63  }
0x265: {  	s25 =	simm.s32 $0x6900  }
0x266: {  	[tilespmem:s25], [sflag:$0x2] =	stream.indirect_vreg.gather [hbm4b:s5+s28], $0x80, v3, vm0, $0xb8;
	[tilespmem:$0x18100] =	vst v63  }
0x267: {  	s1 =	simm.s32 $0x7100  }
0x268: {  	[tilespmem:s1], [sflag:$0x2] =	stream.indirect_vreg.gather [hbm4b:s6+s28], $0x80, v3, vm0, $0xb8;
	[tilespmem:$0x18100] =	vst v63  }
0x269: {  	s25 =	simm.s32 $0x7900  }
0x26a: {  	[tilespmem:s25], [sflag:$0x2] =	stream.indirect_vreg.gather [hbm4b:s8+s28], $0x80, v3, vm0, $0xb8;
	[tilespmem:$0x18100] =	vst v63  }
0x26b: {  	_ =	swait.ge [sflag:s15], $0x4000  }
0x26c: {  	[sflag:s15] =	ssyncset.done $0x0  }
0x26d: {  	s30 =	simm.s32 $0x0;
	s31 =	simm.s32 $0x0;
	[sflag:s15] =	ssyncadd.s32 $0xFFFFC000  }
.LBB2_34:
0x26e: {  	s0 =	sshll.u32 s30, $0x2;
	s1 =	sand.u32 $0x7, s28  }
0x26f: {  	s0 =	sand.u32 $0xFFFF8000, s0;
	s1 =	sshll.u32 s1, $0x9  }
0x270: {  	s0 =	sor.u32 s1, s0  }
0x271: {  	s0 =	sshrl.u32 s0, $0x2  }
0x272: {  	s0 =	sadd.s32 $0x8140, s0  }
0x273: {  	v4 =	vld [tilespmem:s0+$0xFFFFFFC0];
	_ =	sdelay $0x1  }
0x274: {  	v7 =	vld [tilespmem:s0+$0xFFFFFFD0]  }
0x275: {  	v9 =	vld [tilespmem:s0+$0xFFFFFFE0]  }
0x276: {  	v5 =	vld [tilespmem:s0+$0x0]  }
0x277: {  	v3 =	vld [tilespmem:s0+$0x10];
	v8 =	vmul.f32 $3.200000000e+01, v4  }
0x278: {  	v6 =	vld [tilespmem:s0+$0x20]  }
0x279: {  	v4 =	vld [tilespmem:s0+$0x30];
	[tilespmem:s0+$0xFFFFFFC0] =	vst v8;
	v8 =	vmul.f32 $3.200000000e+01, v7  }
0x27a: {  	s1 =	simm.s32 $0x0;
	s25 =	sadd.s32 $0x400, s0;
	v9 =	vmul.f32 $3.200000000e+01, v9;
	v7 =	vld [tilespmem:s0+$0xFFFFFFF0]  }
.LBB2_35:
0x27b: {  	v10 =	vld [tilespmem:s25+$0xFFFFFFC0];
	[tilespmem:s0+$0xFFFFFFD0] =	vst v8;
	v5 =	vmul.f32 $3.200000000e+01, v5  }
0x27c: {  	s1 =	sadd.s32 $0x8, s1;
	v8 =	vld [tilespmem:s25+$0xFFFFFFD0];
	[tilespmem:s0+$0xFFFFFFE0] =	vst v9;
	v3 =	vmul.f32 $3.200000000e+01, v3  }
0x27d: {  	p0 =	slt.u32 s1, $0x38;
	v9 =	vld [tilespmem:s25+$0xFFFFFFE0];
	[tilespmem:s0+$0x0] =	vst v5;
	v6 =	vmul.f32 $3.200000000e+01, v6  }
.Ltmp16:
0x27e: {  	v5 =	vld [tilespmem:s25+$0x0];
	[tilespmem:s0+$0x10] =	vst v3;
	v4 =	vmul.f32 $3.200000000e+01, v4;
	(pc) =	sbr.rel @p0 .LBB2_35-.Ltmp16, $4  }
0x27f: {  	v3 =	vld [tilespmem:s25+$0x10];
	v7 =	vmul.f32 $3.200000000e+01, v7;
	[tilespmem:s0+$0x20] =	vst v6  }
0x280: {  	v10 =	vmul.f32 $3.200000000e+01, v10;
	v6 =	vld [tilespmem:s25+$0x20];
	[tilespmem:s0+$0x30] =	vst v4  }
0x281: {  	v8 =	vmul.f32 $3.200000000e+01, v8;
	v4 =	vld [tilespmem:s25+$0x30];
	[tilespmem:s0+$0xFFFFFFF0] =	vst v7;
	s0 =	smov.u32 s25  }
0x282: {  	s25 =	sadd.s32 $0x400, s25;
	[tilespmem:s0+$0xFFFFFFC0] =	vst v10;
	v9 =	vmul.f32 $3.200000000e+01, v9;
	v7 =	vld [tilespmem:s0+$0xFFFFFFF0]  }
0x283: {  	[tilespmem:s0+$0xFFFFFFD0] =	vst v8;
	v5 =	vmul.f32 $3.200000000e+01, v5;
	s31 =	sadd.s32 $0x1, s31  }
0x284: {  	[tilespmem:s0+$0xFFFFFFE0] =	vst v9;
	v3 =	vmul.f32 $3.200000000e+01, v3;
	p0 =	sne.s32 s31, $0x10  }
.Ltmp17:
0x285: {  	[tilespmem:s0+$0x0] =	vst v5;
	v62 =	vmul.f32 $3.200000000e+01, v6;
	(pc) =	sbr.rel @p0 .LBB2_34-.Ltmp17, $4  }
0x286: {  	[tilespmem:s0+$0x10] =	vst v3;
	v3 =	vmul.f32 $3.200000000e+01, v4  }
0x287: {  	v63 =	vmul.f32 $3.200000000e+01, v7;
	[tilespmem:s0+$0x20] =	vst v62  }
0x288: {  	[tilespmem:s0+$0x30] =	vst v3  }
0x289: {  	s30 =	sadd.s32 $0x400, s30;
	s28 =	sadd.s32 $0x1, s28;
	[tilespmem:s0+$0xFFFFFFF0] =	vst v63  }
0x28a: {  	s28 =	simm.s32 $0x0;
	s0 =	rddreg [dreg:$0xd]  }
0x28b: {  	[hbm4b:s0+s28] =	stream.linear.scatter [tilespmem:s17], [sflag:$0x9], $0x4000, $0x38;
	[tilespmem:$0x18100] =	vst v63  }
0x28c: {  	_ =	swait.ge [sflag:s16], $0x4000  }
0x28d: {  	[sflag:s16] =	ssyncset.done $0x0  }
0x28e: {  	[sflag:s16] =	ssyncadd.s32 $0xFFFFC000  }
0x28f: {  	v3 =	vld [tilespmem:$0xE0];
	_ =	sdelay $0x4  }
0x290: {  	v4 =	vshll.u32 v3, $0x3  }
0x291: {  	v3 =	vand.u32 $0x7, v3;
	v4 =	vand.u32 $0xFFFFFFC0, v4  }
0x292: {  	v3 =	vor.u32 v3, v4  }
0x293: {  	v4 =	vperm.xlane v3, v0;
	_ =	sdelay $0x1  }
0x294: {  	v4 =	vadd.s32 v1, v4;
	_ =	sdelay $0x4  }
0x295: {  	[tilespmem:s17], [sflag:$0x3] =	stream.indirect_vreg.gather [hbm4b:s2+s28], $0x80, v4, vm0, $0xb8;
	[tilespmem:$0x18100] =	vst v63  }
0x296: {  	s25 =	simm.s32 $0x8900;
	v3 =	vperm.xlane v3, v2  }
0x297: {  	[tilespmem:s25], [sflag:$0x3] =	stream.indirect_vreg.gather [hbm4b:s5+s28], $0x80, v4, vm0, $0xb8;
	[tilespmem:$0x18100] =	vst v63  }
0x298: {  	s1 =	simm.s32 $0x9100;
	v3 =	vadd.s32 v1, v3  }
0x299: {  	[tilespmem:s1], [sflag:$0x3] =	stream.indirect_vreg.gather [hbm4b:s6+s28], $0x80, v4, vm0, $0xb8;
	[tilespmem:$0x18100] =	vst v63  }
0x29a: {  	s25 =	simm.s32 $0x9900  }
0x29b: {  	[tilespmem:s25], [sflag:$0x3] =	stream.indirect_vreg.gather [hbm4b:s8+s28], $0x80, v4, vm0, $0xb8;
	[tilespmem:$0x18100] =	vst v63  }
0x29c: {  	s1 =	simm.s32 $0xA100  }
0x29d: {  	[tilespmem:s1], [sflag:$0x3] =	stream.indirect_vreg.gather [hbm4b:s2+s28], $0x80, v3, vm0, $0xb8;
	[tilespmem:$0x18100] =	vst v63  }
0x29e: {  	s25 =	simm.s32 $0xA900  }
0x29f: {  	[tilespmem:s25], [sflag:$0x3] =	stream.indirect_vreg.gather [hbm4b:s5+s28], $0x80, v3, vm0, $0xb8;
	[tilespmem:$0x18100] =	vst v63  }
0x2a0: {  	s1 =	simm.s32 $0xB100  }
0x2a1: {  	[tilespmem:s1], [sflag:$0x3] =	stream.indirect_vreg.gather [hbm4b:s6+s28], $0x80, v3, vm0, $0xb8;
	[tilespmem:$0x18100] =	vst v63  }
0x2a2: {  	s25 =	simm.s32 $0xB900  }
0x2a3: {  	[tilespmem:s25], [sflag:$0x3] =	stream.indirect_vreg.gather [hbm4b:s8+s28], $0x80, v3, vm0, $0xb8;
	[tilespmem:$0x18100] =	vst v63  }
0x2a4: {  	_ =	swait.ge [sflag:s18], $0x4000  }
0x2a5: {  	[sflag:s18] =	ssyncset.done $0x0  }
0x2a6: {  	s30 =	simm.s32 $0x0;
	s31 =	simm.s32 $0x0;
	[sflag:s18] =	ssyncadd.s32 $0xFFFFC000  }
.LBB2_38:
0x2a7: {  	s0 =	sshll.u32 s30, $0x2;
	s1 =	sand.u32 $0x7, s28  }
0x2a8: {  	s0 =	sand.u32 $0xFFFF8000, s0;
	s1 =	sshll.u32 s1, $0x9  }
0x2a9: {  	s0 =	sor.u32 s1, s0  }
0x2aa: {  	s0 =	sshrl.u32 s0, $0x2  }
0x2ab: {  	s0 =	sadd.s32 $0xC140, s0  }
0x2ac: {  	v4 =	vld [tilespmem:s0+$0xFFFFFFC0];
	_ =	sdelay $0x1  }
0x2ad: {  	v7 =	vld [tilespmem:s0+$0xFFFFFFD0]  }
0x2ae: {  	v9 =	vld [tilespmem:s0+$0xFFFFFFE0]  }
0x2af: {  	v5 =	vld [tilespmem:s0+$0x0]  }
0x2b0: {  	v3 =	vld [tilespmem:s0+$0x10];
	v8 =	vmul.f32 $3.200000000e+01, v4  }
0x2b1: {  	v6 =	vld [tilespmem:s0+$0x20]  }
0x2b2: {  	v4 =	vld [tilespmem:s0+$0x30];
	[tilespmem:s0+$0xFFFFFFC0] =	vst v8;
	v8 =	vmul.f32 $3.200000000e+01, v7  }
0x2b3: {  	s1 =	simm.s32 $0x0;
	s25 =	sadd.s32 $0x400, s0;
	v9 =	vmul.f32 $3.200000000e+01, v9;
	v7 =	vld [tilespmem:s0+$0xFFFFFFF0]  }
.LBB2_39:
0x2b4: {  	v10 =	vld [tilespmem:s25+$0xFFFFFFC0];
	[tilespmem:s0+$0xFFFFFFD0] =	vst v8;
	v5 =	vmul.f32 $3.200000000e+01, v5  }
0x2b5: {  	s1 =	sadd.s32 $0x8, s1;
	v8 =	vld [tilespmem:s25+$0xFFFFFFD0];
	[tilespmem:s0+$0xFFFFFFE0] =	vst v9;
	v3 =	vmul.f32 $3.200000000e+01, v3  }
0x2b6: {  	p0 =	slt.u32 s1, $0x38;
	v9 =	vld [tilespmem:s25+$0xFFFFFFE0];
	[tilespmem:s0+$0x0] =	vst v5;
	v6 =	vmul.f32 $3.200000000e+01, v6  }
.Ltmp18:
0x2b7: {  	v5 =	vld [tilespmem:s25+$0x0];
	[tilespmem:s0+$0x10] =	vst v3;
	v4 =	vmul.f32 $3.200000000e+01, v4;
	(pc) =	sbr.rel @p0 .LBB2_39-.Ltmp18, $4  }
0x2b8: {  	v3 =	vld [tilespmem:s25+$0x10];
	v7 =	vmul.f32 $3.200000000e+01, v7;
	[tilespmem:s0+$0x20] =	vst v6  }
0x2b9: {  	v10 =	vmul.f32 $3.200000000e+01, v10;
	v6 =	vld [tilespmem:s25+$0x20];
	[tilespmem:s0+$0x30] =	vst v4  }
0x2ba: {  	v8 =	vmul.f32 $3.200000000e+01, v8;
	v4 =	vld [tilespmem:s25+$0x30];
	[tilespmem:s0+$0xFFFFFFF0] =	vst v7;
	s0 =	smov.u32 s25  }
0x2bb: {  	s25 =	sadd.s32 $0x400, s25;
	[tilespmem:s0+$0xFFFFFFC0] =	vst v10;
	v9 =	vmul.f32 $3.200000000e+01, v9;
	v7 =	vld [tilespmem:s0+$0xFFFFFFF0]  }
0x2bc: {  	[tilespmem:s0+$0xFFFFFFD0] =	vst v8;
	v5 =	vmul.f32 $3.200000000e+01, v5;
	s31 =	sadd.s32 $0x1, s31  }
0x2bd: {  	[tilespmem:s0+$0xFFFFFFE0] =	vst v9;
	v3 =	vmul.f32 $3.200000000e+01, v3;
	p0 =	sne.s32 s31, $0x10  }
.Ltmp19:
0x2be: {  	[tilespmem:s0+$0x0] =	vst v5;
	v62 =	vmul.f32 $3.200000000e+01, v6;
	(pc) =	sbr.rel @p0 .LBB2_38-.Ltmp19, $4  }
0x2bf: {  	[tilespmem:s0+$0x10] =	vst v3;
	v3 =	vmul.f32 $3.200000000e+01, v4  }
0x2c0: {  	v63 =	vmul.f32 $3.200000000e+01, v7;
	[tilespmem:s0+$0x20] =	vst v62  }
0x2c1: {  	[tilespmem:s0+$0x30] =	vst v3  }
0x2c2: {  	s30 =	sadd.s32 $0x400, s30;
	s28 =	sadd.s32 $0x1, s28;
	[tilespmem:s0+$0xFFFFFFF0] =	vst v63  }
0x2c3: {  	s28 =	simm.s32 $0x0;
	s0 =	rddreg [dreg:$0xe]  }
0x2c4: {  	[hbm4b:s0+s28] =	stream.linear.scatter [tilespmem:s7], [sflag:$0xA], $0x4000, $0x38;
	[tilespmem:$0x18100] =	vst v63  }
0x2c5: {  	_ =	swait.ge [sflag:s19], $0x4000  }
0x2c6: {  	[sflag:s19] =	ssyncset.done $0x0  }
0x2c7: {  	[sflag:s19] =	ssyncadd.s32 $0xFFFFC000  }
0x2c8: {  	v3 =	vld [tilespmem:$0xF0];
	_ =	sdelay $0x4  }
0x2c9: {  	v4 =	vshll.u32 v3, $0x3  }
0x2ca: {  	v3 =	vand.u32 $0x7, v3;
	v4 =	vand.u32 $0xFFFFFFC0, v4  }
0x2cb: {  	v3 =	vor.u32 v3, v4  }
0x2cc: {  	v4 =	vperm.xlane v3, v0;
	_ =	sdelay $0x1  }
0x2cd: {  	v4 =	vadd.s32 v1, v4;
	_ =	sdelay $0x4  }
0x2ce: {  	[tilespmem:s7], [sflag:$0x4] =	stream.indirect_vreg.gather [hbm4b:s2+s28], $0x80, v4, vm0, $0xb8;
	[tilespmem:$0x18100] =	vst v63  }
0x2cf: {  	s1 =	simm.s32 $0xC900;
	v3 =	vperm.xlane v3, v2  }
0x2d0: {  	[tilespmem:s1], [sflag:$0x4] =	stream.indirect_vreg.gather [hbm4b:s5+s28], $0x80, v4, vm0, $0xb8;
	[tilespmem:$0x18100] =	vst v63  }
0x2d1: {  	s25 =	simm.s32 $0xD100;
	v3 =	vadd.s32 v1, v3  }
0x2d2: {  	[tilespmem:s25], [sflag:$0x4] =	stream.indirect_vreg.gather [hbm4b:s6+s28], $0x80, v4, vm0, $0xb8;
	[tilespmem:$0x18100] =	vst v63  }
0x2d3: {  	s1 =	simm.s32 $0xD900  }
0x2d4: {  	[tilespmem:s1], [sflag:$0x4] =	stream.indirect_vreg.gather [hbm4b:s8+s28], $0x80, v4, vm0, $0xb8;
	[tilespmem:$0x18100] =	vst v63  }
0x2d5: {  	s25 =	simm.s32 $0xE100  }
0x2d6: {  	[tilespmem:s25], [sflag:$0x4] =	stream.indirect_vreg.gather [hbm4b:s2+s28], $0x80, v3, vm0, $0xb8;
	[tilespmem:$0x18100] =	vst v63  }
0x2d7: {  	s1 =	simm.s32 $0xE900  }
0x2d8: {  	[tilespmem:s1], [sflag:$0x4] =	stream.indirect_vreg.gather [hbm4b:s5+s28], $0x80, v3, vm0, $0xb8;
	[tilespmem:$0x18100] =	vst v63  }
0x2d9: {  	s25 =	simm.s32 $0xF100  }
0x2da: {  	[tilespmem:s25], [sflag:$0x4] =	stream.indirect_vreg.gather [hbm4b:s6+s28], $0x80, v3, vm0, $0xb8;
	[tilespmem:$0x18100] =	vst v63  }
0x2db: {  	_ = 	snop  }
0x2dc: {  	[tilespmem:s26], [sflag:$0x4] =	stream.indirect_vreg.gather [hbm4b:s8+s28], $0x80, v3, vm0, $0xb8;
	[tilespmem:$0x18100] =	vst v63  }
0x2dd: {  	_ =	swait.ge [sflag:s20], $0x4000  }
0x2de: {  	[sflag:s20] =	ssyncset.done $0x0  }
0x2df: {  	s30 =	simm.s32 $0x0;
	s31 =	simm.s32 $0x0;
	[sflag:s20] =	ssyncadd.s32 $0xFFFFC000  }
.LBB2_42:
0x2e0: {  	s0 =	sshll.u32 s30, $0x2;
	s1 =	sand.u32 $0x7, s28  }
0x2e1: {  	s0 =	sand.u32 $0xFFFF8000, s0;
	s1 =	sshll.u32 s1, $0x9  }
0x2e2: {  	s0 =	sor.u32 s1, s0  }
0x2e3: {  	s0 =	sshrl.u32 s0, $0x2  }
0x2e4: {  	s0 =	sadd.s32 $0x10140, s0  }
0x2e5: {  	v4 =	vld [tilespmem:s0+$0xFFFFFFC0];
	_ =	sdelay $0x1  }
0x2e6: {  	v7 =	vld [tilespmem:s0+$0xFFFFFFD0]  }
0x2e7: {  	v9 =	vld [tilespmem:s0+$0xFFFFFFE0]  }
0x2e8: {  	v5 =	vld [tilespmem:s0+$0x0]  }
0x2e9: {  	v3 =	vld [tilespmem:s0+$0x10];
	v8 =	vmul.f32 $3.200000000e+01, v4  }
0x2ea: {  	v6 =	vld [tilespmem:s0+$0x20]  }
0x2eb: {  	v4 =	vld [tilespmem:s0+$0x30];
	[tilespmem:s0+$0xFFFFFFC0] =	vst v8;
	v8 =	vmul.f32 $3.200000000e+01, v7  }
0x2ec: {  	s1 =	simm.s32 $0x0;
	s25 =	sadd.s32 $0x400, s0;
	v9 =	vmul.f32 $3.200000000e+01, v9;
	v7 =	vld [tilespmem:s0+$0xFFFFFFF0]  }
.LBB2_43:
0x2ed: {  	v10 =	vld [tilespmem:s25+$0xFFFFFFC0];
	[tilespmem:s0+$0xFFFFFFD0] =	vst v8;
	v5 =	vmul.f32 $3.200000000e+01, v5  }
0x2ee: {  	s1 =	sadd.s32 $0x8, s1;
	v8 =	vld [tilespmem:s25+$0xFFFFFFD0];
	[tilespmem:s0+$0xFFFFFFE0] =	vst v9;
	v3 =	vmul.f32 $3.200000000e+01, v3  }
0x2ef: {  	p0 =	slt.u32 s1, $0x38;
	v9 =	vld [tilespmem:s25+$0xFFFFFFE0];
	[tilespmem:s0+$0x0] =	vst v5;
	v6 =	vmul.f32 $3.200000000e+01, v6  }
.Ltmp20:
0x2f0: {  	v5 =	vld [tilespmem:s25+$0x0];
	[tilespmem:s0+$0x10] =	vst v3;
	v4 =	vmul.f32 $3.200000000e+01, v4;
	(pc) =	sbr.rel @p0 .LBB2_43-.Ltmp20, $4  }
0x2f1: {  	v3 =	vld [tilespmem:s25+$0x10];
	v7 =	vmul.f32 $3.200000000e+01, v7;
	[tilespmem:s0+$0x20] =	vst v6  }
0x2f2: {  	v10 =	vmul.f32 $3.200000000e+01, v10;
	v6 =	vld [tilespmem:s25+$0x20];
	[tilespmem:s0+$0x30] =	vst v4  }
0x2f3: {  	v8 =	vmul.f32 $3.200000000e+01, v8;
	v4 =	vld [tilespmem:s25+$0x30];
	[tilespmem:s0+$0xFFFFFFF0] =	vst v7;
	s0 =	smov.u32 s25  }
0x2f4: {  	s25 =	sadd.s32 $0x400, s25;
	[tilespmem:s0+$0xFFFFFFC0] =	vst v10;
	v9 =	vmul.f32 $3.200000000e+01, v9;
	v7 =	vld [tilespmem:s0+$0xFFFFFFF0]  }
0x2f5: {  	[tilespmem:s0+$0xFFFFFFD0] =	vst v8;
	v5 =	vmul.f32 $3.200000000e+01, v5;
	s31 =	sadd.s32 $0x1, s31  }
0x2f6: {  	[tilespmem:s0+$0xFFFFFFE0] =	vst v9;
	v3 =	vmul.f32 $3.200000000e+01, v3;
	p0 =	sne.s32 s31, $0x10  }
.Ltmp21:
0x2f7: {  	[tilespmem:s0+$0x0] =	vst v5;
	v62 =	vmul.f32 $3.200000000e+01, v6;
	(pc) =	sbr.rel @p0 .LBB2_42-.Ltmp21, $4  }
0x2f8: {  	[tilespmem:s0+$0x10] =	vst v3;
	v3 =	vmul.f32 $3.200000000e+01, v4  }
0x2f9: {  	v63 =	vmul.f32 $3.200000000e+01, v7;
	[tilespmem:s0+$0x20] =	vst v62  }
0x2fa: {  	[tilespmem:s0+$0x30] =	vst v3  }
0x2fb: {  	s30 =	sadd.s32 $0x400, s30;
	s28 =	sadd.s32 $0x1, s28;
	[tilespmem:s0+$0xFFFFFFF0] =	vst v63  }
0x2fc: {  	s28 =	simm.s32 $0x0;
	s0 =	rddreg [dreg:$0xf]  }
0x2fd: {  	[hbm4b:s0+s28] =	stream.linear.scatter [tilespmem:s4], [sflag:$0xB], $0x4000, $0x38;
	[tilespmem:$0x18100] =	vst v63  }
0x2fe: {  	_ =	swait.ge [sflag:s22], $0x4000  }
0x2ff: {  	[sflag:s22] =	ssyncset.done $0x0  }
0x300: {  	s30 =	simm.s32 $0x0;
	s31 =	simm.s32 $0x0;
	[sflag:s22] =	ssyncadd.s32 $0xFFFFC000  }
.LBB2_46:
0x301: {  	s0 =	sshll.u32 s30, $0x2;
	s1 =	sand.u32 $0x7, s28  }
0x302: {  	s0 =	sand.u32 $0xFFFF8000, s0;
	s1 =	sshll.u32 s1, $0x9  }
0x303: {  	s0 =	sor.u32 s1, s0  }
0x304: {  	s0 =	sshrl.u32 s0, $0x2  }
0x305: {  	s0 =	sadd.s32 $0x14140, s0  }
0x306: {  	v4 =	vld [tilespmem:s0+$0xFFFFFFC0];
	_ =	sdelay $0x1  }
0x307: {  	v7 =	vld [tilespmem:s0+$0xFFFFFFD0]  }
0x308: {  	v9 =	vld [tilespmem:s0+$0xFFFFFFE0]  }
0x309: {  	v5 =	vld [tilespmem:s0+$0x0]  }
0x30a: {  	v3 =	vld [tilespmem:s0+$0x10];
	v8 =	vmul.f32 $3.200000000e+01, v4  }
0x30b: {  	v6 =	vld [tilespmem:s0+$0x20]  }
0x30c: {  	v4 =	vld [tilespmem:s0+$0x30];
	[tilespmem:s0+$0xFFFFFFC0] =	vst v8;
	v8 =	vmul.f32 $3.200000000e+01, v7  }
0x30d: {  	s1 =	simm.s32 $0x0;
	s25 =	sadd.s32 $0x400, s0;
	v9 =	vmul.f32 $3.200000000e+01, v9;
	v7 =	vld [tilespmem:s0+$0xFFFFFFF0]  }
.LBB2_47:
0x30e: {  	v10 =	vld [tilespmem:s25+$0xFFFFFFC0];
	[tilespmem:s0+$0xFFFFFFD0] =	vst v8;
	v5 =	vmul.f32 $3.200000000e+01, v5  }
0x30f: {  	s1 =	sadd.s32 $0x8, s1;
	v8 =	vld [tilespmem:s25+$0xFFFFFFD0];
	[tilespmem:s0+$0xFFFFFFE0] =	vst v9;
	v3 =	vmul.f32 $3.200000000e+01, v3  }
0x310: {  	p0 =	slt.u32 s1, $0x38;
	v9 =	vld [tilespmem:s25+$0xFFFFFFE0];
	[tilespmem:s0+$0x0] =	vst v5;
	v6 =	vmul.f32 $3.200000000e+01, v6  }
.Ltmp22:
0x311: {  	v5 =	vld [tilespmem:s25+$0x0];
	[tilespmem:s0+$0x10] =	vst v3;
	v4 =	vmul.f32 $3.200000000e+01, v4;
	(pc) =	sbr.rel @p0 .LBB2_47-.Ltmp22, $4  }
0x312: {  	v3 =	vld [tilespmem:s25+$0x10];
	v7 =	vmul.f32 $3.200000000e+01, v7;
	[tilespmem:s0+$0x20] =	vst v6  }
0x313: {  	v10 =	vmul.f32 $3.200000000e+01, v10;
	v6 =	vld [tilespmem:s25+$0x20];
	[tilespmem:s0+$0x30] =	vst v4  }
0x314: {  	v8 =	vmul.f32 $3.200000000e+01, v8;
	v4 =	vld [tilespmem:s25+$0x30];
	[tilespmem:s0+$0xFFFFFFF0] =	vst v7;
	s0 =	smov.u32 s25  }
0x315: {  	s25 =	sadd.s32 $0x400, s25;
	[tilespmem:s0+$0xFFFFFFC0] =	vst v10;
	v9 =	vmul.f32 $3.200000000e+01, v9;
	v7 =	vld [tilespmem:s0+$0xFFFFFFF0]  }
0x316: {  	[tilespmem:s0+$0xFFFFFFD0] =	vst v8;
	v5 =	vmul.f32 $3.200000000e+01, v5;
	s31 =	sadd.s32 $0x1, s31  }
0x317: {  	[tilespmem:s0+$0xFFFFFFE0] =	vst v9;
	v3 =	vmul.f32 $3.200000000e+01, v3;
	p0 =	sne.s32 s31, $0x10  }
.Ltmp23:
0x318: {  	[tilespmem:s0+$0x0] =	vst v5;
	v62 =	vmul.f32 $3.200000000e+01, v6;
	(pc) =	sbr.rel @p0 .LBB2_46-.Ltmp23, $4  }
0x319: {  	[tilespmem:s0+$0x10] =	vst v3;
	v3 =	vmul.f32 $3.200000000e+01, v4  }
0x31a: {  	v63 =	vmul.f32 $3.200000000e+01, v7;
	[tilespmem:s0+$0x20] =	vst v62  }
0x31b: {  	[tilespmem:s0+$0x30] =	vst v3  }
0x31c: {  	s30 =	sadd.s32 $0x400, s30;
	s28 =	sadd.s32 $0x1, s28;
	[tilespmem:s0+$0xFFFFFFF0] =	vst v63  }
0x31d: {  	s28 =	simm.s32 $0x0;
	s0 =	rddreg [dreg:$0x10]  }
0x31e: {  	[hbm4b:s0+s28] =	stream.linear.scatter [tilespmem:s10], [sflag:$0xC], $0x4000, $0x38;
	[tilespmem:$0x18100] =	vst v63  }
0x31f: {  	_ =	swait.ge [sflag:s11], $0x4000  }
0x320: {  	[sflag:s11] =	ssyncset.done $0x0  }
0x321: {  	s30 =	simm.s32 $0x0;
	s31 =	simm.s32 $0x0;
	[sflag:s11] =	ssyncadd.s32 $0xFFFFC000  }
.LBB2_50:
0x322: {  	s0 =	sshll.u32 s30, $0x2;
	s1 =	sand.u32 $0x7, s28  }
0x323: {  	s0 =	sand.u32 $0xFFFF8000, s0;
	s1 =	sshll.u32 s1, $0x9  }
0x324: {  	s0 =	sor.u32 s1, s0  }
0x325: {  	s0 =	sshrl.u32 s0, $0x2  }
0x326: {  	s0 =	sadd.s32 $0x140, s0  }
0x327: {  	v4 =	vld [tilespmem:s0+$0xFFFFFFC0];
	_ =	sdelay $0x1  }
0x328: {  	v7 =	vld [tilespmem:s0+$0xFFFFFFD0]  }
0x329: {  	v9 =	vld [tilespmem:s0+$0xFFFFFFE0]  }
0x32a: {  	v5 =	vld [tilespmem:s0+$0x0]  }
0x32b: {  	v3 =	vld [tilespmem:s0+$0x10];
	v8 =	vmul.f32 $3.200000000e+01, v4  }
0x32c: {  	v6 =	vld [tilespmem:s0+$0x20]  }
0x32d: {  	v4 =	vld [tilespmem:s0+$0x30];
	[tilespmem:s0+$0xFFFFFFC0] =	vst v8;
	v8 =	vmul.f32 $3.200000000e+01, v7  }
0x32e: {  	s1 =	simm.s32 $0x0;
	s25 =	sadd.s32 $0x400, s0;
	v9 =	vmul.f32 $3.200000000e+01, v9;
	v7 =	vld [tilespmem:s0+$0xFFFFFFF0]  }
.LBB2_51:
0x32f: {  	v10 =	vld [tilespmem:s25+$0xFFFFFFC0];
	[tilespmem:s0+$0xFFFFFFD0] =	vst v8;
	v5 =	vmul.f32 $3.200000000e+01, v5  }
0x330: {  	s1 =	sadd.s32 $0x8, s1;
	v8 =	vld [tilespmem:s25+$0xFFFFFFD0];
	[tilespmem:s0+$0xFFFFFFE0] =	vst v9;
	v3 =	vmul.f32 $3.200000000e+01, v3  }
0x331: {  	p0 =	slt.u32 s1, $0x38;
	v9 =	vld [tilespmem:s25+$0xFFFFFFE0];
	[tilespmem:s0+$0x0] =	vst v5;
	v6 =	vmul.f32 $3.200000000e+01, v6  }
.Ltmp24:
0x332: {  	v5 =	vld [tilespmem:s25+$0x0];
	[tilespmem:s0+$0x10] =	vst v3;
	v4 =	vmul.f32 $3.200000000e+01, v4;
	(pc) =	sbr.rel @p0 .LBB2_51-.Ltmp24, $4  }
0x333: {  	v3 =	vld [tilespmem:s25+$0x10];
	v7 =	vmul.f32 $3.200000000e+01, v7;
	[tilespmem:s0+$0x20] =	vst v6  }
0x334: {  	v10 =	vmul.f32 $3.200000000e+01, v10;
	v6 =	vld [tilespmem:s25+$0x20];
	[tilespmem:s0+$0x30] =	vst v4  }
0x335: {  	v8 =	vmul.f32 $3.200000000e+01, v8;
	v4 =	vld [tilespmem:s25+$0x30];
	[tilespmem:s0+$0xFFFFFFF0] =	vst v7;
	s0 =	smov.u32 s25  }
0x336: {  	s25 =	sadd.s32 $0x400, s25;
	[tilespmem:s0+$0xFFFFFFC0] =	vst v10;
	v9 =	vmul.f32 $3.200000000e+01, v9;
	v7 =	vld [tilespmem:s0+$0xFFFFFFF0]  }
0x337: {  	[tilespmem:s0+$0xFFFFFFD0] =	vst v8;
	v5 =	vmul.f32 $3.200000000e+01, v5;
	s31 =	sadd.s32 $0x1, s31  }
0x338: {  	[tilespmem:s0+$0xFFFFFFE0] =	vst v9;
	v3 =	vmul.f32 $3.200000000e+01, v3;
	p0 =	sne.s32 s31, $0x10  }
.Ltmp25:
0x339: {  	[tilespmem:s0+$0x0] =	vst v5;
	v62 =	vmul.f32 $3.200000000e+01, v6;
	(pc) =	sbr.rel @p0 .LBB2_50-.Ltmp25, $4  }
0x33a: {  	[tilespmem:s0+$0x10] =	vst v3;
	v3 =	vmul.f32 $3.200000000e+01, v4  }
0x33b: {  	v63 =	vmul.f32 $3.200000000e+01, v7;
	[tilespmem:s0+$0x20] =	vst v62  }
0x33c: {  	[tilespmem:s0+$0x30] =	vst v3  }
0x33d: {  	s30 =	sadd.s32 $0x400, s30;
	s28 =	sadd.s32 $0x1, s28;
	[tilespmem:s0+$0xFFFFFFF0] =	vst v63  }
0x33e: {  	s28 =	simm.s32 $0x0;
	s0 =	rddreg [dreg:$0x11]  }
0x33f: {  	[hbm4b:s0+s28] =	stream.linear.scatter [tilespmem:s29], [sflag:$0x7], $0x4000, $0x38;
	[tilespmem:$0x18100] =	vst v63  }
0x340: {  	_ =	swait.ge [sflag:s13], $0x4000  }
0x341: {  	[sflag:s13] =	ssyncset.done $0x0  }
0x342: {  	s30 =	simm.s32 $0x0;
	s31 =	simm.s32 $0x0;
	[sflag:s13] =	ssyncadd.s32 $0xFFFFC000  }
.LBB2_54:
0x343: {  	s0 =	sshll.u32 s30, $0x2;
	s1 =	sand.u32 $0x7, s28  }
0x344: {  	s0 =	sand.u32 $0xFFFF8000, s0;
	s1 =	sshll.u32 s1, $0x9  }
0x345: {  	s0 =	sor.u32 s1, s0  }
0x346: {  	s0 =	sshrl.u32 s0, $0x2  }
0x347: {  	s0 =	sadd.s32 $0x4140, s0  }
0x348: {  	v4 =	vld [tilespmem:s0+$0xFFFFFFC0];
	_ =	sdelay $0x1  }
0x349: {  	v7 =	vld [tilespmem:s0+$0xFFFFFFD0]  }
0x34a: {  	v9 =	vld [tilespmem:s0+$0xFFFFFFE0]  }
0x34b: {  	v5 =	vld [tilespmem:s0+$0x0]  }
0x34c: {  	v3 =	vld [tilespmem:s0+$0x10];
	v8 =	vmul.f32 $3.200000000e+01, v4  }
0x34d: {  	v6 =	vld [tilespmem:s0+$0x20]  }
0x34e: {  	v4 =	vld [tilespmem:s0+$0x30];
	[tilespmem:s0+$0xFFFFFFC0] =	vst v8;
	v8 =	vmul.f32 $3.200000000e+01, v7  }
0x34f: {  	s1 =	simm.s32 $0x0;
	s25 =	sadd.s32 $0x400, s0;
	v9 =	vmul.f32 $3.200000000e+01, v9;
	v7 =	vld [tilespmem:s0+$0xFFFFFFF0]  }
.LBB2_55:
0x350: {  	v10 =	vld [tilespmem:s25+$0xFFFFFFC0];
	[tilespmem:s0+$0xFFFFFFD0] =	vst v8;
	v5 =	vmul.f32 $3.200000000e+01, v5  }
0x351: {  	s1 =	sadd.s32 $0x8, s1;
	v8 =	vld [tilespmem:s25+$0xFFFFFFD0];
	[tilespmem:s0+$0xFFFFFFE0] =	vst v9;
	v3 =	vmul.f32 $3.200000000e+01, v3  }
0x352: {  	p0 =	slt.u32 s1, $0x38;
	v9 =	vld [tilespmem:s25+$0xFFFFFFE0];
	[tilespmem:s0+$0x0] =	vst v5;
	v6 =	vmul.f32 $3.200000000e+01, v6  }
.Ltmp26:
0x353: {  	v5 =	vld [tilespmem:s25+$0x0];
	[tilespmem:s0+$0x10] =	vst v3;
	v4 =	vmul.f32 $3.200000000e+01, v4;
	(pc) =	sbr.rel @p0 .LBB2_55-.Ltmp26, $4  }
0x354: {  	v3 =	vld [tilespmem:s25+$0x10];
	v7 =	vmul.f32 $3.200000000e+01, v7;
	[tilespmem:s0+$0x20] =	vst v6  }
0x355: {  	v10 =	vmul.f32 $3.200000000e+01, v10;
	v6 =	vld [tilespmem:s25+$0x20];
	[tilespmem:s0+$0x30] =	vst v4  }
0x356: {  	v8 =	vmul.f32 $3.200000000e+01, v8;
	v4 =	vld [tilespmem:s25+$0x30];
	[tilespmem:s0+$0xFFFFFFF0] =	vst v7;
	s0 =	smov.u32 s25  }
0x357: {  	s25 =	sadd.s32 $0x400, s25;
	[tilespmem:s0+$0xFFFFFFC0] =	vst v10;
	v9 =	vmul.f32 $3.200000000e+01, v9;
	v7 =	vld [tilespmem:s0+$0xFFFFFFF0]  }
0x358: {  	[tilespmem:s0+$0xFFFFFFD0] =	vst v8;
	v5 =	vmul.f32 $3.200000000e+01, v5;
	s31 =	sadd.s32 $0x1, s31  }
0x359: {  	[tilespmem:s0+$0xFFFFFFE0] =	vst v9;
	v3 =	vmul.f32 $3.200000000e+01, v3;
	p0 =	sne.s32 s31, $0x10  }
.Ltmp27:
0x35a: {  	[tilespmem:s0+$0x0] =	vst v5;
	v62 =	vmul.f32 $3.200000000e+01, v6;
	(pc) =	sbr.rel @p0 .LBB2_54-.Ltmp27, $4  }
0x35b: {  	[tilespmem:s0+$0x10] =	vst v3;
	v3 =	vmul.f32 $3.200000000e+01, v4  }
0x35c: {  	v63 =	vmul.f32 $3.200000000e+01, v7;
	[tilespmem:s0+$0x20] =	vst v62  }
0x35d: {  	[tilespmem:s0+$0x30] =	vst v3  }
0x35e: {  	s30 =	sadd.s32 $0x400, s30;
	s28 =	sadd.s32 $0x1, s28;
	[tilespmem:s0+$0xFFFFFFF0] =	vst v63  }
0x35f: {  	s28 =	simm.s32 $0x0;
	s0 =	rddreg [dreg:$0x12]  }
0x360: {  	[hbm4b:s0+s28] =	stream.linear.scatter [tilespmem:s9], [sflag:$0x8], $0x4000, $0x38;
	[tilespmem:$0x18100] =	vst v63  }
0x361: {  	_ =	swait.ge [sflag:s15], $0x4000  }
0x362: {  	[sflag:s15] =	ssyncset.done $0x0  }
0x363: {  	s30 =	simm.s32 $0x0;
	s31 =	simm.s32 $0x0;
	[sflag:s15] =	ssyncadd.s32 $0xFFFFC000  }
.LBB2_58:
0x364: {  	s0 =	sshll.u32 s30, $0x2;
	s1 =	sand.u32 $0x7, s28  }
0x365: {  	s0 =	sand.u32 $0xFFFF8000, s0;
	s1 =	sshll.u32 s1, $0x9  }
0x366: {  	s0 =	sor.u32 s1, s0  }
0x367: {  	s0 =	sshrl.u32 s0, $0x2  }
0x368: {  	s0 =	sadd.s32 $0x8140, s0  }
0x369: {  	v4 =	vld [tilespmem:s0+$0xFFFFFFC0];
	_ =	sdelay $0x1  }
0x36a: {  	v7 =	vld [tilespmem:s0+$0xFFFFFFD0]  }
0x36b: {  	v9 =	vld [tilespmem:s0+$0xFFFFFFE0]  }
0x36c: {  	v5 =	vld [tilespmem:s0+$0x0]  }
0x36d: {  	v3 =	vld [tilespmem:s0+$0x10];
	v8 =	vmul.f32 $3.200000000e+01, v4  }
0x36e: {  	v6 =	vld [tilespmem:s0+$0x20]  }
0x36f: {  	v4 =	vld [tilespmem:s0+$0x30];
	[tilespmem:s0+$0xFFFFFFC0] =	vst v8;
	v8 =	vmul.f32 $3.200000000e+01, v7  }
0x370: {  	s1 =	simm.s32 $0x0;
	s25 =	sadd.s32 $0x400, s0;
	v9 =	vmul.f32 $3.200000000e+01, v9;
	v7 =	vld [tilespmem:s0+$0xFFFFFFF0]  }
.LBB2_59:
0x371: {  	v10 =	vld [tilespmem:s25+$0xFFFFFFC0];
	[tilespmem:s0+$0xFFFFFFD0] =	vst v8;
	v5 =	vmul.f32 $3.200000000e+01, v5  }
0x372: {  	s1 =	sadd.s32 $0x8, s1;
	v8 =	vld [tilespmem:s25+$0xFFFFFFD0];
	[tilespmem:s0+$0xFFFFFFE0] =	vst v9;
	v3 =	vmul.f32 $3.200000000e+01, v3  }
0x373: {  	p0 =	slt.u32 s1, $0x38;
	v9 =	vld [tilespmem:s25+$0xFFFFFFE0];
	[tilespmem:s0+$0x0] =	vst v5;
	v6 =	vmul.f32 $3.200000000e+01, v6  }
.Ltmp28:
0x374: {  	v5 =	vld [tilespmem:s25+$0x0];
	[tilespmem:s0+$0x10] =	vst v3;
	v4 =	vmul.f32 $3.200000000e+01, v4;
	(pc) =	sbr.rel @p0 .LBB2_59-.Ltmp28, $4  }
0x375: {  	v3 =	vld [tilespmem:s25+$0x10];
	v7 =	vmul.f32 $3.200000000e+01, v7;
	[tilespmem:s0+$0x20] =	vst v6  }
0x376: {  	v10 =	vmul.f32 $3.200000000e+01, v10;
	v6 =	vld [tilespmem:s25+$0x20];
	[tilespmem:s0+$0x30] =	vst v4  }
0x377: {  	v8 =	vmul.f32 $3.200000000e+01, v8;
	v4 =	vld [tilespmem:s25+$0x30];
	[tilespmem:s0+$0xFFFFFFF0] =	vst v7;
	s0 =	smov.u32 s25  }
0x378: {  	s25 =	sadd.s32 $0x400, s25;
	[tilespmem:s0+$0xFFFFFFC0] =	vst v10;
	v9 =	vmul.f32 $3.200000000e+01, v9;
	v7 =	vld [tilespmem:s0+$0xFFFFFFF0]  }
0x379: {  	[tilespmem:s0+$0xFFFFFFD0] =	vst v8;
	v5 =	vmul.f32 $3.200000000e+01, v5;
	s31 =	sadd.s32 $0x1, s31  }
0x37a: {  	[tilespmem:s0+$0xFFFFFFE0] =	vst v9;
	v3 =	vmul.f32 $3.200000000e+01, v3;
	p0 =	sne.s32 s31, $0x10  }
.Ltmp29:
0x37b: {  	[tilespmem:s0+$0x0] =	vst v5;
	v62 =	vmul.f32 $3.200000000e+01, v6;
	(pc) =	sbr.rel @p0 .LBB2_58-.Ltmp29, $4  }
0x37c: {  	[tilespmem:s0+$0x10] =	vst v3;
	v3 =	vmul.f32 $3.200000000e+01, v4  }
0x37d: {  	v63 =	vmul.f32 $3.200000000e+01, v7;
	[tilespmem:s0+$0x20] =	vst v62  }
0x37e: {  	[tilespmem:s0+$0x30] =	vst v3  }
0x37f: {  	s30 =	sadd.s32 $0x400, s30;
	s28 =	sadd.s32 $0x1, s28;
	[tilespmem:s0+$0xFFFFFFF0] =	vst v63  }
0x380: {  	s28 =	simm.s32 $0x0;
	s0 =	rddreg [dreg:$0x13]  }
0x381: {  	[hbm4b:s0+s28] =	stream.linear.scatter [tilespmem:s17], [sflag:$0x9], $0x4000, $0x38;
	[tilespmem:$0x18100] =	vst v63  }
0x382: {  	_ =	swait.ge [sflag:s18], $0x4000  }
0x383: {  	[sflag:s18] =	ssyncset.done $0x0  }
0x384: {  	s30 =	simm.s32 $0x0;
	s31 =	simm.s32 $0x0;
	[sflag:s18] =	ssyncadd.s32 $0xFFFFC000  }
.LBB2_62:
0x385: {  	s0 =	sshll.u32 s30, $0x2;
	s1 =	sand.u32 $0x7, s28  }
0x386: {  	s0 =	sand.u32 $0xFFFF8000, s0;
	s1 =	sshll.u32 s1, $0x9  }
0x387: {  	s0 =	sor.u32 s1, s0  }
0x388: {  	s0 =	sshrl.u32 s0, $0x2  }
0x389: {  	s0 =	sadd.s32 $0xC140, s0  }
0x38a: {  	v4 =	vld [tilespmem:s0+$0xFFFFFFC0];
	_ =	sdelay $0x1  }
0x38b: {  	v7 =	vld [tilespmem:s0+$0xFFFFFFD0]  }
0x38c: {  	v9 =	vld [tilespmem:s0+$0xFFFFFFE0]  }
0x38d: {  	v5 =	vld [tilespmem:s0+$0x0]  }
0x38e: {  	v3 =	vld [tilespmem:s0+$0x10];
	v8 =	vmul.f32 $3.200000000e+01, v4  }
0x38f: {  	v6 =	vld [tilespmem:s0+$0x20]  }
0x390: {  	v4 =	vld [tilespmem:s0+$0x30];
	[tilespmem:s0+$0xFFFFFFC0] =	vst v8;
	v8 =	vmul.f32 $3.200000000e+01, v7  }
0x391: {  	s1 =	simm.s32 $0x0;
	s25 =	sadd.s32 $0x400, s0;
	v9 =	vmul.f32 $3.200000000e+01, v9;
	v7 =	vld [tilespmem:s0+$0xFFFFFFF0]  }
.LBB2_63:
0x392: {  	v10 =	vld [tilespmem:s25+$0xFFFFFFC0];
	[tilespmem:s0+$0xFFFFFFD0] =	vst v8;
	v5 =	vmul.f32 $3.200000000e+01, v5  }
0x393: {  	s1 =	sadd.s32 $0x8, s1;
	v8 =	vld [tilespmem:s25+$0xFFFFFFD0];
	[tilespmem:s0+$0xFFFFFFE0] =	vst v9;
	v3 =	vmul.f32 $3.200000000e+01, v3  }
0x394: {  	p0 =	slt.u32 s1, $0x38;
	v9 =	vld [tilespmem:s25+$0xFFFFFFE0];
	[tilespmem:s0+$0x0] =	vst v5;
	v6 =	vmul.f32 $3.200000000e+01, v6  }
.Ltmp30:
0x395: {  	v5 =	vld [tilespmem:s25+$0x0];
	[tilespmem:s0+$0x10] =	vst v3;
	v4 =	vmul.f32 $3.200000000e+01, v4;
	(pc) =	sbr.rel @p0 .LBB2_63-.Ltmp30, $4  }
0x396: {  	v3 =	vld [tilespmem:s25+$0x10];
	v7 =	vmul.f32 $3.200000000e+01, v7;
	[tilespmem:s0+$0x20] =	vst v6  }
0x397: {  	v10 =	vmul.f32 $3.200000000e+01, v10;
	v6 =	vld [tilespmem:s25+$0x20];
	[tilespmem:s0+$0x30] =	vst v4  }
0x398: {  	v8 =	vmul.f32 $3.200000000e+01, v8;
	v4 =	vld [tilespmem:s25+$0x30];
	[tilespmem:s0+$0xFFFFFFF0] =	vst v7;
	s0 =	smov.u32 s25  }
0x399: {  	s25 =	sadd.s32 $0x400, s25;
	[tilespmem:s0+$0xFFFFFFC0] =	vst v10;
	v9 =	vmul.f32 $3.200000000e+01, v9;
	v7 =	vld [tilespmem:s0+$0xFFFFFFF0]  }
0x39a: {  	[tilespmem:s0+$0xFFFFFFD0] =	vst v8;
	v5 =	vmul.f32 $3.200000000e+01, v5;
	s31 =	sadd.s32 $0x1, s31  }
0x39b: {  	[tilespmem:s0+$0xFFFFFFE0] =	vst v9;
	v3 =	vmul.f32 $3.200000000e+01, v3;
	p0 =	sne.s32 s31, $0x10  }
.Ltmp31:
0x39c: {  	[tilespmem:s0+$0x0] =	vst v5;
	v62 =	vmul.f32 $3.200000000e+01, v6;
	(pc) =	sbr.rel @p0 .LBB2_62-.Ltmp31, $4  }
0x39d: {  	[tilespmem:s0+$0x10] =	vst v3;
	v3 =	vmul.f32 $3.200000000e+01, v4  }
0x39e: {  	v63 =	vmul.f32 $3.200000000e+01, v7;
	[tilespmem:s0+$0x20] =	vst v62  }
0x39f: {  	[tilespmem:s0+$0x30] =	vst v3  }
0x3a0: {  	s30 =	sadd.s32 $0x400, s30;
	s28 =	sadd.s32 $0x1, s28;
	[tilespmem:s0+$0xFFFFFFF0] =	vst v63  }
0x3a1: {  	s0 =	rddreg [dreg:$0x14]  }
0x3a2: {  	[hbm4b:s0+s3] =	stream.linear.scatter [tilespmem:s7], [sflag:$0xA], $0x4000, $0x38;
	[tilespmem:$0x18100] =	vst v63  }
0x3a3: {  	_ =	swait.ge [sflag:s12], $0x4000  }
0x3a4: {  	[sflag:s12] =	ssyncset.done $0x0  }
0x3a5: {  	[sflag:s12] =	ssyncadd.s32 $0xFFFFC000  }
0x3a6: {  	_ =	swait.ge [sflag:s14], $0x4000  }
0x3a7: {  	[sflag:s14] =	ssyncset.done $0x0  }
0x3a8: {  	[sflag:s14] =	ssyncadd.s32 $0xFFFFC000  }
0x3a9: {  	_ =	swait.ge [sflag:s16], $0x4000  }
0x3aa: {  	[sflag:s16] =	ssyncset.done $0x0  }
0x3ab: {  	[sflag:s16] =	ssyncadd.s32 $0xFFFFC000  }
0x3ac: {  	_ =	swait.ge [sflag:s19], $0x4000  }
0x3ad: {  	[sflag:s19] =	ssyncset.done $0x0  }
0x3ae: {  	[sflag:s19] =	ssyncadd.s32 $0xFFFFC000  }
0x3af: {  	_ =	swait.ge [sflag:s21], $0x4000  }
0x3b0: {  	[sflag:s21] =	ssyncset.done $0x0  }
0x3b1: {  	[sflag:s21] =	ssyncadd.s32 $0xFFFFC000  }
0x3b2: {  	_ =	swait.ge [sflag:s23], $0x4000  }
0x3b3: {  	s24 =	sadd.s32 $0x1, s24;
	s31 =	rddreg [dreg:$0x15]  }
0x3b4: {  	p0 =	sne.s32 s24, s31  }
.Ltmp32:
0x3b5: {  	_ = 	snop;
	(pc) =	sbr.rel @p0 .LBB2_1-.Ltmp32, $3  }
0x3b6: {  	_ =	sdelay $0x1  }
0x3b7: {  	[sflag:s23] =	ssyncset.done $0x0  }
0x3b8: {  	[sflag:s23] =	ssyncadd.s32 $0xFFFFC000  }
0x3b9: {  	_ =	sfence.sel $0x180000  }
0x3ba: {  	[bflag:$0x0] =	sbarrier.arrive $0xFFFF  }
0x3bb: {  	_ =	strace $0x90000047  }
0x3bc: {  	s0 =	stileid.u32;
	[bflag:$0x2] =	sbarrier.arrive $0xFFFF  }
0x3bd: {  	p0 =	sne.s32 s0, $0x0;
	s0 =	rddreg [dreg:$0x3]  }
0x3be: {  	s0 =	sadd.s32 @!p0 $0x100000, s0  }
0x3bf: {  	[sflag:s0] =	ssyncadd.tile.s32 @!p0 $0x1;
	_ =	shalt  }
.Lfunc_end2:
_tile_overlayer_lowered:
.L_overlay_start_2:
0x3c0: {  	(tag) =	ssettag $0x2  }
0x3c1: {  	s0 =	rddreg [dreg:$0x0];
	s2 =	stileid.u32  }
0x3c2: {  	s1 =	rddreg [dreg:$0x1];
	p0 =	sne.s32 s2, $0x0  }
0x3c3: {  	s3 =	rddreg [dreg:$0x2];
	[bflag:$0x3] =	sbarrier.arrive $0xFFFF;
	s2 =	simm.s32 @!p0 $0x1C0D  }
0x3c4: {  	[timem:s3], [sflag:s2] =	dma.local @!p0 [hbm:s0], s1  }
0x3c5: {  	s0 =	simm.s32 @!p0 $0xD  }
0x3c6: {  	_ =	swait.ge @!p0 [sflag:s0], s1  }
0x3c7: {  	s1 =	ssub.s32 @!p0 $0x0, s1;
	[sflag:s0] =	ssyncset.done @!p0 $0x0  }
0x3c8: {  	[sflag:s0] =	ssyncadd.s32 @!p0 s1  }
0x3c9: {  	[bflag:$0x3] =	sbarrier.arrive $0xFFFF  }
0x3ca: {  	_ =	shalt  }

</sc_bundles>
